<compile_context>
chip_gen: v7x
topology: tpu7x:2x2x1
jax: 0.10.2.dev20260603
libtpu: 0.0.44.dev20260713+nightly
codegen_flags: <defaults>
</compile_context>

<pallas_src>
import functools

import jax
import jax.numpy as jnp
from jax import lax
from jax.experimental import pallas as pl
from jax.experimental.pallas import tpu as pltpu
from jax.experimental.pallas import tpu_sc as plsc

N = 10000
E = 320000
DV = 128
DE = 16
DU = 32
H = 32

NC = 2
NS = 16
NW = NC * NS
C = 256
S = 128
SUB = C // S
NCHUNK = E // C
TMAX = 40
NRF = N // NS
EB = 6400

_LOG1P = (0.04106444225260315, -0.15602827499078686, 0.30467224693119505,
          -0.4963682486301464, 0.9998879230599648)


def _softplus_vec(z):
    t = jnp.exp(-jnp.abs(z))
    q = jnp.float32(_LOG1P[0])
    for c in _LOG1P[1:]:
        q = q * t + jnp.float32(c)
    return jnp.maximum(z, jnp.float32(0.0)) + t * q



def _proj_body(nf_ref, wcat_ref, p1_ref, p2_ref, pn_ref):
    p = jnp.dot(nf_ref[...], wcat_ref[...], preferred_element_type=jnp.float32)
    p1_ref[...] = p[:, 0:H]
    p2_ref[...] = p[:, H:2 * H]
    pn_ref[...] = p[:, 2 * H:3 * H]


def _ep_body(eft_ref, wee_ref, u_ref, weu_ref, be_ref, ep_ref):
    ce = jnp.dot(u_ref[...], weu_ref[...], preferred_element_type=jnp.float32) + be_ref[...]
    y = lax.dot_general(eft_ref[...], wee_ref[...], (((0,), (0,)), ((), ())),
                        preferred_element_type=jnp.float32) + ce
    ep_ref[:, :, 0:H] = y.reshape(EB // 8, 8, H)



def _sc_edge_body(sd_hbm, p1_hbm, p2_hbm, ep_hbm, ones_hbm, z32_hbm, z8_hbm,
                  enew_hbm, sums_hbm, cnt_hbm,
                  idx_v, buf1, buf2, bufp, bufe, ones_v,
                  sums_sp, cnt_sp, semi, sem1, sem2, sem3, sem4):
    cid = lax.axis_index("c")
    sid = lax.axis_index("s")
    wid = sid * NC + cid

    pltpu.sync_copy(z32_hbm, sums_sp.at[pl.ds(sid * NRF, NRF)])
    pltpu.sync_copy(z8_hbm, cnt_sp.at[pl.ds(sid * NRF, NRF)])
    pltpu.sync_copy(ones_hbm, ones_v)
    plsc.subcore_barrier()

    def cnum(t):
        return wid + t * NW

    def ep_src(c):
        return ep_hbm.at[pl.ds(c * (C // 8), C // 8), :, pl.ds(0, H)]

    def issue(t, slot):
        c = cnum(t)

        @pl.when(c < NCHUNK)
        def _():
            pltpu.async_copy(sd_hbm.at[:, pl.ds(c * SUB, SUB)],
                             idx_v.at[slot], semi).wait()
            for j in range(SUB):
                pltpu.async_copy(p1_hbm.at[idx_v.at[slot, 0, j]],
                                 buf1.at[pl.ds(slot * C + j * S, S)], sem1)
                pltpu.async_copy(p2_hbm.at[idx_v.at[slot, 1, j]],
                                 buf2.at[pl.ds(slot * C + j * S, S)], sem2)
            pltpu.async_copy(ep_src(c),
                             bufp.at[pl.ds(slot * (C // 8), C // 8)], sem3)

    def wait_loads(t, slot):
        c = cnum(t)

        @pl.when(c < NCHUNK)
        def _():
            for j in range(SUB):
                pltpu.make_async_copy(p1_hbm.at[idx_v.at[slot, 0, j]],
                                      buf1.at[pl.ds(slot * C + j * S, S)],
                                      sem1).wait()
                pltpu.make_async_copy(p2_hbm.at[idx_v.at[slot, 1, j]],
                                      buf2.at[pl.ds(slot * C + j * S, S)],
                                      sem2).wait()
            pltpu.make_async_copy(ep_src(c),
                                  bufp.at[pl.ds(slot * (C // 8), C // 8)],
                                  sem3).wait()

    def work(t, slot):
        c = cnum(t)

        @pl.when(c < NCHUNK)
        def _():
            c_pp = c - 2 * NW

            @pl.when(c_pp >= 0)
            def _():
                pltpu.make_async_copy(
                    bufe.at[pl.ds(slot * (C // 4), C // 4)],
                    enew_hbm.at[pl.ds(c_pp * (C // 4), C // 4)],
                    sem4).wait()

            def row_body(i, c2):
                for jj in range(16):
                    r1 = slot * C + i * 8 + jj // 2
                    h1 = (jj % 2) * 16
                    rp = slot * (C // 8) + i
                    re = slot * (C // 4) + i * 2 + jj // 8
                    he = (jj % 8) * 16
                    z = (buf1[r1, pl.ds(h1, 16)] + buf2[r1, pl.ds(h1, 16)]
                         + bufp[rp, jj // 2, pl.ds(h1, 16)])
                    sp = _softplus_vec(z)
                    buf1[r1, pl.ds(h1, 16)] = sp
                    bufe[re, pl.ds(he, 16)] = sp
                return c2
            lax.fori_loop(0, C // 8, row_body, 0)

            pltpu.async_copy(bufe.at[pl.ds(slot * (C // 4), C // 4)],
                             enew_hbm.at[pl.ds(c * (C // 4), C // 4)], sem4)
            for j in range(SUB):
                pltpu.sync_copy(buf1.at[pl.ds(slot * C + j * S, S)],
                                sums_sp.at[idx_v.at[slot, 1, j]], add=True)
                pltpu.sync_copy(ones_v, cnt_sp.at[idx_v.at[slot, 1, j]],
                                add=True)

    issue(0, 0)

    def loop_body(g, carry):
        t0 = g * 2
        wait_loads(t0, 0)
        issue(t0 + 1, 1)
        work(t0, 0)
        wait_loads(t0 + 1, 1)
        issue(t0 + 2, 0)
        work(t0 + 1, 1)
        return carry

    lax.fori_loop(0, TMAX // 2, loop_body, 0)
    for slot in range(2):
        pltpu.make_async_copy(bufe.at[pl.ds(slot * (C // 4), C // 4)],
                              enew_hbm.at[pl.ds(0, C // 4)], sem4).wait()
    plsc.subcore_barrier()

    pltpu.sync_copy(sums_sp.at[pl.ds(sid * NRF, NRF)],
                    sums_hbm.at[cid, pl.ds(sid * NRF, NRF)])
    pltpu.sync_copy(cnt_sp.at[pl.ds(sid * NRF, NRF)],
                    cnt_hbm.at[cid, pl.ds(sid * NRF, NRF)])


_sc_edge = functools.partial(
    pl.kernel,
    out_type=(jax.ShapeDtypeStruct((E // 4, 128), jnp.float32),
              jax.ShapeDtypeStruct((NC, N, H), jnp.float32),
              jax.ShapeDtypeStruct((NC, N, 8), jnp.float32)),
    mesh=plsc.VectorSubcoreMesh(core_axis_name="c", subcore_axis_name="s"),
    compiler_params=pltpu.CompilerParams(use_tc_tiling_on_sc=False),
    scratch_types=(
        pltpu.VMEM((2, 2, SUB, S), jnp.int32),
        pltpu.VMEM((2 * C, H), jnp.float32),
        pltpu.VMEM((2 * C, H), jnp.float32),
        pltpu.VMEM((2 * (C // 8), 8, H), jnp.float32),
        pltpu.VMEM((2 * (C // 4), 128), jnp.float32),
        pltpu.VMEM((S, 8), jnp.float32),
        pltpu.VMEM_SHARED((N, H), jnp.float32),
        pltpu.VMEM_SHARED((N, 8), jnp.float32),
        pltpu.SemaphoreType.DMA,
        pltpu.SemaphoreType.DMA,
        pltpu.SemaphoreType.DMA,
        pltpu.SemaphoreType.DMA,
        pltpu.SemaphoreType.DMA,
    ),
)(_sc_edge_body)



def _final_body(sums_ref, cnt_ref, pn_ref, u_ref, wn2_ref, wnu_ref, bn_ref,
                wa1_ref, wa2_ref, wa3_ref, ba_ref, v_ref, u_new_ref):
    def sp(x):
        return jnp.maximum(x, 0.0) + jnp.log(1.0 + jnp.exp(-jnp.abs(x)))

    s = sums_ref[0] + sums_ref[1]
    c8 = cnt_ref[0] + cnt_ref[1]
    cnt = c8[:, 0:1]
    ve = s / jnp.maximum(cnt, 1.0)
    u = u_ref[...]
    cn = jnp.dot(u, wnu_ref[...], preferred_element_type=jnp.float32) + bn_ref[...]
    v_new = sp(pn_ref[...]
               + jnp.dot(ve, wn2_ref[...], preferred_element_type=jnp.float32)
               + cn)
    v_ref[...] = v_new
    ue = jnp.sum(s, axis=0, keepdims=True) * (1.0 / E)
    uv = jnp.sum(v_new, axis=0, keepdims=True) * (1.0 / N)
    u_new_ref[...] = sp(jnp.dot(u, wa1_ref[...], preferred_element_type=jnp.float32)
                        + jnp.dot(ue, wa2_ref[...], preferred_element_type=jnp.float32)
                        + jnp.dot(uv, wa3_ref[...], preferred_element_type=jnp.float32)
                        + ba_ref[...])


def kernel(edge_feat, node_feat, graph_attr, W_e, b_e, W_n, b_n, W_a, b_a,
           edge_index):
    f32 = jnp.float32
    wcat = jnp.concatenate(
        [W_e[0:DV], W_e[DV:2 * DV], W_n[0:DV]], axis=1)
    p1, p2, pn = pl.pallas_call(
        _proj_body,
        out_shape=(jax.ShapeDtypeStruct((N, H), f32),
                   jax.ShapeDtypeStruct((N, H), f32),
                   jax.ShapeDtypeStruct((N, H), f32)),
    )(node_feat, wcat)

    ef_t = edge_feat.T
    ep = pl.pallas_call(
        _ep_body,
        grid=(E // EB,),
        in_specs=[
            pl.BlockSpec((DE, EB), lambda i: (0, i)),
            pl.BlockSpec((DE, H), lambda i: (0, 0)),
            pl.BlockSpec((1, DU), lambda i: (0, 0)),
            pl.BlockSpec((DU, H), lambda i: (0, 0)),
            pl.BlockSpec((1, H), lambda i: (0, 0)),
        ],
        out_specs=pl.BlockSpec((EB // 8, 8, 128), lambda i: (i, 0, 0)),
        out_shape=jax.ShapeDtypeStruct((E // 8, 8, 128), f32),
    )(ef_t, W_e[2 * DV:2 * DV + DE], graph_attr,
      W_e[2 * DV + DE:], b_e.reshape(1, H))

    sd = jnp.stack([edge_index[0].reshape(E // S, S),
                    edge_index[1].reshape(E // S, S)]).astype(jnp.int32)
    ones = jnp.ones((S, 8), f32)
    z32 = jnp.zeros((NRF, H), f32)
    z8 = jnp.zeros((NRF, 8), f32)

    e4, sums, cnt = _sc_edge(sd, p1, p2, ep, ones, z32, z8)
    e_new = e4.reshape(E // 4, 4, H).transpose(2, 0, 1).reshape(H, E).T

    v_new, u_new = pl.pallas_call(
        _final_body,
        out_shape=(jax.ShapeDtypeStruct((N, H), f32),
                   jax.ShapeDtypeStruct((1, H), f32)),
    )(sums, cnt, pn, graph_attr,
      W_n[DV:DV + H], W_n[DV + H:], b_n.reshape(1, H),
      W_a[0:DU], W_a[DU:DU + H], W_a[DU + H:], b_a.reshape(1, H))

    return (e_new, v_new, u_new)

# --- scband reference (transcript-rebuilt; emitter-appended) ---
"""Pipeline reference for scband-meg-net-graph-conv-52209622450458 (READ-ONLY COPY).

The authoritative reference and input builder live on the scoring server;
editing this copy changes nothing except your own understanding.
"""

import jax, jax.numpy as jnp
import numpy as np

N = 10000
E = 320000
DV = 128
DE = 16
DU = 32
H = 32  # output dim of each MLP (single-layer, softplus-activated)
EDGE_IN = 2 * DV + DE + DU  # 304
NODE_IN = DV + H + DU       # 192
ATTR_IN = DU + H + H        # 96


def setup_inputs(seed: int = 0) -> dict:
    key = jax.random.key(seed)
    ks = jax.random.split(key, 12)
    edge_index = jax.random.randint(ks[0], (2, E), 0, N, dtype=jnp.int64) if jax.config.jax_enable_x64 else jax.random.randint(ks[0], (2, E), 0, N, dtype=jnp.int32)
    edge_feat = jax.random.normal(ks[1], (E, DE), dtype=jnp.float32)
    node_feat = jax.random.normal(ks[2], (N, DV), dtype=jnp.float32)
    graph_attr = jax.random.normal(ks[3], (1, DU), dtype=jnp.float32)
    W_e = jax.random.normal(ks[4], (EDGE_IN, H), dtype=jnp.float32) / np.sqrt(EDGE_IN)
    b_e = jnp.zeros((H,), dtype=jnp.float32)
    W_n = jax.random.normal(ks[5], (NODE_IN, H), dtype=jnp.float32) / np.sqrt(NODE_IN)
    b_n = jnp.zeros((H,), dtype=jnp.float32)
    W_a = jax.random.normal(ks[6], (ATTR_IN, H), dtype=jnp.float32) / np.sqrt(ATTR_IN)
    b_a = jnp.zeros((H,), dtype=jnp.float32)
    return {"edge_feat": edge_feat, "node_feat": node_feat, "graph_attr": graph_attr,
            "W_e": W_e, "b_e": b_e, "W_n": W_n, "b_n": b_n, "W_a": W_a, "b_a": b_a,
            "edge_index": edge_index}


def reference(edge_feat, node_feat, graph_attr, W_e, b_e, W_n, b_n, W_a, b_a, edge_index):
    src = edge_index[0]
    dst = edge_index[1]
    n = node_feat.shape[0]
    # broadcast graph attr to all nodes (single graph)
    u_nodes = jnp.broadcast_to(graph_attr, (n, graph_attr.shape[1]))
    # --- edge update: mij = edge_func([vi, vj, eij, u]) ---
    vi = jnp.take(node_feat, src, axis=0)
    vj = jnp.take(node_feat, dst, axis=0)
    u_e = jnp.take(u_nodes, src, axis=0)
    edge_in = jnp.concatenate([vi, vj, edge_feat, u_e], axis=1)
    e_new = jax.nn.softplus(edge_in @ W_e + b_e)
    # --- node update: mean of incoming edge messages per dst node ---
    sums = jax.ops.segment_sum(e_new, dst, num_segments=n)
    cnt = jax.ops.segment_sum(jnp.ones((e_new.shape[0], 1), dtype=e_new.dtype), dst, num_segments=n)
    ve = sums / jnp.maximum(cnt, 1.0)
    node_in = jnp.concatenate([node_feat, ve, u_nodes], axis=1)
    v_new = jax.nn.softplus(node_in @ W_n + b_n)
    # --- graph attr update: mean readouts over edges and nodes ---
    ue = jnp.mean(e_new, axis=0, keepdims=True)
    uv = jnp.mean(v_new, axis=0, keepdims=True)
    attr_in = jnp.concatenate([graph_attr, ue, uv], axis=1)
    u_new = jax.nn.softplus(attr_in @ W_a + b_a)
    return (e_new, v_new, u_new)

if __name__ == "__main__":
    import jax
    _d = setup_inputs()
    print(jax.jit(kernel)(*tuple(_d.values())))

</pallas_src>

<mosaic_0001>
#map = affine_map<(d0, d1) -> (0, 0, 0)>
#map1 = affine_map<(d0, d1) -> (0, 0)>
module attributes {stable_mosaic.version = 14 : i64} {
  func.func @_sc_edge_body(%arg0: i32, %arg1: i32, %arg2: memref<2x2500x128xi32, #tpu.memory_space<hbm>>, %arg3: memref<10000x32xf32, #tpu.memory_space<hbm>>, %arg4: memref<10000x32xf32, #tpu.memory_space<hbm>>, %arg5: memref<40000x8x128xf32, #tpu.memory_space<hbm>>, %arg6: memref<128x8xf32, #tpu.memory_space<hbm>>, %arg7: memref<625x32xf32, #tpu.memory_space<hbm>>, %arg8: memref<625x8xf32, #tpu.memory_space<hbm>>, %arg9: memref<80000x128xf32, #tpu.memory_space<hbm>>, %arg10: memref<2x10000x32xf32, #tpu.memory_space<hbm>>, %arg11: memref<2x10000x8xf32, #tpu.memory_space<hbm>>, %arg12: memref<2x2x2x128xi32, #tpu.memory_space<vmem>>, %arg13: memref<512x32xf32, #tpu.memory_space<vmem>>, %arg14: memref<512x32xf32, #tpu.memory_space<vmem>>, %arg15: memref<64x8x32xf32, #tpu.memory_space<vmem>>, %arg16: memref<128x128xf32, #tpu.memory_space<vmem>>, %arg17: memref<128x8xf32, #tpu.memory_space<vmem>>, %arg18: memref<10000x32xf32, #tpu.memory_space<vmem_shared>>, %arg19: memref<10000x8xf32, #tpu.memory_space<vmem_shared>>, %arg20: memref<!tpu.dma_semaphore, #tpu.memory_space<semaphore_mem>>, %arg21: memref<!tpu.dma_semaphore, #tpu.memory_space<semaphore_mem>>, %arg22: memref<!tpu.dma_semaphore, #tpu.memory_space<semaphore_mem>>, %arg23: memref<!tpu.dma_semaphore, #tpu.memory_space<semaphore_mem>>, %arg24: memref<!tpu.dma_semaphore, #tpu.memory_space<semaphore_mem>>) attributes {dimension_semantics = [#tpu.dimension_semantics<core_parallel>, #tpu.dimension_semantics<subcore_parallel>], iteration_bounds = array<i64: 2, 16>, scalar_prefetch = 0 : i64, scratch_operands = 13 : i64, tpu.core_type = #tpu.core_type<sc_vector_subcore>, window_params = [{transform_indices = #map}, {transform_indices = #map1}, {transform_indices = #map1}, {transform_indices = #map}, {transform_indices = #map1}, {transform_indices = #map1}, {transform_indices = #map1}, {transform_indices = #map1}, {transform_indices = #map}, {transform_indices = #map}]} {
    %mul3A = arith.constant 2 : i32
    %mul3A_0 = arith.muli %arg1, %mul3A : i32
    %add3A = arith.addi %mul3A_0, %arg0 : i32
    %mul3A_1 = arith.constant 625 : i32
    %mul3A_2 = arith.muli %arg1, %mul3A_1 : i32
    "tpu.region"() ({
      %run_scoped3A = tpu.sem_alloc : memref<!tpu.dma_semaphore, #tpu.memory_space<semaphore_mem>>
      %dma_start3A = arith.constant 0 : i32
      %dma_start3A_46 = tpu.memref_slice %arg18[%mul3A_2, %dma_start3A] : memref<10000x32xf32, #tpu.memory_space<vmem_shared>> -> memref<625x32xf32, #tpu.memory_space<vmem_shared>>
      tpu.enqueue_dma source(%arg7 : memref<625x32xf32, #tpu.memory_space<hbm>>) target(%dma_start3A_46 : memref<625x32xf32, #tpu.memory_space<vmem_shared>>) target_semaphore(%run_scoped3A : memref<!tpu.dma_semaphore, #tpu.memory_space<semaphore_mem>>)
      %dma_wait3A_47 = arith.constant 0 : i32
      %dma_wait3A_48 = tpu.memref_slice %arg18[%mul3A_2, %dma_wait3A_47] : memref<10000x32xf32, #tpu.memory_space<vmem_shared>> -> memref<625x32xf32, #tpu.memory_space<vmem_shared>>
      tpu.wait_dma2 semaphore(%run_scoped3A : memref<!tpu.dma_semaphore, #tpu.memory_space<semaphore_mem>>) src(%arg7 : memref<625x32xf32, #tpu.memory_space<hbm>>) dst(%dma_wait3A_48 : memref<625x32xf32, #tpu.memory_space<vmem_shared>>)
      tpu.yield
    }) : () -> ()
    %mul3A_3 = arith.constant 625 : i32
    %mul3A_4 = arith.muli %arg1, %mul3A_3 : i32
    "tpu.region"() ({
      %run_scoped3A = tpu.sem_alloc : memref<!tpu.dma_semaphore, #tpu.memory_space<semaphore_mem>>
      %dma_start3A = arith.constant 0 : i32
      %dma_start3A_46 = tpu.memref_slice %arg19[%mul3A_4, %dma_start3A] : memref<10000x8xf32, #tpu.memory_space<vmem_shared>> -> memref<625x8xf32, #tpu.memory_space<vmem_shared>>
      tpu.enqueue_dma source(%arg8 : memref<625x8xf32, #tpu.memory_space<hbm>>) target(%dma_start3A_46 : memref<625x8xf32, #tpu.memory_space<vmem_shared>>) target_semaphore(%run_scoped3A : memref<!tpu.dma_semaphore, #tpu.memory_space<semaphore_mem>>)
      %dma_wait3A_47 = arith.constant 0 : i32
      %dma_wait3A_48 = tpu.memref_slice %arg19[%mul3A_4, %dma_wait3A_47] : memref<10000x8xf32, #tpu.memory_space<vmem_shared>> -> memref<625x8xf32, #tpu.memory_space<vmem_shared>>
      tpu.wait_dma2 semaphore(%run_scoped3A : memref<!tpu.dma_semaphore, #tpu.memory_space<semaphore_mem>>) src(%arg8 : memref<625x8xf32, #tpu.memory_space<hbm>>) dst(%dma_wait3A_48 : memref<625x8xf32, #tpu.memory_space<vmem_shared>>)
      tpu.yield
    }) : () -> ()
    "tpu.region"() ({
      %run_scoped3A = tpu.sem_alloc : memref<!tpu.dma_semaphore, #tpu.memory_space<semaphore_mem>>
      tpu.enqueue_dma source(%arg6 : memref<128x8xf32, #tpu.memory_space<hbm>>) target(%arg17 : memref<128x8xf32, #tpu.memory_space<vmem>>) target_semaphore(%run_scoped3A : memref<!tpu.dma_semaphore, #tpu.memory_space<semaphore_mem>>)
      tpu.wait_dma2 semaphore(%run_scoped3A : memref<!tpu.dma_semaphore, #tpu.memory_space<semaphore_mem>>) src(%arg6 : memref<128x8xf32, #tpu.memory_space<hbm>>) dst(%arg17 : memref<128x8xf32, #tpu.memory_space<vmem>>)
      tpu.yield
    }) : () -> ()
    %barrier3A = arith.constant 0 : index
    tpu.barrier barrier_id(%barrier3A)
    %add3A_5 = arith.constant 0 : i32
    %add3A_6 = arith.addi %add3A, %add3A_5 : i32
    %lt3A = arith.constant 1250 : i32
    %lt3A_7 = arith.cmpi slt, %add3A_6, %lt3A : i32
    %convert_element_type3A = arith.extui %lt3A_7 : i1 to i32
    %cond3A = arith.constant 0 : i32
    %cond3A_8 = arith.cmpi ne, %convert_element_type3A, %cond3A : i32
    scf.if %cond3A_8 {
      %mul3A_46 = arith.constant 2 : i32
      %mul3A_47 = arith.muli %add3A_6, %mul3A_46 : i32
      %dma_start3A = arith.constant 0 : i32
      %dma_start3A_48 = arith.constant 0 : i32
      %dma_start3A_49 = arith.constant 0 : i32
      %dma_start3A_50 = arith.constant 0 : i32
      %dma_start3A_51 = tpu.memref_slice %arg12[%dma_start3A, %dma_start3A_48, %dma_start3A_49, %dma_start3A_50] : memref<2x2x2x128xi32, #tpu.memory_space<vmem>> -> memref<1x2x2x128xi32, #tpu.memory_space<vmem>>
      %dma_start3A_52 = tpu.memref_squeeze %dma_start3A_51 : memref<1x2x2x128xi32, #tpu.memory_space<vmem>> -> memref<2x2x128xi32, #tpu.memory_space<vmem>>
      %dma_start3A_53 = arith.constant 0 : i32
      %dma_start3A_54 = arith.constant 0 : i32
      %dma_start3A_55 = tpu.memref_slice %arg2[%dma_start3A_53, %mul3A_47, %dma_start3A_54] : memref<2x2500x128xi32, #tpu.memory_space<hbm>> -> memref<2x2x128xi32, #tpu.memory_space<hbm>>
      %dma_start3A_56 = arith.constant 0 : i32
      %dma_start3A_57 = arith.constant 0 : i32
      %dma_start3A_58 = arith.constant 0 : i32
      %dma_start3A_59 = tpu.memref_slice %arg12[%dma_start3A, %dma_start3A_56, %dma_start3A_57, %dma_start3A_58] : memref<2x2x2x128xi32, #tpu.memory_space<vmem>> -> memref<1x2x2x128xi32, #tpu.memory_space<vmem>>
      %dma_start3A_60 = tpu.memref_squeeze %dma_start3A_59 : memref<1x2x2x128xi32, #tpu.memory_space<vmem>> -> memref<2x2x128xi32, #tpu.memory_space<vmem>>
      %dma_start3A_61 = arith.constant 0 : i32
      %dma_start3A_62 = arith.constant 0 : i32
      %dma_start3A_63 = tpu.memref_slice %arg2[%dma_start3A_61, %mul3A_47, %dma_start3A_62] : memref<2x2500x128xi32, #tpu.memory_space<hbm>> -> memref<2x2x128xi32, #tpu.memory_space<hbm>>
      tpu.enqueue_dma source(%dma_start3A_63 : memref<2x2x128xi32, #tpu.memory_space<hbm>>) target(%dma_start3A_60 : memref<2x2x128xi32, #tpu.memory_space<vmem>>) target_semaphore(%arg20 : memref<!tpu.dma_semaphore, #tpu.memory_space<semaphore_mem>>)
      %dma_wait3A_64 = arith.constant 0 : i32
      %dma_wait3A_65 = arith.constant 0 : i32
      %dma_wait3A_66 = arith.constant 0 : i32
      %dma_wait3A_67 = arith.constant 0 : i32
      %dma_wait3A_68 = tpu.memref_slice %arg12[%dma_wait3A_64, %dma_wait3A_65, %dma_wait3A_66, %dma_wait3A_67] : memref<2x2x2x128xi32, #tpu.memory_space<vmem>> -> memref<1x2x2x128xi32, #tpu.memory_space<vmem>>
      %dma_wait3A_69 = tpu.memref_squeeze %dma_wait3A_68 : memref<1x2x2x128xi32, #tpu.memory_space<vmem>> -> memref<2x2x128xi32, #tpu.memory_space<vmem>>
      %dma_wait3A_70 = arith.constant 0 : i32
      %dma_wait3A_71 = arith.constant 0 : i32
      %dma_wait3A_72 = tpu.memref_slice %arg2[%dma_wait3A_70, %mul3A_47, %dma_wait3A_71] : memref<2x2500x128xi32, #tpu.memory_space<hbm>> -> memref<2x2x128xi32, #tpu.memory_space<hbm>>
      %dma_wait3A_73 = arith.constant 0 : i32
      %dma_wait3A_74 = arith.constant 0 : i32
      %dma_wait3A_75 = arith.constant 0 : i32
      %dma_wait3A_76 = tpu.memref_slice %arg12[%dma_wait3A_64, %dma_wait3A_73, %dma_wait3A_74, %dma_wait3A_75] : memref<2x2x2x128xi32, #tpu.memory_space<vmem>> -> memref<1x2x2x128xi32, #tpu.memory_space<vmem>>
      %dma_wait3A_77 = tpu.memref_squeeze %dma_wait3A_76 : memref<1x2x2x128xi32, #tpu.memory_space<vmem>> -> memref<2x2x128xi32, #tpu.memory_space<vmem>>
      %dma_wait3A_78 = arith.constant 0 : i32
      %dma_wait3A_79 = arith.constant 0 : i32
      %dma_wait3A_80 = tpu.memref_slice %arg2[%dma_wait3A_78, %mul3A_47, %dma_wait3A_79] : memref<2x2500x128xi32, #tpu.memory_space<hbm>> -> memref<2x2x128xi32, #tpu.memory_space<hbm>>
      tpu.wait_dma2 semaphore(%arg20 : memref<!tpu.dma_semaphore, #tpu.memory_space<semaphore_mem>>) src(%dma_wait3A_80 : memref<2x2x128xi32, #tpu.memory_space<hbm>>) dst(%dma_wait3A_77 : memref<2x2x128xi32, #tpu.memory_space<vmem>>)
      %dma_start3A_81 = arith.constant 0 : i32
      %dma_start3A_82 = arith.constant 0 : i32
      %dma_start3A_83 = arith.constant 0 : i32
      %dma_start3A_84 = arith.constant 0 : i32
      %dma_start3A_85 = arith.constant 0 : i32
      %dma_start3A_86 = tpu.memref_slice %arg13[%dma_start3A_84, %dma_start3A_85] : memref<512x32xf32, #tpu.memory_space<vmem>> -> memref<128x32xf32, #tpu.memory_space<vmem>>
      %dma_start3A_87 = arith.constant 0 : i32
      %dma_start3A_88 = tpu.memref_slice %arg12[%dma_start3A_81, %dma_start3A_82, %dma_start3A_83, %dma_start3A_87] : memref<2x2x2x128xi32, #tpu.memory_space<vmem>> -> memref<1x1x1x128xi32, #tpu.memory_space<vmem>>
      %dma_start3A_89 = tpu.memref_squeeze %dma_start3A_88 : memref<1x1x1x128xi32, #tpu.memory_space<vmem>> -> memref<128xi32, #tpu.memory_space<vmem>>
      %dma_start3A_90 = arith.constant 0 : i32
      %dma_start3A_91 = arith.constant 0 : i32
      %dma_start3A_92 = tpu.memref_slice %arg3[%dma_start3A_90, %dma_start3A_91] : memref<10000x32xf32, #tpu.memory_space<hbm>> -> memref<10000x32xf32, #tpu.memory_space<hbm>>
      tpu.enqueue_indirect_dma source(%dma_start3A_92 : memref<10000x32xf32, #tpu.memory_space<hbm>>) target(%dma_start3A_86 : memref<128x32xf32, #tpu.memory_space<vmem>>) offsets(%dma_start3A_89 : memref<128xi32, #tpu.memory_space<vmem>>) semaphore(%arg21 : memref<!tpu.dma_semaphore, #tpu.memory_space<semaphore_mem>>)
      %dma_start3A_93 = arith.constant 0 : i32
      %dma_start3A_94 = arith.constant 1 : i32
      %dma_start3A_95 = arith.constant 0 : i32
      %dma_start3A_96 = arith.constant 0 : i32
      %dma_start3A_97 = arith.constant 0 : i32
      %dma_start3A_98 = tpu.memref_slice %arg14[%dma_start3A_96, %dma_start3A_97] : memref<512x32xf32, #tpu.memory_space<vmem>> -> memref<128x32xf32, #tpu.memory_space<vmem>>
      %dma_start3A_99 = arith.constant 0 : i32
      %dma_start3A_100 = tpu.memref_slice %arg12[%dma_start3A_93, %dma_start3A_94, %dma_start3A_95, %dma_start3A_99] : memref<2x2x2x128xi32, #tpu.memory_space<vmem>> -> memref<1x1x1x128xi32, #tpu.memory_space<vmem>>
      %dma_start3A_101 = tpu.memref_squeeze %dma_start3A_100 : memref<1x1x1x128xi32, #tpu.memory_space<vmem>> -> memref<128xi32, #tpu.memory_space<vmem>>
      %dma_start3A_102 = arith.constant 0 : i32
      %dma_start3A_103 = arith.constant 0 : i32
      %dma_start3A_104 = tpu.memref_slice %arg4[%dma_start3A_102, %dma_start3A_103] : memref<10000x32xf32, #tpu.memory_space<hbm>> -> memref<10000x32xf32, #tpu.memory_space<hbm>>
      tpu.enqueue_indirect_dma source(%dma_start3A_104 : memref<10000x32xf32, #tpu.memory_space<hbm>>) target(%dma_start3A_98 : memref<128x32xf32, #tpu.memory_space<vmem>>) offsets(%dma_start3A_101 : memref<128xi32, #tpu.memory_space<vmem>>) semaphore(%arg22 : memref<!tpu.dma_semaphore, #tpu.memory_space<semaphore_mem>>)
      %dma_start3A_105 = arith.constant 0 : i32
      %dma_start3A_106 = arith.constant 0 : i32
      %dma_start3A_107 = arith.constant 1 : i32
      %dma_start3A_108 = arith.constant 128 : i32
      %dma_start3A_109 = arith.constant 0 : i32
      %dma_start3A_110 = tpu.memref_slice %arg13[%dma_start3A_108, %dma_start3A_109] : memref<512x32xf32, #tpu.memory_space<vmem>> -> memref<128x32xf32, #tpu.memory_space<vmem>>
      %dma_start3A_111 = arith.constant 0 : i32
      %dma_start3A_112 = tpu.memref_slice %arg12[%dma_start3A_105, %dma_start3A_106, %dma_start3A_107, %dma_start3A_111] : memref<2x2x2x128xi32, #tpu.memory_space<vmem>> -> memref<1x1x1x128xi32, #tpu.memory_space<vmem>>
      %dma_start3A_113 = tpu.memref_squeeze %dma_start3A_112 : memref<1x1x1x128xi32, #tpu.memory_space<vmem>> -> memref<128xi32, #tpu.memory_space<vmem>>
      %dma_start3A_114 = arith.constant 0 : i32
      %dma_start3A_115 = arith.constant 0 : i32
      %dma_start3A_116 = tpu.memref_slice %arg3[%dma_start3A_114, %dma_start3A_115] : memref<10000x32xf32, #tpu.memory_space<hbm>> -> memref<10000x32xf32, #tpu.memory_space<hbm>>
      tpu.enqueue_indirect_dma source(%dma_start3A_116 : memref<10000x32xf32, #tpu.memory_space<hbm>>) target(%dma_start3A_110 : memref<128x32xf32, #tpu.memory_space<vmem>>) offsets(%dma_start3A_113 : memref<128xi32, #tpu.memory_space<vmem>>) semaphore(%arg21 : memref<!tpu.dma_semaphore, #tpu.memory_space<semaphore_mem>>)
      %dma_start3A_117 = arith.constant 0 : i32
      %dma_start3A_118 = arith.constant 1 : i32
      %dma_start3A_119 = arith.constant 1 : i32
      %dma_start3A_120 = arith.constant 128 : i32
      %dma_start3A_121 = arith.constant 0 : i32
      %dma_start3A_122 = tpu.memref_slice %arg14[%dma_start3A_120, %dma_start3A_121] : memref<512x32xf32, #tpu.memory_space<vmem>> -> memref<128x32xf32, #tpu.memory_space<vmem>>
      %dma_start3A_123 = arith.constant 0 : i32
      %dma_start3A_124 = tpu.memref_slice %arg12[%dma_start3A_117, %dma_start3A_118, %dma_start3A_119, %dma_start3A_123] : memref<2x2x2x128xi32, #tpu.memory_space<vmem>> -> memref<1x1x1x128xi32, #tpu.memory_space<vmem>>
      %dma_start3A_125 = tpu.memref_squeeze %dma_start3A_124 : memref<1x1x1x128xi32, #tpu.memory_space<vmem>> -> memref<128xi32, #tpu.memory_space<vmem>>
      %dma_start3A_126 = arith.constant 0 : i32
      %dma_start3A_127 = arith.constant 0 : i32
      %dma_start3A_128 = tpu.memref_slice %arg4[%dma_start3A_126, %dma_start3A_127] : memref<10000x32xf32, #tpu.memory_space<hbm>> -> memref<10000x32xf32, #tpu.memory_space<hbm>>
      tpu.enqueue_indirect_dma source(%dma_start3A_128 : memref<10000x32xf32, #tpu.memory_space<hbm>>) target(%dma_start3A_122 : memref<128x32xf32, #tpu.memory_space<vmem>>) offsets(%dma_start3A_125 : memref<128xi32, #tpu.memory_space<vmem>>) semaphore(%arg22 : memref<!tpu.dma_semaphore, #tpu.memory_space<semaphore_mem>>)
      %mul3A_129 = arith.constant 32 : i32
      %mul3A_130 = arith.muli %add3A_6, %mul3A_129 : i32
      %dma_start3A_131 = arith.constant 0 : i32
      %dma_start3A_132 = arith.constant 0 : i32
      %dma_start3A_133 = arith.constant 0 : i32
      %dma_start3A_134 = tpu.memref_slice %arg15[%dma_start3A_131, %dma_start3A_132, %dma_start3A_133] : memref<64x8x32xf32, #tpu.memory_space<vmem>> -> memref<32x8x32xf32, #tpu.memory_space<vmem>>
      %dma_start3A_135 = arith.constant 0 : i32
      %dma_start3A_136 = arith.constant 0 : i32
      %dma_start3A_137 = tpu.memref_slice %arg5[%mul3A_130, %dma_start3A_135, %dma_start3A_136] : memref<40000x8x128xf32, #tpu.memory_space<hbm>> -> memref<32x8x32xf32, #tpu.memory_space<hbm>>
      %dma_start3A_138 = arith.constant 0 : i32
      %dma_start3A_139 = arith.constant 0 : i32
      %dma_start3A_140 = arith.constant 0 : i32
      %dma_start3A_141 = tpu.memref_slice %arg15[%dma_start3A_138, %dma_start3A_139, %dma_start3A_140] : memref<64x8x32xf32, #tpu.memory_space<vmem>> -> memref<32x8x32xf32, #tpu.memory_space<vmem>>
      %dma_start3A_142 = arith.constant 0 : i32
      %dma_start3A_143 = arith.constant 0 : i32
      %dma_start3A_144 = tpu.memref_slice %arg5[%mul3A_130, %dma_start3A_142, %dma_start3A_143] : memref<40000x8x128xf32, #tpu.memory_space<hbm>> -> memref<32x8x32xf32, #tpu.memory_space<hbm>>
      tpu.enqueue_dma source(%dma_start3A_144 : memref<32x8x32xf32, #tpu.memory_space<hbm>>) target(%dma_start3A_141 : memref<32x8x32xf32, #tpu.memory_space<vmem>>) target_semaphore(%arg23 : memref<!tpu.dma_semaphore, #tpu.memory_space<semaphore_mem>>)
    } else {
    }
    %scan3A = arith.constant 0 : i32
    %scan3A_9 = arith.constant 0 : i32
    %scan3A_10 = arith.constant 20 : i32
    %scan3A_11 = arith.addi %scan3A_9, %scan3A_10 : i32
    %scan3A_12 = arith.constant 1 : i32
    scf.for %scan3A_46 = %scan3A_9 to %scan3A_11 step %scan3A_12  : i32 {
      %mul3A_47 = arith.constant 2 : i32
      %mul3A_48 = arith.muli %scan3A_46, %mul3A_47 : i32
      %mul3A_49 = arith.constant 32 : i32
      %mul3A_50 = arith.muli %mul3A_48, %mul3A_49 : i32
      %add3A_51 = arith.addi %add3A, %mul3A_50 : i32
      %lt3A_52 = arith.constant 1250 : i32
      %lt3A_53 = arith.cmpi slt, %add3A_51, %lt3A_52 : i32
      %convert_element_type3A_54 = arith.extui %lt3A_53 : i1 to i32
      %cond3A_55 = arith.constant 0 : i32
      %cond3A_56 = arith.cmpi ne, %convert_element_type3A_54, %cond3A_55 : i32
      scf.if %cond3A_56 {
        %dma_wait3A_105 = arith.constant 0 : i32
        %dma_wait3A_106 = arith.constant 0 : i32
        %dma_wait3A_107 = arith.constant 0 : i32
        %dma_wait3A_108 = arith.constant 0 : i32
        %dma_wait3A_109 = arith.constant 0 : i32
        %dma_wait3A_110 = tpu.memref_slice %arg13[%dma_wait3A_108, %dma_wait3A_109] : memref<512x32xf32, #tpu.memory_space<vmem>> -> memref<128x32xf32, #tpu.memory_space<vmem>>
        %dma_wait3A_111 = arith.constant 0 : i32
        %dma_wait3A_112 = tpu.memref_slice %arg12[%dma_wait3A_105, %dma_wait3A_106, %dma_wait3A_107, %dma_wait3A_111] : memref<2x2x2x128xi32, #tpu.memory_space<vmem>> -> memref<1x1x1x128xi32, #tpu.memory_space<vmem>>
        %dma_wait3A_113 = tpu.memref_squeeze %dma_wait3A_112 : memref<1x1x1x128xi32, #tpu.memory_space<vmem>> -> memref<128xi32, #tpu.memory_space<vmem>>
        %dma_wait3A_114 = arith.constant 0 : i32
        %dma_wait3A_115 = arith.constant 0 : i32
        %dma_wait3A_116 = tpu.memref_slice %arg3[%dma_wait3A_114, %dma_wait3A_115] : memref<10000x32xf32, #tpu.memory_space<hbm>> -> memref<10000x32xf32, #tpu.memory_space<hbm>>
        tpu.wait_indirect_dma semaphore(%arg21 : memref<!tpu.dma_semaphore, #tpu.memory_space<semaphore_mem>>) src(%dma_wait3A_116 : memref<10000x32xf32, #tpu.memory_space<hbm>>) dst(%dma_wait3A_110 : memref<128x32xf32, #tpu.memory_space<vmem>>)
        %dma_wait3A_117 = arith.constant 0 : i32
        %dma_wait3A_118 = arith.constant 1 : i32
        %dma_wait3A_119 = arith.constant 0 : i32
        %dma_wait3A_120 = arith.constant 0 : i32
        %dma_wait3A_121 = arith.constant 0 : i32
        %dma_wait3A_122 = tpu.memref_slice %arg14[%dma_wait3A_120, %dma_wait3A_121] : memref<512x32xf32, #tpu.memory_space<vmem>> -> memref<128x32xf32, #tpu.memory_space<vmem>>
        %dma_wait3A_123 = arith.constant 0 : i32
        %dma_wait3A_124 = tpu.memref_slice %arg12[%dma_wait3A_117, %dma_wait3A_118, %dma_wait3A_119, %dma_wait3A_123] : memref<2x2x2x128xi32, #tpu.memory_space<vmem>> -> memref<1x1x1x128xi32, #tpu.memory_space<vmem>>
        %dma_wait3A_125 = tpu.memref_squeeze %dma_wait3A_124 : memref<1x1x1x128xi32, #tpu.memory_space<vmem>> -> memref<128xi32, #tpu.memory_space<vmem>>
        %dma_wait3A_126 = arith.constant 0 : i32
        %dma_wait3A_127 = arith.constant 0 : i32
        %dma_wait3A_128 = tpu.memref_slice %arg4[%dma_wait3A_126, %dma_wait3A_127] : memref<10000x32xf32, #tpu.memory_space<hbm>> -> memref<10000x32xf32, #tpu.memory_space<hbm>>
        tpu.wait_indirect_dma semaphore(%arg22 : memref<!tpu.dma_semaphore, #tpu.memory_space<semaphore_mem>>) src(%dma_wait3A_128 : memref<10000x32xf32, #tpu.memory_space<hbm>>) dst(%dma_wait3A_122 : memref<128x32xf32, #tpu.memory_space<vmem>>)
        %dma_wait3A_129 = arith.constant 0 : i32
        %dma_wait3A_130 = arith.constant 0 : i32
        %dma_wait3A_131 = arith.constant 1 : i32
        %dma_wait3A_132 = arith.constant 128 : i32
        %dma_wait3A_133 = arith.constant 0 : i32
        %dma_wait3A_134 = tpu.memref_slice %arg13[%dma_wait3A_132, %dma_wait3A_133] : memref<512x32xf32, #tpu.memory_space<vmem>> -> memref<128x32xf32, #tpu.memory_space<vmem>>
        %dma_wait3A_135 = arith.constant 0 : i32
        %dma_wait3A_136 = tpu.memref_slice %arg12[%dma_wait3A_129, %dma_wait3A_130, %dma_wait3A_131, %dma_wait3A_135] : memref<2x2x2x128xi32, #tpu.memory_space<vmem>> -> memref<1x1x1x128xi32, #tpu.memory_space<vmem>>
        %dma_wait3A_137 = tpu.memref_squeeze %dma_wait3A_136 : memref<1x1x1x128xi32, #tpu.memory_space<vmem>> -> memref<128xi32, #tpu.memory_space<vmem>>
        %dma_wait3A_138 = arith.constant 0 : i32
        %dma_wait3A_139 = arith.constant 0 : i32
        %dma_wait3A_140 = tpu.memref_slice %arg3[%dma_wait3A_138, %dma_wait3A_139] : memref<10000x32xf32, #tpu.memory_space<hbm>> -> memref<10000x32xf32, #tpu.memory_space<hbm>>
        tpu.wait_indirect_dma semaphore(%arg21 : memref<!tpu.dma_semaphore, #tpu.memory_space<semaphore_mem>>) src(%dma_wait3A_140 : memref<10000x32xf32, #tpu.memory_space<hbm>>) dst(%dma_wait3A_134 : memref<128x32xf32, #tpu.memory_space<vmem>>)
        %dma_wait3A_141 = arith.constant 0 : i32
        %dma_wait3A_142 = arith.constant 1 : i32
        %dma_wait3A_143 = arith.constant 1 : i32
        %dma_wait3A_144 = arith.constant 128 : i32
        %dma_wait3A_145 = arith.constant 0 : i32
        %dma_wait3A_146 = tpu.memref_slice %arg14[%dma_wait3A_144, %dma_wait3A_145] : memref<512x32xf32, #tpu.memory_space<vmem>> -> memref<128x32xf32, #tpu.memory_space<vmem>>
        %dma_wait3A_147 = arith.constant 0 : i32
        %dma_wait3A_148 = tpu.memref_slice %arg12[%dma_wait3A_141, %dma_wait3A_142, %dma_wait3A_143, %dma_wait3A_147] : memref<2x2x2x128xi32, #tpu.memory_space<vmem>> -> memref<1x1x1x128xi32, #tpu.memory_space<vmem>>
        %dma_wait3A_149 = tpu.memref_squeeze %dma_wait3A_148 : memref<1x1x1x128xi32, #tpu.memory_space<vmem>> -> memref<128xi32, #tpu.memory_space<vmem>>
        %dma_wait3A_150 = arith.constant 0 : i32
        %dma_wait3A_151 = arith.constant 0 : i32
        %dma_wait3A_152 = tpu.memref_slice %arg4[%dma_wait3A_150, %dma_wait3A_151] : memref<10000x32xf32, #tpu.memory_space<hbm>> -> memref<10000x32xf32, #tpu.memory_space<hbm>>
        tpu.wait_indirect_dma semaphore(%arg22 : memref<!tpu.dma_semaphore, #tpu.memory_space<semaphore_mem>>) src(%dma_wait3A_152 : memref<10000x32xf32, #tpu.memory_space<hbm>>) dst(%dma_wait3A_146 : memref<128x32xf32, #tpu.memory_space<vmem>>)
        %mul3A_153 = arith.constant 32 : i32
        %mul3A_154 = arith.muli %add3A_51, %mul3A_153 : i32
        %dma_wait3A_155 = arith.constant 0 : i32
        %dma_wait3A_156 = arith.constant 0 : i32
        %dma_wait3A_157 = arith.constant 0 : i32
        %dma_wait3A_158 = tpu.memref_slice %arg15[%dma_wait3A_155, %dma_wait3A_156, %dma_wait3A_157] : memref<64x8x32xf32, #tpu.memory_space<vmem>> -> memref<32x8x32xf32, #tpu.memory_space<vmem>>
        %dma_wait3A_159 = arith.constant 0 : i32
        %dma_wait3A_160 = arith.constant 0 : i32
        %dma_wait3A_161 = tpu.memref_slice %arg5[%mul3A_154, %dma_wait3A_159, %dma_wait3A_160] : memref<40000x8x128xf32, #tpu.memory_space<hbm>> -> memref<32x8x32xf32, #tpu.memory_space<hbm>>
        %dma_wait3A_162 = arith.constant 0 : i32
        %dma_wait3A_163 = arith.constant 0 : i32
        %dma_wait3A_164 = arith.constant 0 : i32
        %dma_wait3A_165 = tpu.memref_slice %arg15[%dma_wait3A_162, %dma_wait3A_163, %dma_wait3A_164] : memref<64x8x32xf32, #tpu.memory_space<vmem>> -> memref<32x8x32xf32, #tpu.memory_space<vmem>>
        %dma_wait3A_166 = arith.constant 0 : i32
        %dma_wait3A_167 = arith.constant 0 : i32
        %dma_wait3A_168 = tpu.memref_slice %arg5[%mul3A_154, %dma_wait3A_166, %dma_wait3A_167] : memref<40000x8x128xf32, #tpu.memory_space<hbm>> -> memref<32x8x32xf32, #tpu.memory_space<hbm>>
        tpu.wait_dma2 semaphore(%arg23 : memref<!tpu.dma_semaphore, #tpu.memory_space<semaphore_mem>>) src(%dma_wait3A_168 : memref<32x8x32xf32, #tpu.memory_space<hbm>>) dst(%dma_wait3A_165 : memref<32x8x32xf32, #tpu.memory_space<vmem>>)
      } else {
      }
      %add3A_57 = arith.constant 1 : i32
      %add3A_58 = arith.addi %mul3A_48, %add3A_57 : i32
      %mul3A_59 = arith.constant 32 : i32
      %mul3A_60 = arith.muli %add3A_58, %mul3A_59 : i32
      %add3A_61 = arith.addi %add3A, %mul3A_60 : i32
      %lt3A_62 = arith.constant 1250 : i32
      %lt3A_63 = arith.cmpi slt, %add3A_61, %lt3A_62 : i32
      %convert_element_type3A_64 = arith.extui %lt3A_63 : i1 to i32
      %cond3A_65 = arith.constant 0 : i32
      %cond3A_66 = arith.cmpi ne, %convert_element_type3A_64, %cond3A_65 : i32
      scf.if %cond3A_66 {
        %mul3A_105 = arith.constant 2 : i32
        %mul3A_106 = arith.muli %add3A_61, %mul3A_105 : i32
        %dma_start3A = arith.constant 1 : i32
        %dma_start3A_107 = arith.constant 0 : i32
        %dma_start3A_108 = arith.constant 0 : i32
        %dma_start3A_109 = arith.constant 0 : i32
        %dma_start3A_110 = tpu.memref_slice %arg12[%dma_start3A, %dma_start3A_107, %dma_start3A_108, %dma_start3A_109] : memref<2x2x2x128xi32, #tpu.memory_space<vmem>> -> memref<1x2x2x128xi32, #tpu.memory_space<vmem>>
        %dma_start3A_111 = tpu.memref_squeeze %dma_start3A_110 : memref<1x2x2x128xi32, #tpu.memory_space<vmem>> -> memref<2x2x128xi32, #tpu.memory_space<vmem>>
        %dma_start3A_112 = arith.constant 0 : i32
        %dma_start3A_113 = arith.constant 0 : i32
        %dma_start3A_114 = tpu.memref_slice %arg2[%dma_start3A_112, %mul3A_106, %dma_start3A_113] : memref<2x2500x128xi32, #tpu.memory_space<hbm>> -> memref<2x2x128xi32, #tpu.memory_space<hbm>>
        %dma_start3A_115 = arith.constant 0 : i32
        %dma_start3A_116 = arith.constant 0 : i32
        %dma_start3A_117 = arith.constant 0 : i32
        %dma_start3A_118 = tpu.memref_slice %arg12[%dma_start3A, %dma_start3A_115, %dma_start3A_116, %dma_start3A_117] : memref<2x2x2x128xi32, #tpu.memory_space<vmem>> -> memref<1x2x2x128xi32, #tpu.memory_space<vmem>>
        %dma_start3A_119 = tpu.memref_squeeze %dma_start3A_118 : memref<1x2x2x128xi32, #tpu.memory_space<vmem>> -> memref<2x2x128xi32, #tpu.memory_space<vmem>>
        %dma_start3A_120 = arith.constant 0 : i32
        %dma_start3A_121 = arith.constant 0 : i32
        %dma_start3A_122 = tpu.memref_slice %arg2[%dma_start3A_120, %mul3A_106, %dma_start3A_121] : memref<2x2500x128xi32, #tpu.memory_space<hbm>> -> memref<2x2x128xi32, #tpu.memory_space<hbm>>
        tpu.enqueue_dma source(%dma_start3A_122 : memref<2x2x128xi32, #tpu.memory_space<hbm>>) target(%dma_start3A_119 : memref<2x2x128xi32, #tpu.memory_space<vmem>>) target_semaphore(%arg20 : memref<!tpu.dma_semaphore, #tpu.memory_space<semaphore_mem>>)
        %dma_wait3A_123 = arith.constant 1 : i32
        %dma_wait3A_124 = arith.constant 0 : i32
        %dma_wait3A_125 = arith.constant 0 : i32
        %dma_wait3A_126 = arith.constant 0 : i32
        %dma_wait3A_127 = tpu.memref_slice %arg12[%dma_wait3A_123, %dma_wait3A_124, %dma_wait3A_125, %dma_wait3A_126] : memref<2x2x2x128xi32, #tpu.memory_space<vmem>> -> memref<1x2x2x128xi32, #tpu.memory_space<vmem>>
        %dma_wait3A_128 = tpu.memref_squeeze %dma_wait3A_127 : memref<1x2x2x128xi32, #tpu.memory_space<vmem>> -> memref<2x2x128xi32, #tpu.memory_space<vmem>>
        %dma_wait3A_129 = arith.constant 0 : i32
        %dma_wait3A_130 = arith.constant 0 : i32
        %dma_wait3A_131 = tpu.memref_slice %arg2[%dma_wait3A_129, %mul3A_106, %dma_wait3A_130] : memref<2x2500x128xi32, #tpu.memory_space<hbm>> -> memref<2x2x128xi32, #tpu.memory_space<hbm>>
        %dma_wait3A_132 = arith.constant 0 : i32
        %dma_wait3A_133 = arith.constant 0 : i32
        %dma_wait3A_134 = arith.constant 0 : i32
        %dma_wait3A_135 = tpu.memref_slice %arg12[%dma_wait3A_123, %dma_wait3A_132, %dma_wait3A_133, %dma_wait3A_134] : memref<2x2x2x128xi32, #tpu.memory_space<vmem>> -> memref<1x2x2x128xi32, #tpu.memory_space<vmem>>
        %dma_wait3A_136 = tpu.memref_squeeze %dma_wait3A_135 : memref<1x2x2x128xi32, #tpu.memory_space<vmem>> -> memref<2x2x128xi32, #tpu.memory_space<vmem>>
        %dma_wait3A_137 = arith.constant 0 : i32
        %dma_wait3A_138 = arith.constant 0 : i32
        %dma_wait3A_139 = tpu.memref_slice %arg2[%dma_wait3A_137, %mul3A_106, %dma_wait3A_138] : memref<2x2500x128xi32, #tpu.memory_space<hbm>> -> memref<2x2x128xi32, #tpu.memory_space<hbm>>
        tpu.wait_dma2 semaphore(%arg20 : memref<!tpu.dma_semaphore, #tpu.memory_space<semaphore_mem>>) src(%dma_wait3A_139 : memref<2x2x128xi32, #tpu.memory_space<hbm>>) dst(%dma_wait3A_136 : memref<2x2x128xi32, #tpu.memory_space<vmem>>)
        %dma_start3A_140 = arith.constant 1 : i32
        %dma_start3A_141 = arith.constant 0 : i32
        %dma_start3A_142 = arith.constant 0 : i32
        %dma_start3A_143 = arith.constant 256 : i32
        %dma_start3A_144 = arith.constant 0 : i32
        %dma_start3A_145 = tpu.memref_slice %arg13[%dma_start3A_143, %dma_start3A_144] : memref<512x32xf32, #tpu.memory_space<vmem>> -> memref<128x32xf32, #tpu.memory_space<vmem>>
        %dma_start3A_146 = arith.constant 0 : i32
        %dma_start3A_147 = tpu.memref_slice %arg12[%dma_start3A_140, %dma_start3A_141, %dma_start3A_142, %dma_start3A_146] : memref<2x2x2x128xi32, #tpu.memory_space<vmem>> -> memref<1x1x1x128xi32, #tpu.memory_space<vmem>>
        %dma_start3A_148 = tpu.memref_squeeze %dma_start3A_147 : memref<1x1x1x128xi32, #tpu.memory_space<vmem>> -> memref<128xi32, #tpu.memory_space<vmem>>
        %dma_start3A_149 = arith.constant 0 : i32
        %dma_start3A_150 = arith.constant 0 : i32
        %dma_start3A_151 = tpu.memref_slice %arg3[%dma_start3A_149, %dma_start3A_150] : memref<10000x32xf32, #tpu.memory_space<hbm>> -> memref<10000x32xf32, #tpu.memory_space<hbm>>
        tpu.enqueue_indirect_dma source(%dma_start3A_151 : memref<10000x32xf32, #tpu.memory_space<hbm>>) target(%dma_start3A_145 : memref<128x32xf32, #tpu.memory_space<vmem>>) offsets(%dma_start3A_148 : memref<128xi32, #tpu.memory_space<vmem>>) semaphore(%arg21 : memref<!tpu.dma_semaphore, #tpu.memory_space<semaphore_mem>>)
        %dma_start3A_152 = arith.constant 1 : i32
        %dma_start3A_153 = arith.constant 1 : i32
        %dma_start3A_154 = arith.constant 0 : i32
        %dma_start3A_155 = arith.constant 256 : i32
        %dma_start3A_156 = arith.constant 0 : i32
        %dma_start3A_157 = tpu.memref_slice %arg14[%dma_start3A_155, %dma_start3A_156] : memref<512x32xf32, #tpu.memory_space<vmem>> -> memref<128x32xf32, #tpu.memory_space<vmem>>
        %dma_start3A_158 = arith.constant 0 : i32
        %dma_start3A_159 = tpu.memref_slice %arg12[%dma_start3A_152, %dma_start3A_153, %dma_start3A_154, %dma_start3A_158] : memref<2x2x2x128xi32, #tpu.memory_space<vmem>> -> memref<1x1x1x128xi32, #tpu.memory_space<vmem>>
        %dma_start3A_160 = tpu.memref_squeeze %dma_start3A_159 : memref<1x1x1x128xi32, #tpu.memory_space<vmem>> -> memref<128xi32, #tpu.memory_space<vmem>>
        %dma_start3A_161 = arith.constant 0 : i32
        %dma_start3A_162 = arith.constant 0 : i32
        %dma_start3A_163 = tpu.memref_slice %arg4[%dma_start3A_161, %dma_start3A_162] : memref<10000x32xf32, #tpu.memory_space<hbm>> -> memref<10000x32xf32, #tpu.memory_space<hbm>>
        tpu.enqueue_indirect_dma source(%dma_start3A_163 : memref<10000x32xf32, #tpu.memory_space<hbm>>) target(%dma_start3A_157 : memref<128x32xf32, #tpu.memory_space<vmem>>) offsets(%dma_start3A_160 : memref<128xi32, #tpu.memory_space<vmem>>) semaphore(%arg22 : memref<!tpu.dma_semaphore, #tpu.memory_space<semaphore_mem>>)
        %dma_start3A_164 = arith.constant 1 : i32
        %dma_start3A_165 = arith.constant 0 : i32
        %dma_start3A_166 = arith.constant 1 : i32
        %dma_start3A_167 = arith.constant 384 : i32
        %dma_start3A_168 = arith.constant 0 : i32
        %dma_start3A_169 = tpu.memref_slice %arg13[%dma_start3A_167, %dma_start3A_168] : memref<512x32xf32, #tpu.memory_space<vmem>> -> memref<128x32xf32, #tpu.memory_space<vmem>>
        %dma_start3A_170 = arith.constant 0 : i32
        %dma_start3A_171 = tpu.memref_slice %arg12[%dma_start3A_164, %dma_start3A_165, %dma_start3A_166, %dma_start3A_170] : memref<2x2x2x128xi32, #tpu.memory_space<vmem>> -> memref<1x1x1x128xi32, #tpu.memory_space<vmem>>
        %dma_start3A_172 = tpu.memref_squeeze %dma_start3A_171 : memref<1x1x1x128xi32, #tpu.memory_space<vmem>> -> memref<128xi32, #tpu.memory_space<vmem>>
        %dma_start3A_173 = arith.constant 0 : i32
        %dma_start3A_174 = arith.constant 0 : i32
        %dma_start3A_175 = tpu.memref_slice %arg3[%dma_start3A_173, %dma_start3A_174] : memref<10000x32xf32, #tpu.memory_space<hbm>> -> memref<10000x32xf32, #tpu.memory_space<hbm>>
        tpu.enqueue_indirect_dma source(%dma_start3A_175 : memref<10000x32xf32, #tpu.memory_space<hbm>>) target(%dma_start3A_169 : memref<128x32xf32, #tpu.memory_space<vmem>>) offsets(%dma_start3A_172 : memref<128xi32, #tpu.memory_space<vmem>>) semaphore(%arg21 : memref<!tpu.dma_semaphore, #tpu.memory_space<semaphore_mem>>)
        %dma_start3A_176 = arith.constant 1 : i32
        %dma_start3A_177 = arith.constant 1 : i32
        %dma_start3A_178 = arith.constant 1 : i32
        %dma_start3A_179 = arith.constant 384 : i32
        %dma_start3A_180 = arith.constant 0 : i32
        %dma_start3A_181 = tpu.memref_slice %arg14[%dma_start3A_179, %dma_start3A_180] : memref<512x32xf32, #tpu.memory_space<vmem>> -> memref<128x32xf32, #tpu.memory_space<vmem>>
        %dma_start3A_182 = arith.constant 0 : i32
        %dma_start3A_183 = tpu.memref_slice %arg12[%dma_start3A_176, %dma_start3A_177, %dma_start3A_178, %dma_start3A_182] : memref<2x2x2x128xi32, #tpu.memory_space<vmem>> -> memref<1x1x1x128xi32, #tpu.memory_space<vmem>>
        %dma_start3A_184 = tpu.memref_squeeze %dma_start3A_183 : memref<1x1x1x128xi32, #tpu.memory_space<vmem>> -> memref<128xi32, #tpu.memory_space<vmem>>
        %dma_start3A_185 = arith.constant 0 : i32
        %dma_start3A_186 = arith.constant 0 : i32
        %dma_start3A_187 = tpu.memref_slice %arg4[%dma_start3A_185, %dma_start3A_186] : memref<10000x32xf32, #tpu.memory_space<hbm>> -> memref<10000x32xf32, #tpu.memory_space<hbm>>
        tpu.enqueue_indirect_dma source(%dma_start3A_187 : memref<10000x32xf32, #tpu.memory_space<hbm>>) target(%dma_start3A_181 : memref<128x32xf32, #tpu.memory_space<vmem>>) offsets(%dma_start3A_184 : memref<128xi32, #tpu.memory_space<vmem>>) semaphore(%arg22 : memref<!tpu.dma_semaphore, #tpu.memory_space<semaphore_mem>>)
        %mul3A_188 = arith.constant 32 : i32
        %mul3A_189 = arith.muli %add3A_61, %mul3A_188 : i32
        %dma_start3A_190 = arith.constant 32 : i32
        %dma_start3A_191 = arith.constant 0 : i32
        %dma_start3A_192 = arith.constant 0 : i32
        %dma_start3A_193 = tpu.memref_slice %arg15[%dma_start3A_190, %dma_start3A_191, %dma_start3A_192] : memref<64x8x32xf32, #tpu.memory_space<vmem>> -> memref<32x8x32xf32, #tpu.memory_space<vmem>>
        %dma_start3A_194 = arith.constant 0 : i32
        %dma_start3A_195 = arith.constant 0 : i32
        %dma_start3A_196 = tpu.memref_slice %arg5[%mul3A_189, %dma_start3A_194, %dma_start3A_195] : memref<40000x8x128xf32, #tpu.memory_space<hbm>> -> memref<32x8x32xf32, #tpu.memory_space<hbm>>
        %dma_start3A_197 = arith.constant 32 : i32
        %dma_start3A_198 = arith.constant 0 : i32
        %dma_start3A_199 = arith.constant 0 : i32
        %dma_start3A_200 = tpu.memref_slice %arg15[%dma_start3A_197, %dma_start3A_198, %dma_start3A_199] : memref<64x8x32xf32, #tpu.memory_space<vmem>> -> memref<32x8x32xf32, #tpu.memory_space<vmem>>
        %dma_start3A_201 = arith.constant 0 : i32
        %dma_start3A_202 = arith.constant 0 : i32
        %dma_start3A_203 = tpu.memref_slice %arg5[%mul3A_189, %dma_start3A_201, %dma_start3A_202] : memref<40000x8x128xf32, #tpu.memory_space<hbm>> -> memref<32x8x32xf32, #tpu.memory_space<hbm>>
        tpu.enqueue_dma source(%dma_start3A_203 : memref<32x8x32xf32, #tpu.memory_space<hbm>>) target(%dma_start3A_200 : memref<32x8x32xf32, #tpu.memory_space<vmem>>) target_semaphore(%arg23 : memref<!tpu.dma_semaphore, #tpu.memory_space<semaphore_mem>>)
      } else {
      }
      %mul3A_67 = arith.constant 32 : i32
      %mul3A_68 = arith.muli %mul3A_48, %mul3A_67 : i32
      %add3A_69 = arith.addi %add3A, %mul3A_68 : i32
      %lt3A_70 = arith.constant 1250 : i32
      %lt3A_71 = arith.cmpi slt, %add3A_69, %lt3A_70 : i32
      %convert_element_type3A_72 = arith.extui %lt3A_71 : i1 to i32
      %cond3A_73 = arith.constant 0 : i32
      %cond3A_74 = arith.cmpi ne, %convert_element_type3A_72, %cond3A_73 : i32
      scf.if %cond3A_74 {
        %sub3A = arith.constant 64 : i32
        %sub3A_105 = arith.subi %add3A_69, %sub3A : i32
        %ge3A = arith.constant 0 : i32
        %ge3A_106 = arith.cmpi sge, %sub3A_105, %ge3A : i32
        %convert_element_type3A_107 = arith.extui %ge3A_106 : i1 to i32
        %cond3A_108 = arith.constant 0 : i32
        %cond3A_109 = arith.cmpi ne, %convert_element_type3A_107, %cond3A_108 : i32
        scf.if %cond3A_109 {
          %mul3A_138 = arith.constant 64 : i32
          %mul3A_139 = arith.muli %sub3A_105, %mul3A_138 : i32
          %dma_wait3A_140 = arith.constant 0 : i32
          %dma_wait3A_141 = arith.constant 0 : i32
          %dma_wait3A_142 = tpu.memref_slice %arg16[%dma_wait3A_140, %dma_wait3A_141] : memref<128x128xf32, #tpu.memory_space<vmem>> -> memref<64x128xf32, #tpu.memory_space<vmem>>
          %dma_wait3A_143 = arith.constant 0 : i32
          %dma_wait3A_144 = tpu.memref_slice %arg9[%mul3A_139, %dma_wait3A_143] : memref<80000x128xf32, #tpu.memory_space<hbm>> -> memref<64x128xf32, #tpu.memory_space<hbm>>
          %dma_wait3A_145 = arith.constant 0 : i32
          %dma_wait3A_146 = tpu.memref_slice %arg9[%mul3A_139, %dma_wait3A_145] : memref<80000x128xf32, #tpu.memory_space<hbm>> -> memref<64x128xf32, #tpu.memory_space<hbm>>
          %dma_wait3A_147 = arith.constant 0 : i32
          %dma_wait3A_148 = arith.constant 0 : i32
          %dma_wait3A_149 = tpu.memref_slice %arg16[%dma_wait3A_147, %dma_wait3A_148] : memref<128x128xf32, #tpu.memory_space<vmem>> -> memref<64x128xf32, #tpu.memory_space<vmem>>
          tpu.wait_dma2 semaphore(%arg24 : memref<!tpu.dma_semaphore, #tpu.memory_space<semaphore_mem>>) src(%dma_wait3A_149 : memref<64x128xf32, #tpu.memory_space<vmem>>) dst(%dma_wait3A_146 : memref<64x128xf32, #tpu.memory_space<hbm>>)
        } else {
        }
        %scan3A_110 = arith.constant 0 : i32
        %scan3A_111 = arith.constant 0 : i32
        %scan3A_112 = arith.constant 32 : i32
        %scan3A_113 = arith.addi %scan3A_111, %scan3A_112 : i32
        %scan3A_114 = arith.constant 1 : i32
        scf.for %scan3A_138 = %scan3A_111 to %scan3A_113 step %scan3A_114  : i32 {
          %mul3A_139 = arith.constant 8 : i32
          %mul3A_140 = arith.muli %scan3A_138, %mul3A_139 : i32
          %add3A_141 = arith.constant 0 : i32
          %add3A_142 = arith.addi %add3A_141, %mul3A_140 : i32
          %add3A_143 = arith.constant 0 : i32
          %add3A_144 = arith.addi %add3A_142, %add3A_143 : i32
          %add3A_145 = arith.constant 0 : i32
          %add3A_146 = arith.addi %add3A_145, %scan3A_138 : i32
          %mul3A_147 = arith.constant 2 : i32
          %mul3A_148 = arith.muli %scan3A_138, %mul3A_147 : i32
          %add3A_149 = arith.constant 0 : i32
          %add3A_150 = arith.addi %add3A_149, %mul3A_148 : i32
          %add3A_151 = arith.constant 0 : i32
          %add3A_152 = arith.addi %add3A_150, %add3A_151 : i32
          %get3A = arith.index_cast %add3A_144 : i32 to index
          %get3A_153 = arith.constant 0 : index
          %get3A_154 = tpu.vector_load %arg13[%get3A, %get3A_153] {strides = array<i32>} : memref<512x32xf32, #tpu.memory_space<vmem>>, vector<1x16xf32>,
          %get3A_155 = vector.shape_cast %get3A_154 : vector<1x16xf32> to vector<16xf32>
          %get3A_156 = arith.index_cast %add3A_144 : i32 to index
          %get3A_157 = arith.constant 0 : index
          %get3A_158 = tpu.vector_load %arg14[%get3A_156, %get3A_157] {strides = array<i32>} : memref<512x32xf32, #tpu.memory_space<vmem>>, vector<1x16xf32>,
          %get3A_159 = vector.shape_cast %get3A_158 : vector<1x16xf32> to vector<16xf32>
          %add3A_160 = arith.addf %get3A_155, %get3A_159 : vector<16xf32>
          %get3A_161 = arith.constant 0 : i32
          %get3A_162 = arith.index_cast %add3A_146 : i32 to index
          %get3A_163 = arith.index_cast %get3A_161 : i32 to index
          %get3A_164 = arith.constant 0 : index
          %get3A_165 = tpu.vector_load %arg15[%get3A_162, %get3A_163, %get3A_164] {strides = array<i32>} : memref<64x8x32xf32, #tpu.memory_space<vmem>>, vector<1x1x16xf32>,
          %get3A_166 = vector.shape_cast %get3A_165 : vector<1x1x16xf32> to vector<16xf32>
          %add3A_167 = arith.addf %add3A_160, %get3A_166 : vector<16xf32>
          %abs3A = math.absf %add3A_167 : vector<16xf32>
          %neg3A = arith.constant 0.000000e+00 : f32
          %neg3A_168 = vector.broadcast %neg3A : f32 to vector<16xf32>
          %neg3A_169 = arith.subf %neg3A_168, %abs3A : vector<16xf32>
          %exp3A = math.exp %neg3A_169 : vector<16xf32>
          %mul3A_170 = arith.constant 0.0410644412 : f32
          %mul3A_171 = vector.broadcast %mul3A_170 : f32 to vector<16xf32>
          %mul3A_172 = arith.mulf %mul3A_171, %exp3A : vector<16xf32>
          %add3A_173 = arith.constant -0.156028271 : f32
          %add3A_174 = vector.broadcast %add3A_173 : f32 to vector<16xf32>
          %add3A_175 = arith.addf %mul3A_172, %add3A_174 : vector<16xf32>
          %mul3A_176 = arith.mulf %add3A_175, %exp3A : vector<16xf32>
          %add3A_177 = arith.constant 0.304672241 : f32
          %add3A_178 = vector.broadcast %add3A_177 : f32 to vector<16xf32>
          %add3A_179 = arith.addf %mul3A_176, %add3A_178 : vector<16xf32>
          %mul3A_180 = arith.mulf %add3A_179, %exp3A : vector<16xf32>
          %add3A_181 = arith.constant -0.496368259 : f32
          %add3A_182 = vector.broadcast %add3A_181 : f32 to vector<16xf32>
          %add3A_183 = arith.addf %mul3A_180, %add3A_182 : vector<16xf32>
          %mul3A_184 = arith.mulf %add3A_183, %exp3A : vector<16xf32>
          %add3A_185 = arith.constant 0.999887943 : f32
          %add3A_186 = vector.broadcast %add3A_185 : f32 to vector<16xf32>
          %add3A_187 = arith.addf %mul3A_184, %add3A_186 : vector<16xf32>
          %max3A = arith.constant 0.000000e+00 : f32
          %max3A_188 = vector.broadcast %max3A : f32 to vector<16xf32>
          %max3A_189 = arith.maximumf %add3A_167, %max3A_188 : vector<16xf32>
          %mul3A_190 = arith.mulf %exp3A, %add3A_187 : vector<16xf32>
          %add3A_191 = arith.addf %max3A_189, %mul3A_190 : vector<16xf32>
          %swap3A = arith.index_cast %add3A_144 : i32 to index
          %swap3A_192 = arith.constant 0 : index
          %swap3A_193 = tpu.vector_load %arg13[%swap3A, %swap3A_192] {strides = array<i32>} : memref<512x32xf32, #tpu.memory_space<vmem>>, vector<1x16xf32>,
          %swap3A_194 = vector.shape_cast %swap3A_193 : vector<1x16xf32> to vector<16xf32>
          %swap3A_195 = vector.shape_cast %add3A_191 : vector<16xf32> to vector<1x16xf32>
          tpu.vector_store %arg13[%swap3A, %swap3A_192], %swap3A_195 {strides = array<i32>} : memref<512x32xf32, #tpu.memory_space<vmem>>, vector<1x16xf32>,
          %swap3A_196 = arith.index_cast %add3A_152 : i32 to index
          %swap3A_197 = arith.constant 0 : index
          %swap3A_198 = tpu.vector_load %arg16[%swap3A_196, %swap3A_197] {strides = array<i32>} : memref<128x128xf32, #tpu.memory_space<vmem>>, vector<1x16xf32>,
          %swap3A_199 = vector.shape_cast %swap3A_198 : vector<1x16xf32> to vector<16xf32>
          %swap3A_200 = vector.shape_cast %add3A_191 : vector<16xf32> to vector<1x16xf32>
          tpu.vector_store %arg16[%swap3A_196, %swap3A_197], %swap3A_200 {strides = array<i32>} : memref<128x128xf32, #tpu.memory_space<vmem>>, vector<1x16xf32>,
          %mul3A_201 = arith.constant 8 : i32
          %mul3A_202 = arith.muli %scan3A_138, %mul3A_201 : i32
          %add3A_203 = arith.constant 0 : i32
          %add3A_204 = arith.addi %add3A_203, %mul3A_202 : i32
          %add3A_205 = arith.constant 0 : i32
          %add3A_206 = arith.addi %add3A_204, %add3A_205 : i32
          %add3A_207 = arith.constant 0 : i32
          %add3A_208 = arith.addi %add3A_207, %scan3A_138 : i32
          %mul3A_209 = arith.constant 2 : i32
          %mul3A_210 = arith.muli %scan3A_138, %mul3A_209 : i32
          %add3A_211 = arith.constant 0 : i32
          %add3A_212 = arith.addi %add3A_211, %mul3A_210 : i32
          %add3A_213 = arith.constant 0 : i32
          %add3A_214 = arith.addi %add3A_212, %add3A_213 : i32
          %get3A_215 = arith.index_cast %add3A_206 : i32 to index
          %get3A_216 = arith.constant 16 : index
          %get3A_217 = tpu.vector_load %arg13[%get3A_215, %get3A_216] {strides = array<i32>} : memref<512x32xf32, #tpu.memory_space<vmem>>, vector<1x16xf32>,
          %get3A_218 = vector.shape_cast %get3A_217 : vector<1x16xf32> to vector<16xf32>
          %get3A_219 = arith.index_cast %add3A_206 : i32 to index
          %get3A_220 = arith.constant 16 : index
          %get3A_221 = tpu.vector_load %arg14[%get3A_219, %get3A_220] {strides = array<i32>} : memref<512x32xf32, #tpu.memory_space<vmem>>, vector<1x16xf32>,
          %get3A_222 = vector.shape_cast %get3A_221 : vector<1x16xf32> to vector<16xf32>
          %add3A_223 = arith.addf %get3A_218, %get3A_222 : vector<16xf32>
          %get3A_224 = arith.constant 0 : i32
          %get3A_225 = arith.index_cast %add3A_208 : i32 to index
          %get3A_226 = arith.index_cast %get3A_224 : i32 to index
          %get3A_227 = arith.constant 16 : index
          %get3A_228 = tpu.vector_load %arg15[%get3A_225, %get3A_226, %get3A_227] {strides = array<i32>} : memref<64x8x32xf32, #tpu.memory_space<vmem>>, vector<1x1x16xf32>,
          %get3A_229 = vector.shape_cast %get3A_228 : vector<1x1x16xf32> to vector<16xf32>
          %add3A_230 = arith.addf %add3A_223, %get3A_229 : vector<16xf32>
          %abs3A_231 = math.absf %add3A_230 : vector<16xf32>
          %neg3A_232 = arith.constant 0.000000e+00 : f32
          %neg3A_233 = vector.broadcast %neg3A_232 : f32 to vector<16xf32>
          %neg3A_234 = arith.subf %neg3A_233, %abs3A_231 : vector<16xf32>
          %exp3A_235 = math.exp %neg3A_234 : vector<16xf32>
          %mul3A_236 = arith.constant 0.0410644412 : f32
          %mul3A_237 = vector.broadcast %mul3A_236 : f32 to vector<16xf32>
          %mul3A_238 = arith.mulf %mul3A_237, %exp3A_235 : vector<16xf32>
          %add3A_239 = arith.constant -0.156028271 : f32
          %add3A_240 = vector.broadcast %add3A_239 : f32 to vector<16xf32>
          %add3A_241 = arith.addf %mul3A_238, %add3A_240 : vector<16xf32>
          %mul3A_242 = arith.mulf %add3A_241, %exp3A_235 : vector<16xf32>
          %add3A_243 = arith.constant 0.304672241 : f32
          %add3A_244 = vector.broadcast %add3A_243 : f32 to vector<16xf32>
          %add3A_245 = arith.addf %mul3A_242, %add3A_244 : vector<16xf32>
          %mul3A_246 = arith.mulf %add3A_245, %exp3A_235 : vector<16xf32>
          %add3A_247 = arith.constant -0.496368259 : f32
          %add3A_248 = vector.broadcast %add3A_247 : f32 to vector<16xf32>
          %add3A_249 = arith.addf %mul3A_246, %add3A_248 : vector<16xf32>
          %mul3A_250 = arith.mulf %add3A_249, %exp3A_235 : vector<16xf32>
          %add3A_251 = arith.constant 0.999887943 : f32
          %add3A_252 = vector.broadcast %add3A_251 : f32 to vector<16xf32>
          %add3A_253 = arith.addf %mul3A_250, %add3A_252 : vector<16xf32>
          %max3A_254 = arith.constant 0.000000e+00 : f32
          %max3A_255 = vector.broadcast %max3A_254 : f32 to vector<16xf32>
          %max3A_256 = arith.maximumf %add3A_230, %max3A_255 : vector<16xf32>
          %mul3A_257 = arith.mulf %exp3A_235, %add3A_253 : vector<16xf32>
          %add3A_258 = arith.addf %max3A_256, %mul3A_257 : vector<16xf32>
          %swap3A_259 = arith.index_cast %add3A_206 : i32 to index
          %swap3A_260 = arith.constant 16 : index
          %swap3A_261 = tpu.vector_load %arg13[%swap3A_259, %swap3A_260] {strides = array<i32>} : memref<512x32xf32, #tpu.memory_space<vmem>>, vector<1x16xf32>,
          %swap3A_262 = vector.shape_cast %swap3A_261 : vector<1x16xf32> to vector<16xf32>
          %swap3A_263 = vector.shape_cast %add3A_258 : vector<16xf32> to vector<1x16xf32>
          tpu.vector_store %arg13[%swap3A_259, %swap3A_260], %swap3A_263 {strides = array<i32>} : memref<512x32xf32, #tpu.memory_space<vmem>>, vector<1x16xf32>,
          %swap3A_264 = arith.index_cast %add3A_214 : i32 to index
          %swap3A_265 = arith.constant 16 : index
          %swap3A_266 = tpu.vector_load %arg16[%swap3A_264, %swap3A_265] {strides = array<i32>} : memref<128x128xf32, #tpu.memory_space<vmem>>, vector<1x16xf32>,
          %swap3A_267 = vector.shape_cast %swap3A_266 : vector<1x16xf32> to vector<16xf32>
          %swap3A_268 = vector.shape_cast %add3A_258 : vector<16xf32> to vector<1x16xf32>
          tpu.vector_store %arg16[%swap3A_264, %swap3A_265], %swap3A_268 {strides = array<i32>} : memref<128x128xf32, #tpu.memory_space<vmem>>, vector<1x16xf32>,
          %mul3A_269 = arith.constant 8 : i32
          %mul3A_270 = arith.muli %scan3A_138, %mul3A_269 : i32
          %add3A_271 = arith.constant 0 : i32
          %add3A_272 = arith.addi %add3A_271, %mul3A_270 : i32
          %add3A_273 = arith.constant 1 : i32
          %add3A_274 = arith.addi %add3A_272, %add3A_273 : i32
          %add3A_275 = arith.constant 0 : i32
          %add3A_276 = arith.addi %add3A_275, %scan3A_138 : i32
          %mul3A_277 = arith.constant 2 : i32
          %mul3A_278 = arith.muli %scan3A_138, %mul3A_277 : i32
          %add3A_279 = arith.constant 0 : i32
          %add3A_280 = arith.addi %add3A_279, %mul3A_278 : i32
          %add3A_281 = arith.constant 0 : i32
          %add3A_282 = arith.addi %add3A_280, %add3A_281 : i32
          %get3A_283 = arith.index_cast %add3A_274 : i32 to index
          %get3A_284 = arith.constant 0 : index
          %get3A_285 = tpu.vector_load %arg13[%get3A_283, %get3A_284] {strides = array<i32>} : memref<512x32xf32, #tpu.memory_space<vmem>>, vector<1x16xf32>,
          %get3A_286 = vector.shape_cast %get3A_285 : vector<1x16xf32> to vector<16xf32>
          %get3A_287 = arith.index_cast %add3A_274 : i32 to index
          %get3A_288 = arith.constant 0 : index
          %get3A_289 = tpu.vector_load %arg14[%get3A_287, %get3A_288] {strides = array<i32>} : memref<512x32xf32, #tpu.memory_space<vmem>>, vector<1x16xf32>,
          %get3A_290 = vector.shape_cast %get3A_289 : vector<1x16xf32> to vector<16xf32>
          %add3A_291 = arith.addf %get3A_286, %get3A_290 : vector<16xf32>
          %get3A_292 = arith.constant 1 : i32
          %get3A_293 = arith.index_cast %add3A_276 : i32 to index
          %get3A_294 = arith.index_cast %get3A_292 : i32 to index
          %get3A_295 = arith.constant 0 : index
          %get3A_296 = tpu.vector_load %arg15[%get3A_293, %get3A_294, %get3A_295] {strides = array<i32>} : memref<64x8x32xf32, #tpu.memory_space<vmem>>, vector<1x1x16xf32>,
          %get3A_297 = vector.shape_cast %get3A_296 : vector<1x1x16xf32> to vector<16xf32>
          %add3A_298 = arith.addf %add3A_291, %get3A_297 : vector<16xf32>
          %abs3A_299 = math.absf %add3A_298 : vector<16xf32>
          %neg3A_300 = arith.constant 0.000000e+00 : f32
          %neg3A_301 = vector.broadcast %neg3A_300 : f32 to vector<16xf32>
          %neg3A_302 = arith.subf %neg3A_301, %abs3A_299 : vector<16xf32>
          %exp3A_303 = math.exp %neg3A_302 : vector<16xf32>
          %mul3A_304 = arith.constant 0.0410644412 : f32
          %mul3A_305 = vector.broadcast %mul3A_304 : f32 to vector<16xf32>
          %mul3A_306 = arith.mulf %mul3A_305, %exp3A_303 : vector<16xf32>
          %add3A_307 = arith.constant -0.156028271 : f32
          %add3A_308 = vector.broadcast %add3A_307 : f32 to vector<16xf32>
          %add3A_309 = arith.addf %mul3A_306, %add3A_308 : vector<16xf32>
          %mul3A_310 = arith.mulf %add3A_309, %exp3A_303 : vector<16xf32>
          %add3A_311 = arith.constant 0.304672241 : f32
          %add3A_312 = vector.broadcast %add3A_311 : f32 to vector<16xf32>
          %add3A_313 = arith.addf %mul3A_310, %add3A_312 : vector<16xf32>
          %mul3A_314 = arith.mulf %add3A_313, %exp3A_303 : vector<16xf32>
          %add3A_315 = arith.constant -0.496368259 : f32
          %add3A_316 = vector.broadcast %add3A_315 : f32 to vector<16xf32>
          %add3A_317 = arith.addf %mul3A_314, %add3A_316 : vector<16xf32>
          %mul3A_318 = arith.mulf %add3A_317, %exp3A_303 : vector<16xf32>
          %add3A_319 = arith.constant 0.999887943 : f32
          %add3A_320 = vector.broadcast %add3A_319 : f32 to vector<16xf32>
          %add3A_321 = arith.addf %mul3A_318, %add3A_320 : vector<16xf32>
          %max3A_322 = arith.constant 0.000000e+00 : f32
          %max3A_323 = vector.broadcast %max3A_322 : f32 to vector<16xf32>
          %max3A_324 = arith.maximumf %add3A_298, %max3A_323 : vector<16xf32>
          %mul3A_325 = arith.mulf %exp3A_303, %add3A_321 : vector<16xf32>
          %add3A_326 = arith.addf %max3A_324, %mul3A_325 : vector<16xf32>
          %swap3A_327 = arith.index_cast %add3A_274 : i32 to index
          %swap3A_328 = arith.constant 0 : index
          %swap3A_329 = tpu.vector_load %arg13[%swap3A_327, %swap3A_328] {strides = array<i32>} : memref<512x32xf32, #tpu.memory_space<vmem>>, vector<1x16xf32>,
          %swap3A_330 = vector.shape_cast %swap3A_329 : vector<1x16xf32> to vector<16xf32>
          %swap3A_331 = vector.shape_cast %add3A_326 : vector<16xf32> to vector<1x16xf32>
          tpu.vector_store %arg13[%swap3A_327, %swap3A_328], %swap3A_331 {strides = array<i32>} : memref<512x32xf32, #tpu.memory_space<vmem>>, vector<1x16xf32>,
          %swap3A_332 = arith.index_cast %add3A_282 : i32 to index
          %swap3A_333 = arith.constant 32 : index
          %swap3A_334 = tpu.vector_load %arg16[%swap3A_332, %swap3A_333] {strides = array<i32>} : memref<128x128xf32, #tpu.memory_space<vmem>>, vector<1x16xf32>,
          %swap3A_335 = vector.shape_cast %swap3A_334 : vector<1x16xf32> to vector<16xf32>
          %swap3A_336 = vector.shape_cast %add3A_326 : vector<16xf32> to vector<1x16xf32>
          tpu.vector_store %arg16[%swap3A_332, %swap3A_333], %swap3A_336 {strides = array<i32>} : memref<128x128xf32, #tpu.memory_space<vmem>>, vector<1x16xf32>,
          %mul3A_337 = arith.constant 8 : i32
          %mul3A_338 = arith.muli %scan3A_138, %mul3A_337 : i32
          %add3A_339 = arith.constant 0 : i32
          %add3A_340 = arith.addi %add3A_339, %mul3A_338 : i32
          %add3A_341 = arith.constant 1 : i32
          %add3A_342 = arith.addi %add3A_340, %add3A_341 : i32
          %add3A_343 = arith.constant 0 : i32
          %add3A_344 = arith.addi %add3A_343, %scan3A_138 : i32
          %mul3A_345 = arith.constant 2 : i32
          %mul3A_346 = arith.muli %scan3A_138, %mul3A_345 : i32
          %add3A_347 = arith.constant 0 : i32
          %add3A_348 = arith.addi %add3A_347, %mul3A_346 : i32
          %add3A_349 = arith.constant 0 : i32
          %add3A_350 = arith.addi %add3A_348, %add3A_349 : i32
          %get3A_351 = arith.index_cast %add3A_342 : i32 to index
          %get3A_352 = arith.constant 16 : index
          %get3A_353 = tpu.vector_load %arg13[%get3A_351, %get3A_352] {strides = array<i32>} : memref<512x32xf32, #tpu.memory_space<vmem>>, vector<1x16xf32>,
          %get3A_354 = vector.shape_cast %get3A_353 : vector<1x16xf32> to vector<16xf32>
          %get3A_355 = arith.index_cast %add3A_342 : i32 to index
          %get3A_356 = arith.constant 16 : index
          %get3A_357 = tpu.vector_load %arg14[%get3A_355, %get3A_356] {strides = array<i32>} : memref<512x32xf32, #tpu.memory_space<vmem>>, vector<1x16xf32>,
          %get3A_358 = vector.shape_cast %get3A_357 : vector<1x16xf32> to vector<16xf32>
          %add3A_359 = arith.addf %get3A_354, %get3A_358 : vector<16xf32>
          %get3A_360 = arith.constant 1 : i32
          %get3A_361 = arith.index_cast %add3A_344 : i32 to index
          %get3A_362 = arith.index_cast %get3A_360 : i32 to index
          %get3A_363 = arith.constant 16 : index
          %get3A_364 = tpu.vector_load %arg15[%get3A_361, %get3A_362, %get3A_363] {strides = array<i32>} : memref<64x8x32xf32, #tpu.memory_space<vmem>>, vector<1x1x16xf32>,
          %get3A_365 = vector.shape_cast %get3A_364 : vector<1x1x16xf32> to vector<16xf32>
          %add3A_366 = arith.addf %add3A_359, %get3A_365 : vector<16xf32>
          %abs3A_367 = math.absf %add3A_366 : vector<16xf32>
          %neg3A_368 = arith.constant 0.000000e+00 : f32
          %neg3A_369 = vector.broadcast %neg3A_368 : f32 to vector<16xf32>
          %neg3A_370 = arith.subf %neg3A_369, %abs3A_367 : vector<16xf32>
          %exp3A_371 = math.exp %neg3A_370 : vector<16xf32>
          %mul3A_372 = arith.constant 0.0410644412 : f32
          %mul3A_373 = vector.broadcast %mul3A_372 : f32 to vector<16xf32>
          %mul3A_374 = arith.mulf %mul3A_373, %exp3A_371 : vector<16xf32>
          %add3A_375 = arith.constant -0.156028271 : f32
          %add3A_376 = vector.broadcast %add3A_375 : f32 to vector<16xf32>
          %add3A_377 = arith.addf %mul3A_374, %add3A_376 : vector<16xf32>
          %mul3A_378 = arith.mulf %add3A_377, %exp3A_371 : vector<16xf32>
          %add3A_379 = arith.constant 0.304672241 : f32
          %add3A_380 = vector.broadcast %add3A_379 : f32 to vector<16xf32>
          %add3A_381 = arith.addf %mul3A_378, %add3A_380 : vector<16xf32>
          %mul3A_382 = arith.mulf %add3A_381, %exp3A_371 : vector<16xf32>
          %add3A_383 = arith.constant -0.496368259 : f32
          %add3A_384 = vector.broadcast %add3A_383 : f32 to vector<16xf32>
          %add3A_385 = arith.addf %mul3A_382, %add3A_384 : vector<16xf32>
          %mul3A_386 = arith.mulf %add3A_385, %exp3A_371 : vector<16xf32>
          %add3A_387 = arith.constant 0.999887943 : f32
          %add3A_388 = vector.broadcast %add3A_387 : f32 to vector<16xf32>
          %add3A_389 = arith.addf %mul3A_386, %add3A_388 : vector<16xf32>
          %max3A_390 = arith.constant 0.000000e+00 : f32
          %max3A_391 = vector.broadcast %max3A_390 : f32 to vector<16xf32>
          %max3A_392 = arith.maximumf %add3A_366, %max3A_391 : vector<16xf32>
          %mul3A_393 = arith.mulf %exp3A_371, %add3A_389 : vector<16xf32>
          %add3A_394 = arith.addf %max3A_392, %mul3A_393 : vector<16xf32>
          %swap3A_395 = arith.index_cast %add3A_342 : i32 to index
          %swap3A_396 = arith.constant 16 : index
          %swap3A_397 = tpu.vector_load %arg13[%swap3A_395, %swap3A_396] {strides = array<i32>} : memref<512x32xf32, #tpu.memory_space<vmem>>, vector<1x16xf32>,
          %swap3A_398 = vector.shape_cast %swap3A_397 : vector<1x16xf32> to vector<16xf32>
          %swap3A_399 = vector.shape_cast %add3A_394 : vector<16xf32> to vector<1x16xf32>
          tpu.vector_store %arg13[%swap3A_395, %swap3A_396], %swap3A_399 {strides = array<i32>} : memref<512x32xf32, #tpu.memory_space<vmem>>, vector<1x16xf32>,
          %swap3A_400 = arith.index_cast %add3A_350 : i32 to index
          %swap3A_401 = arith.constant 48 : index
          %swap3A_402 = tpu.vector_load %arg16[%swap3A_400, %swap3A_401] {strides = array<i32>} : memref<128x128xf32, #tpu.memory_space<vmem>>, vector<1x16xf32>,
          %swap3A_403 = vector.shape_cast %swap3A_402 : vector<1x16xf32> to vector<16xf32>
          %swap3A_404 = vector.shape_cast %add3A_394 : vector<16xf32> to vector<1x16xf32>
          tpu.vector_store %arg16[%swap3A_400, %swap3A_401], %swap3A_404 {strides = array<i32>} : memref<128x128xf32, #tpu.memory_space<vmem>>, vector<1x16xf32>,
          %mul3A_405 = arith.constant 8 : i32
          %mul3A_406 = arith.muli %scan3A_138, %mul3A_405 : i32
          %add3A_407 = arith.constant 0 : i32
          %add3A_408 = arith.addi %add3A_407, %mul3A_406 : i32
          %add3A_409 = arith.constant 2 : i32
          %add3A_410 = arith.addi %add3A_408, %add3A_409 : i32
          %add3A_411 = arith.constant 0 : i32
          %add3A_412 = arith.addi %add3A_411, %scan3A_138 : i32
          %mul3A_413 = arith.constant 2 : i32
          %mul3A_414 = arith.muli %scan3A_138, %mul3A_413 : i32
          %add3A_415 = arith.constant 0 : i32
          %add3A_416 = arith.addi %add3A_415, %mul3A_414 : i32
          %add3A_417 = arith.constant 0 : i32
          %add3A_418 = arith.addi %add3A_416, %add3A_417 : i32
          %get3A_419 = arith.index_cast %add3A_410 : i32 to index
          %get3A_420 = arith.constant 0 : index
          %get3A_421 = tpu.vector_load %arg13[%get3A_419, %get3A_420] {strides = array<i32>} : memref<512x32xf32, #tpu.memory_space<vmem>>, vector<1x16xf32>,
          %get3A_422 = vector.shape_cast %get3A_421 : vector<1x16xf32> to vector<16xf32>
          %get3A_423 = arith.index_cast %add3A_410 : i32 to index
          %get3A_424 = arith.constant 0 : index
          %get3A_425 = tpu.vector_load %arg14[%get3A_423, %get3A_424] {strides = array<i32>} : memref<512x32xf32, #tpu.memory_space<vmem>>, vector<1x16xf32>,
          %get3A_426 = vector.shape_cast %get3A_425 : vector<1x16xf32> to vector<16xf32>
          %add3A_427 = arith.addf %get3A_422, %get3A_426 : vector<16xf32>
          %get3A_428 = arith.constant 2 : i32
          %get3A_429 = arith.index_cast %add3A_412 : i32 to index
          %get3A_430 = arith.index_cast %get3A_428 : i32 to index
          %get3A_431 = arith.constant 0 : index
          %get3A_432 = tpu.vector_load %arg15[%get3A_429, %get3A_430, %get3A_431] {strides = array<i32>} : memref<64x8x32xf32, #tpu.memory_space<vmem>>, vector<1x1x16xf32>,
          %get3A_433 = vector.shape_cast %get3A_432 : vector<1x1x16xf32> to vector<16xf32>
          %add3A_434 = arith.addf %add3A_427, %get3A_433 : vector<16xf32>
          %abs3A_435 = math.absf %add3A_434 : vector<16xf32>
          %neg3A_436 = arith.constant 0.000000e+00 : f32
          %neg3A_437 = vector.broadcast %neg3A_436 : f32 to vector<16xf32>
          %neg3A_438 = arith.subf %neg3A_437, %abs3A_435 : vector<16xf32>
          %exp3A_439 = math.exp %neg3A_438 : vector<16xf32>
          %mul3A_440 = arith.constant 0.0410644412 : f32
          %mul3A_441 = vector.broadcast %mul3A_440 : f32 to vector<16xf32>
          %mul3A_442 = arith.mulf %mul3A_441, %exp3A_439 : vector<16xf32>
          %add3A_443 = arith.constant -0.156028271 : f32
          %add3A_444 = vector.broadcast %add3A_443 : f32 to vector<16xf32>
          %add3A_445 = arith.addf %mul3A_442, %add3A_444 : vector<16xf32>
          %mul3A_446 = arith.mulf %add3A_445, %exp3A_439 : vector<16xf32>
          %add3A_447 = arith.constant 0.304672241 : f32
          %add3A_448 = vector.broadcast %add3A_447 : f32 to vector<16xf32>
          %add3A_449 = arith.addf %mul3A_446, %add3A_448 : vector<16xf32>
          %mul3A_450 = arith.mulf %add3A_449, %exp3A_439 : vector<16xf32>
          %add3A_451 = arith.constant -0.496368259 : f32
          %add3A_452 = vector.broadcast %add3A_451 : f32 to vector<16xf32>
          %add3A_453 = arith.addf %mul3A_450, %add3A_452 : vector<16xf32>
          %mul3A_454 = arith.mulf %add3A_453, %exp3A_439 : vector<16xf32>
          %add3A_455 = arith.constant 0.999887943 : f32
          %add3A_456 = vector.broadcast %add3A_455 : f32 to vector<16xf32>
          %add3A_457 = arith.addf %mul3A_454, %add3A_456 : vector<16xf32>
          %max3A_458 = arith.constant 0.000000e+00 : f32
          %max3A_459 = vector.broadcast %max3A_458 : f32 to vector<16xf32>
          %max3A_460 = arith.maximumf %add3A_434, %max3A_459 : vector<16xf32>
          %mul3A_461 = arith.mulf %exp3A_439, %add3A_457 : vector<16xf32>
          %add3A_462 = arith.addf %max3A_460, %mul3A_461 : vector<16xf32>
          %swap3A_463 = arith.index_cast %add3A_410 : i32 to index
          %swap3A_464 = arith.constant 0 : index
          %swap3A_465 = tpu.vector_load %arg13[%swap3A_463, %swap3A_464] {strides = array<i32>} : memref<512x32xf32, #tpu.memory_space<vmem>>, vector<1x16xf32>,
          %swap3A_466 = vector.shape_cast %swap3A_465 : vector<1x16xf32> to vector<16xf32>
          %swap3A_467 = vector.shape_cast %add3A_462 : vector<16xf32> to vector<1x16xf32>
          tpu.vector_store %arg13[%swap3A_463, %swap3A_464], %swap3A_467 {strides = array<i32>} : memref<512x32xf32, #tpu.memory_space<vmem>>, vector<1x16xf32>,
          %swap3A_468 = arith.index_cast %add3A_418 : i32 to index
          %swap3A_469 = arith.constant 64 : index
          %swap3A_470 = tpu.vector_load %arg16[%swap3A_468, %swap3A_469] {strides = array<i32>} : memref<128x128xf32, #tpu.memory_space<vmem>>, vector<1x16xf32>,
          %swap3A_471 = vector.shape_cast %swap3A_470 : vector<1x16xf32> to vector<16xf32>
          %swap3A_472 = vector.shape_cast %add3A_462 : vector<16xf32> to vector<1x16xf32>
          tpu.vector_store %arg16[%swap3A_468, %swap3A_469], %swap3A_472 {strides = array<i32>} : memref<128x128xf32, #tpu.memory_space<vmem>>, vector<1x16xf32>,
          %mul3A_473 = arith.constant 8 : i32
          %mul3A_474 = arith.muli %scan3A_138, %mul3A_473 : i32
          %add3A_475 = arith.constant 0 : i32
          %add3A_476 = arith.addi %add3A_475, %mul3A_474 : i32
          %add3A_477 = arith.constant 2 : i32
          %add3A_478 = arith.addi %add3A_476, %add3A_477 : i32
          %add3A_479 = arith.constant 0 : i32
          %add3A_480 = arith.addi %add3A_479, %scan3A_138 : i32
          %mul3A_481 = arith.constant 2 : i32
          %mul3A_482 = arith.muli %scan3A_138, %mul3A_481 : i32
          %add3A_483 = arith.constant 0 : i32
          %add3A_484 = arith.addi %add3A_483, %mul3A_482 : i32
          %add3A_485 = arith.constant 0 : i32
          %add3A_486 = arith.addi %add3A_484, %add3A_485 : i32
          %get3A_487 = arith.index_cast %add3A_478 : i32 to index
          %get3A_488 = arith.constant 16 : index
          %get3A_489 = tpu.vector_load %arg13[%get3A_487, %get3A_488] {strides = array<i32>} : memref<512x32xf32, #tpu.memory_space<vmem>>, vector<1x16xf32>,
          %get3A_490 = vector.shape_cast %get3A_489 : vector<1x16xf32> to vector<16xf32>
          %get3A_491 = arith.index_cast %add3A_478 : i32 to index
          %get3A_492 = arith.constant 16 : index
          %get3A_493 = tpu.vector_load %arg14[%get3A_491, %get3A_492] {strides = array<i32>} : memref<512x32xf32, #tpu.memory_space<vmem>>, vector<1x16xf32>,
          %get3A_494 = vector.shape_cast %get3A_493 : vector<1x16xf32> to vector<16xf32>
          %add3A_495 = arith.addf %get3A_490, %get3A_494 : vector<16xf32>
          %get3A_496 = arith.constant 2 : i32
          %get3A_497 = arith.index_cast %add3A_480 : i32 to index
          %get3A_498 = arith.index_cast %get3A_496 : i32 to index
          %get3A_499 = arith.constant 16 : index
          %get3A_500 = tpu.vector_load %arg15[%get3A_497, %get3A_498, %get3A_499] {strides = array<i32>} : memref<64x8x32xf32, #tpu.memory_space<vmem>>, vector<1x1x16xf32>,
          %get3A_501 = vector.shape_cast %get3A_500 : vector<1x1x16xf32> to vector<16xf32>
          %add3A_502 = arith.addf %add3A_495, %get3A_501 : vector<16xf32>
          %abs3A_503 = math.absf %add3A_502 : vector<16xf32>
          %neg3A_504 = arith.constant 0.000000e+00 : f32
          %neg3A_505 = vector.broadcast %neg3A_504 : f32 to vector<16xf32>
          %neg3A_506 = arith.subf %neg3A_505, %abs3A_503 : vector<16xf32>
          %exp3A_507 = math.exp %neg3A_506 : vector<16xf32>
          %mul3A_508 = arith.constant 0.0410644412 : f32
          %mul3A_509 = vector.broadcast %mul3A_508 : f32 to vector<16xf32>
          %mul3A_510 = arith.mulf %mul3A_509, %exp3A_507 : vector<16xf32>
          %add3A_511 = arith.constant -0.156028271 : f32
          %add3A_512 = vector.broadcast %add3A_511 : f32 to vector<16xf32>
          %add3A_513 = arith.addf %mul3A_510, %add3A_512 : vector<16xf32>
          %mul3A_514 = arith.mulf %add3A_513, %exp3A_507 : vector<16xf32>
          %add3A_515 = arith.constant 0.304672241 : f32
          %add3A_516 = vector.broadcast %add3A_515 : f32 to vector<16xf32>
          %add3A_517 = arith.addf %mul3A_514, %add3A_516 : vector<16xf32>
          %mul3A_518 = arith.mulf %add3A_517, %exp3A_507 : vector<16xf32>
          %add3A_519 = arith.constant -0.496368259 : f32
          %add3A_520 = vector.broadcast %add3A_519 : f32 to vector<16xf32>
          %add3A_521 = arith.addf %mul3A_518, %add3A_520 : vector<16xf32>
          %mul3A_522 = arith.mulf %add3A_521, %exp3A_507 : vector<16xf32>
          %add3A_523 = arith.constant 0.999887943 : f32
          %add3A_524 = vector.broadcast %add3A_523 : f32 to vector<16xf32>
          %add3A_525 = arith.addf %mul3A_522, %add3A_524 : vector<16xf32>
          %max3A_526 = arith.constant 0.000000e+00 : f32
          %max3A_527 = vector.broadcast %max3A_526 : f32 to vector<16xf32>
          %max3A_528 = arith.maximumf %add3A_502, %max3A_527 : vector<16xf32>
          %mul3A_529 = arith.mulf %exp3A_507, %add3A_525 : vector<16xf32>
          %add3A_530 = arith.addf %max3A_528, %mul3A_529 : vector<16xf32>
          %swap3A_531 = arith.index_cast %add3A_478 : i32 to index
          %swap3A_532 = arith.constant 16 : index
          %swap3A_533 = tpu.vector_load %arg13[%swap3A_531, %swap3A_532] {strides = array<i32>} : memref<512x32xf32, #tpu.memory_space<vmem>>, vector<1x16xf32>,
          %swap3A_534 = vector.shape_cast %swap3A_533 : vector<1x16xf32> to vector<16xf32>
          %swap3A_535 = vector.shape_cast %add3A_530 : vector<16xf32> to vector<1x16xf32>
          tpu.vector_store %arg13[%swap3A_531, %swap3A_532], %swap3A_535 {strides = array<i32>} : memref<512x32xf32, #tpu.memory_space<vmem>>, vector<1x16xf32>,
          %swap3A_536 = arith.index_cast %add3A_486 : i32 to index
          %swap3A_537 = arith.constant 80 : index
          %swap3A_538 = tpu.vector_load %arg16[%swap3A_536, %swap3A_537] {strides = array<i32>} : memref<128x128xf32, #tpu.memory_space<vmem>>, vector<1x16xf32>,
          %swap3A_539 = vector.shape_cast %swap3A_538 : vector<1x16xf32> to vector<16xf32>
          %swap3A_540 = vector.shape_cast %add3A_530 : vector<16xf32> to vector<1x16xf32>
          tpu.vector_store %arg16[%swap3A_536, %swap3A_537], %swap3A_540 {strides = array<i32>} : memref<128x128xf32, #tpu.memory_space<vmem>>, vector<1x16xf32>,
          %mul3A_541 = arith.constant 8 : i32
          %mul3A_542 = arith.muli %scan3A_138, %mul3A_541 : i32
          %add3A_543 = arith.constant 0 : i32
          %add3A_544 = arith.addi %add3A_543, %mul3A_542 : i32
          %add3A_545 = arith.constant 3 : i32
          %add3A_546 = arith.addi %add3A_544, %add3A_545 : i32
          %add3A_547 = arith.constant 0 : i32
          %add3A_548 = arith.addi %add3A_547, %scan3A_138 : i32
          %mul3A_549 = arith.constant 2 : i32
          %mul3A_550 = arith.muli %scan3A_138, %mul3A_549 : i32
          %add3A_551 = arith.constant 0 : i32
          %add3A_552 = arith.addi %add3A_551, %mul3A_550 : i32
          %add3A_553 = arith.constant 0 : i32
          %add3A_554 = arith.addi %add3A_552, %add3A_553 : i32
          %get3A_555 = arith.index_cast %add3A_546 : i32 to index
          %get3A_556 = arith.constant 0 : index
          %get3A_557 = tpu.vector_load %arg13[%get3A_555, %get3A_556] {strides = array<i32>} : memref<512x32xf32, #tpu.memory_space<vmem>>, vector<1x16xf32>,
          %get3A_558 = vector.shape_cast %get3A_557 : vector<1x16xf32> to vector<16xf32>
          %get3A_559 = arith.index_cast %add3A_546 : i32 to index
          %get3A_560 = arith.constant 0 : index
          %get3A_561 = tpu.vector_load %arg14[%get3A_559, %get3A_560] {strides = array<i32>} : memref<512x32xf32, #tpu.memory_space<vmem>>, vector<1x16xf32>,
          %get3A_562 = vector.shape_cast %get3A_561 : vector<1x16xf32> to vector<16xf32>
          %add3A_563 = arith.addf %get3A_558, %get3A_562 : vector<16xf32>
          %get3A_564 = arith.constant 3 : i32
          %get3A_565 = arith.index_cast %add3A_548 : i32 to index
          %get3A_566 = arith.index_cast %get3A_564 : i32 to index
          %get3A_567 = arith.constant 0 : index
          %get3A_568 = tpu.vector_load %arg15[%get3A_565, %get3A_566, %get3A_567] {strides = array<i32>} : memref<64x8x32xf32, #tpu.memory_space<vmem>>, vector<1x1x16xf32>,
          %get3A_569 = vector.shape_cast %get3A_568 : vector<1x1x16xf32> to vector<16xf32>
          %add3A_570 = arith.addf %add3A_563, %get3A_569 : vector<16xf32>
          %abs3A_571 = math.absf %add3A_570 : vector<16xf32>
          %neg3A_572 = arith.constant 0.000000e+00 : f32
          %neg3A_573 = vector.broadcast %neg3A_572 : f32 to vector<16xf32>
          %neg3A_574 = arith.subf %neg3A_573, %abs3A_571 : vector<16xf32>
          %exp3A_575 = math.exp %neg3A_574 : vector<16xf32>
          %mul3A_576 = arith.constant 0.0410644412 : f32
          %mul3A_577 = vector.broadcast %mul3A_576 : f32 to vector<16xf32>
          %mul3A_578 = arith.mulf %mul3A_577, %exp3A_575 : vector<16xf32>
          %add3A_579 = arith.constant -0.156028271 : f32
          %add3A_580 = vector.broadcast %add3A_579 : f32 to vector<16xf32>
          %add3A_581 = arith.addf %mul3A_578, %add3A_580 : vector<16xf32>
          %mul3A_582 = arith.mulf %add3A_581, %exp3A_575 : vector<16xf32>
          %add3A_583 = arith.constant 0.304672241 : f32
          %add3A_584 = vector.broadcast %add3A_583 : f32 to vector<16xf32>
          %add3A_585 = arith.addf %mul3A_582, %add3A_584 : vector<16xf32>
          %mul3A_586 = arith.mulf %add3A_585, %exp3A_575 : vector<16xf32>
          %add3A_587 = arith.constant -0.496368259 : f32
          %add3A_588 = vector.broadcast %add3A_587 : f32 to vector<16xf32>
          %add3A_589 = arith.addf %mul3A_586, %add3A_588 : vector<16xf32>
          %mul3A_590 = arith.mulf %add3A_589, %exp3A_575 : vector<16xf32>
          %add3A_591 = arith.constant 0.999887943 : f32
          %add3A_592 = vector.broadcast %add3A_591 : f32 to vector<16xf32>
          %add3A_593 = arith.addf %mul3A_590, %add3A_592 : vector<16xf32>
          %max3A_594 = arith.constant 0.000000e+00 : f32
          %max3A_595 = vector.broadcast %max3A_594 : f32 to vector<16xf32>
          %max3A_596 = arith.maximumf %add3A_570, %max3A_595 : vector<16xf32>
          %mul3A_597 = arith.mulf %exp3A_575, %add3A_593 : vector<16xf32>
          %add3A_598 = arith.addf %max3A_596, %mul3A_597 : vector<16xf32>
          %swap3A_599 = arith.index_cast %add3A_546 : i32 to index
          %swap3A_600 = arith.constant 0 : index
          %swap3A_601 = tpu.vector_load %arg13[%swap3A_599, %swap3A_600] {strides = array<i32>} : memref<512x32xf32, #tpu.memory_space<vmem>>, vector<1x16xf32>,
          %swap3A_602 = vector.shape_cast %swap3A_601 : vector<1x16xf32> to vector<16xf32>
          %swap3A_603 = vector.shape_cast %add3A_598 : vector<16xf32> to vector<1x16xf32>
          tpu.vector_store %arg13[%swap3A_599, %swap3A_600], %swap3A_603 {strides = array<i32>} : memref<512x32xf32, #tpu.memory_space<vmem>>, vector<1x16xf32>,
          %swap3A_604 = arith.index_cast %add3A_554 : i32 to index
          %swap3A_605 = arith.constant 96 : index
          %swap3A_606 = tpu.vector_load %arg16[%swap3A_604, %swap3A_605] {strides = array<i32>} : memref<128x128xf32, #tpu.memory_space<vmem>>, vector<1x16xf32>,
          %swap3A_607 = vector.shape_cast %swap3A_606 : vector<1x16xf32> to vector<16xf32>
          %swap3A_608 = vector.shape_cast %add3A_598 : vector<16xf32> to vector<1x16xf32>
          tpu.vector_store %arg16[%swap3A_604, %swap3A_605], %swap3A_608 {strides = array<i32>} : memref<128x128xf32, #tpu.memory_space<vmem>>, vector<1x16xf32>,
          %mul3A_609 = arith.constant 8 : i32
          %mul3A_610 = arith.muli %scan3A_138, %mul3A_609 : i32
          %add3A_611 = arith.constant 0 : i32
          %add3A_612 = arith.addi %add3A_611, %mul3A_610 : i32
          %add3A_613 = arith.constant 3 : i32
          %add3A_614 = arith.addi %add3A_612, %add3A_613 : i32
          %add3A_615 = arith.constant 0 : i32
          %add3A_616 = arith.addi %add3A_615, %scan3A_138 : i32
          %mul3A_617 = arith.constant 2 : i32
          %mul3A_618 = arith.muli %scan3A_138, %mul3A_617 : i32
          %add3A_619 = arith.constant 0 : i32
          %add3A_620 = arith.addi %add3A_619, %mul3A_618 : i32
          %add3A_621 = arith.constant 0 : i32
          %add3A_622 = arith.addi %add3A_620, %add3A_621 : i32
          %get3A_623 = arith.index_cast %add3A_614 : i32 to index
          %get3A_624 = arith.constant 16 : index
          %get3A_625 = tpu.vector_load %arg13[%get3A_623, %get3A_624] {strides = array<i32>} : memref<512x32xf32, #tpu.memory_space<vmem>>, vector<1x16xf32>,
          %get3A_626 = vector.shape_cast %get3A_625 : vector<1x16xf32> to vector<16xf32>
          %get3A_627 = arith.index_cast %add3A_614 : i32 to index
          %get3A_628 = arith.constant 16 : index
          %get3A_629 = tpu.vector_load %arg14[%get3A_627, %get3A_628] {strides = array<i32>} : memref<512x32xf32, #tpu.memory_space<vmem>>, vector<1x16xf32>,
          %get3A_630 = vector.shape_cast %get3A_629 : vector<1x16xf32> to vector<16xf32>
          %add3A_631 = arith.addf %get3A_626, %get3A_630 : vector<16xf32>
          %get3A_632 = arith.constant 3 : i32
          %get3A_633 = arith.index_cast %add3A_616 : i32 to index
          %get3A_634 = arith.index_cast %get3A_632 : i32 to index
          %get3A_635 = arith.constant 16 : index
          %get3A_636 = tpu.vector_load %arg15[%get3A_633, %get3A_634, %get3A_635] {strides = array<i32>} : memref<64x8x32xf32, #tpu.memory_space<vmem>>, vector<1x1x16xf32>,
          %get3A_637 = vector.shape_cast %get3A_636 : vector<1x1x16xf32> to vector<16xf32>
          %add3A_638 = arith.addf %add3A_631, %get3A_637 : vector<16xf32>
          %abs3A_639 = math.absf %add3A_638 : vector<16xf32>
          %neg3A_640 = arith.constant 0.000000e+00 : f32
          %neg3A_641 = vector.broadcast %neg3A_640 : f32 to vector<16xf32>
          %neg3A_642 = arith.subf %neg3A_641, %abs3A_639 : vector<16xf32>
          %exp3A_643 = math.exp %neg3A_642 : vector<16xf32>
          %mul3A_644 = arith.constant 0.0410644412 : f32
          %mul3A_645 = vector.broadcast %mul3A_644 : f32 to vector<16xf32>
          %mul3A_646 = arith.mulf %mul3A_645, %exp3A_643 : vector<16xf32>
          %add3A_647 = arith.constant -0.156028271 : f32
          %add3A_648 = vector.broadcast %add3A_647 : f32 to vector<16xf32>
          %add3A_649 = arith.addf %mul3A_646, %add3A_648 : vector<16xf32>
          %mul3A_650 = arith.mulf %add3A_649, %exp3A_643 : vector<16xf32>
          %add3A_651 = arith.constant 0.304672241 : f32
          %add3A_652 = vector.broadcast %add3A_651 : f32 to vector<16xf32>
          %add3A_653 = arith.addf %mul3A_650, %add3A_652 : vector<16xf32>
          %mul3A_654 = arith.mulf %add3A_653, %exp3A_643 : vector<16xf32>
          %add3A_655 = arith.constant -0.496368259 : f32
          %add3A_656 = vector.broadcast %add3A_655 : f32 to vector<16xf32>
          %add3A_657 = arith.addf %mul3A_654, %add3A_656 : vector<16xf32>
          %mul3A_658 = arith.mulf %add3A_657, %exp3A_643 : vector<16xf32>
          %add3A_659 = arith.constant 0.999887943 : f32
          %add3A_660 = vector.broadcast %add3A_659 : f32 to vector<16xf32>
          %add3A_661 = arith.addf %mul3A_658, %add3A_660 : vector<16xf32>
          %max3A_662 = arith.constant 0.000000e+00 : f32
          %max3A_663 = vector.broadcast %max3A_662 : f32 to vector<16xf32>
          %max3A_664 = arith.maximumf %add3A_638, %max3A_663 : vector<16xf32>
          %mul3A_665 = arith.mulf %exp3A_643, %add3A_661 : vector<16xf32>
          %add3A_666 = arith.addf %max3A_664, %mul3A_665 : vector<16xf32>
          %swap3A_667 = arith.index_cast %add3A_614 : i32 to index
          %swap3A_668 = arith.constant 16 : index
          %swap3A_669 = tpu.vector_load %arg13[%swap3A_667, %swap3A_668] {strides = array<i32>} : memref<512x32xf32, #tpu.memory_space<vmem>>, vector<1x16xf32>,
          %swap3A_670 = vector.shape_cast %swap3A_669 : vector<1x16xf32> to vector<16xf32>
          %swap3A_671 = vector.shape_cast %add3A_666 : vector<16xf32> to vector<1x16xf32>
          tpu.vector_store %arg13[%swap3A_667, %swap3A_668], %swap3A_671 {strides = array<i32>} : memref<512x32xf32, #tpu.memory_space<vmem>>, vector<1x16xf32>,
          %swap3A_672 = arith.index_cast %add3A_622 : i32 to index
          %swap3A_673 = arith.constant 112 : index
          %swap3A_674 = tpu.vector_load %arg16[%swap3A_672, %swap3A_673] {strides = array<i32>} : memref<128x128xf32, #tpu.memory_space<vmem>>, vector<1x16xf32>,
          %swap3A_675 = vector.shape_cast %swap3A_674 : vector<1x16xf32> to vector<16xf32>
          %swap3A_676 = vector.shape_cast %add3A_666 : vector<16xf32> to vector<1x16xf32>
          tpu.vector_store %arg16[%swap3A_672, %swap3A_673], %swap3A_676 {strides = array<i32>} : memref<128x128xf32, #tpu.memory_space<vmem>>, vector<1x16xf32>,
          %mul3A_677 = arith.constant 8 : i32
          %mul3A_678 = arith.muli %scan3A_138, %mul3A_677 : i32
          %add3A_679 = arith.constant 0 : i32
          %add3A_680 = arith.addi %add3A_679, %mul3A_678 : i32
          %add3A_681 = arith.constant 4 : i32
          %add3A_682 = arith.addi %add3A_680, %add3A_681 : i32
          %add3A_683 = arith.constant 0 : i32
          %add3A_684 = arith.addi %add3A_683, %scan3A_138 : i32
          %mul3A_685 = arith.constant 2 : i32
          %mul3A_686 = arith.muli %scan3A_138, %mul3A_685 : i32
          %add3A_687 = arith.constant 0 : i32
          %add3A_688 = arith.addi %add3A_687, %mul3A_686 : i32
          %add3A_689 = arith.constant 1 : i32
          %add3A_690 = arith.addi %add3A_688, %add3A_689 : i32
          %get3A_691 = arith.index_cast %add3A_682 : i32 to index
          %get3A_692 = arith.constant 0 : index
          %get3A_693 = tpu.vector_load %arg13[%get3A_691, %get3A_692] {strides = array<i32>} : memref<512x32xf32, #tpu.memory_space<vmem>>, vector<1x16xf32>,
          %get3A_694 = vector.shape_cast %get3A_693 : vector<1x16xf32> to vector<16xf32>
          %get3A_695 = arith.index_cast %add3A_682 : i32 to index
          %get3A_696 = arith.constant 0 : index
          %get3A_697 = tpu.vector_load %arg14[%get3A_695, %get3A_696] {strides = array<i32>} : memref<512x32xf32, #tpu.memory_space<vmem>>, vector<1x16xf32>,
          %get3A_698 = vector.shape_cast %get3A_697 : vector<1x16xf32> to vector<16xf32>
          %add3A_699 = arith.addf %get3A_694, %get3A_698 : vector<16xf32>
          %get3A_700 = arith.constant 4 : i32
          %get3A_701 = arith.index_cast %add3A_684 : i32 to index
          %get3A_702 = arith.index_cast %get3A_700 : i32 to index
          %get3A_703 = arith.constant 0 : index
          %get3A_704 = tpu.vector_load %arg15[%get3A_701, %get3A_702, %get3A_703] {strides = array<i32>} : memref<64x8x32xf32, #tpu.memory_space<vmem>>, vector<1x1x16xf32>,
          %get3A_705 = vector.shape_cast %get3A_704 : vector<1x1x16xf32> to vector<16xf32>
          %add3A_706 = arith.addf %add3A_699, %get3A_705 : vector<16xf32>
          %abs3A_707 = math.absf %add3A_706 : vector<16xf32>
          %neg3A_708 = arith.constant 0.000000e+00 : f32
          %neg3A_709 = vector.broadcast %neg3A_708 : f32 to vector<16xf32>
          %neg3A_710 = arith.subf %neg3A_709, %abs3A_707 : vector<16xf32>
          %exp3A_711 = math.exp %neg3A_710 : vector<16xf32>
          %mul3A_712 = arith.constant 0.0410644412 : f32
          %mul3A_713 = vector.broadcast %mul3A_712 : f32 to vector<16xf32>
          %mul3A_714 = arith.mulf %mul3A_713, %exp3A_711 : vector<16xf32>
          %add3A_715 = arith.constant -0.156028271 : f32
          %add3A_716 = vector.broadcast %add3A_715 : f32 to vector<16xf32>
          %add3A_717 = arith.addf %mul3A_714, %add3A_716 : vector<16xf32>
          %mul3A_718 = arith.mulf %add3A_717, %exp3A_711 : vector<16xf32>
          %add3A_719 = arith.constant 0.304672241 : f32
          %add3A_720 = vector.broadcast %add3A_719 : f32 to vector<16xf32>
          %add3A_721 = arith.addf %mul3A_718, %add3A_720 : vector<16xf32>
          %mul3A_722 = arith.mulf %add3A_721, %exp3A_711 : vector<16xf32>
          %add3A_723 = arith.constant -0.496368259 : f32
          %add3A_724 = vector.broadcast %add3A_723 : f32 to vector<16xf32>
          %add3A_725 = arith.addf %mul3A_722, %add3A_724 : vector<16xf32>
          %mul3A_726 = arith.mulf %add3A_725, %exp3A_711 : vector<16xf32>
          %add3A_727 = arith.constant 0.999887943 : f32
          %add3A_728 = vector.broadcast %add3A_727 : f32 to vector<16xf32>
          %add3A_729 = arith.addf %mul3A_726, %add3A_728 : vector<16xf32>
          %max3A_730 = arith.constant 0.000000e+00 : f32
          %max3A_731 = vector.broadcast %max3A_730 : f32 to vector<16xf32>
          %max3A_732 = arith.maximumf %add3A_706, %max3A_731 : vector<16xf32>
          %mul3A_733 = arith.mulf %exp3A_711, %add3A_729 : vector<16xf32>
          %add3A_734 = arith.addf %max3A_732, %mul3A_733 : vector<16xf32>
          %swap3A_735 = arith.index_cast %add3A_682 : i32 to index
          %swap3A_736 = arith.constant 0 : index
          %swap3A_737 = tpu.vector_load %arg13[%swap3A_735, %swap3A_736] {strides = array<i32>} : memref<512x32xf32, #tpu.memory_space<vmem>>, vector<1x16xf32>,
          %swap3A_738 = vector.shape_cast %swap3A_737 : vector<1x16xf32> to vector<16xf32>
          %swap3A_739 = vector.shape_cast %add3A_734 : vector<16xf32> to vector<1x16xf32>
          tpu.vector_store %arg13[%swap3A_735, %swap3A_736], %swap3A_739 {strides = array<i32>} : memref<512x32xf32, #tpu.memory_space<vmem>>, vector<1x16xf32>,
          %swap3A_740 = arith.index_cast %add3A_690 : i32 to index
          %swap3A_741 = arith.constant 0 : index
          %swap3A_742 = tpu.vector_load %arg16[%swap3A_740, %swap3A_741] {strides = array<i32>} : memref<128x128xf32, #tpu.memory_space<vmem>>, vector<1x16xf32>,
          %swap3A_743 = vector.shape_cast %swap3A_742 : vector<1x16xf32> to vector<16xf32>
          %swap3A_744 = vector.shape_cast %add3A_734 : vector<16xf32> to vector<1x16xf32>
          tpu.vector_store %arg16[%swap3A_740, %swap3A_741], %swap3A_744 {strides = array<i32>} : memref<128x128xf32, #tpu.memory_space<vmem>>, vector<1x16xf32>,
          %mul3A_745 = arith.constant 8 : i32
          %mul3A_746 = arith.muli %scan3A_138, %mul3A_745 : i32
          %add3A_747 = arith.constant 0 : i32
          %add3A_748 = arith.addi %add3A_747, %mul3A_746 : i32
          %add3A_749 = arith.constant 4 : i32
          %add3A_750 = arith.addi %add3A_748, %add3A_749 : i32
          %add3A_751 = arith.constant 0 : i32
          %add3A_752 = arith.addi %add3A_751, %scan3A_138 : i32
          %mul3A_753 = arith.constant 2 : i32
          %mul3A_754 = arith.muli %scan3A_138, %mul3A_753 : i32
          %add3A_755 = arith.constant 0 : i32
          %add3A_756 = arith.addi %add3A_755, %mul3A_754 : i32
          %add3A_757 = arith.constant 1 : i32
          %add3A_758 = arith.addi %add3A_756, %add3A_757 : i32
          %get3A_759 = arith.index_cast %add3A_750 : i32 to index
          %get3A_760 = arith.constant 16 : index
          %get3A_761 = tpu.vector_load %arg13[%get3A_759, %get3A_760] {strides = array<i32>} : memref<512x32xf32, #tpu.memory_space<vmem>>, vector<1x16xf32>,
          %get3A_762 = vector.shape_cast %get3A_761 : vector<1x16xf32> to vector<16xf32>
          %get3A_763 = arith.index_cast %add3A_750 : i32 to index
          %get3A_764 = arith.constant 16 : index
          %get3A_765 = tpu.vector_load %arg14[%get3A_763, %get3A_764] {strides = array<i32>} : memref<512x32xf32, #tpu.memory_space<vmem>>, vector<1x16xf32>,
          %get3A_766 = vector.shape_cast %get3A_765 : vector<1x16xf32> to vector<16xf32>
          %add3A_767 = arith.addf %get3A_762, %get3A_766 : vector<16xf32>
          %get3A_768 = arith.constant 4 : i32
          %get3A_769 = arith.index_cast %add3A_752 : i32 to index
          %get3A_770 = arith.index_cast %get3A_768 : i32 to index
          %get3A_771 = arith.constant 16 : index
          %get3A_772 = tpu.vector_load %arg15[%get3A_769, %get3A_770, %get3A_771] {strides = array<i32>} : memref<64x8x32xf32, #tpu.memory_space<vmem>>, vector<1x1x16xf32>,
          %get3A_773 = vector.shape_cast %get3A_772 : vector<1x1x16xf32> to vector<16xf32>
          %add3A_774 = arith.addf %add3A_767, %get3A_773 : vector<16xf32>
          %abs3A_775 = math.absf %add3A_774 : vector<16xf32>
          %neg3A_776 = arith.constant 0.000000e+00 : f32
          %neg3A_777 = vector.broadcast %neg3A_776 : f32 to vector<16xf32>
          %neg3A_778 = arith.subf %neg3A_777, %abs3A_775 : vector<16xf32>
          %exp3A_779 = math.exp %neg3A_778 : vector<16xf32>
          %mul3A_780 = arith.constant 0.0410644412 : f32
          %mul3A_781 = vector.broadcast %mul3A_780 : f32 to vector<16xf32>
          %mul3A_782 = arith.mulf %mul3A_781, %exp3A_779 : vector<16xf32>
          %add3A_783 = arith.constant -0.156028271 : f32
          %add3A_784 = vector.broadcast %add3A_783 : f32 to vector<16xf32>
          %add3A_785 = arith.addf %mul3A_782, %add3A_784 : vector<16xf32>
          %mul3A_786 = arith.mulf %add3A_785, %exp3A_779 : vector<16xf32>
          %add3A_787 = arith.constant 0.304672241 : f32
          %add3A_788 = vector.broadcast %add3A_787 : f32 to vector<16xf32>
          %add3A_789 = arith.addf %mul3A_786, %add3A_788 : vector<16xf32>
          %mul3A_790 = arith.mulf %add3A_789, %exp3A_779 : vector<16xf32>
          %add3A_791 = arith.constant -0.496368259 : f32
          %add3A_792 = vector.broadcast %add3A_791 : f32 to vector<16xf32>
          %add3A_793 = arith.addf %mul3A_790, %add3A_792 : vector<16xf32>
          %mul3A_794 = arith.mulf %add3A_793, %exp3A_779 : vector<16xf32>
          %add3A_795 = arith.constant 0.999887943 : f32
          %add3A_796 = vector.broadcast %add3A_795 : f32 to vector<16xf32>
          %add3A_797 = arith.addf %mul3A_794, %add3A_796 : vector<16xf32>
          %max3A_798 = arith.constant 0.000000e+00 : f32
          %max3A_799 = vector.broadcast %max3A_798 : f32 to vector<16xf32>
          %max3A_800 = arith.maximumf %add3A_774, %max3A_799 : vector<16xf32>
          %mul3A_801 = arith.mulf %exp3A_779, %add3A_797 : vector<16xf32>
          %add3A_802 = arith.addf %max3A_800, %mul3A_801 : vector<16xf32>
          %swap3A_803 = arith.index_cast %add3A_750 : i32 to index
          %swap3A_804 = arith.constant 16 : index
          %swap3A_805 = tpu.vector_load %arg13[%swap3A_803, %swap3A_804] {strides = array<i32>} : memref<512x32xf32, #tpu.memory_space<vmem>>, vector<1x16xf32>,
          %swap3A_806 = vector.shape_cast %swap3A_805 : vector<1x16xf32> to vector<16xf32>
          %swap3A_807 = vector.shape_cast %add3A_802 : vector<16xf32> to vector<1x16xf32>
          tpu.vector_store %arg13[%swap3A_803, %swap3A_804], %swap3A_807 {strides = array<i32>} : memref<512x32xf32, #tpu.memory_space<vmem>>, vector<1x16xf32>,
          %swap3A_808 = arith.index_cast %add3A_758 : i32 to index
          %swap3A_809 = arith.constant 16 : index
          %swap3A_810 = tpu.vector_load %arg16[%swap3A_808, %swap3A_809] {strides = array<i32>} : memref<128x128xf32, #tpu.memory_space<vmem>>, vector<1x16xf32>,
          %swap3A_811 = vector.shape_cast %swap3A_810 : vector<1x16xf32> to vector<16xf32>
          %swap3A_812 = vector.shape_cast %add3A_802 : vector<16xf32> to vector<1x16xf32>
          tpu.vector_store %arg16[%swap3A_808, %swap3A_809], %swap3A_812 {strides = array<i32>} : memref<128x128xf32, #tpu.memory_space<vmem>>, vector<1x16xf32>,
          %mul3A_813 = arith.constant 8 : i32
          %mul3A_814 = arith.muli %scan3A_138, %mul3A_813 : i32
          %add3A_815 = arith.constant 0 : i32
          %add3A_816 = arith.addi %add3A_815, %mul3A_814 : i32
          %add3A_817 = arith.constant 5 : i32
          %add3A_818 = arith.addi %add3A_816, %add3A_817 : i32
          %add3A_819 = arith.constant 0 : i32
          %add3A_820 = arith.addi %add3A_819, %scan3A_138 : i32
          %mul3A_821 = arith.constant 2 : i32
          %mul3A_822 = arith.muli %scan3A_138, %mul3A_821 : i32
          %add3A_823 = arith.constant 0 : i32
          %add3A_824 = arith.addi %add3A_823, %mul3A_822 : i32
          %add3A_825 = arith.constant 1 : i32
          %add3A_826 = arith.addi %add3A_824, %add3A_825 : i32
          %get3A_827 = arith.index_cast %add3A_818 : i32 to index
          %get3A_828 = arith.constant 0 : index
          %get3A_829 = tpu.vector_load %arg13[%get3A_827, %get3A_828] {strides = array<i32>} : memref<512x32xf32, #tpu.memory_space<vmem>>, vector<1x16xf32>,
          %get3A_830 = vector.shape_cast %get3A_829 : vector<1x16xf32> to vector<16xf32>
          %get3A_831 = arith.index_cast %add3A_818 : i32 to index
          %get3A_832 = arith.constant 0 : index
          %get3A_833 = tpu.vector_load %arg14[%get3A_831, %get3A_832] {strides = array<i32>} : memref<512x32xf32, #tpu.memory_space<vmem>>, vector<1x16xf32>,
          %get3A_834 = vector.shape_cast %get3A_833 : vector<1x16xf32> to vector<16xf32>
          %add3A_835 = arith.addf %get3A_830, %get3A_834 : vector<16xf32>
          %get3A_836 = arith.constant 5 : i32
          %get3A_837 = arith.index_cast %add3A_820 : i32 to index
          %get3A_838 = arith.index_cast %get3A_836 : i32 to index
          %get3A_839 = arith.constant 0 : index
          %get3A_840 = tpu.vector_load %arg15[%get3A_837, %get3A_838, %get3A_839] {strides = array<i32>} : memref<64x8x32xf32, #tpu.memory_space<vmem>>, vector<1x1x16xf32>,
          %get3A_841 = vector.shape_cast %get3A_840 : vector<1x1x16xf32> to vector<16xf32>
          %add3A_842 = arith.addf %add3A_835, %get3A_841 : vector<16xf32>
          %abs3A_843 = math.absf %add3A_842 : vector<16xf32>
          %neg3A_844 = arith.constant 0.000000e+00 : f32
          %neg3A_845 = vector.broadcast %neg3A_844 : f32 to vector<16xf32>
          %neg3A_846 = arith.subf %neg3A_845, %abs3A_843 : vector<16xf32>
          %exp3A_847 = math.exp %neg3A_846 : vector<16xf32>
          %mul3A_848 = arith.constant 0.0410644412 : f32
          %mul3A_849 = vector.broadcast %mul3A_848 : f32 to vector<16xf32>
          %mul3A_850 = arith.mulf %mul3A_849, %exp3A_847 : vector<16xf32>
          %add3A_851 = arith.constant -0.156028271 : f32
          %add3A_852 = vector.broadcast %add3A_851 : f32 to vector<16xf32>
          %add3A_853 = arith.addf %mul3A_850, %add3A_852 : vector<16xf32>
          %mul3A_854 = arith.mulf %add3A_853, %exp3A_847 : vector<16xf32>
          %add3A_855 = arith.constant 0.304672241 : f32
          %add3A_856 = vector.broadcast %add3A_855 : f32 to vector<16xf32>
          %add3A_857 = arith.addf %mul3A_854, %add3A_856 : vector<16xf32>
          %mul3A_858 = arith.mulf %add3A_857, %exp3A_847 : vector<16xf32>
          %add3A_859 = arith.constant -0.496368259 : f32
          %add3A_860 = vector.broadcast %add3A_859 : f32 to vector<16xf32>
          %add3A_861 = arith.addf %mul3A_858, %add3A_860 : vector<16xf32>
          %mul3A_862 = arith.mulf %add3A_861, %exp3A_847 : vector<16xf32>
          %add3A_863 = arith.constant 0.999887943 : f32
          %add3A_864 = vector.broadcast %add3A_863 : f32 to vector<16xf32>
          %add3A_865 = arith.addf %mul3A_862, %add3A_864 : vector<16xf32>
          %max3A_866 = arith.constant 0.000000e+00 : f32
          %max3A_867 = vector.broadcast %max3A_866 : f32 to vector<16xf32>
          %max3A_868 = arith.maximumf %add3A_842, %max3A_867 : vector<16xf32>
          %mul3A_869 = arith.mulf %exp3A_847, %add3A_865 : vector<16xf32>
          %add3A_870 = arith.addf %max3A_868, %mul3A_869 : vector<16xf32>
          %swap3A_871 = arith.index_cast %add3A_818 : i32 to index
          %swap3A_872 = arith.constant 0 : index
          %swap3A_873 = tpu.vector_load %arg13[%swap3A_871, %swap3A_872] {strides = array<i32>} : memref<512x32xf32, #tpu.memory_space<vmem>>, vector<1x16xf32>,
          %swap3A_874 = vector.shape_cast %swap3A_873 : vector<1x16xf32> to vector<16xf32>
          %swap3A_875 = vector.shape_cast %add3A_870 : vector<16xf32> to vector<1x16xf32>
          tpu.vector_store %arg13[%swap3A_871, %swap3A_872], %swap3A_875 {strides = array<i32>} : memref<512x32xf32, #tpu.memory_space<vmem>>, vector<1x16xf32>,
          %swap3A_876 = arith.index_cast %add3A_826 : i32 to index
          %swap3A_877 = arith.constant 32 : index
          %swap3A_878 = tpu.vector_load %arg16[%swap3A_876, %swap3A_877] {strides = array<i32>} : memref<128x128xf32, #tpu.memory_space<vmem>>, vector<1x16xf32>,
          %swap3A_879 = vector.shape_cast %swap3A_878 : vector<1x16xf32> to vector<16xf32>
          %swap3A_880 = vector.shape_cast %add3A_870 : vector<16xf32> to vector<1x16xf32>
          tpu.vector_store %arg16[%swap3A_876, %swap3A_877], %swap3A_880 {strides = array<i32>} : memref<128x128xf32, #tpu.memory_space<vmem>>, vector<1x16xf32>,
          %mul3A_881 = arith.constant 8 : i32
          %mul3A_882 = arith.muli %scan3A_138, %mul3A_881 : i32
          %add3A_883 = arith.constant 0 : i32
          %add3A_884 = arith.addi %add3A_883, %mul3A_882 : i32
          %add3A_885 = arith.constant 5 : i32
          %add3A_886 = arith.addi %add3A_884, %add3A_885 : i32
          %add3A_887 = arith.constant 0 : i32
          %add3A_888 = arith.addi %add3A_887, %scan3A_138 : i32
          %mul3A_889 = arith.constant 2 : i32
          %mul3A_890 = arith.muli %scan3A_138, %mul3A_889 : i32
          %add3A_891 = arith.constant 0 : i32
          %add3A_892 = arith.addi %add3A_891, %mul3A_890 : i32
          %add3A_893 = arith.constant 1 : i32
          %add3A_894 = arith.addi %add3A_892, %add3A_893 : i32
          %get3A_895 = arith.index_cast %add3A_886 : i32 to index
          %get3A_896 = arith.constant 16 : index
          %get3A_897 = tpu.vector_load %arg13[%get3A_895, %get3A_896] {strides = array<i32>} : memref<512x32xf32, #tpu.memory_space<vmem>>, vector<1x16xf32>,
          %get3A_898 = vector.shape_cast %get3A_897 : vector<1x16xf32> to vector<16xf32>
          %get3A_899 = arith.index_cast %add3A_886 : i32 to index
          %get3A_900 = arith.constant 16 : index
          %get3A_901 = tpu.vector_load %arg14[%get3A_899, %get3A_900] {strides = array<i32>} : memref<512x32xf32, #tpu.memory_space<vmem>>, vector<1x16xf32>,
          %get3A_902 = vector.shape_cast %get3A_901 : vector<1x16xf32> to vector<16xf32>
          %add3A_903 = arith.addf %get3A_898, %get3A_902 : vector<16xf32>
          %get3A_904 = arith.constant 5 : i32
          %get3A_905 = arith.index_cast %add3A_888 : i32 to index
          %get3A_906 = arith.index_cast %get3A_904 : i32 to index
          %get3A_907 = arith.constant 16 : index
          %get3A_908 = tpu.vector_load %arg15[%get3A_905, %get3A_906, %get3A_907] {strides = array<i32>} : memref<64x8x32xf32, #tpu.memory_space<vmem>>, vector<1x1x16xf32>,
          %get3A_909 = vector.shape_cast %get3A_908 : vector<1x1x16xf32> to vector<16xf32>
          %add3A_910 = arith.addf %add3A_903, %get3A_909 : vector<16xf32>
          %abs3A_911 = math.absf %add3A_910 : vector<16xf32>
          %neg3A_912 = arith.constant 0.000000e+00 : f32
          %neg3A_913 = vector.broadcast %neg3A_912 : f32 to vector<16xf32>
          %neg3A_914 = arith.subf %neg3A_913, %abs3A_911 : vector<16xf32>
          %exp3A_915 = math.exp %neg3A_914 : vector<16xf32>
          %mul3A_916 = arith.constant 0.0410644412 : f32
          %mul3A_917 = vector.broadcast %mul3A_916 : f32 to vector<16xf32>
          %mul3A_918 = arith.mulf %mul3A_917, %exp3A_915 : vector<16xf32>
          %add3A_919 = arith.constant -0.156028271 : f32
          %add3A_920 = vector.broadcast %add3A_919 : f32 to vector<16xf32>
          %add3A_921 = arith.addf %mul3A_918, %add3A_920 : vector<16xf32>
          %mul3A_922 = arith.mulf %add3A_921, %exp3A_915 : vector<16xf32>
          %add3A_923 = arith.constant 0.304672241 : f32
          %add3A_924 = vector.broadcast %add3A_923 : f32 to vector<16xf32>
          %add3A_925 = arith.addf %mul3A_922, %add3A_924 : vector<16xf32>
          %mul3A_926 = arith.mulf %add3A_925, %exp3A_915 : vector<16xf32>
          %add3A_927 = arith.constant -0.496368259 : f32
          %add3A_928 = vector.broadcast %add3A_927 : f32 to vector<16xf32>
          %add3A_929 = arith.addf %mul3A_926, %add3A_928 : vector<16xf32>
          %mul3A_930 = arith.mulf %add3A_929, %exp3A_915 : vector<16xf32>
          %add3A_931 = arith.constant 0.999887943 : f32
          %add3A_932 = vector.broadcast %add3A_931 : f32 to vector<16xf32>
          %add3A_933 = arith.addf %mul3A_930, %add3A_932 : vector<16xf32>
          %max3A_934 = arith.constant 0.000000e+00 : f32
          %max3A_935 = vector.broadcast %max3A_934 : f32 to vector<16xf32>
          %max3A_936 = arith.maximumf %add3A_910, %max3A_935 : vector<16xf32>
          %mul3A_937 = arith.mulf %exp3A_915, %add3A_933 : vector<16xf32>
          %add3A_938 = arith.addf %max3A_936, %mul3A_937 : vector<16xf32>
          %swap3A_939 = arith.index_cast %add3A_886 : i32 to index
          %swap3A_940 = arith.constant 16 : index
          %swap3A_941 = tpu.vector_load %arg13[%swap3A_939, %swap3A_940] {strides = array<i32>} : memref<512x32xf32, #tpu.memory_space<vmem>>, vector<1x16xf32>,
          %swap3A_942 = vector.shape_cast %swap3A_941 : vector<1x16xf32> to vector<16xf32>
          %swap3A_943 = vector.shape_cast %add3A_938 : vector<16xf32> to vector<1x16xf32>
          tpu.vector_store %arg13[%swap3A_939, %swap3A_940], %swap3A_943 {strides = array<i32>} : memref<512x32xf32, #tpu.memory_space<vmem>>, vector<1x16xf32>,
          %swap3A_944 = arith.index_cast %add3A_894 : i32 to index
          %swap3A_945 = arith.constant 48 : index
          %swap3A_946 = tpu.vector_load %arg16[%swap3A_944, %swap3A_945] {strides = array<i32>} : memref<128x128xf32, #tpu.memory_space<vmem>>, vector<1x16xf32>,
          %swap3A_947 = vector.shape_cast %swap3A_946 : vector<1x16xf32> to vector<16xf32>
          %swap3A_948 = vector.shape_cast %add3A_938 : vector<16xf32> to vector<1x16xf32>
          tpu.vector_store %arg16[%swap3A_944, %swap3A_945], %swap3A_948 {strides = array<i32>} : memref<128x128xf32, #tpu.memory_space<vmem>>, vector<1x16xf32>,
          %mul3A_949 = arith.constant 8 : i32
          %mul3A_950 = arith.muli %scan3A_138, %mul3A_949 : i32
          %add3A_951 = arith.constant 0 : i32
          %add3A_952 = arith.addi %add3A_951, %mul3A_950 : i32
          %add3A_953 = arith.constant 6 : i32
          %add3A_954 = arith.addi %add3A_952, %add3A_953 : i32
          %add3A_955 = arith.constant 0 : i32
          %add3A_956 = arith.addi %add3A_955, %scan3A_138 : i32
          %mul3A_957 = arith.constant 2 : i32
          %mul3A_958 = arith.muli %scan3A_138, %mul3A_957 : i32
          %add3A_959 = arith.constant 0 : i32
          %add3A_960 = arith.addi %add3A_959, %mul3A_958 : i32
          %add3A_961 = arith.constant 1 : i32
          %add3A_962 = arith.addi %add3A_960, %add3A_961 : i32
          %get3A_963 = arith.index_cast %add3A_954 : i32 to index
          %get3A_964 = arith.constant 0 : index
          %get3A_965 = tpu.vector_load %arg13[%get3A_963, %get3A_964] {strides = array<i32>} : memref<512x32xf32, #tpu.memory_space<vmem>>, vector<1x16xf32>,
          %get3A_966 = vector.shape_cast %get3A_965 : vector<1x16xf32> to vector<16xf32>
          %get3A_967 = arith.index_cast %add3A_954 : i32 to index
          %get3A_968 = arith.constant 0 : index
          %get3A_969 = tpu.vector_load %arg14[%get3A_967, %get3A_968] {strides = array<i32>} : memref<512x32xf32, #tpu.memory_space<vmem>>, vector<1x16xf32>,
          %get3A_970 = vector.shape_cast %get3A_969 : vector<1x16xf32> to vector<16xf32>
          %add3A_971 = arith.addf %get3A_966, %get3A_970 : vector<16xf32>
          %get3A_972 = arith.constant 6 : i32
          %get3A_973 = arith.index_cast %add3A_956 : i32 to index
          %get3A_974 = arith.index_cast %get3A_972 : i32 to index
          %get3A_975 = arith.constant 0 : index
          %get3A_976 = tpu.vector_load %arg15[%get3A_973, %get3A_974, %get3A_975] {strides = array<i32>} : memref<64x8x32xf32, #tpu.memory_space<vmem>>, vector<1x1x16xf32>,
          %get3A_977 = vector.shape_cast %get3A_976 : vector<1x1x16xf32> to vector<16xf32>
          %add3A_978 = arith.addf %add3A_971, %get3A_977 : vector<16xf32>
          %abs3A_979 = math.absf %add3A_978 : vector<16xf32>
          %neg3A_980 = arith.constant 0.000000e+00 : f32
          %neg3A_981 = vector.broadcast %neg3A_980 : f32 to vector<16xf32>
          %neg3A_982 = arith.subf %neg3A_981, %abs3A_979 : vector<16xf32>
          %exp3A_983 = math.exp %neg3A_982 : vector<16xf32>
          %mul3A_984 = arith.constant 0.0410644412 : f32
          %mul3A_985 = vector.broadcast %mul3A_984 : f32 to vector<16xf32>
          %mul3A_986 = arith.mulf %mul3A_985, %exp3A_983 : vector<16xf32>
          %add3A_987 = arith.constant -0.156028271 : f32
          %add3A_988 = vector.broadcast %add3A_987 : f32 to vector<16xf32>
          %add3A_989 = arith.addf %mul3A_986, %add3A_988 : vector<16xf32>
          %mul3A_990 = arith.mulf %add3A_989, %exp3A_983 : vector<16xf32>
          %add3A_991 = arith.constant 0.304672241 : f32
          %add3A_992 = vector.broadcast %add3A_991 : f32 to vector<16xf32>
          %add3A_993 = arith.addf %mul3A_990, %add3A_992 : vector<16xf32>
          %mul3A_994 = arith.mulf %add3A_993, %exp3A_983 : vector<16xf32>
          %add3A_995 = arith.constant -0.496368259 : f32
          %add3A_996 = vector.broadcast %add3A_995 : f32 to vector<16xf32>
          %add3A_997 = arith.addf %mul3A_994, %add3A_996 : vector<16xf32>
          %mul3A_998 = arith.mulf %add3A_997, %exp3A_983 : vector<16xf32>
          %add3A_999 = arith.constant 0.999887943 : f32
          %add3A_1000 = vector.broadcast %add3A_999 : f32 to vector<16xf32>
          %add3A_1001 = arith.addf %mul3A_998, %add3A_1000 : vector<16xf32>
          %max3A_1002 = arith.constant 0.000000e+00 : f32
          %max3A_1003 = vector.broadcast %max3A_1002 : f32 to vector<16xf32>
          %max3A_1004 = arith.maximumf %add3A_978, %max3A_1003 : vector<16xf32>
          %mul3A_1005 = arith.mulf %exp3A_983, %add3A_1001 : vector<16xf32>
          %add3A_1006 = arith.addf %max3A_1004, %mul3A_1005 : vector<16xf32>
          %swap3A_1007 = arith.index_cast %add3A_954 : i32 to index
          %swap3A_1008 = arith.constant 0 : index
          %swap3A_1009 = tpu.vector_load %arg13[%swap3A_1007, %swap3A_1008] {strides = array<i32>} : memref<512x32xf32, #tpu.memory_space<vmem>>, vector<1x16xf32>,
          %swap3A_1010 = vector.shape_cast %swap3A_1009 : vector<1x16xf32> to vector<16xf32>
          %swap3A_1011 = vector.shape_cast %add3A_1006 : vector<16xf32> to vector<1x16xf32>
          tpu.vector_store %arg13[%swap3A_1007, %swap3A_1008], %swap3A_1011 {strides = array<i32>} : memref<512x32xf32, #tpu.memory_space<vmem>>, vector<1x16xf32>,
          %swap3A_1012 = arith.index_cast %add3A_962 : i32 to index
          %swap3A_1013 = arith.constant 64 : index
          %swap3A_1014 = tpu.vector_load %arg16[%swap3A_1012, %swap3A_1013] {strides = array<i32>} : memref<128x128xf32, #tpu.memory_space<vmem>>, vector<1x16xf32>,
          %swap3A_1015 = vector.shape_cast %swap3A_1014 : vector<1x16xf32> to vector<16xf32>
          %swap3A_1016 = vector.shape_cast %add3A_1006 : vector<16xf32> to vector<1x16xf32>
          tpu.vector_store %arg16[%swap3A_1012, %swap3A_1013], %swap3A_1016 {strides = array<i32>} : memref<128x128xf32, #tpu.memory_space<vmem>>, vector<1x16xf32>,
          %mul3A_1017 = arith.constant 8 : i32
          %mul3A_1018 = arith.muli %scan3A_138, %mul3A_1017 : i32
          %add3A_1019 = arith.constant 0 : i32
          %add3A_1020 = arith.addi %add3A_1019, %mul3A_1018 : i32
          %add3A_1021 = arith.constant 6 : i32
          %add3A_1022 = arith.addi %add3A_1020, %add3A_1021 : i32
          %add3A_1023 = arith.constant 0 : i32
          %add3A_1024 = arith.addi %add3A_1023, %scan3A_138 : i32
          %mul3A_1025 = arith.constant 2 : i32
          %mul3A_1026 = arith.muli %scan3A_138, %mul3A_1025 : i32
          %add3A_1027 = arith.constant 0 : i32
          %add3A_1028 = arith.addi %add3A_1027, %mul3A_1026 : i32
          %add3A_1029 = arith.constant 1 : i32
          %add3A_1030 = arith.addi %add3A_1028, %add3A_1029 : i32
          %get3A_1031 = arith.index_cast %add3A_1022 : i32 to index
          %get3A_1032 = arith.constant 16 : index
          %get3A_1033 = tpu.vector_load %arg13[%get3A_1031, %get3A_1032] {strides = array<i32>} : memref<512x32xf32, #tpu.memory_space<vmem>>, vector<1x16xf32>,
          %get3A_1034 = vector.shape_cast %get3A_1033 : vector<1x16xf32> to vector<16xf32>
          %get3A_1035 = arith.index_cast %add3A_1022 : i32 to index
          %get3A_1036 = arith.constant 16 : index
          %get3A_1037 = tpu.vector_load %arg14[%get3A_1035, %get3A_1036] {strides = array<i32>} : memref<512x32xf32, #tpu.memory_space<vmem>>, vector<1x16xf32>,
          %get3A_1038 = vector.shape_cast %get3A_1037 : vector<1x16xf32> to vector<16xf32>
          %add3A_1039 = arith.addf %get3A_1034, %get3A_1038 : vector<16xf32>
          %get3A_1040 = arith.constant 6 : i32
          %get3A_1041 = arith.index_cast %add3A_1024 : i32 to index
          %get3A_1042 = arith.index_cast %get3A_1040 : i32 to index
          %get3A_1043 = arith.constant 16 : index
          %get3A_1044 = tpu.vector_load %arg15[%get3A_1041, %get3A_1042, %get3A_1043] {strides = array<i32>} : memref<64x8x32xf32, #tpu.memory_space<vmem>>, vector<1x1x16xf32>,
          %get3A_1045 = vector.shape_cast %get3A_1044 : vector<1x1x16xf32> to vector<16xf32>
          %add3A_1046 = arith.addf %add3A_1039, %get3A_1045 : vector<16xf32>
          %abs3A_1047 = math.absf %add3A_1046 : vector<16xf32>
          %neg3A_1048 = arith.constant 0.000000e+00 : f32
          %neg3A_1049 = vector.broadcast %neg3A_1048 : f32 to vector<16xf32>
          %neg3A_1050 = arith.subf %neg3A_1049, %abs3A_1047 : vector<16xf32>
          %exp3A_1051 = math.exp %neg3A_1050 : vector<16xf32>
          %mul3A_1052 = arith.constant 0.0410644412 : f32
          %mul3A_1053 = vector.broadcast %mul3A_1052 : f32 to vector<16xf32>
          %mul3A_1054 = arith.mulf %mul3A_1053, %exp3A_1051 : vector<16xf32>
          %add3A_1055 = arith.constant -0.156028271 : f32
          %add3A_1056 = vector.broadcast %add3A_1055 : f32 to vector<16xf32>
          %add3A_1057 = arith.addf %mul3A_1054, %add3A_1056 : vector<16xf32>
          %mul3A_1058 = arith.mulf %add3A_1057, %exp3A_1051 : vector<16xf32>
          %add3A_1059 = arith.constant 0.304672241 : f32
          %add3A_1060 = vector.broadcast %add3A_1059 : f32 to vector<16xf32>
          %add3A_1061 = arith.addf %mul3A_1058, %add3A_1060 : vector<16xf32>
          %mul3A_1062 = arith.mulf %add3A_1061, %exp3A_1051 : vector<16xf32>
          %add3A_1063 = arith.constant -0.496368259 : f32
          %add3A_1064 = vector.broadcast %add3A_1063 : f32 to vector<16xf32>
          %add3A_1065 = arith.addf %mul3A_1062, %add3A_1064 : vector<16xf32>
          %mul3A_1066 = arith.mulf %add3A_1065, %exp3A_1051 : vector<16xf32>
          %add3A_1067 = arith.constant 0.999887943 : f32
          %add3A_1068 = vector.broadcast %add3A_1067 : f32 to vector<16xf32>
          %add3A_1069 = arith.addf %mul3A_1066, %add3A_1068 : vector<16xf32>
          %max3A_1070 = arith.constant 0.000000e+00 : f32
          %max3A_1071 = vector.broadcast %max3A_1070 : f32 to vector<16xf32>
          %max3A_1072 = arith.maximumf %add3A_1046, %max3A_1071 : vector<16xf32>
          %mul3A_1073 = arith.mulf %exp3A_1051, %add3A_1069 : vector<16xf32>
          %add3A_1074 = arith.addf %max3A_1072, %mul3A_1073 : vector<16xf32>
          %swap3A_1075 = arith.index_cast %add3A_1022 : i32 to index
          %swap3A_1076 = arith.constant 16 : index
          %swap3A_1077 = tpu.vector_load %arg13[%swap3A_1075, %swap3A_1076] {strides = array<i32>} : memref<512x32xf32, #tpu.memory_space<vmem>>, vector<1x16xf32>,
          %swap3A_1078 = vector.shape_cast %swap3A_1077 : vector<1x16xf32> to vector<16xf32>
          %swap3A_1079 = vector.shape_cast %add3A_1074 : vector<16xf32> to vector<1x16xf32>
          tpu.vector_store %arg13[%swap3A_1075, %swap3A_1076], %swap3A_1079 {strides = array<i32>} : memref<512x32xf32, #tpu.memory_space<vmem>>, vector<1x16xf32>,
          %swap3A_1080 = arith.index_cast %add3A_1030 : i32 to index
          %swap3A_1081 = arith.constant 80 : index
          %swap3A_1082 = tpu.vector_load %arg16[%swap3A_1080, %swap3A_1081] {strides = array<i32>} : memref<128x128xf32, #tpu.memory_space<vmem>>, vector<1x16xf32>,
          %swap3A_1083 = vector.shape_cast %swap3A_1082 : vector<1x16xf32> to vector<16xf32>
          %swap3A_1084 = vector.shape_cast %add3A_1074 : vector<16xf32> to vector<1x16xf32>
          tpu.vector_store %arg16[%swap3A_1080, %swap3A_1081], %swap3A_1084 {strides = array<i32>} : memref<128x128xf32, #tpu.memory_space<vmem>>, vector<1x16xf32>,
          %mul3A_1085 = arith.constant 8 : i32
          %mul3A_1086 = arith.muli %scan3A_138, %mul3A_1085 : i32
          %add3A_1087 = arith.constant 0 : i32
          %add3A_1088 = arith.addi %add3A_1087, %mul3A_1086 : i32
          %add3A_1089 = arith.constant 7 : i32
          %add3A_1090 = arith.addi %add3A_1088, %add3A_1089 : i32
          %add3A_1091 = arith.constant 0 : i32
          %add3A_1092 = arith.addi %add3A_1091, %scan3A_138 : i32
          %mul3A_1093 = arith.constant 2 : i32
          %mul3A_1094 = arith.muli %scan3A_138, %mul3A_1093 : i32
          %add3A_1095 = arith.constant 0 : i32
          %add3A_1096 = arith.addi %add3A_1095, %mul3A_1094 : i32
          %add3A_1097 = arith.constant 1 : i32
          %add3A_1098 = arith.addi %add3A_1096, %add3A_1097 : i32
          %get3A_1099 = arith.index_cast %add3A_1090 : i32 to index
          %get3A_1100 = arith.constant 0 : index
          %get3A_1101 = tpu.vector_load %arg13[%get3A_1099, %get3A_1100] {strides = array<i32>} : memref<512x32xf32, #tpu.memory_space<vmem>>, vector<1x16xf32>,
          %get3A_1102 = vector.shape_cast %get3A_1101 : vector<1x16xf32> to vector<16xf32>
          %get3A_1103 = arith.index_cast %add3A_1090 : i32 to index
          %get3A_1104 = arith.constant 0 : index
          %get3A_1105 = tpu.vector_load %arg14[%get3A_1103, %get3A_1104] {strides = array<i32>} : memref<512x32xf32, #tpu.memory_space<vmem>>, vector<1x16xf32>,
          %get3A_1106 = vector.shape_cast %get3A_1105 : vector<1x16xf32> to vector<16xf32>
          %add3A_1107 = arith.addf %get3A_1102, %get3A_1106 : vector<16xf32>
          %get3A_1108 = arith.constant 7 : i32
          %get3A_1109 = arith.index_cast %add3A_1092 : i32 to index
          %get3A_1110 = arith.index_cast %get3A_1108 : i32 to index
          %get3A_1111 = arith.constant 0 : index
          %get3A_1112 = tpu.vector_load %arg15[%get3A_1109, %get3A_1110, %get3A_1111] {strides = array<i32>} : memref<64x8x32xf32, #tpu.memory_space<vmem>>, vector<1x1x16xf32>,
          %get3A_1113 = vector.shape_cast %get3A_1112 : vector<1x1x16xf32> to vector<16xf32>
          %add3A_1114 = arith.addf %add3A_1107, %get3A_1113 : vector<16xf32>
          %abs3A_1115 = math.absf %add3A_1114 : vector<16xf32>
          %neg3A_1116 = arith.constant 0.000000e+00 : f32
          %neg3A_1117 = vector.broadcast %neg3A_1116 : f32 to vector<16xf32>
          %neg3A_1118 = arith.subf %neg3A_1117, %abs3A_1115 : vector<16xf32>
          %exp3A_1119 = math.exp %neg3A_1118 : vector<16xf32>
          %mul3A_1120 = arith.constant 0.0410644412 : f32
          %mul3A_1121 = vector.broadcast %mul3A_1120 : f32 to vector<16xf32>
          %mul3A_1122 = arith.mulf %mul3A_1121, %exp3A_1119 : vector<16xf32>
          %add3A_1123 = arith.constant -0.156028271 : f32
          %add3A_1124 = vector.broadcast %add3A_1123 : f32 to vector<16xf32>
          %add3A_1125 = arith.addf %mul3A_1122, %add3A_1124 : vector<16xf32>
          %mul3A_1126 = arith.mulf %add3A_1125, %exp3A_1119 : vector<16xf32>
          %add3A_1127 = arith.constant 0.304672241 : f32
          %add3A_1128 = vector.broadcast %add3A_1127 : f32 to vector<16xf32>
          %add3A_1129 = arith.addf %mul3A_1126, %add3A_1128 : vector<16xf32>
          %mul3A_1130 = arith.mulf %add3A_1129, %exp3A_1119 : vector<16xf32>
          %add3A_1131 = arith.constant -0.496368259 : f32
          %add3A_1132 = vector.broadcast %add3A_1131 : f32 to vector<16xf32>
          %add3A_1133 = arith.addf %mul3A_1130, %add3A_1132 : vector<16xf32>
          %mul3A_1134 = arith.mulf %add3A_1133, %exp3A_1119 : vector<16xf32>
          %add3A_1135 = arith.constant 0.999887943 : f32
          %add3A_1136 = vector.broadcast %add3A_1135 : f32 to vector<16xf32>
          %add3A_1137 = arith.addf %mul3A_1134, %add3A_1136 : vector<16xf32>
          %max3A_1138 = arith.constant 0.000000e+00 : f32
          %max3A_1139 = vector.broadcast %max3A_1138 : f32 to vector<16xf32>
          %max3A_1140 = arith.maximumf %add3A_1114, %max3A_1139 : vector<16xf32>
          %mul3A_1141 = arith.mulf %exp3A_1119, %add3A_1137 : vector<16xf32>
          %add3A_1142 = arith.addf %max3A_1140, %mul3A_1141 : vector<16xf32>
          %swap3A_1143 = arith.index_cast %add3A_1090 : i32 to index
          %swap3A_1144 = arith.constant 0 : index
          %swap3A_1145 = tpu.vector_load %arg13[%swap3A_1143, %swap3A_1144] {strides = array<i32>} : memref<512x32xf32, #tpu.memory_space<vmem>>, vector<1x16xf32>,
          %swap3A_1146 = vector.shape_cast %swap3A_1145 : vector<1x16xf32> to vector<16xf32>
          %swap3A_1147 = vector.shape_cast %add3A_1142 : vector<16xf32> to vector<1x16xf32>
          tpu.vector_store %arg13[%swap3A_1143, %swap3A_1144], %swap3A_1147 {strides = array<i32>} : memref<512x32xf32, #tpu.memory_space<vmem>>, vector<1x16xf32>,
          %swap3A_1148 = arith.index_cast %add3A_1098 : i32 to index
          %swap3A_1149 = arith.constant 96 : index
          %swap3A_1150 = tpu.vector_load %arg16[%swap3A_1148, %swap3A_1149] {strides = array<i32>} : memref<128x128xf32, #tpu.memory_space<vmem>>, vector<1x16xf32>,
          %swap3A_1151 = vector.shape_cast %swap3A_1150 : vector<1x16xf32> to vector<16xf32>
          %swap3A_1152 = vector.shape_cast %add3A_1142 : vector<16xf32> to vector<1x16xf32>
          tpu.vector_store %arg16[%swap3A_1148, %swap3A_1149], %swap3A_1152 {strides = array<i32>} : memref<128x128xf32, #tpu.memory_space<vmem>>, vector<1x16xf32>,
          %mul3A_1153 = arith.constant 8 : i32
          %mul3A_1154 = arith.muli %scan3A_138, %mul3A_1153 : i32
          %add3A_1155 = arith.constant 0 : i32
          %add3A_1156 = arith.addi %add3A_1155, %mul3A_1154 : i32
          %add3A_1157 = arith.constant 7 : i32
          %add3A_1158 = arith.addi %add3A_1156, %add3A_1157 : i32
          %add3A_1159 = arith.constant 0 : i32
          %add3A_1160 = arith.addi %add3A_1159, %scan3A_138 : i32
          %mul3A_1161 = arith.constant 2 : i32
          %mul3A_1162 = arith.muli %scan3A_138, %mul3A_1161 : i32
          %add3A_1163 = arith.constant 0 : i32
          %add3A_1164 = arith.addi %add3A_1163, %mul3A_1162 : i32
          %add3A_1165 = arith.constant 1 : i32
          %add3A_1166 = arith.addi %add3A_1164, %add3A_1165 : i32
          %get3A_1167 = arith.index_cast %add3A_1158 : i32 to index
          %get3A_1168 = arith.constant 16 : index
          %get3A_1169 = tpu.vector_load %arg13[%get3A_1167, %get3A_1168] {strides = array<i32>} : memref<512x32xf32, #tpu.memory_space<vmem>>, vector<1x16xf32>,
          %get3A_1170 = vector.shape_cast %get3A_1169 : vector<1x16xf32> to vector<16xf32>
          %get3A_1171 = arith.index_cast %add3A_1158 : i32 to index
          %get3A_1172 = arith.constant 16 : index
          %get3A_1173 = tpu.vector_load %arg14[%get3A_1171, %get3A_1172] {strides = array<i32>} : memref<512x32xf32, #tpu.memory_space<vmem>>, vector<1x16xf32>,
          %get3A_1174 = vector.shape_cast %get3A_1173 : vector<1x16xf32> to vector<16xf32>
          %add3A_1175 = arith.addf %get3A_1170, %get3A_1174 : vector<16xf32>
          %get3A_1176 = arith.constant 7 : i32
          %get3A_1177 = arith.index_cast %add3A_1160 : i32 to index
          %get3A_1178 = arith.index_cast %get3A_1176 : i32 to index
          %get3A_1179 = arith.constant 16 : index
          %get3A_1180 = tpu.vector_load %arg15[%get3A_1177, %get3A_1178, %get3A_1179] {strides = array<i32>} : memref<64x8x32xf32, #tpu.memory_space<vmem>>, vector<1x1x16xf32>,
          %get3A_1181 = vector.shape_cast %get3A_1180 : vector<1x1x16xf32> to vector<16xf32>
          %add3A_1182 = arith.addf %add3A_1175, %get3A_1181 : vector<16xf32>
          %abs3A_1183 = math.absf %add3A_1182 : vector<16xf32>
          %neg3A_1184 = arith.constant 0.000000e+00 : f32
          %neg3A_1185 = vector.broadcast %neg3A_1184 : f32 to vector<16xf32>
          %neg3A_1186 = arith.subf %neg3A_1185, %abs3A_1183 : vector<16xf32>
          %exp3A_1187 = math.exp %neg3A_1186 : vector<16xf32>
          %mul3A_1188 = arith.constant 0.0410644412 : f32
          %mul3A_1189 = vector.broadcast %mul3A_1188 : f32 to vector<16xf32>
          %mul3A_1190 = arith.mulf %mul3A_1189, %exp3A_1187 : vector<16xf32>
          %add3A_1191 = arith.constant -0.156028271 : f32
          %add3A_1192 = vector.broadcast %add3A_1191 : f32 to vector<16xf32>
          %add3A_1193 = arith.addf %mul3A_1190, %add3A_1192 : vector<16xf32>
          %mul3A_1194 = arith.mulf %add3A_1193, %exp3A_1187 : vector<16xf32>
          %add3A_1195 = arith.constant 0.304672241 : f32
          %add3A_1196 = vector.broadcast %add3A_1195 : f32 to vector<16xf32>
          %add3A_1197 = arith.addf %mul3A_1194, %add3A_1196 : vector<16xf32>
          %mul3A_1198 = arith.mulf %add3A_1197, %exp3A_1187 : vector<16xf32>
          %add3A_1199 = arith.constant -0.496368259 : f32
          %add3A_1200 = vector.broadcast %add3A_1199 : f32 to vector<16xf32>
          %add3A_1201 = arith.addf %mul3A_1198, %add3A_1200 : vector<16xf32>
          %mul3A_1202 = arith.mulf %add3A_1201, %exp3A_1187 : vector<16xf32>
          %add3A_1203 = arith.constant 0.999887943 : f32
          %add3A_1204 = vector.broadcast %add3A_1203 : f32 to vector<16xf32>
          %add3A_1205 = arith.addf %mul3A_1202, %add3A_1204 : vector<16xf32>
          %max3A_1206 = arith.constant 0.000000e+00 : f32
          %max3A_1207 = vector.broadcast %max3A_1206 : f32 to vector<16xf32>
          %max3A_1208 = arith.maximumf %add3A_1182, %max3A_1207 : vector<16xf32>
          %mul3A_1209 = arith.mulf %exp3A_1187, %add3A_1205 : vector<16xf32>
          %add3A_1210 = arith.addf %max3A_1208, %mul3A_1209 : vector<16xf32>
          %swap3A_1211 = arith.index_cast %add3A_1158 : i32 to index
          %swap3A_1212 = arith.constant 16 : index
          %swap3A_1213 = tpu.vector_load %arg13[%swap3A_1211, %swap3A_1212] {strides = array<i32>} : memref<512x32xf32, #tpu.memory_space<vmem>>, vector<1x16xf32>,
          %swap3A_1214 = vector.shape_cast %swap3A_1213 : vector<1x16xf32> to vector<16xf32>
          %swap3A_1215 = vector.shape_cast %add3A_1210 : vector<16xf32> to vector<1x16xf32>
          tpu.vector_store %arg13[%swap3A_1211, %swap3A_1212], %swap3A_1215 {strides = array<i32>} : memref<512x32xf32, #tpu.memory_space<vmem>>, vector<1x16xf32>,
          %swap3A_1216 = arith.index_cast %add3A_1166 : i32 to index
          %swap3A_1217 = arith.constant 112 : index
          %swap3A_1218 = tpu.vector_load %arg16[%swap3A_1216, %swap3A_1217] {strides = array<i32>} : memref<128x128xf32, #tpu.memory_space<vmem>>, vector<1x16xf32>,
          %swap3A_1219 = vector.shape_cast %swap3A_1218 : vector<1x16xf32> to vector<16xf32>
          %swap3A_1220 = vector.shape_cast %add3A_1210 : vector<16xf32> to vector<1x16xf32>
          tpu.vector_store %arg16[%swap3A_1216, %swap3A_1217], %swap3A_1220 {strides = array<i32>} : memref<128x128xf32, #tpu.memory_space<vmem>>, vector<1x16xf32>,
        }
        %scan3A_115 = arith.constant 32 : i32
        %mul3A_116 = arith.constant 64 : i32
        %mul3A_117 = arith.muli %add3A_69, %mul3A_116 : i32
        %dma_start3A = arith.constant 0 : i32
        %dma_start3A_118 = arith.constant 0 : i32
        %dma_start3A_119 = tpu.memref_slice %arg16[%dma_start3A, %dma_start3A_118] : memref<128x128xf32, #tpu.memory_space<vmem>> -> memref<64x128xf32, #tpu.memory_space<vmem>>
        %dma_start3A_120 = arith.constant 0 : i32
        %dma_start3A_121 = tpu.memref_slice %arg9[%mul3A_117, %dma_start3A_120] : memref<80000x128xf32, #tpu.memory_space<hbm>> -> memref<64x128xf32, #tpu.memory_space<hbm>>
        %dma_start3A_122 = arith.constant 0 : i32
        %dma_start3A_123 = tpu.memref_slice %arg9[%mul3A_117, %dma_start3A_122] : memref<80000x128xf32, #tpu.memory_space<hbm>> -> memref<64x128xf32, #tpu.memory_space<hbm>>
        %dma_start3A_124 = arith.constant 0 : i32
        %dma_start3A_125 = arith.constant 0 : i32
        %dma_start3A_126 = tpu.memref_slice %arg16[%dma_start3A_124, %dma_start3A_125] : memref<128x128xf32, #tpu.memory_space<vmem>> -> memref<64x128xf32, #tpu.memory_space<vmem>>
        tpu.enqueue_dma source(%dma_start3A_126 : memref<64x128xf32, #tpu.memory_space<vmem>>) target(%dma_start3A_123 : memref<64x128xf32, #tpu.memory_space<hbm>>) target_semaphore(%arg24 : memref<!tpu.dma_semaphore, #tpu.memory_space<semaphore_mem>>)
        %run_scoped3A = arith.constant 0 : i32
        %run_scoped3A_127 = arith.constant 1 : i32
        %run_scoped3A_128 = arith.constant 0 : i32
        "tpu.region"() ({
          %run_scoped3A_138 = tpu.sem_alloc : memref<!tpu.dma_semaphore, #tpu.memory_space<semaphore_mem>>
          %dma_start3A_139 = arith.constant 0 : i32
          %dma_start3A_140 = arith.constant 0 : i32
          %dma_start3A_141 = tpu.memref_slice %arg13[%dma_start3A_139, %dma_start3A_140] : memref<512x32xf32, #tpu.memory_space<vmem>> -> memref<128x32xf32, #tpu.memory_space<vmem>>
          %dma_start3A_142 = arith.constant 0 : i32
          %dma_start3A_143 = tpu.memref_slice %arg12[%run_scoped3A, %run_scoped3A_127, %run_scoped3A_128, %dma_start3A_142] : memref<2x2x2x128xi32, #tpu.memory_space<vmem>> -> memref<1x1x1x128xi32, #tpu.memory_space<vmem>>
          %dma_start3A_144 = tpu.memref_squeeze %dma_start3A_143 : memref<1x1x1x128xi32, #tpu.memory_space<vmem>> -> memref<128xi32, #tpu.memory_space<vmem>>
          %dma_start3A_145 = arith.constant 0 : i32
          %dma_start3A_146 = arith.constant 0 : i32
          %dma_start3A_147 = tpu.memref_slice %arg18[%dma_start3A_145, %dma_start3A_146] : memref<10000x32xf32, #tpu.memory_space<vmem_shared>> -> memref<10000x32xf32, #tpu.memory_space<vmem_shared>>
          tpu.enqueue_indirect_dma source(%dma_start3A_141 : memref<128x32xf32, #tpu.memory_space<vmem>>) target(%dma_start3A_147 : memref<10000x32xf32, #tpu.memory_space<vmem_shared>>) offsets(%dma_start3A_144 : memref<128xi32, #tpu.memory_space<vmem>>) semaphore(%run_scoped3A_138 : memref<!tpu.dma_semaphore, #tpu.memory_space<semaphore_mem>>) {add = true}
          %dma_wait3A_148 = arith.constant 0 : i32
          %dma_wait3A_149 = arith.constant 0 : i32
          %dma_wait3A_150 = tpu.memref_slice %arg13[%dma_wait3A_148, %dma_wait3A_149] : memref<512x32xf32, #tpu.memory_space<vmem>> -> memref<128x32xf32, #tpu.memory_space<vmem>>
          %dma_wait3A_151 = arith.constant 0 : i32
          %dma_wait3A_152 = tpu.memref_slice %arg12[%run_scoped3A, %run_scoped3A_127, %run_scoped3A_128, %dma_wait3A_151] : memref<2x2x2x128xi32, #tpu.memory_space<vmem>> -> memref<1x1x1x128xi32, #tpu.memory_space<vmem>>
          %dma_wait3A_153 = tpu.memref_squeeze %dma_wait3A_152 : memref<1x1x1x128xi32, #tpu.memory_space<vmem>> -> memref<128xi32, #tpu.memory_space<vmem>>
          %dma_wait3A_154 = arith.constant 0 : i32
          %dma_wait3A_155 = arith.constant 0 : i32
          %dma_wait3A_156 = tpu.memref_slice %arg18[%dma_wait3A_154, %dma_wait3A_155] : memref<10000x32xf32, #tpu.memory_space<vmem_shared>> -> memref<10000x32xf32, #tpu.memory_space<vmem_shared>>
          tpu.wait_indirect_dma semaphore(%run_scoped3A_138 : memref<!tpu.dma_semaphore, #tpu.memory_space<semaphore_mem>>) src(%dma_wait3A_150 : memref<128x32xf32, #tpu.memory_space<vmem>>) dst(%dma_wait3A_156 : memref<10000x32xf32, #tpu.memory_space<vmem_shared>>)
          tpu.yield
        }) : () -> ()
        %run_scoped3A_129 = arith.constant 0 : i32
        %run_scoped3A_130 = arith.constant 1 : i32
        %run_scoped3A_131 = arith.constant 0 : i32
        "tpu.region"() ({
          %run_scoped3A_138 = tpu.sem_alloc : memref<!tpu.dma_semaphore, #tpu.memory_space<semaphore_mem>>
          %dma_start3A_139 = arith.constant 0 : i32
          %dma_start3A_140 = tpu.memref_slice %arg12[%run_scoped3A_129, %run_scoped3A_130, %run_scoped3A_131, %dma_start3A_139] : memref<2x2x2x128xi32, #tpu.memory_space<vmem>> -> memref<1x1x1x128xi32, #tpu.memory_space<vmem>>
          %dma_start3A_141 = tpu.memref_squeeze %dma_start3A_140 : memref<1x1x1x128xi32, #tpu.memory_space<vmem>> -> memref<128xi32, #tpu.memory_space<vmem>>
          %dma_start3A_142 = arith.constant 0 : i32
          %dma_start3A_143 = arith.constant 0 : i32
          %dma_start3A_144 = tpu.memref_slice %arg19[%dma_start3A_142, %dma_start3A_143] : memref<10000x8xf32, #tpu.memory_space<vmem_shared>> -> memref<10000x8xf32, #tpu.memory_space<vmem_shared>>
          tpu.enqueue_indirect_dma source(%arg17 : memref<128x8xf32, #tpu.memory_space<vmem>>) target(%dma_start3A_144 : memref<10000x8xf32, #tpu.memory_space<vmem_shared>>) offsets(%dma_start3A_141 : memref<128xi32, #tpu.memory_space<vmem>>) semaphore(%run_scoped3A_138 : memref<!tpu.dma_semaphore, #tpu.memory_space<semaphore_mem>>) {add = true}
          %dma_wait3A_145 = arith.constant 0 : i32
          %dma_wait3A_146 = tpu.memref_slice %arg12[%run_scoped3A_129, %run_scoped3A_130, %run_scoped3A_131, %dma_wait3A_145] : memref<2x2x2x128xi32, #tpu.memory_space<vmem>> -> memref<1x1x1x128xi32, #tpu.memory_space<vmem>>
          %dma_wait3A_147 = tpu.memref_squeeze %dma_wait3A_146 : memref<1x1x1x128xi32, #tpu.memory_space<vmem>> -> memref<128xi32, #tpu.memory_space<vmem>>
          %dma_wait3A_148 = arith.constant 0 : i32
          %dma_wait3A_149 = arith.constant 0 : i32
          %dma_wait3A_150 = tpu.memref_slice %arg19[%dma_wait3A_148, %dma_wait3A_149] : memref<10000x8xf32, #tpu.memory_space<vmem_shared>> -> memref<10000x8xf32, #tpu.memory_space<vmem_shared>>
          tpu.wait_indirect_dma semaphore(%run_scoped3A_138 : memref<!tpu.dma_semaphore, #tpu.memory_space<semaphore_mem>>) src(%arg17 : memref<128x8xf32, #tpu.memory_space<vmem>>) dst(%dma_wait3A_150 : memref<10000x8xf32, #tpu.memory_space<vmem_shared>>)
          tpu.yield
        }) : () -> ()
        %run_scoped3A_132 = arith.constant 0 : i32
        %run_scoped3A_133 = arith.constant 1 : i32
        %run_scoped3A_134 = arith.constant 1 : i32
        "tpu.region"() ({
          %run_scoped3A_138 = tpu.sem_alloc : memref<!tpu.dma_semaphore, #tpu.memory_space<semaphore_mem>>
          %dma_start3A_139 = arith.constant 128 : i32
          %dma_start3A_140 = arith.constant 0 : i32
          %dma_start3A_141 = tpu.memref_slice %arg13[%dma_start3A_139, %dma_start3A_140] : memref<512x32xf32, #tpu.memory_space<vmem>> -> memref<128x32xf32, #tpu.memory_space<vmem>>
          %dma_start3A_142 = arith.constant 0 : i32
          %dma_start3A_143 = tpu.memref_slice %arg12[%run_scoped3A_132, %run_scoped3A_133, %run_scoped3A_134, %dma_start3A_142] : memref<2x2x2x128xi32, #tpu.memory_space<vmem>> -> memref<1x1x1x128xi32, #tpu.memory_space<vmem>>
          %dma_start3A_144 = tpu.memref_squeeze %dma_start3A_143 : memref<1x1x1x128xi32, #tpu.memory_space<vmem>> -> memref<128xi32, #tpu.memory_space<vmem>>
          %dma_start3A_145 = arith.constant 0 : i32
          %dma_start3A_146 = arith.constant 0 : i32
          %dma_start3A_147 = tpu.memref_slice %arg18[%dma_start3A_145, %dma_start3A_146] : memref<10000x32xf32, #tpu.memory_space<vmem_shared>> -> memref<10000x32xf32, #tpu.memory_space<vmem_shared>>
          tpu.enqueue_indirect_dma source(%dma_start3A_141 : memref<128x32xf32, #tpu.memory_space<vmem>>) target(%dma_start3A_147 : memref<10000x32xf32, #tpu.memory_space<vmem_shared>>) offsets(%dma_start3A_144 : memref<128xi32, #tpu.memory_space<vmem>>) semaphore(%run_scoped3A_138 : memref<!tpu.dma_semaphore, #tpu.memory_space<semaphore_mem>>) {add = true}
          %dma_wait3A_148 = arith.constant 128 : i32
          %dma_wait3A_149 = arith.constant 0 : i32
          %dma_wait3A_150 = tpu.memref_slice %arg13[%dma_wait3A_148, %dma_wait3A_149] : memref<512x32xf32, #tpu.memory_space<vmem>> -> memref<128x32xf32, #tpu.memory_space<vmem>>
          %dma_wait3A_151 = arith.constant 0 : i32
          %dma_wait3A_152 = tpu.memref_slice %arg12[%run_scoped3A_132, %run_scoped3A_133, %run_scoped3A_134, %dma_wait3A_151] : memref<2x2x2x128xi32, #tpu.memory_space<vmem>> -> memref<1x1x1x128xi32, #tpu.memory_space<vmem>>
          %dma_wait3A_153 = tpu.memref_squeeze %dma_wait3A_152 : memref<1x1x1x128xi32, #tpu.memory_space<vmem>> -> memref<128xi32, #tpu.memory_space<vmem>>
          %dma_wait3A_154 = arith.constant 0 : i32
          %dma_wait3A_155 = arith.constant 0 : i32
          %dma_wait3A_156 = tpu.memref_slice %arg18[%dma_wait3A_154, %dma_wait3A_155] : memref<10000x32xf32, #tpu.memory_space<vmem_shared>> -> memref<10000x32xf32, #tpu.memory_space<vmem_shared>>
          tpu.wait_indirect_dma semaphore(%run_scoped3A_138 : memref<!tpu.dma_semaphore, #tpu.memory_space<semaphore_mem>>) src(%dma_wait3A_150 : memref<128x32xf32, #tpu.memory_space<vmem>>) dst(%dma_wait3A_156 : memref<10000x32xf32, #tpu.memory_space<vmem_shared>>)
          tpu.yield
        }) : () -> ()
        %run_scoped3A_135 = arith.constant 0 : i32
        %run_scoped3A_136 = arith.constant 1 : i32
        %run_scoped3A_137 = arith.constant 1 : i32
        "tpu.region"() ({
          %run_scoped3A_138 = tpu.sem_alloc : memref<!tpu.dma_semaphore, #tpu.memory_space<semaphore_mem>>
          %dma_start3A_139 = arith.constant 0 : i32
          %dma_start3A_140 = tpu.memref_slice %arg12[%run_scoped3A_135, %run_scoped3A_136, %run_scoped3A_137, %dma_start3A_139] : memref<2x2x2x128xi32, #tpu.memory_space<vmem>> -> memref<1x1x1x128xi32, #tpu.memory_space<vmem>>
          %dma_start3A_141 = tpu.memref_squeeze %dma_start3A_140 : memref<1x1x1x128xi32, #tpu.memory_space<vmem>> -> memref<128xi32, #tpu.memory_space<vmem>>
          %dma_start3A_142 = arith.constant 0 : i32
          %dma_start3A_143 = arith.constant 0 : i32
          %dma_start3A_144 = tpu.memref_slice %arg19[%dma_start3A_142, %dma_start3A_143] : memref<10000x8xf32, #tpu.memory_space<vmem_shared>> -> memref<10000x8xf32, #tpu.memory_space<vmem_shared>>
          tpu.enqueue_indirect_dma source(%arg17 : memref<128x8xf32, #tpu.memory_space<vmem>>) target(%dma_start3A_144 : memref<10000x8xf32, #tpu.memory_space<vmem_shared>>) offsets(%dma_start3A_141 : memref<128xi32, #tpu.memory_space<vmem>>) semaphore(%run_scoped3A_138 : memref<!tpu.dma_semaphore, #tpu.memory_space<semaphore_mem>>) {add = true}
          %dma_wait3A_145 = arith.constant 0 : i32
          %dma_wait3A_146 = tpu.memref_slice %arg12[%run_scoped3A_135, %run_scoped3A_136, %run_scoped3A_137, %dma_wait3A_145] : memref<2x2x2x128xi32, #tpu.memory_space<vmem>> -> memref<1x1x1x128xi32, #tpu.memory_space<vmem>>
          %dma_wait3A_147 = tpu.memref_squeeze %dma_wait3A_146 : memref<1x1x1x128xi32, #tpu.memory_space<vmem>> -> memref<128xi32, #tpu.memory_space<vmem>>
          %dma_wait3A_148 = arith.constant 0 : i32
          %dma_wait3A_149 = arith.constant 0 : i32
          %dma_wait3A_150 = tpu.memref_slice %arg19[%dma_wait3A_148, %dma_wait3A_149] : memref<10000x8xf32, #tpu.memory_space<vmem_shared>> -> memref<10000x8xf32, #tpu.memory_space<vmem_shared>>
          tpu.wait_indirect_dma semaphore(%run_scoped3A_138 : memref<!tpu.dma_semaphore, #tpu.memory_space<semaphore_mem>>) src(%arg17 : memref<128x8xf32, #tpu.memory_space<vmem>>) dst(%dma_wait3A_150 : memref<10000x8xf32, #tpu.memory_space<vmem_shared>>)
          tpu.yield
        }) : () -> ()
      } else {
      }
      %add3A_75 = arith.constant 1 : i32
      %add3A_76 = arith.addi %mul3A_48, %add3A_75 : i32
      %mul3A_77 = arith.constant 32 : i32
      %mul3A_78 = arith.muli %add3A_76, %mul3A_77 : i32
      %add3A_79 = arith.addi %add3A, %mul3A_78 : i32
      %lt3A_80 = arith.constant 1250 : i32
      %lt3A_81 = arith.cmpi slt, %add3A_79, %lt3A_80 : i32
      %convert_element_type3A_82 = arith.extui %lt3A_81 : i1 to i32
      %cond3A_83 = arith.constant 0 : i32
      %cond3A_84 = arith.cmpi ne, %convert_element_type3A_82, %cond3A_83 : i32
      scf.if %cond3A_84 {
        %dma_wait3A_105 = arith.constant 1 : i32
        %dma_wait3A_106 = arith.constant 0 : i32
        %dma_wait3A_107 = arith.constant 0 : i32
        %dma_wait3A_108 = arith.constant 256 : i32
        %dma_wait3A_109 = arith.constant 0 : i32
        %dma_wait3A_110 = tpu.memref_slice %arg13[%dma_wait3A_108, %dma_wait3A_109] : memref<512x32xf32, #tpu.memory_space<vmem>> -> memref<128x32xf32, #tpu.memory_space<vmem>>
        %dma_wait3A_111 = arith.constant 0 : i32
        %dma_wait3A_112 = tpu.memref_slice %arg12[%dma_wait3A_105, %dma_wait3A_106, %dma_wait3A_107, %dma_wait3A_111] : memref<2x2x2x128xi32, #tpu.memory_space<vmem>> -> memref<1x1x1x128xi32, #tpu.memory_space<vmem>>
        %dma_wait3A_113 = tpu.memref_squeeze %dma_wait3A_112 : memref<1x1x1x128xi32, #tpu.memory_space<vmem>> -> memref<128xi32, #tpu.memory_space<vmem>>
        %dma_wait3A_114 = arith.constant 0 : i32
        %dma_wait3A_115 = arith.constant 0 : i32
        %dma_wait3A_116 = tpu.memref_slice %arg3[%dma_wait3A_114, %dma_wait3A_115] : memref<10000x32xf32, #tpu.memory_space<hbm>> -> memref<10000x32xf32, #tpu.memory_space<hbm>>
        tpu.wait_indirect_dma semaphore(%arg21 : memref<!tpu.dma_semaphore, #tpu.memory_space<semaphore_mem>>) src(%dma_wait3A_116 : memref<10000x32xf32, #tpu.memory_space<hbm>>) dst(%dma_wait3A_110 : memref<128x32xf32, #tpu.memory_space<vmem>>)
        %dma_wait3A_117 = arith.constant 1 : i32
        %dma_wait3A_118 = arith.constant 1 : i32
        %dma_wait3A_119 = arith.constant 0 : i32
        %dma_wait3A_120 = arith.constant 256 : i32
        %dma_wait3A_121 = arith.constant 0 : i32
        %dma_wait3A_122 = tpu.memref_slice %arg14[%dma_wait3A_120, %dma_wait3A_121] : memref<512x32xf32, #tpu.memory_space<vmem>> -> memref<128x32xf32, #tpu.memory_space<vmem>>
        %dma_wait3A_123 = arith.constant 0 : i32
        %dma_wait3A_124 = tpu.memref_slice %arg12[%dma_wait3A_117, %dma_wait3A_118, %dma_wait3A_119, %dma_wait3A_123] : memref<2x2x2x128xi32, #tpu.memory_space<vmem>> -> memref<1x1x1x128xi32, #tpu.memory_space<vmem>>
        %dma_wait3A_125 = tpu.memref_squeeze %dma_wait3A_124 : memref<1x1x1x128xi32, #tpu.memory_space<vmem>> -> memref<128xi32, #tpu.memory_space<vmem>>
        %dma_wait3A_126 = arith.constant 0 : i32
        %dma_wait3A_127 = arith.constant 0 : i32
        %dma_wait3A_128 = tpu.memref_slice %arg4[%dma_wait3A_126, %dma_wait3A_127] : memref<10000x32xf32, #tpu.memory_space<hbm>> -> memref<10000x32xf32, #tpu.memory_space<hbm>>
        tpu.wait_indirect_dma semaphore(%arg22 : memref<!tpu.dma_semaphore, #tpu.memory_space<semaphore_mem>>) src(%dma_wait3A_128 : memref<10000x32xf32, #tpu.memory_space<hbm>>) dst(%dma_wait3A_122 : memref<128x32xf32, #tpu.memory_space<vmem>>)
        %dma_wait3A_129 = arith.constant 1 : i32
        %dma_wait3A_130 = arith.constant 0 : i32
        %dma_wait3A_131 = arith.constant 1 : i32
        %dma_wait3A_132 = arith.constant 384 : i32
        %dma_wait3A_133 = arith.constant 0 : i32
        %dma_wait3A_134 = tpu.memref_slice %arg13[%dma_wait3A_132, %dma_wait3A_133] : memref<512x32xf32, #tpu.memory_space<vmem>> -> memref<128x32xf32, #tpu.memory_space<vmem>>
        %dma_wait3A_135 = arith.constant 0 : i32
        %dma_wait3A_136 = tpu.memref_slice %arg12[%dma_wait3A_129, %dma_wait3A_130, %dma_wait3A_131, %dma_wait3A_135] : memref<2x2x2x128xi32, #tpu.memory_space<vmem>> -> memref<1x1x1x128xi32, #tpu.memory_space<vmem>>
        %dma_wait3A_137 = tpu.memref_squeeze %dma_wait3A_136 : memref<1x1x1x128xi32, #tpu.memory_space<vmem>> -> memref<128xi32, #tpu.memory_space<vmem>>
        %dma_wait3A_138 = arith.constant 0 : i32
        %dma_wait3A_139 = arith.constant 0 : i32
        %dma_wait3A_140 = tpu.memref_slice %arg3[%dma_wait3A_138, %dma_wait3A_139] : memref<10000x32xf32, #tpu.memory_space<hbm>> -> memref<10000x32xf32, #tpu.memory_space<hbm>>
        tpu.wait_indirect_dma semaphore(%arg21 : memref<!tpu.dma_semaphore, #tpu.memory_space<semaphore_mem>>) src(%dma_wait3A_140 : memref<10000x32xf32, #tpu.memory_space<hbm>>) dst(%dma_wait3A_134 : memref<128x32xf32, #tpu.memory_space<vmem>>)
        %dma_wait3A_141 = arith.constant 1 : i32
        %dma_wait3A_142 = arith.constant 1 : i32
        %dma_wait3A_143 = arith.constant 1 : i32
        %dma_wait3A_144 = arith.constant 384 : i32
        %dma_wait3A_145 = arith.constant 0 : i32
        %dma_wait3A_146 = tpu.memref_slice %arg14[%dma_wait3A_144, %dma_wait3A_145] : memref<512x32xf32, #tpu.memory_space<vmem>> -> memref<128x32xf32, #tpu.memory_space<vmem>>
        %dma_wait3A_147 = arith.constant 0 : i32
        %dma_wait3A_148 = tpu.memref_slice %arg12[%dma_wait3A_141, %dma_wait3A_142, %dma_wait3A_143, %dma_wait3A_147] : memref<2x2x2x128xi32, #tpu.memory_space<vmem>> -> memref<1x1x1x128xi32, #tpu.memory_space<vmem>>
        %dma_wait3A_149 = tpu.memref_squeeze %dma_wait3A_148 : memref<1x1x1x128xi32, #tpu.memory_space<vmem>> -> memref<128xi32, #tpu.memory_space<vmem>>
        %dma_wait3A_150 = arith.constant 0 : i32
        %dma_wait3A_151 = arith.constant 0 : i32
        %dma_wait3A_152 = tpu.memref_slice %arg4[%dma_wait3A_150, %dma_wait3A_151] : memref<10000x32xf32, #tpu.memory_space<hbm>> -> memref<10000x32xf32, #tpu.memory_space<hbm>>
        tpu.wait_indirect_dma semaphore(%arg22 : memref<!tpu.dma_semaphore, #tpu.memory_space<semaphore_mem>>) src(%dma_wait3A_152 : memref<10000x32xf32, #tpu.memory_space<hbm>>) dst(%dma_wait3A_146 : memref<128x32xf32, #tpu.memory_space<vmem>>)
        %mul3A_153 = arith.constant 32 : i32
        %mul3A_154 = arith.muli %add3A_79, %mul3A_153 : i32
        %dma_wait3A_155 = arith.constant 32 : i32
        %dma_wait3A_156 = arith.constant 0 : i32
        %dma_wait3A_157 = arith.constant 0 : i32
        %dma_wait3A_158 = tpu.memref_slice %arg15[%dma_wait3A_155, %dma_wait3A_156, %dma_wait3A_157] : memref<64x8x32xf32, #tpu.memory_space<vmem>> -> memref<32x8x32xf32, #tpu.memory_space<vmem>>
        %dma_wait3A_159 = arith.constant 0 : i32
        %dma_wait3A_160 = arith.constant 0 : i32
        %dma_wait3A_161 = tpu.memref_slice %arg5[%mul3A_154, %dma_wait3A_159, %dma_wait3A_160] : memref<40000x8x128xf32, #tpu.memory_space<hbm>> -> memref<32x8x32xf32, #tpu.memory_space<hbm>>
        %dma_wait3A_162 = arith.constant 32 : i32
        %dma_wait3A_163 = arith.constant 0 : i32
        %dma_wait3A_164 = arith.constant 0 : i32
        %dma_wait3A_165 = tpu.memref_slice %arg15[%dma_wait3A_162, %dma_wait3A_163, %dma_wait3A_164] : memref<64x8x32xf32, #tpu.memory_space<vmem>> -> memref<32x8x32xf32, #tpu.memory_space<vmem>>
        %dma_wait3A_166 = arith.constant 0 : i32
        %dma_wait3A_167 = arith.constant 0 : i32
        %dma_wait3A_168 = tpu.memref_slice %arg5[%mul3A_154, %dma_wait3A_166, %dma_wait3A_167] : memref<40000x8x128xf32, #tpu.memory_space<hbm>> -> memref<32x8x32xf32, #tpu.memory_space<hbm>>
        tpu.wait_dma2 semaphore(%arg23 : memref<!tpu.dma_semaphore, #tpu.memory_space<semaphore_mem>>) src(%dma_wait3A_168 : memref<32x8x32xf32, #tpu.memory_space<hbm>>) dst(%dma_wait3A_165 : memref<32x8x32xf32, #tpu.memory_space<vmem>>)
      } else {
      }
      %add3A_85 = arith.constant 2 : i32
      %add3A_86 = arith.addi %mul3A_48, %add3A_85 : i32
      %mul3A_87 = arith.constant 32 : i32
      %mul3A_88 = arith.muli %add3A_86, %mul3A_87 : i32
      %add3A_89 = arith.addi %add3A, %mul3A_88 : i32
      %lt3A_90 = arith.constant 1250 : i32
      %lt3A_91 = arith.cmpi slt, %add3A_89, %lt3A_90 : i32
      %convert_element_type3A_92 = arith.extui %lt3A_91 : i1 to i32
      %cond3A_93 = arith.constant 0 : i32
      %cond3A_94 = arith.cmpi ne, %convert_element_type3A_92, %cond3A_93 : i32
      scf.if %cond3A_94 {
        %mul3A_105 = arith.constant 2 : i32
        %mul3A_106 = arith.muli %add3A_89, %mul3A_105 : i32
        %dma_start3A = arith.constant 0 : i32
        %dma_start3A_107 = arith.constant 0 : i32
        %dma_start3A_108 = arith.constant 0 : i32
        %dma_start3A_109 = arith.constant 0 : i32
        %dma_start3A_110 = tpu.memref_slice %arg12[%dma_start3A, %dma_start3A_107, %dma_start3A_108, %dma_start3A_109] : memref<2x2x2x128xi32, #tpu.memory_space<vmem>> -> memref<1x2x2x128xi32, #tpu.memory_space<vmem>>
        %dma_start3A_111 = tpu.memref_squeeze %dma_start3A_110 : memref<1x2x2x128xi32, #tpu.memory_space<vmem>> -> memref<2x2x128xi32, #tpu.memory_space<vmem>>
        %dma_start3A_112 = arith.constant 0 : i32
        %dma_start3A_113 = arith.constant 0 : i32
        %dma_start3A_114 = tpu.memref_slice %arg2[%dma_start3A_112, %mul3A_106, %dma_start3A_113] : memref<2x2500x128xi32, #tpu.memory_space<hbm>> -> memref<2x2x128xi32, #tpu.memory_space<hbm>>
        %dma_start3A_115 = arith.constant 0 : i32
        %dma_start3A_116 = arith.constant 0 : i32
        %dma_start3A_117 = arith.constant 0 : i32
        %dma_start3A_118 = tpu.memref_slice %arg12[%dma_start3A, %dma_start3A_115, %dma_start3A_116, %dma_start3A_117] : memref<2x2x2x128xi32, #tpu.memory_space<vmem>> -> memref<1x2x2x128xi32, #tpu.memory_space<vmem>>
        %dma_start3A_119 = tpu.memref_squeeze %dma_start3A_118 : memref<1x2x2x128xi32, #tpu.memory_space<vmem>> -> memref<2x2x128xi32, #tpu.memory_space<vmem>>
        %dma_start3A_120 = arith.constant 0 : i32
        %dma_start3A_121 = arith.constant 0 : i32
        %dma_start3A_122 = tpu.memref_slice %arg2[%dma_start3A_120, %mul3A_106, %dma_start3A_121] : memref<2x2500x128xi32, #tpu.memory_space<hbm>> -> memref<2x2x128xi32, #tpu.memory_space<hbm>>
        tpu.enqueue_dma source(%dma_start3A_122 : memref<2x2x128xi32, #tpu.memory_space<hbm>>) target(%dma_start3A_119 : memref<2x2x128xi32, #tpu.memory_space<vmem>>) target_semaphore(%arg20 : memref<!tpu.dma_semaphore, #tpu.memory_space<semaphore_mem>>)
        %dma_wait3A_123 = arith.constant 0 : i32
        %dma_wait3A_124 = arith.constant 0 : i32
        %dma_wait3A_125 = arith.constant 0 : i32
        %dma_wait3A_126 = arith.constant 0 : i32
        %dma_wait3A_127 = tpu.memref_slice %arg12[%dma_wait3A_123, %dma_wait3A_124, %dma_wait3A_125, %dma_wait3A_126] : memref<2x2x2x128xi32, #tpu.memory_space<vmem>> -> memref<1x2x2x128xi32, #tpu.memory_space<vmem>>
        %dma_wait3A_128 = tpu.memref_squeeze %dma_wait3A_127 : memref<1x2x2x128xi32, #tpu.memory_space<vmem>> -> memref<2x2x128xi32, #tpu.memory_space<vmem>>
        %dma_wait3A_129 = arith.constant 0 : i32
        %dma_wait3A_130 = arith.constant 0 : i32
        %dma_wait3A_131 = tpu.memref_slice %arg2[%dma_wait3A_129, %mul3A_106, %dma_wait3A_130] : memref<2x2500x128xi32, #tpu.memory_space<hbm>> -> memref<2x2x128xi32, #tpu.memory_space<hbm>>
        %dma_wait3A_132 = arith.constant 0 : i32
        %dma_wait3A_133 = arith.constant 0 : i32
        %dma_wait3A_134 = arith.constant 0 : i32
        %dma_wait3A_135 = tpu.memref_slice %arg12[%dma_wait3A_123, %dma_wait3A_132, %dma_wait3A_133, %dma_wait3A_134] : memref<2x2x2x128xi32, #tpu.memory_space<vmem>> -> memref<1x2x2x128xi32, #tpu.memory_space<vmem>>
        %dma_wait3A_136 = tpu.memref_squeeze %dma_wait3A_135 : memref<1x2x2x128xi32, #tpu.memory_space<vmem>> -> memref<2x2x128xi32, #tpu.memory_space<vmem>>
        %dma_wait3A_137 = arith.constant 0 : i32
        %dma_wait3A_138 = arith.constant 0 : i32
        %dma_wait3A_139 = tpu.memref_slice %arg2[%dma_wait3A_137, %mul3A_106, %dma_wait3A_138] : memref<2x2500x128xi32, #tpu.memory_space<hbm>> -> memref<2x2x128xi32, #tpu.memory_space<hbm>>
        tpu.wait_dma2 semaphore(%arg20 : memref<!tpu.dma_semaphore, #tpu.memory_space<semaphore_mem>>) src(%dma_wait3A_139 : memref<2x2x128xi32, #tpu.memory_space<hbm>>) dst(%dma_wait3A_136 : memref<2x2x128xi32, #tpu.memory_space<vmem>>)
        %dma_start3A_140 = arith.constant 0 : i32
        %dma_start3A_141 = arith.constant 0 : i32
        %dma_start3A_142 = arith.constant 0 : i32
        %dma_start3A_143 = arith.constant 0 : i32
        %dma_start3A_144 = arith.constant 0 : i32
        %dma_start3A_145 = tpu.memref_slice %arg13[%dma_start3A_143, %dma_start3A_144] : memref<512x32xf32, #tpu.memory_space<vmem>> -> memref<128x32xf32, #tpu.memory_space<vmem>>
        %dma_start3A_146 = arith.constant 0 : i32
        %dma_start3A_147 = tpu.memref_slice %arg12[%dma_start3A_140, %dma_start3A_141, %dma_start3A_142, %dma_start3A_146] : memref<2x2x2x128xi32, #tpu.memory_space<vmem>> -> memref<1x1x1x128xi32, #tpu.memory_space<vmem>>
        %dma_start3A_148 = tpu.memref_squeeze %dma_start3A_147 : memref<1x1x1x128xi32, #tpu.memory_space<vmem>> -> memref<128xi32, #tpu.memory_space<vmem>>
        %dma_start3A_149 = arith.constant 0 : i32
        %dma_start3A_150 = arith.constant 0 : i32
        %dma_start3A_151 = tpu.memref_slice %arg3[%dma_start3A_149, %dma_start3A_150] : memref<10000x32xf32, #tpu.memory_space<hbm>> -> memref<10000x32xf32, #tpu.memory_space<hbm>>
        tpu.enqueue_indirect_dma source(%dma_start3A_151 : memref<10000x32xf32, #tpu.memory_space<hbm>>) target(%dma_start3A_145 : memref<128x32xf32, #tpu.memory_space<vmem>>) offsets(%dma_start3A_148 : memref<128xi32, #tpu.memory_space<vmem>>) semaphore(%arg21 : memref<!tpu.dma_semaphore, #tpu.memory_space<semaphore_mem>>)
        %dma_start3A_152 = arith.constant 0 : i32
        %dma_start3A_153 = arith.constant 1 : i32
        %dma_start3A_154 = arith.constant 0 : i32
        %dma_start3A_155 = arith.constant 0 : i32
        %dma_start3A_156 = arith.constant 0 : i32
        %dma_start3A_157 = tpu.memref_slice %arg14[%dma_start3A_155, %dma_start3A_156] : memref<512x32xf32, #tpu.memory_space<vmem>> -> memref<128x32xf32, #tpu.memory_space<vmem>>
        %dma_start3A_158 = arith.constant 0 : i32
        %dma_start3A_159 = tpu.memref_slice %arg12[%dma_start3A_152, %dma_start3A_153, %dma_start3A_154, %dma_start3A_158] : memref<2x2x2x128xi32, #tpu.memory_space<vmem>> -> memref<1x1x1x128xi32, #tpu.memory_space<vmem>>
        %dma_start3A_160 = tpu.memref_squeeze %dma_start3A_159 : memref<1x1x1x128xi32, #tpu.memory_space<vmem>> -> memref<128xi32, #tpu.memory_space<vmem>>
        %dma_start3A_161 = arith.constant 0 : i32
        %dma_start3A_162 = arith.constant 0 : i32
        %dma_start3A_163 = tpu.memref_slice %arg4[%dma_start3A_161, %dma_start3A_162] : memref<10000x32xf32, #tpu.memory_space<hbm>> -> memref<10000x32xf32, #tpu.memory_space<hbm>>
        tpu.enqueue_indirect_dma source(%dma_start3A_163 : memref<10000x32xf32, #tpu.memory_space<hbm>>) target(%dma_start3A_157 : memref<128x32xf32, #tpu.memory_space<vmem>>) offsets(%dma_start3A_160 : memref<128xi32, #tpu.memory_space<vmem>>) semaphore(%arg22 : memref<!tpu.dma_semaphore, #tpu.memory_space<semaphore_mem>>)
        %dma_start3A_164 = arith.constant 0 : i32
        %dma_start3A_165 = arith.constant 0 : i32
        %dma_start3A_166 = arith.constant 1 : i32
        %dma_start3A_167 = arith.constant 128 : i32
        %dma_start3A_168 = arith.constant 0 : i32
        %dma_start3A_169 = tpu.memref_slice %arg13[%dma_start3A_167, %dma_start3A_168] : memref<512x32xf32, #tpu.memory_space<vmem>> -> memref<128x32xf32, #tpu.memory_space<vmem>>
        %dma_start3A_170 = arith.constant 0 : i32
        %dma_start3A_171 = tpu.memref_slice %arg12[%dma_start3A_164, %dma_start3A_165, %dma_start3A_166, %dma_start3A_170] : memref<2x2x2x128xi32, #tpu.memory_space<vmem>> -> memref<1x1x1x128xi32, #tpu.memory_space<vmem>>
        %dma_start3A_172 = tpu.memref_squeeze %dma_start3A_171 : memref<1x1x1x128xi32, #tpu.memory_space<vmem>> -> memref<128xi32, #tpu.memory_space<vmem>>
        %dma_start3A_173 = arith.constant 0 : i32
        %dma_start3A_174 = arith.constant 0 : i32
        %dma_start3A_175 = tpu.memref_slice %arg3[%dma_start3A_173, %dma_start3A_174] : memref<10000x32xf32, #tpu.memory_space<hbm>> -> memref<10000x32xf32, #tpu.memory_space<hbm>>
        tpu.enqueue_indirect_dma source(%dma_start3A_175 : memref<10000x32xf32, #tpu.memory_space<hbm>>) target(%dma_start3A_169 : memref<128x32xf32, #tpu.memory_space<vmem>>) offsets(%dma_start3A_172 : memref<128xi32, #tpu.memory_space<vmem>>) semaphore(%arg21 : memref<!tpu.dma_semaphore, #tpu.memory_space<semaphore_mem>>)
        %dma_start3A_176 = arith.constant 0 : i32
        %dma_start3A_177 = arith.constant 1 : i32
        %dma_start3A_178 = arith.constant 1 : i32
        %dma_start3A_179 = arith.constant 128 : i32
        %dma_start3A_180 = arith.constant 0 : i32
        %dma_start3A_181 = tpu.memref_slice %arg14[%dma_start3A_179, %dma_start3A_180] : memref<512x32xf32, #tpu.memory_space<vmem>> -> memref<128x32xf32, #tpu.memory_space<vmem>>
        %dma_start3A_182 = arith.constant 0 : i32
        %dma_start3A_183 = tpu.memref_slice %arg12[%dma_start3A_176, %dma_start3A_177, %dma_start3A_178, %dma_start3A_182] : memref<2x2x2x128xi32, #tpu.memory_space<vmem>> -> memref<1x1x1x128xi32, #tpu.memory_space<vmem>>
        %dma_start3A_184 = tpu.memref_squeeze %dma_start3A_183 : memref<1x1x1x128xi32, #tpu.memory_space<vmem>> -> memref<128xi32, #tpu.memory_space<vmem>>
        %dma_start3A_185 = arith.constant 0 : i32
        %dma_start3A_186 = arith.constant 0 : i32
        %dma_start3A_187 = tpu.memref_slice %arg4[%dma_start3A_185, %dma_start3A_186] : memref<10000x32xf32, #tpu.memory_space<hbm>> -> memref<10000x32xf32, #tpu.memory_space<hbm>>
        tpu.enqueue_indirect_dma source(%dma_start3A_187 : memref<10000x32xf32, #tpu.memory_space<hbm>>) target(%dma_start3A_181 : memref<128x32xf32, #tpu.memory_space<vmem>>) offsets(%dma_start3A_184 : memref<128xi32, #tpu.memory_space<vmem>>) semaphore(%arg22 : memref<!tpu.dma_semaphore, #tpu.memory_space<semaphore_mem>>)
        %mul3A_188 = arith.constant 32 : i32
        %mul3A_189 = arith.muli %add3A_89, %mul3A_188 : i32
        %dma_start3A_190 = arith.constant 0 : i32
        %dma_start3A_191 = arith.constant 0 : i32
        %dma_start3A_192 = arith.constant 0 : i32
        %dma_start3A_193 = tpu.memref_slice %arg15[%dma_start3A_190, %dma_start3A_191, %dma_start3A_192] : memref<64x8x32xf32, #tpu.memory_space<vmem>> -> memref<32x8x32xf32, #tpu.memory_space<vmem>>
        %dma_start3A_194 = arith.constant 0 : i32
        %dma_start3A_195 = arith.constant 0 : i32
        %dma_start3A_196 = tpu.memref_slice %arg5[%mul3A_189, %dma_start3A_194, %dma_start3A_195] : memref<40000x8x128xf32, #tpu.memory_space<hbm>> -> memref<32x8x32xf32, #tpu.memory_space<hbm>>
        %dma_start3A_197 = arith.constant 0 : i32
        %dma_start3A_198 = arith.constant 0 : i32
        %dma_start3A_199 = arith.constant 0 : i32
        %dma_start3A_200 = tpu.memref_slice %arg15[%dma_start3A_197, %dma_start3A_198, %dma_start3A_199] : memref<64x8x32xf32, #tpu.memory_space<vmem>> -> memref<32x8x32xf32, #tpu.memory_space<vmem>>
        %dma_start3A_201 = arith.constant 0 : i32
        %dma_start3A_202 = arith.constant 0 : i32
        %dma_start3A_203 = tpu.memref_slice %arg5[%mul3A_189, %dma_start3A_201, %dma_start3A_202] : memref<40000x8x128xf32, #tpu.memory_space<hbm>> -> memref<32x8x32xf32, #tpu.memory_space<hbm>>
        tpu.enqueue_dma source(%dma_start3A_203 : memref<32x8x32xf32, #tpu.memory_space<hbm>>) target(%dma_start3A_200 : memref<32x8x32xf32, #tpu.memory_space<vmem>>) target_semaphore(%arg23 : memref<!tpu.dma_semaphore, #tpu.memory_space<semaphore_mem>>)
      } else {
      }
      %add3A_95 = arith.constant 1 : i32
      %add3A_96 = arith.addi %mul3A_48, %add3A_95 : i32
      %mul3A_97 = arith.constant 32 : i32
      %mul3A_98 = arith.muli %add3A_96, %mul3A_97 : i32
      %add3A_99 = arith.addi %add3A, %mul3A_98 : i32
      %lt3A_100 = arith.constant 1250 : i32
      %lt3A_101 = arith.cmpi slt, %add3A_99, %lt3A_100 : i32
      %convert_element_type3A_102 = arith.extui %lt3A_101 : i1 to i32
      %cond3A_103 = arith.constant 0 : i32
      %cond3A_104 = arith.cmpi ne, %convert_element_type3A_102, %cond3A_103 : i32
      scf.if %cond3A_104 {
        %sub3A = arith.constant 64 : i32
        %sub3A_105 = arith.subi %add3A_99, %sub3A : i32
        %ge3A = arith.constant 0 : i32
        %ge3A_106 = arith.cmpi sge, %sub3A_105, %ge3A : i32
        %convert_element_type3A_107 = arith.extui %ge3A_106 : i1 to i32
        %cond3A_108 = arith.constant 0 : i32
        %cond3A_109 = arith.cmpi ne, %convert_element_type3A_107, %cond3A_108 : i32
        scf.if %cond3A_109 {
          %mul3A_138 = arith.constant 64 : i32
          %mul3A_139 = arith.muli %sub3A_105, %mul3A_138 : i32
          %dma_wait3A_140 = arith.constant 64 : i32
          %dma_wait3A_141 = arith.constant 0 : i32
          %dma_wait3A_142 = tpu.memref_slice %arg16[%dma_wait3A_140, %dma_wait3A_141] : memref<128x128xf32, #tpu.memory_space<vmem>> -> memref<64x128xf32, #tpu.memory_space<vmem>>
          %dma_wait3A_143 = arith.constant 0 : i32
          %dma_wait3A_144 = tpu.memref_slice %arg9[%mul3A_139, %dma_wait3A_143] : memref<80000x128xf32, #tpu.memory_space<hbm>> -> memref<64x128xf32, #tpu.memory_space<hbm>>
          %dma_wait3A_145 = arith.constant 0 : i32
          %dma_wait3A_146 = tpu.memref_slice %arg9[%mul3A_139, %dma_wait3A_145] : memref<80000x128xf32, #tpu.memory_space<hbm>> -> memref<64x128xf32, #tpu.memory_space<hbm>>
          %dma_wait3A_147 = arith.constant 64 : i32
          %dma_wait3A_148 = arith.constant 0 : i32
          %dma_wait3A_149 = tpu.memref_slice %arg16[%dma_wait3A_147, %dma_wait3A_148] : memref<128x128xf32, #tpu.memory_space<vmem>> -> memref<64x128xf32, #tpu.memory_space<vmem>>
          tpu.wait_dma2 semaphore(%arg24 : memref<!tpu.dma_semaphore, #tpu.memory_space<semaphore_mem>>) src(%dma_wait3A_149 : memref<64x128xf32, #tpu.memory_space<vmem>>) dst(%dma_wait3A_146 : memref<64x128xf32, #tpu.memory_space<hbm>>)
        } else {
        }
        %scan3A_110 = arith.constant 0 : i32
        %scan3A_111 = arith.constant 0 : i32
        %scan3A_112 = arith.constant 32 : i32
        %scan3A_113 = arith.addi %scan3A_111, %scan3A_112 : i32
        %scan3A_114 = arith.constant 1 : i32
        scf.for %scan3A_138 = %scan3A_111 to %scan3A_113 step %scan3A_114  : i32 {
          %mul3A_139 = arith.constant 8 : i32
          %mul3A_140 = arith.muli %scan3A_138, %mul3A_139 : i32
          %add3A_141 = arith.constant 256 : i32
          %add3A_142 = arith.addi %add3A_141, %mul3A_140 : i32
          %add3A_143 = arith.constant 0 : i32
          %add3A_144 = arith.addi %add3A_142, %add3A_143 : i32
          %add3A_145 = arith.constant 32 : i32
          %add3A_146 = arith.addi %add3A_145, %scan3A_138 : i32
          %mul3A_147 = arith.constant 2 : i32
          %mul3A_148 = arith.muli %scan3A_138, %mul3A_147 : i32
          %add3A_149 = arith.constant 64 : i32
          %add3A_150 = arith.addi %add3A_149, %mul3A_148 : i32
          %add3A_151 = arith.constant 0 : i32
          %add3A_152 = arith.addi %add3A_150, %add3A_151 : i32
          %get3A = arith.index_cast %add3A_144 : i32 to index
          %get3A_153 = arith.constant 0 : index
          %get3A_154 = tpu.vector_load %arg13[%get3A, %get3A_153] {strides = array<i32>} : memref<512x32xf32, #tpu.memory_space<vmem>>, vector<1x16xf32>,
          %get3A_155 = vector.shape_cast %get3A_154 : vector<1x16xf32> to vector<16xf32>
          %get3A_156 = arith.index_cast %add3A_144 : i32 to index
          %get3A_157 = arith.constant 0 : index
          %get3A_158 = tpu.vector_load %arg14[%get3A_156, %get3A_157] {strides = array<i32>} : memref<512x32xf32, #tpu.memory_space<vmem>>, vector<1x16xf32>,
          %get3A_159 = vector.shape_cast %get3A_158 : vector<1x16xf32> to vector<16xf32>
          %add3A_160 = arith.addf %get3A_155, %get3A_159 : vector<16xf32>
          %get3A_161 = arith.constant 0 : i32
          %get3A_162 = arith.index_cast %add3A_146 : i32 to index
          %get3A_163 = arith.index_cast %get3A_161 : i32 to index
          %get3A_164 = arith.constant 0 : index
          %get3A_165 = tpu.vector_load %arg15[%get3A_162, %get3A_163, %get3A_164] {strides = array<i32>} : memref<64x8x32xf32, #tpu.memory_space<vmem>>, vector<1x1x16xf32>,
          %get3A_166 = vector.shape_cast %get3A_165 : vector<1x1x16xf32> to vector<16xf32>
          %add3A_167 = arith.addf %add3A_160, %get3A_166 : vector<16xf32>
          %abs3A = math.absf %add3A_167 : vector<16xf32>
          %neg3A = arith.constant 0.000000e+00 : f32
          %neg3A_168 = vector.broadcast %neg3A : f32 to vector<16xf32>
          %neg3A_169 = arith.subf %neg3A_168, %abs3A : vector<16xf32>
          %exp3A = math.exp %neg3A_169 : vector<16xf32>
          %mul3A_170 = arith.constant 0.0410644412 : f32
          %mul3A_171 = vector.broadcast %mul3A_170 : f32 to vector<16xf32>
          %mul3A_172 = arith.mulf %mul3A_171, %exp3A : vector<16xf32>
          %add3A_173 = arith.constant -0.156028271 : f32
          %add3A_174 = vector.broadcast %add3A_173 : f32 to vector<16xf32>
          %add3A_175 = arith.addf %mul3A_172, %add3A_174 : vector<16xf32>
          %mul3A_176 = arith.mulf %add3A_175, %exp3A : vector<16xf32>
          %add3A_177 = arith.constant 0.304672241 : f32
          %add3A_178 = vector.broadcast %add3A_177 : f32 to vector<16xf32>
          %add3A_179 = arith.addf %mul3A_176, %add3A_178 : vector<16xf32>
          %mul3A_180 = arith.mulf %add3A_179, %exp3A : vector<16xf32>
          %add3A_181 = arith.constant -0.496368259 : f32
          %add3A_182 = vector.broadcast %add3A_181 : f32 to vector<16xf32>
          %add3A_183 = arith.addf %mul3A_180, %add3A_182 : vector<16xf32>
          %mul3A_184 = arith.mulf %add3A_183, %exp3A : vector<16xf32>
          %add3A_185 = arith.constant 0.999887943 : f32
          %add3A_186 = vector.broadcast %add3A_185 : f32 to vector<16xf32>
          %add3A_187 = arith.addf %mul3A_184, %add3A_186 : vector<16xf32>
          %max3A = arith.constant 0.000000e+00 : f32
          %max3A_188 = vector.broadcast %max3A : f32 to vector<16xf32>
          %max3A_189 = arith.maximumf %add3A_167, %max3A_188 : vector<16xf32>
          %mul3A_190 = arith.mulf %exp3A, %add3A_187 : vector<16xf32>
          %add3A_191 = arith.addf %max3A_189, %mul3A_190 : vector<16xf32>
          %swap3A = arith.index_cast %add3A_144 : i32 to index
          %swap3A_192 = arith.constant 0 : index
          %swap3A_193 = tpu.vector_load %arg13[%swap3A, %swap3A_192] {strides = array<i32>} : memref<512x32xf32, #tpu.memory_space<vmem>>, vector<1x16xf32>,
          %swap3A_194 = vector.shape_cast %swap3A_193 : vector<1x16xf32> to vector<16xf32>
          %swap3A_195 = vector.shape_cast %add3A_191 : vector<16xf32> to vector<1x16xf32>
          tpu.vector_store %arg13[%swap3A, %swap3A_192], %swap3A_195 {strides = array<i32>} : memref<512x32xf32, #tpu.memory_space<vmem>>, vector<1x16xf32>,
          %swap3A_196 = arith.index_cast %add3A_152 : i32 to index
          %swap3A_197 = arith.constant 0 : index
          %swap3A_198 = tpu.vector_load %arg16[%swap3A_196, %swap3A_197] {strides = array<i32>} : memref<128x128xf32, #tpu.memory_space<vmem>>, vector<1x16xf32>,
          %swap3A_199 = vector.shape_cast %swap3A_198 : vector<1x16xf32> to vector<16xf32>
          %swap3A_200 = vector.shape_cast %add3A_191 : vector<16xf32> to vector<1x16xf32>
          tpu.vector_store %arg16[%swap3A_196, %swap3A_197], %swap3A_200 {strides = array<i32>} : memref<128x128xf32, #tpu.memory_space<vmem>>, vector<1x16xf32>,
          %mul3A_201 = arith.constant 8 : i32
          %mul3A_202 = arith.muli %scan3A_138, %mul3A_201 : i32
          %add3A_203 = arith.constant 256 : i32
          %add3A_204 = arith.addi %add3A_203, %mul3A_202 : i32
          %add3A_205 = arith.constant 0 : i32
          %add3A_206 = arith.addi %add3A_204, %add3A_205 : i32
          %add3A_207 = arith.constant 32 : i32
          %add3A_208 = arith.addi %add3A_207, %scan3A_138 : i32
          %mul3A_209 = arith.constant 2 : i32
          %mul3A_210 = arith.muli %scan3A_138, %mul3A_209 : i32
          %add3A_211 = arith.constant 64 : i32
          %add3A_212 = arith.addi %add3A_211, %mul3A_210 : i32
          %add3A_213 = arith.constant 0 : i32
          %add3A_214 = arith.addi %add3A_212, %add3A_213 : i32
          %get3A_215 = arith.index_cast %add3A_206 : i32 to index
          %get3A_216 = arith.constant 16 : index
          %get3A_217 = tpu.vector_load %arg13[%get3A_215, %get3A_216] {strides = array<i32>} : memref<512x32xf32, #tpu.memory_space<vmem>>, vector<1x16xf32>,
          %get3A_218 = vector.shape_cast %get3A_217 : vector<1x16xf32> to vector<16xf32>
          %get3A_219 = arith.index_cast %add3A_206 : i32 to index
          %get3A_220 = arith.constant 16 : index
          %get3A_221 = tpu.vector_load %arg14[%get3A_219, %get3A_220] {strides = array<i32>} : memref<512x32xf32, #tpu.memory_space<vmem>>, vector<1x16xf32>,
          %get3A_222 = vector.shape_cast %get3A_221 : vector<1x16xf32> to vector<16xf32>
          %add3A_223 = arith.addf %get3A_218, %get3A_222 : vector<16xf32>
          %get3A_224 = arith.constant 0 : i32
          %get3A_225 = arith.index_cast %add3A_208 : i32 to index
          %get3A_226 = arith.index_cast %get3A_224 : i32 to index
          %get3A_227 = arith.constant 16 : index
          %get3A_228 = tpu.vector_load %arg15[%get3A_225, %get3A_226, %get3A_227] {strides = array<i32>} : memref<64x8x32xf32, #tpu.memory_space<vmem>>, vector<1x1x16xf32>,
          %get3A_229 = vector.shape_cast %get3A_228 : vector<1x1x16xf32> to vector<16xf32>
          %add3A_230 = arith.addf %add3A_223, %get3A_229 : vector<16xf32>
          %abs3A_231 = math.absf %add3A_230 : vector<16xf32>
          %neg3A_232 = arith.constant 0.000000e+00 : f32
          %neg3A_233 = vector.broadcast %neg3A_232 : f32 to vector<16xf32>
          %neg3A_234 = arith.subf %neg3A_233, %abs3A_231 : vector<16xf32>
          %exp3A_235 = math.exp %neg3A_234 : vector<16xf32>
          %mul3A_236 = arith.constant 0.0410644412 : f32
          %mul3A_237 = vector.broadcast %mul3A_236 : f32 to vector<16xf32>
          %mul3A_238 = arith.mulf %mul3A_237, %exp3A_235 : vector<16xf32>
          %add3A_239 = arith.constant -0.156028271 : f32
          %add3A_240 = vector.broadcast %add3A_239 : f32 to vector<16xf32>
          %add3A_241 = arith.addf %mul3A_238, %add3A_240 : vector<16xf32>
          %mul3A_242 = arith.mulf %add3A_241, %exp3A_235 : vector<16xf32>
          %add3A_243 = arith.constant 0.304672241 : f32
          %add3A_244 = vector.broadcast %add3A_243 : f32 to vector<16xf32>
          %add3A_245 = arith.addf %mul3A_242, %add3A_244 : vector<16xf32>
          %mul3A_246 = arith.mulf %add3A_245, %exp3A_235 : vector<16xf32>
          %add3A_247 = arith.constant -0.496368259 : f32
          %add3A_248 = vector.broadcast %add3A_247 : f32 to vector<16xf32>
          %add3A_249 = arith.addf %mul3A_246, %add3A_248 : vector<16xf32>
          %mul3A_250 = arith.mulf %add3A_249, %exp3A_235 : vector<16xf32>
          %add3A_251 = arith.constant 0.999887943 : f32
          %add3A_252 = vector.broadcast %add3A_251 : f32 to vector<16xf32>
          %add3A_253 = arith.addf %mul3A_250, %add3A_252 : vector<16xf32>
          %max3A_254 = arith.constant 0.000000e+00 : f32
          %max3A_255 = vector.broadcast %max3A_254 : f32 to vector<16xf32>
          %max3A_256 = arith.maximumf %add3A_230, %max3A_255 : vector<16xf32>
          %mul3A_257 = arith.mulf %exp3A_235, %add3A_253 : vector<16xf32>
          %add3A_258 = arith.addf %max3A_256, %mul3A_257 : vector<16xf32>
          %swap3A_259 = arith.index_cast %add3A_206 : i32 to index
          %swap3A_260 = arith.constant 16 : index
          %swap3A_261 = tpu.vector_load %arg13[%swap3A_259, %swap3A_260] {strides = array<i32>} : memref<512x32xf32, #tpu.memory_space<vmem>>, vector<1x16xf32>,
          %swap3A_262 = vector.shape_cast %swap3A_261 : vector<1x16xf32> to vector<16xf32>
          %swap3A_263 = vector.shape_cast %add3A_258 : vector<16xf32> to vector<1x16xf32>
          tpu.vector_store %arg13[%swap3A_259, %swap3A_260], %swap3A_263 {strides = array<i32>} : memref<512x32xf32, #tpu.memory_space<vmem>>, vector<1x16xf32>,
          %swap3A_264 = arith.index_cast %add3A_214 : i32 to index
          %swap3A_265 = arith.constant 16 : index
          %swap3A_266 = tpu.vector_load %arg16[%swap3A_264, %swap3A_265] {strides = array<i32>} : memref<128x128xf32, #tpu.memory_space<vmem>>, vector<1x16xf32>,
          %swap3A_267 = vector.shape_cast %swap3A_266 : vector<1x16xf32> to vector<16xf32>
          %swap3A_268 = vector.shape_cast %add3A_258 : vector<16xf32> to vector<1x16xf32>
          tpu.vector_store %arg16[%swap3A_264, %swap3A_265], %swap3A_268 {strides = array<i32>} : memref<128x128xf32, #tpu.memory_space<vmem>>, vector<1x16xf32>,
          %mul3A_269 = arith.constant 8 : i32
          %mul3A_270 = arith.muli %scan3A_138, %mul3A_269 : i32
          %add3A_271 = arith.constant 256 : i32
          %add3A_272 = arith.addi %add3A_271, %mul3A_270 : i32
          %add3A_273 = arith.constant 1 : i32
          %add3A_274 = arith.addi %add3A_272, %add3A_273 : i32
          %add3A_275 = arith.constant 32 : i32
          %add3A_276 = arith.addi %add3A_275, %scan3A_138 : i32
          %mul3A_277 = arith.constant 2 : i32
          %mul3A_278 = arith.muli %scan3A_138, %mul3A_277 : i32
          %add3A_279 = arith.constant 64 : i32
          %add3A_280 = arith.addi %add3A_279, %mul3A_278 : i32
          %add3A_281 = arith.constant 0 : i32
          %add3A_282 = arith.addi %add3A_280, %add3A_281 : i32
          %get3A_283 = arith.index_cast %add3A_274 : i32 to index
          %get3A_284 = arith.constant 0 : index
          %get3A_285 = tpu.vector_load %arg13[%get3A_283, %get3A_284] {strides = array<i32>} : memref<512x32xf32, #tpu.memory_space<vmem>>, vector<1x16xf32>,
          %get3A_286 = vector.shape_cast %get3A_285 : vector<1x16xf32> to vector<16xf32>
          %get3A_287 = arith.index_cast %add3A_274 : i32 to index
          %get3A_288 = arith.constant 0 : index
          %get3A_289 = tpu.vector_load %arg14[%get3A_287, %get3A_288] {strides = array<i32>} : memref<512x32xf32, #tpu.memory_space<vmem>>, vector<1x16xf32>,
          %get3A_290 = vector.shape_cast %get3A_289 : vector<1x16xf32> to vector<16xf32>
          %add3A_291 = arith.addf %get3A_286, %get3A_290 : vector<16xf32>
          %get3A_292 = arith.constant 1 : i32
          %get3A_293 = arith.index_cast %add3A_276 : i32 to index
          %get3A_294 = arith.index_cast %get3A_292 : i32 to index
          %get3A_295 = arith.constant 0 : index
          %get3A_296 = tpu.vector_load %arg15[%get3A_293, %get3A_294, %get3A_295] {strides = array<i32>} : memref<64x8x32xf32, #tpu.memory_space<vmem>>, vector<1x1x16xf32>,
          %get3A_297 = vector.shape_cast %get3A_296 : vector<1x1x16xf32> to vector<16xf32>
          %add3A_298 = arith.addf %add3A_291, %get3A_297 : vector<16xf32>
          %abs3A_299 = math.absf %add3A_298 : vector<16xf32>
          %neg3A_300 = arith.constant 0.000000e+00 : f32
          %neg3A_301 = vector.broadcast %neg3A_300 : f32 to vector<16xf32>
          %neg3A_302 = arith.subf %neg3A_301, %abs3A_299 : vector<16xf32>
          %exp3A_303 = math.exp %neg3A_302 : vector<16xf32>
          %mul3A_304 = arith.constant 0.0410644412 : f32
          %mul3A_305 = vector.broadcast %mul3A_304 : f32 to vector<16xf32>
          %mul3A_306 = arith.mulf %mul3A_305, %exp3A_303 : vector<16xf32>
          %add3A_307 = arith.constant -0.156028271 : f32
          %add3A_308 = vector.broadcast %add3A_307 : f32 to vector<16xf32>
          %add3A_309 = arith.addf %mul3A_306, %add3A_308 : vector<16xf32>
          %mul3A_310 = arith.mulf %add3A_309, %exp3A_303 : vector<16xf32>
          %add3A_311 = arith.constant 0.304672241 : f32
          %add3A_312 = vector.broadcast %add3A_311 : f32 to vector<16xf32>
          %add3A_313 = arith.addf %mul3A_310, %add3A_312 : vector<16xf32>
          %mul3A_314 = arith.mulf %add3A_313, %exp3A_303 : vector<16xf32>
          %add3A_315 = arith.constant -0.496368259 : f32
          %add3A_316 = vector.broadcast %add3A_315 : f32 to vector<16xf32>
          %add3A_317 = arith.addf %mul3A_314, %add3A_316 : vector<16xf32>
          %mul3A_318 = arith.mulf %add3A_317, %exp3A_303 : vector<16xf32>
          %add3A_319 = arith.constant 0.999887943 : f32
          %add3A_320 = vector.broadcast %add3A_319 : f32 to vector<16xf32>
          %add3A_321 = arith.addf %mul3A_318, %add3A_320 : vector<16xf32>
          %max3A_322 = arith.constant 0.000000e+00 : f32
          %max3A_323 = vector.broadcast %max3A_322 : f32 to vector<16xf32>
          %max3A_324 = arith.maximumf %add3A_298, %max3A_323 : vector<16xf32>
          %mul3A_325 = arith.mulf %exp3A_303, %add3A_321 : vector<16xf32>
          %add3A_326 = arith.addf %max3A_324, %mul3A_325 : vector<16xf32>
          %swap3A_327 = arith.index_cast %add3A_274 : i32 to index
          %swap3A_328 = arith.constant 0 : index
          %swap3A_329 = tpu.vector_load %arg13[%swap3A_327, %swap3A_328] {strides = array<i32>} : memref<512x32xf32, #tpu.memory_space<vmem>>, vector<1x16xf32>,
          %swap3A_330 = vector.shape_cast %swap3A_329 : vector<1x16xf32> to vector<16xf32>
          %swap3A_331 = vector.shape_cast %add3A_326 : vector<16xf32> to vector<1x16xf32>
          tpu.vector_store %arg13[%swap3A_327, %swap3A_328], %swap3A_331 {strides = array<i32>} : memref<512x32xf32, #tpu.memory_space<vmem>>, vector<1x16xf32>,
          %swap3A_332 = arith.index_cast %add3A_282 : i32 to index
          %swap3A_333 = arith.constant 32 : index
          %swap3A_334 = tpu.vector_load %arg16[%swap3A_332, %swap3A_333] {strides = array<i32>} : memref<128x128xf32, #tpu.memory_space<vmem>>, vector<1x16xf32>,
          %swap3A_335 = vector.shape_cast %swap3A_334 : vector<1x16xf32> to vector<16xf32>
          %swap3A_336 = vector.shape_cast %add3A_326 : vector<16xf32> to vector<1x16xf32>
          tpu.vector_store %arg16[%swap3A_332, %swap3A_333], %swap3A_336 {strides = array<i32>} : memref<128x128xf32, #tpu.memory_space<vmem>>, vector<1x16xf32>,
          %mul3A_337 = arith.constant 8 : i32
          %mul3A_338 = arith.muli %scan3A_138, %mul3A_337 : i32
          %add3A_339 = arith.constant 256 : i32
          %add3A_340 = arith.addi %add3A_339, %mul3A_338 : i32
          %add3A_341 = arith.constant 1 : i32
          %add3A_342 = arith.addi %add3A_340, %add3A_341 : i32
          %add3A_343 = arith.constant 32 : i32
          %add3A_344 = arith.addi %add3A_343, %scan3A_138 : i32
          %mul3A_345 = arith.constant 2 : i32
          %mul3A_346 = arith.muli %scan3A_138, %mul3A_345 : i32
          %add3A_347 = arith.constant 64 : i32
          %add3A_348 = arith.addi %add3A_347, %mul3A_346 : i32
          %add3A_349 = arith.constant 0 : i32
          %add3A_350 = arith.addi %add3A_348, %add3A_349 : i32
          %get3A_351 = arith.index_cast %add3A_342 : i32 to index
          %get3A_352 = arith.constant 16 : index
          %get3A_353 = tpu.vector_load %arg13[%get3A_351, %get3A_352] {strides = array<i32>} : memref<512x32xf32, #tpu.memory_space<vmem>>, vector<1x16xf32>,
          %get3A_354 = vector.shape_cast %get3A_353 : vector<1x16xf32> to vector<16xf32>
          %get3A_355 = arith.index_cast %add3A_342 : i32 to index
          %get3A_356 = arith.constant 16 : index
          %get3A_357 = tpu.vector_load %arg14[%get3A_355, %get3A_356] {strides = array<i32>} : memref<512x32xf32, #tpu.memory_space<vmem>>, vector<1x16xf32>,
          %get3A_358 = vector.shape_cast %get3A_357 : vector<1x16xf32> to vector<16xf32>
          %add3A_359 = arith.addf %get3A_354, %get3A_358 : vector<16xf32>
          %get3A_360 = arith.constant 1 : i32
          %get3A_361 = arith.index_cast %add3A_344 : i32 to index
          %get3A_362 = arith.index_cast %get3A_360 : i32 to index
          %get3A_363 = arith.constant 16 : index
          %get3A_364 = tpu.vector_load %arg15[%get3A_361, %get3A_362, %get3A_363] {strides = array<i32>} : memref<64x8x32xf32, #tpu.memory_space<vmem>>, vector<1x1x16xf32>,
          %get3A_365 = vector.shape_cast %get3A_364 : vector<1x1x16xf32> to vector<16xf32>
          %add3A_366 = arith.addf %add3A_359, %get3A_365 : vector<16xf32>
          %abs3A_367 = math.absf %add3A_366 : vector<16xf32>
          %neg3A_368 = arith.constant 0.000000e+00 : f32
          %neg3A_369 = vector.broadcast %neg3A_368 : f32 to vector<16xf32>
          %neg3A_370 = arith.subf %neg3A_369, %abs3A_367 : vector<16xf32>
          %exp3A_371 = math.exp %neg3A_370 : vector<16xf32>
          %mul3A_372 = arith.constant 0.0410644412 : f32
          %mul3A_373 = vector.broadcast %mul3A_372 : f32 to vector<16xf32>
          %mul3A_374 = arith.mulf %mul3A_373, %exp3A_371 : vector<16xf32>
          %add3A_375 = arith.constant -0.156028271 : f32
          %add3A_376 = vector.broadcast %add3A_375 : f32 to vector<16xf32>
          %add3A_377 = arith.addf %mul3A_374, %add3A_376 : vector<16xf32>
          %mul3A_378 = arith.mulf %add3A_377, %exp3A_371 : vector<16xf32>
          %add3A_379 = arith.constant 0.304672241 : f32
          %add3A_380 = vector.broadcast %add3A_379 : f32 to vector<16xf32>
          %add3A_381 = arith.addf %mul3A_378, %add3A_380 : vector<16xf32>
          %mul3A_382 = arith.mulf %add3A_381, %exp3A_371 : vector<16xf32>
          %add3A_383 = arith.constant -0.496368259 : f32
          %add3A_384 = vector.broadcast %add3A_383 : f32 to vector<16xf32>
          %add3A_385 = arith.addf %mul3A_382, %add3A_384 : vector<16xf32>
          %mul3A_386 = arith.mulf %add3A_385, %exp3A_371 : vector<16xf32>
          %add3A_387 = arith.constant 0.999887943 : f32
          %add3A_388 = vector.broadcast %add3A_387 : f32 to vector<16xf32>
          %add3A_389 = arith.addf %mul3A_386, %add3A_388 : vector<16xf32>
          %max3A_390 = arith.constant 0.000000e+00 : f32
          %max3A_391 = vector.broadcast %max3A_390 : f32 to vector<16xf32>
          %max3A_392 = arith.maximumf %add3A_366, %max3A_391 : vector<16xf32>
          %mul3A_393 = arith.mulf %exp3A_371, %add3A_389 : vector<16xf32>
          %add3A_394 = arith.addf %max3A_392, %mul3A_393 : vector<16xf32>
          %swap3A_395 = arith.index_cast %add3A_342 : i32 to index
          %swap3A_396 = arith.constant 16 : index
          %swap3A_397 = tpu.vector_load %arg13[%swap3A_395, %swap3A_396] {strides = array<i32>} : memref<512x32xf32, #tpu.memory_space<vmem>>, vector<1x16xf32>,
          %swap3A_398 = vector.shape_cast %swap3A_397 : vector<1x16xf32> to vector<16xf32>
          %swap3A_399 = vector.shape_cast %add3A_394 : vector<16xf32> to vector<1x16xf32>
          tpu.vector_store %arg13[%swap3A_395, %swap3A_396], %swap3A_399 {strides = array<i32>} : memref<512x32xf32, #tpu.memory_space<vmem>>, vector<1x16xf32>,
          %swap3A_400 = arith.index_cast %add3A_350 : i32 to index
          %swap3A_401 = arith.constant 48 : index
          %swap3A_402 = tpu.vector_load %arg16[%swap3A_400, %swap3A_401] {strides = array<i32>} : memref<128x128xf32, #tpu.memory_space<vmem>>, vector<1x16xf32>,
          %swap3A_403 = vector.shape_cast %swap3A_402 : vector<1x16xf32> to vector<16xf32>
          %swap3A_404 = vector.shape_cast %add3A_394 : vector<16xf32> to vector<1x16xf32>
          tpu.vector_store %arg16[%swap3A_400, %swap3A_401], %swap3A_404 {strides = array<i32>} : memref<128x128xf32, #tpu.memory_space<vmem>>, vector<1x16xf32>,
          %mul3A_405 = arith.constant 8 : i32
          %mul3A_406 = arith.muli %scan3A_138, %mul3A_405 : i32
          %add3A_407 = arith.constant 256 : i32
          %add3A_408 = arith.addi %add3A_407, %mul3A_406 : i32
          %add3A_409 = arith.constant 2 : i32
          %add3A_410 = arith.addi %add3A_408, %add3A_409 : i32
          %add3A_411 = arith.constant 32 : i32
          %add3A_412 = arith.addi %add3A_411, %scan3A_138 : i32
          %mul3A_413 = arith.constant 2 : i32
          %mul3A_414 = arith.muli %scan3A_138, %mul3A_413 : i32
          %add3A_415 = arith.constant 64 : i32
          %add3A_416 = arith.addi %add3A_415, %mul3A_414 : i32
          %add3A_417 = arith.constant 0 : i32
          %add3A_418 = arith.addi %add3A_416, %add3A_417 : i32
          %get3A_419 = arith.index_cast %add3A_410 : i32 to index
          %get3A_420 = arith.constant 0 : index
          %get3A_421 = tpu.vector_load %arg13[%get3A_419, %get3A_420] {strides = array<i32>} : memref<512x32xf32, #tpu.memory_space<vmem>>, vector<1x16xf32>,
          %get3A_422 = vector.shape_cast %get3A_421 : vector<1x16xf32> to vector<16xf32>
          %get3A_423 = arith.index_cast %add3A_410 : i32 to index
          %get3A_424 = arith.constant 0 : index
          %get3A_425 = tpu.vector_load %arg14[%get3A_423, %get3A_424] {strides = array<i32>} : memref<512x32xf32, #tpu.memory_space<vmem>>, vector<1x16xf32>,
          %get3A_426 = vector.shape_cast %get3A_425 : vector<1x16xf32> to vector<16xf32>
          %add3A_427 = arith.addf %get3A_422, %get3A_426 : vector<16xf32>
          %get3A_428 = arith.constant 2 : i32
          %get3A_429 = arith.index_cast %add3A_412 : i32 to index
          %get3A_430 = arith.index_cast %get3A_428 : i32 to index
          %get3A_431 = arith.constant 0 : index
          %get3A_432 = tpu.vector_load %arg15[%get3A_429, %get3A_430, %get3A_431] {strides = array<i32>} : memref<64x8x32xf32, #tpu.memory_space<vmem>>, vector<1x1x16xf32>,
          %get3A_433 = vector.shape_cast %get3A_432 : vector<1x1x16xf32> to vector<16xf32>
          %add3A_434 = arith.addf %add3A_427, %get3A_433 : vector<16xf32>
          %abs3A_435 = math.absf %add3A_434 : vector<16xf32>
          %neg3A_436 = arith.constant 0.000000e+00 : f32
          %neg3A_437 = vector.broadcast %neg3A_436 : f32 to vector<16xf32>
          %neg3A_438 = arith.subf %neg3A_437, %abs3A_435 : vector<16xf32>
          %exp3A_439 = math.exp %neg3A_438 : vector<16xf32>
          %mul3A_440 = arith.constant 0.0410644412 : f32
          %mul3A_441 = vector.broadcast %mul3A_440 : f32 to vector<16xf32>
          %mul3A_442 = arith.mulf %mul3A_441, %exp3A_439 : vector<16xf32>
          %add3A_443 = arith.constant -0.156028271 : f32
          %add3A_444 = vector.broadcast %add3A_443 : f32 to vector<16xf32>
          %add3A_445 = arith.addf %mul3A_442, %add3A_444 : vector<16xf32>
          %mul3A_446 = arith.mulf %add3A_445, %exp3A_439 : vector<16xf32>
          %add3A_447 = arith.constant 0.304672241 : f32
          %add3A_448 = vector.broadcast %add3A_447 : f32 to vector<16xf32>
          %add3A_449 = arith.addf %mul3A_446, %add3A_448 : vector<16xf32>
          %mul3A_450 = arith.mulf %add3A_449, %exp3A_439 : vector<16xf32>
          %add3A_451 = arith.constant -0.496368259 : f32
          %add3A_452 = vector.broadcast %add3A_451 : f32 to vector<16xf32>
          %add3A_453 = arith.addf %mul3A_450, %add3A_452 : vector<16xf32>
          %mul3A_454 = arith.mulf %add3A_453, %exp3A_439 : vector<16xf32>
          %add3A_455 = arith.constant 0.999887943 : f32
          %add3A_456 = vector.broadcast %add3A_455 : f32 to vector<16xf32>
          %add3A_457 = arith.addf %mul3A_454, %add3A_456 : vector<16xf32>
          %max3A_458 = arith.constant 0.000000e+00 : f32
          %max3A_459 = vector.broadcast %max3A_458 : f32 to vector<16xf32>
          %max3A_460 = arith.maximumf %add3A_434, %max3A_459 : vector<16xf32>
          %mul3A_461 = arith.mulf %exp3A_439, %add3A_457 : vector<16xf32>
          %add3A_462 = arith.addf %max3A_460, %mul3A_461 : vector<16xf32>
          %swap3A_463 = arith.index_cast %add3A_410 : i32 to index
          %swap3A_464 = arith.constant 0 : index
          %swap3A_465 = tpu.vector_load %arg13[%swap3A_463, %swap3A_464] {strides = array<i32>} : memref<512x32xf32, #tpu.memory_space<vmem>>, vector<1x16xf32>,
          %swap3A_466 = vector.shape_cast %swap3A_465 : vector<1x16xf32> to vector<16xf32>
          %swap3A_467 = vector.shape_cast %add3A_462 : vector<16xf32> to vector<1x16xf32>
          tpu.vector_store %arg13[%swap3A_463, %swap3A_464], %swap3A_467 {strides = array<i32>} : memref<512x32xf32, #tpu.memory_space<vmem>>, vector<1x16xf32>,
          %swap3A_468 = arith.index_cast %add3A_418 : i32 to index
          %swap3A_469 = arith.constant 64 : index
          %swap3A_470 = tpu.vector_load %arg16[%swap3A_468, %swap3A_469] {strides = array<i32>} : memref<128x128xf32, #tpu.memory_space<vmem>>, vector<1x16xf32>,
          %swap3A_471 = vector.shape_cast %swap3A_470 : vector<1x16xf32> to vector<16xf32>
          %swap3A_472 = vector.shape_cast %add3A_462 : vector<16xf32> to vector<1x16xf32>
          tpu.vector_store %arg16[%swap3A_468, %swap3A_469], %swap3A_472 {strides = array<i32>} : memref<128x128xf32, #tpu.memory_space<vmem>>, vector<1x16xf32>,
          %mul3A_473 = arith.constant 8 : i32
          %mul3A_474 = arith.muli %scan3A_138, %mul3A_473 : i32
          %add3A_475 = arith.constant 256 : i32
          %add3A_476 = arith.addi %add3A_475, %mul3A_474 : i32
          %add3A_477 = arith.constant 2 : i32
          %add3A_478 = arith.addi %add3A_476, %add3A_477 : i32
          %add3A_479 = arith.constant 32 : i32
          %add3A_480 = arith.addi %add3A_479, %scan3A_138 : i32
          %mul3A_481 = arith.constant 2 : i32
          %mul3A_482 = arith.muli %scan3A_138, %mul3A_481 : i32
          %add3A_483 = arith.constant 64 : i32
          %add3A_484 = arith.addi %add3A_483, %mul3A_482 : i32
          %add3A_485 = arith.constant 0 : i32
          %add3A_486 = arith.addi %add3A_484, %add3A_485 : i32
          %get3A_487 = arith.index_cast %add3A_478 : i32 to index
          %get3A_488 = arith.constant 16 : index
          %get3A_489 = tpu.vector_load %arg13[%get3A_487, %get3A_488] {strides = array<i32>} : memref<512x32xf32, #tpu.memory_space<vmem>>, vector<1x16xf32>,
          %get3A_490 = vector.shape_cast %get3A_489 : vector<1x16xf32> to vector<16xf32>
          %get3A_491 = arith.index_cast %add3A_478 : i32 to index
          %get3A_492 = arith.constant 16 : index
          %get3A_493 = tpu.vector_load %arg14[%get3A_491, %get3A_492] {strides = array<i32>} : memref<512x32xf32, #tpu.memory_space<vmem>>, vector<1x16xf32>,
          %get3A_494 = vector.shape_cast %get3A_493 : vector<1x16xf32> to vector<16xf32>
          %add3A_495 = arith.addf %get3A_490, %get3A_494 : vector<16xf32>
          %get3A_496 = arith.constant 2 : i32
          %get3A_497 = arith.index_cast %add3A_480 : i32 to index
          %get3A_498 = arith.index_cast %get3A_496 : i32 to index
          %get3A_499 = arith.constant 16 : index
          %get3A_500 = tpu.vector_load %arg15[%get3A_497, %get3A_498, %get3A_499] {strides = array<i32>} : memref<64x8x32xf32, #tpu.memory_space<vmem>>, vector<1x1x16xf32>,
          %get3A_501 = vector.shape_cast %get3A_500 : vector<1x1x16xf32> to vector<16xf32>
          %add3A_502 = arith.addf %add3A_495, %get3A_501 : vector<16xf32>
          %abs3A_503 = math.absf %add3A_502 : vector<16xf32>
          %neg3A_504 = arith.constant 0.000000e+00 : f32
          %neg3A_505 = vector.broadcast %neg3A_504 : f32 to vector<16xf32>
          %neg3A_506 = arith.subf %neg3A_505, %abs3A_503 : vector<16xf32>
          %exp3A_507 = math.exp %neg3A_506 : vector<16xf32>
          %mul3A_508 = arith.constant 0.0410644412 : f32
          %mul3A_509 = vector.broadcast %mul3A_508 : f32 to vector<16xf32>
          %mul3A_510 = arith.mulf %mul3A_509, %exp3A_507 : vector<16xf32>
          %add3A_511 = arith.constant -0.156028271 : f32
          %add3A_512 = vector.broadcast %add3A_511 : f32 to vector<16xf32>
          %add3A_513 = arith.addf %mul3A_510, %add3A_512 : vector<16xf32>
          %mul3A_514 = arith.mulf %add3A_513, %exp3A_507 : vector<16xf32>
          %add3A_515 = arith.constant 0.304672241 : f32
          %add3A_516 = vector.broadcast %add3A_515 : f32 to vector<16xf32>
          %add3A_517 = arith.addf %mul3A_514, %add3A_516 : vector<16xf32>
          %mul3A_518 = arith.mulf %add3A_517, %exp3A_507 : vector<16xf32>
          %add3A_519 = arith.constant -0.496368259 : f32
          %add3A_520 = vector.broadcast %add3A_519 : f32 to vector<16xf32>
          %add3A_521 = arith.addf %mul3A_518, %add3A_520 : vector<16xf32>
          %mul3A_522 = arith.mulf %add3A_521, %exp3A_507 : vector<16xf32>
          %add3A_523 = arith.constant 0.999887943 : f32
          %add3A_524 = vector.broadcast %add3A_523 : f32 to vector<16xf32>
          %add3A_525 = arith.addf %mul3A_522, %add3A_524 : vector<16xf32>
          %max3A_526 = arith.constant 0.000000e+00 : f32
          %max3A_527 = vector.broadcast %max3A_526 : f32 to vector<16xf32>
          %max3A_528 = arith.maximumf %add3A_502, %max3A_527 : vector<16xf32>
          %mul3A_529 = arith.mulf %exp3A_507, %add3A_525 : vector<16xf32>
          %add3A_530 = arith.addf %max3A_528, %mul3A_529 : vector<16xf32>
          %swap3A_531 = arith.index_cast %add3A_478 : i32 to index
          %swap3A_532 = arith.constant 16 : index
          %swap3A_533 = tpu.vector_load %arg13[%swap3A_531, %swap3A_532] {strides = array<i32>} : memref<512x32xf32, #tpu.memory_space<vmem>>, vector<1x16xf32>,
          %swap3A_534 = vector.shape_cast %swap3A_533 : vector<1x16xf32> to vector<16xf32>
          %swap3A_535 = vector.shape_cast %add3A_530 : vector<16xf32> to vector<1x16xf32>
          tpu.vector_store %arg13[%swap3A_531, %swap3A_532], %swap3A_535 {strides = array<i32>} : memref<512x32xf32, #tpu.memory_space<vmem>>, vector<1x16xf32>,
          %swap3A_536 = arith.index_cast %add3A_486 : i32 to index
          %swap3A_537 = arith.constant 80 : index
          %swap3A_538 = tpu.vector_load %arg16[%swap3A_536, %swap3A_537] {strides = array<i32>} : memref<128x128xf32, #tpu.memory_space<vmem>>, vector<1x16xf32>,
          %swap3A_539 = vector.shape_cast %swap3A_538 : vector<1x16xf32> to vector<16xf32>
          %swap3A_540 = vector.shape_cast %add3A_530 : vector<16xf32> to vector<1x16xf32>
          tpu.vector_store %arg16[%swap3A_536, %swap3A_537], %swap3A_540 {strides = array<i32>} : memref<128x128xf32, #tpu.memory_space<vmem>>, vector<1x16xf32>,
          %mul3A_541 = arith.constant 8 : i32
          %mul3A_542 = arith.muli %scan3A_138, %mul3A_541 : i32
          %add3A_543 = arith.constant 256 : i32
          %add3A_544 = arith.addi %add3A_543, %mul3A_542 : i32
          %add3A_545 = arith.constant 3 : i32
          %add3A_546 = arith.addi %add3A_544, %add3A_545 : i32
          %add3A_547 = arith.constant 32 : i32
          %add3A_548 = arith.addi %add3A_547, %scan3A_138 : i32
          %mul3A_549 = arith.constant 2 : i32
          %mul3A_550 = arith.muli %scan3A_138, %mul3A_549 : i32
          %add3A_551 = arith.constant 64 : i32
          %add3A_552 = arith.addi %add3A_551, %mul3A_550 : i32
          %add3A_553 = arith.constant 0 : i32
          %add3A_554 = arith.addi %add3A_552, %add3A_553 : i32
          %get3A_555 = arith.index_cast %add3A_546 : i32 to index
          %get3A_556 = arith.constant 0 : index
          %get3A_557 = tpu.vector_load %arg13[%get3A_555, %get3A_556] {strides = array<i32>} : memref<512x32xf32, #tpu.memory_space<vmem>>, vector<1x16xf32>,
          %get3A_558 = vector.shape_cast %get3A_557 : vector<1x16xf32> to vector<16xf32>
          %get3A_559 = arith.index_cast %add3A_546 : i32 to index
          %get3A_560 = arith.constant 0 : index
          %get3A_561 = tpu.vector_load %arg14[%get3A_559, %get3A_560] {strides = array<i32>} : memref<512x32xf32, #tpu.memory_space<vmem>>, vector<1x16xf32>,
          %get3A_562 = vector.shape_cast %get3A_561 : vector<1x16xf32> to vector<16xf32>
          %add3A_563 = arith.addf %get3A_558, %get3A_562 : vector<16xf32>
          %get3A_564 = arith.constant 3 : i32
          %get3A_565 = arith.index_cast %add3A_548 : i32 to index
          %get3A_566 = arith.index_cast %get3A_564 : i32 to index
          %get3A_567 = arith.constant 0 : index
          %get3A_568 = tpu.vector_load %arg15[%get3A_565, %get3A_566, %get3A_567] {strides = array<i32>} : memref<64x8x32xf32, #tpu.memory_space<vmem>>, vector<1x1x16xf32>,
          %get3A_569 = vector.shape_cast %get3A_568 : vector<1x1x16xf32> to vector<16xf32>
          %add3A_570 = arith.addf %add3A_563, %get3A_569 : vector<16xf32>
          %abs3A_571 = math.absf %add3A_570 : vector<16xf32>
          %neg3A_572 = arith.constant 0.000000e+00 : f32
          %neg3A_573 = vector.broadcast %neg3A_572 : f32 to vector<16xf32>
          %neg3A_574 = arith.subf %neg3A_573, %abs3A_571 : vector<16xf32>
          %exp3A_575 = math.exp %neg3A_574 : vector<16xf32>
          %mul3A_576 = arith.constant 0.0410644412 : f32
          %mul3A_577 = vector.broadcast %mul3A_576 : f32 to vector<16xf32>
          %mul3A_578 = arith.mulf %mul3A_577, %exp3A_575 : vector<16xf32>
          %add3A_579 = arith.constant -0.156028271 : f32
          %add3A_580 = vector.broadcast %add3A_579 : f32 to vector<16xf32>
          %add3A_581 = arith.addf %mul3A_578, %add3A_580 : vector<16xf32>
          %mul3A_582 = arith.mulf %add3A_581, %exp3A_575 : vector<16xf32>
          %add3A_583 = arith.constant 0.304672241 : f32
          %add3A_584 = vector.broadcast %add3A_583 : f32 to vector<16xf32>
          %add3A_585 = arith.addf %mul3A_582, %add3A_584 : vector<16xf32>
          %mul3A_586 = arith.mulf %add3A_585, %exp3A_575 : vector<16xf32>
          %add3A_587 = arith.constant -0.496368259 : f32
          %add3A_588 = vector.broadcast %add3A_587 : f32 to vector<16xf32>
          %add3A_589 = arith.addf %mul3A_586, %add3A_588 : vector<16xf32>
          %mul3A_590 = arith.mulf %add3A_589, %exp3A_575 : vector<16xf32>
          %add3A_591 = arith.constant 0.999887943 : f32
          %add3A_592 = vector.broadcast %add3A_591 : f32 to vector<16xf32>
          %add3A_593 = arith.addf %mul3A_590, %add3A_592 : vector<16xf32>
          %max3A_594 = arith.constant 0.000000e+00 : f32
          %max3A_595 = vector.broadcast %max3A_594 : f32 to vector<16xf32>
          %max3A_596 = arith.maximumf %add3A_570, %max3A_595 : vector<16xf32>
          %mul3A_597 = arith.mulf %exp3A_575, %add3A_593 : vector<16xf32>
          %add3A_598 = arith.addf %max3A_596, %mul3A_597 : vector<16xf32>
          %swap3A_599 = arith.index_cast %add3A_546 : i32 to index
          %swap3A_600 = arith.constant 0 : index
          %swap3A_601 = tpu.vector_load %arg13[%swap3A_599, %swap3A_600] {strides = array<i32>} : memref<512x32xf32, #tpu.memory_space<vmem>>, vector<1x16xf32>,
          %swap3A_602 = vector.shape_cast %swap3A_601 : vector<1x16xf32> to vector<16xf32>
          %swap3A_603 = vector.shape_cast %add3A_598 : vector<16xf32> to vector<1x16xf32>
          tpu.vector_store %arg13[%swap3A_599, %swap3A_600], %swap3A_603 {strides = array<i32>} : memref<512x32xf32, #tpu.memory_space<vmem>>, vector<1x16xf32>,
          %swap3A_604 = arith.index_cast %add3A_554 : i32 to index
          %swap3A_605 = arith.constant 96 : index
          %swap3A_606 = tpu.vector_load %arg16[%swap3A_604, %swap3A_605] {strides = array<i32>} : memref<128x128xf32, #tpu.memory_space<vmem>>, vector<1x16xf32>,
          %swap3A_607 = vector.shape_cast %swap3A_606 : vector<1x16xf32> to vector<16xf32>
          %swap3A_608 = vector.shape_cast %add3A_598 : vector<16xf32> to vector<1x16xf32>
          tpu.vector_store %arg16[%swap3A_604, %swap3A_605], %swap3A_608 {strides = array<i32>} : memref<128x128xf32, #tpu.memory_space<vmem>>, vector<1x16xf32>,
          %mul3A_609 = arith.constant 8 : i32
          %mul3A_610 = arith.muli %scan3A_138, %mul3A_609 : i32
          %add3A_611 = arith.constant 256 : i32
          %add3A_612 = arith.addi %add3A_611, %mul3A_610 : i32
          %add3A_613 = arith.constant 3 : i32
          %add3A_614 = arith.addi %add3A_612, %add3A_613 : i32
          %add3A_615 = arith.constant 32 : i32
          %add3A_616 = arith.addi %add3A_615, %scan3A_138 : i32
          %mul3A_617 = arith.constant 2 : i32
          %mul3A_618 = arith.muli %scan3A_138, %mul3A_617 : i32
          %add3A_619 = arith.constant 64 : i32
          %add3A_620 = arith.addi %add3A_619, %mul3A_618 : i32
          %add3A_621 = arith.constant 0 : i32
          %add3A_622 = arith.addi %add3A_620, %add3A_621 : i32
          %get3A_623 = arith.index_cast %add3A_614 : i32 to index
          %get3A_624 = arith.constant 16 : index
          %get3A_625 = tpu.vector_load %arg13[%get3A_623, %get3A_624] {strides = array<i32>} : memref<512x32xf32, #tpu.memory_space<vmem>>, vector<1x16xf32>,
          %get3A_626 = vector.shape_cast %get3A_625 : vector<1x16xf32> to vector<16xf32>
          %get3A_627 = arith.index_cast %add3A_614 : i32 to index
          %get3A_628 = arith.constant 16 : index
          %get3A_629 = tpu.vector_load %arg14[%get3A_627, %get3A_628] {strides = array<i32>} : memref<512x32xf32, #tpu.memory_space<vmem>>, vector<1x16xf32>,
          %get3A_630 = vector.shape_cast %get3A_629 : vector<1x16xf32> to vector<16xf32>
          %add3A_631 = arith.addf %get3A_626, %get3A_630 : vector<16xf32>
          %get3A_632 = arith.constant 3 : i32
          %get3A_633 = arith.index_cast %add3A_616 : i32 to index
          %get3A_634 = arith.index_cast %get3A_632 : i32 to index
          %get3A_635 = arith.constant 16 : index
          %get3A_636 = tpu.vector_load %arg15[%get3A_633, %get3A_634, %get3A_635] {strides = array<i32>} : memref<64x8x32xf32, #tpu.memory_space<vmem>>, vector<1x1x16xf32>,
          %get3A_637 = vector.shape_cast %get3A_636 : vector<1x1x16xf32> to vector<16xf32>
          %add3A_638 = arith.addf %add3A_631, %get3A_637 : vector<16xf32>
          %abs3A_639 = math.absf %add3A_638 : vector<16xf32>
          %neg3A_640 = arith.constant 0.000000e+00 : f32
          %neg3A_641 = vector.broadcast %neg3A_640 : f32 to vector<16xf32>
          %neg3A_642 = arith.subf %neg3A_641, %abs3A_639 : vector<16xf32>
          %exp3A_643 = math.exp %neg3A_642 : vector<16xf32>
          %mul3A_644 = arith.constant 0.0410644412 : f32
          %mul3A_645 = vector.broadcast %mul3A_644 : f32 to vector<16xf32>
          %mul3A_646 = arith.mulf %mul3A_645, %exp3A_643 : vector<16xf32>
          %add3A_647 = arith.constant -0.156028271 : f32
          %add3A_648 = vector.broadcast %add3A_647 : f32 to vector<16xf32>
          %add3A_649 = arith.addf %mul3A_646, %add3A_648 : vector<16xf32>
          %mul3A_650 = arith.mulf %add3A_649, %exp3A_643 : vector<16xf32>
          %add3A_651 = arith.constant 0.304672241 : f32
          %add3A_652 = vector.broadcast %add3A_651 : f32 to vector<16xf32>
          %add3A_653 = arith.addf %mul3A_650, %add3A_652 : vector<16xf32>
          %mul3A_654 = arith.mulf %add3A_653, %exp3A_643 : vector<16xf32>
          %add3A_655 = arith.constant -0.496368259 : f32
          %add3A_656 = vector.broadcast %add3A_655 : f32 to vector<16xf32>
          %add3A_657 = arith.addf %mul3A_654, %add3A_656 : vector<16xf32>
          %mul3A_658 = arith.mulf %add3A_657, %exp3A_643 : vector<16xf32>
          %add3A_659 = arith.constant 0.999887943 : f32
          %add3A_660 = vector.broadcast %add3A_659 : f32 to vector<16xf32>
          %add3A_661 = arith.addf %mul3A_658, %add3A_660 : vector<16xf32>
          %max3A_662 = arith.constant 0.000000e+00 : f32
          %max3A_663 = vector.broadcast %max3A_662 : f32 to vector<16xf32>
          %max3A_664 = arith.maximumf %add3A_638, %max3A_663 : vector<16xf32>
          %mul3A_665 = arith.mulf %exp3A_643, %add3A_661 : vector<16xf32>
          %add3A_666 = arith.addf %max3A_664, %mul3A_665 : vector<16xf32>
          %swap3A_667 = arith.index_cast %add3A_614 : i32 to index
          %swap3A_668 = arith.constant 16 : index
          %swap3A_669 = tpu.vector_load %arg13[%swap3A_667, %swap3A_668] {strides = array<i32>} : memref<512x32xf32, #tpu.memory_space<vmem>>, vector<1x16xf32>,
          %swap3A_670 = vector.shape_cast %swap3A_669 : vector<1x16xf32> to vector<16xf32>
          %swap3A_671 = vector.shape_cast %add3A_666 : vector<16xf32> to vector<1x16xf32>
          tpu.vector_store %arg13[%swap3A_667, %swap3A_668], %swap3A_671 {strides = array<i32>} : memref<512x32xf32, #tpu.memory_space<vmem>>, vector<1x16xf32>,
          %swap3A_672 = arith.index_cast %add3A_622 : i32 to index
          %swap3A_673 = arith.constant 112 : index
          %swap3A_674 = tpu.vector_load %arg16[%swap3A_672, %swap3A_673] {strides = array<i32>} : memref<128x128xf32, #tpu.memory_space<vmem>>, vector<1x16xf32>,
          %swap3A_675 = vector.shape_cast %swap3A_674 : vector<1x16xf32> to vector<16xf32>
          %swap3A_676 = vector.shape_cast %add3A_666 : vector<16xf32> to vector<1x16xf32>
          tpu.vector_store %arg16[%swap3A_672, %swap3A_673], %swap3A_676 {strides = array<i32>} : memref<128x128xf32, #tpu.memory_space<vmem>>, vector<1x16xf32>,
          %mul3A_677 = arith.constant 8 : i32
          %mul3A_678 = arith.muli %scan3A_138, %mul3A_677 : i32
          %add3A_679 = arith.constant 256 : i32
          %add3A_680 = arith.addi %add3A_679, %mul3A_678 : i32
          %add3A_681 = arith.constant 4 : i32
          %add3A_682 = arith.addi %add3A_680, %add3A_681 : i32
          %add3A_683 = arith.constant 32 : i32
          %add3A_684 = arith.addi %add3A_683, %scan3A_138 : i32
          %mul3A_685 = arith.constant 2 : i32
          %mul3A_686 = arith.muli %scan3A_138, %mul3A_685 : i32
          %add3A_687 = arith.constant 64 : i32
          %add3A_688 = arith.addi %add3A_687, %mul3A_686 : i32
          %add3A_689 = arith.constant 1 : i32
          %add3A_690 = arith.addi %add3A_688, %add3A_689 : i32
          %get3A_691 = arith.index_cast %add3A_682 : i32 to index
          %get3A_692 = arith.constant 0 : index
          %get3A_693 = tpu.vector_load %arg13[%get3A_691, %get3A_692] {strides = array<i32>} : memref<512x32xf32, #tpu.memory_space<vmem>>, vector<1x16xf32>,
          %get3A_694 = vector.shape_cast %get3A_693 : vector<1x16xf32> to vector<16xf32>
          %get3A_695 = arith.index_cast %add3A_682 : i32 to index
          %get3A_696 = arith.constant 0 : index
          %get3A_697 = tpu.vector_load %arg14[%get3A_695, %get3A_696] {strides = array<i32>} : memref<512x32xf32, #tpu.memory_space<vmem>>, vector<1x16xf32>,
          %get3A_698 = vector.shape_cast %get3A_697 : vector<1x16xf32> to vector<16xf32>
          %add3A_699 = arith.addf %get3A_694, %get3A_698 : vector<16xf32>
          %get3A_700 = arith.constant 4 : i32
          %get3A_701 = arith.index_cast %add3A_684 : i32 to index
          %get3A_702 = arith.index_cast %get3A_700 : i32 to index
          %get3A_703 = arith.constant 0 : index
          %get3A_704 = tpu.vector_load %arg15[%get3A_701, %get3A_702, %get3A_703] {strides = array<i32>} : memref<64x8x32xf32, #tpu.memory_space<vmem>>, vector<1x1x16xf32>,
          %get3A_705 = vector.shape_cast %get3A_704 : vector<1x1x16xf32> to vector<16xf32>
          %add3A_706 = arith.addf %add3A_699, %get3A_705 : vector<16xf32>
          %abs3A_707 = math.absf %add3A_706 : vector<16xf32>
          %neg3A_708 = arith.constant 0.000000e+00 : f32
          %neg3A_709 = vector.broadcast %neg3A_708 : f32 to vector<16xf32>
          %neg3A_710 = arith.subf %neg3A_709, %abs3A_707 : vector<16xf32>
          %exp3A_711 = math.exp %neg3A_710 : vector<16xf32>
          %mul3A_712 = arith.constant 0.0410644412 : f32
          %mul3A_713 = vector.broadcast %mul3A_712 : f32 to vector<16xf32>
          %mul3A_714 = arith.mulf %mul3A_713, %exp3A_711 : vector<16xf32>
          %add3A_715 = arith.constant -0.156028271 : f32
          %add3A_716 = vector.broadcast %add3A_715 : f32 to vector<16xf32>
          %add3A_717 = arith.addf %mul3A_714, %add3A_716 : vector<16xf32>
          %mul3A_718 = arith.mulf %add3A_717, %exp3A_711 : vector<16xf32>
          %add3A_719 = arith.constant 0.304672241 : f32
          %add3A_720 = vector.broadcast %add3A_719 : f32 to vector<16xf32>
          %add3A_721 = arith.addf %mul3A_718, %add3A_720 : vector<16xf32>
          %mul3A_722 = arith.mulf %add3A_721, %exp3A_711 : vector<16xf32>
          %add3A_723 = arith.constant -0.496368259 : f32
          %add3A_724 = vector.broadcast %add3A_723 : f32 to vector<16xf32>
          %add3A_725 = arith.addf %mul3A_722, %add3A_724 : vector<16xf32>
          %mul3A_726 = arith.mulf %add3A_725, %exp3A_711 : vector<16xf32>
          %add3A_727 = arith.constant 0.999887943 : f32
          %add3A_728 = vector.broadcast %add3A_727 : f32 to vector<16xf32>
          %add3A_729 = arith.addf %mul3A_726, %add3A_728 : vector<16xf32>
          %max3A_730 = arith.constant 0.000000e+00 : f32
          %max3A_731 = vector.broadcast %max3A_730 : f32 to vector<16xf32>
          %max3A_732 = arith.maximumf %add3A_706, %max3A_731 : vector<16xf32>
          %mul3A_733 = arith.mulf %exp3A_711, %add3A_729 : vector<16xf32>
          %add3A_734 = arith.addf %max3A_732, %mul3A_733 : vector<16xf32>
          %swap3A_735 = arith.index_cast %add3A_682 : i32 to index
          %swap3A_736 = arith.constant 0 : index
          %swap3A_737 = tpu.vector_load %arg13[%swap3A_735, %swap3A_736] {strides = array<i32>} : memref<512x32xf32, #tpu.memory_space<vmem>>, vector<1x16xf32>,
          %swap3A_738 = vector.shape_cast %swap3A_737 : vector<1x16xf32> to vector<16xf32>
          %swap3A_739 = vector.shape_cast %add3A_734 : vector<16xf32> to vector<1x16xf32>
          tpu.vector_store %arg13[%swap3A_735, %swap3A_736], %swap3A_739 {strides = array<i32>} : memref<512x32xf32, #tpu.memory_space<vmem>>, vector<1x16xf32>,
          %swap3A_740 = arith.index_cast %add3A_690 : i32 to index
          %swap3A_741 = arith.constant 0 : index
          %swap3A_742 = tpu.vector_load %arg16[%swap3A_740, %swap3A_741] {strides = array<i32>} : memref<128x128xf32, #tpu.memory_space<vmem>>, vector<1x16xf32>,
          %swap3A_743 = vector.shape_cast %swap3A_742 : vector<1x16xf32> to vector<16xf32>
          %swap3A_744 = vector.shape_cast %add3A_734 : vector<16xf32> to vector<1x16xf32>
          tpu.vector_store %arg16[%swap3A_740, %swap3A_741], %swap3A_744 {strides = array<i32>} : memref<128x128xf32, #tpu.memory_space<vmem>>, vector<1x16xf32>,
          %mul3A_745 = arith.constant 8 : i32
          %mul3A_746 = arith.muli %scan3A_138, %mul3A_745 : i32
          %add3A_747 = arith.constant 256 : i32
          %add3A_748 = arith.addi %add3A_747, %mul3A_746 : i32
          %add3A_749 = arith.constant 4 : i32
          %add3A_750 = arith.addi %add3A_748, %add3A_749 : i32
          %add3A_751 = arith.constant 32 : i32
          %add3A_752 = arith.addi %add3A_751, %scan3A_138 : i32
          %mul3A_753 = arith.constant 2 : i32
          %mul3A_754 = arith.muli %scan3A_138, %mul3A_753 : i32
          %add3A_755 = arith.constant 64 : i32
          %add3A_756 = arith.addi %add3A_755, %mul3A_754 : i32
          %add3A_757 = arith.constant 1 : i32
          %add3A_758 = arith.addi %add3A_756, %add3A_757 : i32
          %get3A_759 = arith.index_cast %add3A_750 : i32 to index
          %get3A_760 = arith.constant 16 : index
          %get3A_761 = tpu.vector_load %arg13[%get3A_759, %get3A_760] {strides = array<i32>} : memref<512x32xf32, #tpu.memory_space<vmem>>, vector<1x16xf32>,
          %get3A_762 = vector.shape_cast %get3A_761 : vector<1x16xf32> to vector<16xf32>
          %get3A_763 = arith.index_cast %add3A_750 : i32 to index
          %get3A_764 = arith.constant 16 : index
          %get3A_765 = tpu.vector_load %arg14[%get3A_763, %get3A_764] {strides = array<i32>} : memref<512x32xf32, #tpu.memory_space<vmem>>, vector<1x16xf32>,
          %get3A_766 = vector.shape_cast %get3A_765 : vector<1x16xf32> to vector<16xf32>
          %add3A_767 = arith.addf %get3A_762, %get3A_766 : vector<16xf32>
          %get3A_768 = arith.constant 4 : i32
          %get3A_769 = arith.index_cast %add3A_752 : i32 to index
          %get3A_770 = arith.index_cast %get3A_768 : i32 to index
          %get3A_771 = arith.constant 16 : index
          %get3A_772 = tpu.vector_load %arg15[%get3A_769, %get3A_770, %get3A_771] {strides = array<i32>} : memref<64x8x32xf32, #tpu.memory_space<vmem>>, vector<1x1x16xf32>,
          %get3A_773 = vector.shape_cast %get3A_772 : vector<1x1x16xf32> to vector<16xf32>
          %add3A_774 = arith.addf %add3A_767, %get3A_773 : vector<16xf32>
          %abs3A_775 = math.absf %add3A_774 : vector<16xf32>
          %neg3A_776 = arith.constant 0.000000e+00 : f32
          %neg3A_777 = vector.broadcast %neg3A_776 : f32 to vector<16xf32>
          %neg3A_778 = arith.subf %neg3A_777, %abs3A_775 : vector<16xf32>
          %exp3A_779 = math.exp %neg3A_778 : vector<16xf32>
          %mul3A_780 = arith.constant 0.0410644412 : f32
          %mul3A_781 = vector.broadcast %mul3A_780 : f32 to vector<16xf32>
          %mul3A_782 = arith.mulf %mul3A_781, %exp3A_779 : vector<16xf32>
          %add3A_783 = arith.constant -0.156028271 : f32
          %add3A_784 = vector.broadcast %add3A_783 : f32 to vector<16xf32>
          %add3A_785 = arith.addf %mul3A_782, %add3A_784 : vector<16xf32>
          %mul3A_786 = arith.mulf %add3A_785, %exp3A_779 : vector<16xf32>
          %add3A_787 = arith.constant 0.304672241 : f32
          %add3A_788 = vector.broadcast %add3A_787 : f32 to vector<16xf32>
          %add3A_789 = arith.addf %mul3A_786, %add3A_788 : vector<16xf32>
          %mul3A_790 = arith.mulf %add3A_789, %exp3A_779 : vector<16xf32>
          %add3A_791 = arith.constant -0.496368259 : f32
          %add3A_792 = vector.broadcast %add3A_791 : f32 to vector<16xf32>
          %add3A_793 = arith.addf %mul3A_790, %add3A_792 : vector<16xf32>
          %mul3A_794 = arith.mulf %add3A_793, %exp3A_779 : vector<16xf32>
          %add3A_795 = arith.constant 0.999887943 : f32
          %add3A_796 = vector.broadcast %add3A_795 : f32 to vector<16xf32>
          %add3A_797 = arith.addf %mul3A_794, %add3A_796 : vector<16xf32>
          %max3A_798 = arith.constant 0.000000e+00 : f32
          %max3A_799 = vector.broadcast %max3A_798 : f32 to vector<16xf32>
          %max3A_800 = arith.maximumf %add3A_774, %max3A_799 : vector<16xf32>
          %mul3A_801 = arith.mulf %exp3A_779, %add3A_797 : vector<16xf32>
          %add3A_802 = arith.addf %max3A_800, %mul3A_801 : vector<16xf32>
          %swap3A_803 = arith.index_cast %add3A_750 : i32 to index
          %swap3A_804 = arith.constant 16 : index
          %swap3A_805 = tpu.vector_load %arg13[%swap3A_803, %swap3A_804] {strides = array<i32>} : memref<512x32xf32, #tpu.memory_space<vmem>>, vector<1x16xf32>,
          %swap3A_806 = vector.shape_cast %swap3A_805 : vector<1x16xf32> to vector<16xf32>
          %swap3A_807 = vector.shape_cast %add3A_802 : vector<16xf32> to vector<1x16xf32>
          tpu.vector_store %arg13[%swap3A_803, %swap3A_804], %swap3A_807 {strides = array<i32>} : memref<512x32xf32, #tpu.memory_space<vmem>>, vector<1x16xf32>,
          %swap3A_808 = arith.index_cast %add3A_758 : i32 to index
          %swap3A_809 = arith.constant 16 : index
          %swap3A_810 = tpu.vector_load %arg16[%swap3A_808, %swap3A_809] {strides = array<i32>} : memref<128x128xf32, #tpu.memory_space<vmem>>, vector<1x16xf32>,
          %swap3A_811 = vector.shape_cast %swap3A_810 : vector<1x16xf32> to vector<16xf32>
          %swap3A_812 = vector.shape_cast %add3A_802 : vector<16xf32> to vector<1x16xf32>
          tpu.vector_store %arg16[%swap3A_808, %swap3A_809], %swap3A_812 {strides = array<i32>} : memref<128x128xf32, #tpu.memory_space<vmem>>, vector<1x16xf32>,
          %mul3A_813 = arith.constant 8 : i32
          %mul3A_814 = arith.muli %scan3A_138, %mul3A_813 : i32
          %add3A_815 = arith.constant 256 : i32
          %add3A_816 = arith.addi %add3A_815, %mul3A_814 : i32
          %add3A_817 = arith.constant 5 : i32
          %add3A_818 = arith.addi %add3A_816, %add3A_817 : i32
          %add3A_819 = arith.constant 32 : i32
          %add3A_820 = arith.addi %add3A_819, %scan3A_138 : i32
          %mul3A_821 = arith.constant 2 : i32
          %mul3A_822 = arith.muli %scan3A_138, %mul3A_821 : i32
          %add3A_823 = arith.constant 64 : i32
          %add3A_824 = arith.addi %add3A_823, %mul3A_822 : i32
          %add3A_825 = arith.constant 1 : i32
          %add3A_826 = arith.addi %add3A_824, %add3A_825 : i32
          %get3A_827 = arith.index_cast %add3A_818 : i32 to index
          %get3A_828 = arith.constant 0 : index
          %get3A_829 = tpu.vector_load %arg13[%get3A_827, %get3A_828] {strides = array<i32>} : memref<512x32xf32, #tpu.memory_space<vmem>>, vector<1x16xf32>,
          %get3A_830 = vector.shape_cast %get3A_829 : vector<1x16xf32> to vector<16xf32>
          %get3A_831 = arith.index_cast %add3A_818 : i32 to index
          %get3A_832 = arith.constant 0 : index
          %get3A_833 = tpu.vector_load %arg14[%get3A_831, %get3A_832] {strides = array<i32>} : memref<512x32xf32, #tpu.memory_space<vmem>>, vector<1x16xf32>,
          %get3A_834 = vector.shape_cast %get3A_833 : vector<1x16xf32> to vector<16xf32>
          %add3A_835 = arith.addf %get3A_830, %get3A_834 : vector<16xf32>
          %get3A_836 = arith.constant 5 : i32
          %get3A_837 = arith.index_cast %add3A_820 : i32 to index
          %get3A_838 = arith.index_cast %get3A_836 : i32 to index
          %get3A_839 = arith.constant 0 : index
          %get3A_840 = tpu.vector_load %arg15[%get3A_837, %get3A_838, %get3A_839] {strides = array<i32>} : memref<64x8x32xf32, #tpu.memory_space<vmem>>, vector<1x1x16xf32>,
          %get3A_841 = vector.shape_cast %get3A_840 : vector<1x1x16xf32> to vector<16xf32>
          %add3A_842 = arith.addf %add3A_835, %get3A_841 : vector<16xf32>
          %abs3A_843 = math.absf %add3A_842 : vector<16xf32>
          %neg3A_844 = arith.constant 0.000000e+00 : f32
          %neg3A_845 = vector.broadcast %neg3A_844 : f32 to vector<16xf32>
          %neg3A_846 = arith.subf %neg3A_845, %abs3A_843 : vector<16xf32>
          %exp3A_847 = math.exp %neg3A_846 : vector<16xf32>
          %mul3A_848 = arith.constant 0.0410644412 : f32
          %mul3A_849 = vector.broadcast %mul3A_848 : f32 to vector<16xf32>
          %mul3A_850 = arith.mulf %mul3A_849, %exp3A_847 : vector<16xf32>
          %add3A_851 = arith.constant -0.156028271 : f32
          %add3A_852 = vector.broadcast %add3A_851 : f32 to vector<16xf32>
          %add3A_853 = arith.addf %mul3A_850, %add3A_852 : vector<16xf32>
          %mul3A_854 = arith.mulf %add3A_853, %exp3A_847 : vector<16xf32>
          %add3A_855 = arith.constant 0.304672241 : f32
          %add3A_856 = vector.broadcast %add3A_855 : f32 to vector<16xf32>
          %add3A_857 = arith.addf %mul3A_854, %add3A_856 : vector<16xf32>
          %mul3A_858 = arith.mulf %add3A_857, %exp3A_847 : vector<16xf32>
          %add3A_859 = arith.constant -0.496368259 : f32
          %add3A_860 = vector.broadcast %add3A_859 : f32 to vector<16xf32>
          %add3A_861 = arith.addf %mul3A_858, %add3A_860 : vector<16xf32>
          %mul3A_862 = arith.mulf %add3A_861, %exp3A_847 : vector<16xf32>
          %add3A_863 = arith.constant 0.999887943 : f32
          %add3A_864 = vector.broadcast %add3A_863 : f32 to vector<16xf32>
          %add3A_865 = arith.addf %mul3A_862, %add3A_864 : vector<16xf32>
          %max3A_866 = arith.constant 0.000000e+00 : f32
          %max3A_867 = vector.broadcast %max3A_866 : f32 to vector<16xf32>
          %max3A_868 = arith.maximumf %add3A_842, %max3A_867 : vector<16xf32>
          %mul3A_869 = arith.mulf %exp3A_847, %add3A_865 : vector<16xf32>
          %add3A_870 = arith.addf %max3A_868, %mul3A_869 : vector<16xf32>
          %swap3A_871 = arith.index_cast %add3A_818 : i32 to index
          %swap3A_872 = arith.constant 0 : index
          %swap3A_873 = tpu.vector_load %arg13[%swap3A_871, %swap3A_872] {strides = array<i32>} : memref<512x32xf32, #tpu.memory_space<vmem>>, vector<1x16xf32>,
          %swap3A_874 = vector.shape_cast %swap3A_873 : vector<1x16xf32> to vector<16xf32>
          %swap3A_875 = vector.shape_cast %add3A_870 : vector<16xf32> to vector<1x16xf32>
          tpu.vector_store %arg13[%swap3A_871, %swap3A_872], %swap3A_875 {strides = array<i32>} : memref<512x32xf32, #tpu.memory_space<vmem>>, vector<1x16xf32>,
          %swap3A_876 = arith.index_cast %add3A_826 : i32 to index
          %swap3A_877 = arith.constant 32 : index
          %swap3A_878 = tpu.vector_load %arg16[%swap3A_876, %swap3A_877] {strides = array<i32>} : memref<128x128xf32, #tpu.memory_space<vmem>>, vector<1x16xf32>,
          %swap3A_879 = vector.shape_cast %swap3A_878 : vector<1x16xf32> to vector<16xf32>
          %swap3A_880 = vector.shape_cast %add3A_870 : vector<16xf32> to vector<1x16xf32>
          tpu.vector_store %arg16[%swap3A_876, %swap3A_877], %swap3A_880 {strides = array<i32>} : memref<128x128xf32, #tpu.memory_space<vmem>>, vector<1x16xf32>,
          %mul3A_881 = arith.constant 8 : i32
          %mul3A_882 = arith.muli %scan3A_138, %mul3A_881 : i32
          %add3A_883 = arith.constant 256 : i32
          %add3A_884 = arith.addi %add3A_883, %mul3A_882 : i32
          %add3A_885 = arith.constant 5 : i32
          %add3A_886 = arith.addi %add3A_884, %add3A_885 : i32
          %add3A_887 = arith.constant 32 : i32
          %add3A_888 = arith.addi %add3A_887, %scan3A_138 : i32
          %mul3A_889 = arith.constant 2 : i32
          %mul3A_890 = arith.muli %scan3A_138, %mul3A_889 : i32
          %add3A_891 = arith.constant 64 : i32
          %add3A_892 = arith.addi %add3A_891, %mul3A_890 : i32
          %add3A_893 = arith.constant 1 : i32
          %add3A_894 = arith.addi %add3A_892, %add3A_893 : i32
          %get3A_895 = arith.index_cast %add3A_886 : i32 to index
          %get3A_896 = arith.constant 16 : index
          %get3A_897 = tpu.vector_load %arg13[%get3A_895, %get3A_896] {strides = array<i32>} : memref<512x32xf32, #tpu.memory_space<vmem>>, vector<1x16xf32>,
          %get3A_898 = vector.shape_cast %get3A_897 : vector<1x16xf32> to vector<16xf32>
          %get3A_899 = arith.index_cast %add3A_886 : i32 to index
          %get3A_900 = arith.constant 16 : index
          %get3A_901 = tpu.vector_load %arg14[%get3A_899, %get3A_900] {strides = array<i32>} : memref<512x32xf32, #tpu.memory_space<vmem>>, vector<1x16xf32>,
          %get3A_902 = vector.shape_cast %get3A_901 : vector<1x16xf32> to vector<16xf32>
          %add3A_903 = arith.addf %get3A_898, %get3A_902 : vector<16xf32>
          %get3A_904 = arith.constant 5 : i32
          %get3A_905 = arith.index_cast %add3A_888 : i32 to index
          %get3A_906 = arith.index_cast %get3A_904 : i32 to index
          %get3A_907 = arith.constant 16 : index
          %get3A_908 = tpu.vector_load %arg15[%get3A_905, %get3A_906, %get3A_907] {strides = array<i32>} : memref<64x8x32xf32, #tpu.memory_space<vmem>>, vector<1x1x16xf32>,
          %get3A_909 = vector.shape_cast %get3A_908 : vector<1x1x16xf32> to vector<16xf32>
          %add3A_910 = arith.addf %add3A_903, %get3A_909 : vector<16xf32>
          %abs3A_911 = math.absf %add3A_910 : vector<16xf32>
          %neg3A_912 = arith.constant 0.000000e+00 : f32
          %neg3A_913 = vector.broadcast %neg3A_912 : f32 to vector<16xf32>
          %neg3A_914 = arith.subf %neg3A_913, %abs3A_911 : vector<16xf32>
          %exp3A_915 = math.exp %neg3A_914 : vector<16xf32>
          %mul3A_916 = arith.constant 0.0410644412 : f32
          %mul3A_917 = vector.broadcast %mul3A_916 : f32 to vector<16xf32>
          %mul3A_918 = arith.mulf %mul3A_917, %exp3A_915 : vector<16xf32>
          %add3A_919 = arith.constant -0.156028271 : f32
          %add3A_920 = vector.broadcast %add3A_919 : f32 to vector<16xf32>
          %add3A_921 = arith.addf %mul3A_918, %add3A_920 : vector<16xf32>
          %mul3A_922 = arith.mulf %add3A_921, %exp3A_915 : vector<16xf32>
          %add3A_923 = arith.constant 0.304672241 : f32
          %add3A_924 = vector.broadcast %add3A_923 : f32 to vector<16xf32>
          %add3A_925 = arith.addf %mul3A_922, %add3A_924 : vector<16xf32>
          %mul3A_926 = arith.mulf %add3A_925, %exp3A_915 : vector<16xf32>
          %add3A_927 = arith.constant -0.496368259 : f32
          %add3A_928 = vector.broadcast %add3A_927 : f32 to vector<16xf32>
          %add3A_929 = arith.addf %mul3A_926, %add3A_928 : vector<16xf32>
          %mul3A_930 = arith.mulf %add3A_929, %exp3A_915 : vector<16xf32>
          %add3A_931 = arith.constant 0.999887943 : f32
          %add3A_932 = vector.broadcast %add3A_931 : f32 to vector<16xf32>
          %add3A_933 = arith.addf %mul3A_930, %add3A_932 : vector<16xf32>
          %max3A_934 = arith.constant 0.000000e+00 : f32
          %max3A_935 = vector.broadcast %max3A_934 : f32 to vector<16xf32>
          %max3A_936 = arith.maximumf %add3A_910, %max3A_935 : vector<16xf32>
          %mul3A_937 = arith.mulf %exp3A_915, %add3A_933 : vector<16xf32>
          %add3A_938 = arith.addf %max3A_936, %mul3A_937 : vector<16xf32>
          %swap3A_939 = arith.index_cast %add3A_886 : i32 to index
          %swap3A_940 = arith.constant 16 : index
          %swap3A_941 = tpu.vector_load %arg13[%swap3A_939, %swap3A_940] {strides = array<i32>} : memref<512x32xf32, #tpu.memory_space<vmem>>, vector<1x16xf32>,
          %swap3A_942 = vector.shape_cast %swap3A_941 : vector<1x16xf32> to vector<16xf32>
          %swap3A_943 = vector.shape_cast %add3A_938 : vector<16xf32> to vector<1x16xf32>
          tpu.vector_store %arg13[%swap3A_939, %swap3A_940], %swap3A_943 {strides = array<i32>} : memref<512x32xf32, #tpu.memory_space<vmem>>, vector<1x16xf32>,
          %swap3A_944 = arith.index_cast %add3A_894 : i32 to index
          %swap3A_945 = arith.constant 48 : index
          %swap3A_946 = tpu.vector_load %arg16[%swap3A_944, %swap3A_945] {strides = array<i32>} : memref<128x128xf32, #tpu.memory_space<vmem>>, vector<1x16xf32>,
          %swap3A_947 = vector.shape_cast %swap3A_946 : vector<1x16xf32> to vector<16xf32>
          %swap3A_948 = vector.shape_cast %add3A_938 : vector<16xf32> to vector<1x16xf32>
          tpu.vector_store %arg16[%swap3A_944, %swap3A_945], %swap3A_948 {strides = array<i32>} : memref<128x128xf32, #tpu.memory_space<vmem>>, vector<1x16xf32>,
          %mul3A_949 = arith.constant 8 : i32
          %mul3A_950 = arith.muli %scan3A_138, %mul3A_949 : i32
          %add3A_951 = arith.constant 256 : i32
          %add3A_952 = arith.addi %add3A_951, %mul3A_950 : i32
          %add3A_953 = arith.constant 6 : i32
          %add3A_954 = arith.addi %add3A_952, %add3A_953 : i32
          %add3A_955 = arith.constant 32 : i32
          %add3A_956 = arith.addi %add3A_955, %scan3A_138 : i32
          %mul3A_957 = arith.constant 2 : i32
          %mul3A_958 = arith.muli %scan3A_138, %mul3A_957 : i32
          %add3A_959 = arith.constant 64 : i32
          %add3A_960 = arith.addi %add3A_959, %mul3A_958 : i32
          %add3A_961 = arith.constant 1 : i32
          %add3A_962 = arith.addi %add3A_960, %add3A_961 : i32
          %get3A_963 = arith.index_cast %add3A_954 : i32 to index
          %get3A_964 = arith.constant 0 : index
          %get3A_965 = tpu.vector_load %arg13[%get3A_963, %get3A_964] {strides = array<i32>} : memref<512x32xf32, #tpu.memory_space<vmem>>, vector<1x16xf32>,
          %get3A_966 = vector.shape_cast %get3A_965 : vector<1x16xf32> to vector<16xf32>
          %get3A_967 = arith.index_cast %add3A_954 : i32 to index
          %get3A_968 = arith.constant 0 : index
          %get3A_969 = tpu.vector_load %arg14[%get3A_967, %get3A_968] {strides = array<i32>} : memref<512x32xf32, #tpu.memory_space<vmem>>, vector<1x16xf32>,
          %get3A_970 = vector.shape_cast %get3A_969 : vector<1x16xf32> to vector<16xf32>
          %add3A_971 = arith.addf %get3A_966, %get3A_970 : vector<16xf32>
          %get3A_972 = arith.constant 6 : i32
          %get3A_973 = arith.index_cast %add3A_956 : i32 to index
          %get3A_974 = arith.index_cast %get3A_972 : i32 to index
          %get3A_975 = arith.constant 0 : index
          %get3A_976 = tpu.vector_load %arg15[%get3A_973, %get3A_974, %get3A_975] {strides = array<i32>} : memref<64x8x32xf32, #tpu.memory_space<vmem>>, vector<1x1x16xf32>,
          %get3A_977 = vector.shape_cast %get3A_976 : vector<1x1x16xf32> to vector<16xf32>
          %add3A_978 = arith.addf %add3A_971, %get3A_977 : vector<16xf32>
          %abs3A_979 = math.absf %add3A_978 : vector<16xf32>
          %neg3A_980 = arith.constant 0.000000e+00 : f32
          %neg3A_981 = vector.broadcast %neg3A_980 : f32 to vector<16xf32>
          %neg3A_982 = arith.subf %neg3A_981, %abs3A_979 : vector<16xf32>
          %exp3A_983 = math.exp %neg3A_982 : vector<16xf32>
          %mul3A_984 = arith.constant 0.0410644412 : f32
          %mul3A_985 = vector.broadcast %mul3A_984 : f32 to vector<16xf32>
          %mul3A_986 = arith.mulf %mul3A_985, %exp3A_983 : vector<16xf32>
          %add3A_987 = arith.constant -0.156028271 : f32
          %add3A_988 = vector.broadcast %add3A_987 : f32 to vector<16xf32>
          %add3A_989 = arith.addf %mul3A_986, %add3A_988 : vector<16xf32>
          %mul3A_990 = arith.mulf %add3A_989, %exp3A_983 : vector<16xf32>
          %add3A_991 = arith.constant 0.304672241 : f32
          %add3A_992 = vector.broadcast %add3A_991 : f32 to vector<16xf32>
          %add3A_993 = arith.addf %mul3A_990, %add3A_992 : vector<16xf32>
          %mul3A_994 = arith.mulf %add3A_993, %exp3A_983 : vector<16xf32>
          %add3A_995 = arith.constant -0.496368259 : f32
          %add3A_996 = vector.broadcast %add3A_995 : f32 to vector<16xf32>
          %add3A_997 = arith.addf %mul3A_994, %add3A_996 : vector<16xf32>
          %mul3A_998 = arith.mulf %add3A_997, %exp3A_983 : vector<16xf32>
          %add3A_999 = arith.constant 0.999887943 : f32
          %add3A_1000 = vector.broadcast %add3A_999 : f32 to vector<16xf32>
          %add3A_1001 = arith.addf %mul3A_998, %add3A_1000 : vector<16xf32>
          %max3A_1002 = arith.constant 0.000000e+00 : f32
          %max3A_1003 = vector.broadcast %max3A_1002 : f32 to vector<16xf32>
          %max3A_1004 = arith.maximumf %add3A_978, %max3A_1003 : vector<16xf32>
          %mul3A_1005 = arith.mulf %exp3A_983, %add3A_1001 : vector<16xf32>
          %add3A_1006 = arith.addf %max3A_1004, %mul3A_1005 : vector<16xf32>
          %swap3A_1007 = arith.index_cast %add3A_954 : i32 to index
          %swap3A_1008 = arith.constant 0 : index
          %swap3A_1009 = tpu.vector_load %arg13[%swap3A_1007, %swap3A_1008] {strides = array<i32>} : memref<512x32xf32, #tpu.memory_space<vmem>>, vector<1x16xf32>,
          %swap3A_1010 = vector.shape_cast %swap3A_1009 : vector<1x16xf32> to vector<16xf32>
          %swap3A_1011 = vector.shape_cast %add3A_1006 : vector<16xf32> to vector<1x16xf32>
          tpu.vector_store %arg13[%swap3A_1007, %swap3A_1008], %swap3A_1011 {strides = array<i32>} : memref<512x32xf32, #tpu.memory_space<vmem>>, vector<1x16xf32>,
          %swap3A_1012 = arith.index_cast %add3A_962 : i32 to index
          %swap3A_1013 = arith.constant 64 : index
          %swap3A_1014 = tpu.vector_load %arg16[%swap3A_1012, %swap3A_1013] {strides = array<i32>} : memref<128x128xf32, #tpu.memory_space<vmem>>, vector<1x16xf32>,
          %swap3A_1015 = vector.shape_cast %swap3A_1014 : vector<1x16xf32> to vector<16xf32>
          %swap3A_1016 = vector.shape_cast %add3A_1006 : vector<16xf32> to vector<1x16xf32>
          tpu.vector_store %arg16[%swap3A_1012, %swap3A_1013], %swap3A_1016 {strides = array<i32>} : memref<128x128xf32, #tpu.memory_space<vmem>>, vector<1x16xf32>,
          %mul3A_1017 = arith.constant 8 : i32
          %mul3A_1018 = arith.muli %scan3A_138, %mul3A_1017 : i32
          %add3A_1019 = arith.constant 256 : i32
          %add3A_1020 = arith.addi %add3A_1019, %mul3A_1018 : i32
          %add3A_1021 = arith.constant 6 : i32
          %add3A_1022 = arith.addi %add3A_1020, %add3A_1021 : i32
          %add3A_1023 = arith.constant 32 : i32
          %add3A_1024 = arith.addi %add3A_1023, %scan3A_138 : i32
          %mul3A_1025 = arith.constant 2 : i32
          %mul3A_1026 = arith.muli %scan3A_138, %mul3A_1025 : i32
          %add3A_1027 = arith.constant 64 : i32
          %add3A_1028 = arith.addi %add3A_1027, %mul3A_1026 : i32
          %add3A_1029 = arith.constant 1 : i32
          %add3A_1030 = arith.addi %add3A_1028, %add3A_1029 : i32
          %get3A_1031 = arith.index_cast %add3A_1022 : i32 to index
          %get3A_1032 = arith.constant 16 : index
          %get3A_1033 = tpu.vector_load %arg13[%get3A_1031, %get3A_1032] {strides = array<i32>} : memref<512x32xf32, #tpu.memory_space<vmem>>, vector<1x16xf32>,
          %get3A_1034 = vector.shape_cast %get3A_1033 : vector<1x16xf32> to vector<16xf32>
          %get3A_1035 = arith.index_cast %add3A_1022 : i32 to index
          %get3A_1036 = arith.constant 16 : index
          %get3A_1037 = tpu.vector_load %arg14[%get3A_1035, %get3A_1036] {strides = array<i32>} : memref<512x32xf32, #tpu.memory_space<vmem>>, vector<1x16xf32>,
          %get3A_1038 = vector.shape_cast %get3A_1037 : vector<1x16xf32> to vector<16xf32>
          %add3A_1039 = arith.addf %get3A_1034, %get3A_1038 : vector<16xf32>
          %get3A_1040 = arith.constant 6 : i32
          %get3A_1041 = arith.index_cast %add3A_1024 : i32 to index
          %get3A_1042 = arith.index_cast %get3A_1040 : i32 to index
          %get3A_1043 = arith.constant 16 : index
          %get3A_1044 = tpu.vector_load %arg15[%get3A_1041, %get3A_1042, %get3A_1043] {strides = array<i32>} : memref<64x8x32xf32, #tpu.memory_space<vmem>>, vector<1x1x16xf32>,
          %get3A_1045 = vector.shape_cast %get3A_1044 : vector<1x1x16xf32> to vector<16xf32>
          %add3A_1046 = arith.addf %add3A_1039, %get3A_1045 : vector<16xf32>
          %abs3A_1047 = math.absf %add3A_1046 : vector<16xf32>
          %neg3A_1048 = arith.constant 0.000000e+00 : f32
          %neg3A_1049 = vector.broadcast %neg3A_1048 : f32 to vector<16xf32>
          %neg3A_1050 = arith.subf %neg3A_1049, %abs3A_1047 : vector<16xf32>
          %exp3A_1051 = math.exp %neg3A_1050 : vector<16xf32>
          %mul3A_1052 = arith.constant 0.0410644412 : f32
          %mul3A_1053 = vector.broadcast %mul3A_1052 : f32 to vector<16xf32>
          %mul3A_1054 = arith.mulf %mul3A_1053, %exp3A_1051 : vector<16xf32>
          %add3A_1055 = arith.constant -0.156028271 : f32
          %add3A_1056 = vector.broadcast %add3A_1055 : f32 to vector<16xf32>
          %add3A_1057 = arith.addf %mul3A_1054, %add3A_1056 : vector<16xf32>
          %mul3A_1058 = arith.mulf %add3A_1057, %exp3A_1051 : vector<16xf32>
          %add3A_1059 = arith.constant 0.304672241 : f32
          %add3A_1060 = vector.broadcast %add3A_1059 : f32 to vector<16xf32>
          %add3A_1061 = arith.addf %mul3A_1058, %add3A_1060 : vector<16xf32>
          %mul3A_1062 = arith.mulf %add3A_1061, %exp3A_1051 : vector<16xf32>
          %add3A_1063 = arith.constant -0.496368259 : f32
          %add3A_1064 = vector.broadcast %add3A_1063 : f32 to vector<16xf32>
          %add3A_1065 = arith.addf %mul3A_1062, %add3A_1064 : vector<16xf32>
          %mul3A_1066 = arith.mulf %add3A_1065, %exp3A_1051 : vector<16xf32>
          %add3A_1067 = arith.constant 0.999887943 : f32
          %add3A_1068 = vector.broadcast %add3A_1067 : f32 to vector<16xf32>
          %add3A_1069 = arith.addf %mul3A_1066, %add3A_1068 : vector<16xf32>
          %max3A_1070 = arith.constant 0.000000e+00 : f32
          %max3A_1071 = vector.broadcast %max3A_1070 : f32 to vector<16xf32>
          %max3A_1072 = arith.maximumf %add3A_1046, %max3A_1071 : vector<16xf32>
          %mul3A_1073 = arith.mulf %exp3A_1051, %add3A_1069 : vector<16xf32>
          %add3A_1074 = arith.addf %max3A_1072, %mul3A_1073 : vector<16xf32>
          %swap3A_1075 = arith.index_cast %add3A_1022 : i32 to index
          %swap3A_1076 = arith.constant 16 : index
          %swap3A_1077 = tpu.vector_load %arg13[%swap3A_1075, %swap3A_1076] {strides = array<i32>} : memref<512x32xf32, #tpu.memory_space<vmem>>, vector<1x16xf32>,
          %swap3A_1078 = vector.shape_cast %swap3A_1077 : vector<1x16xf32> to vector<16xf32>
          %swap3A_1079 = vector.shape_cast %add3A_1074 : vector<16xf32> to vector<1x16xf32>
          tpu.vector_store %arg13[%swap3A_1075, %swap3A_1076], %swap3A_1079 {strides = array<i32>} : memref<512x32xf32, #tpu.memory_space<vmem>>, vector<1x16xf32>,
          %swap3A_1080 = arith.index_cast %add3A_1030 : i32 to index
          %swap3A_1081 = arith.constant 80 : index
          %swap3A_1082 = tpu.vector_load %arg16[%swap3A_1080, %swap3A_1081] {strides = array<i32>} : memref<128x128xf32, #tpu.memory_space<vmem>>, vector<1x16xf32>,
          %swap3A_1083 = vector.shape_cast %swap3A_1082 : vector<1x16xf32> to vector<16xf32>
          %swap3A_1084 = vector.shape_cast %add3A_1074 : vector<16xf32> to vector<1x16xf32>
          tpu.vector_store %arg16[%swap3A_1080, %swap3A_1081], %swap3A_1084 {strides = array<i32>} : memref<128x128xf32, #tpu.memory_space<vmem>>, vector<1x16xf32>,
          %mul3A_1085 = arith.constant 8 : i32
          %mul3A_1086 = arith.muli %scan3A_138, %mul3A_1085 : i32
          %add3A_1087 = arith.constant 256 : i32
          %add3A_1088 = arith.addi %add3A_1087, %mul3A_1086 : i32
          %add3A_1089 = arith.constant 7 : i32
          %add3A_1090 = arith.addi %add3A_1088, %add3A_1089 : i32
          %add3A_1091 = arith.constant 32 : i32
          %add3A_1092 = arith.addi %add3A_1091, %scan3A_138 : i32
          %mul3A_1093 = arith.constant 2 : i32
          %mul3A_1094 = arith.muli %scan3A_138, %mul3A_1093 : i32
          %add3A_1095 = arith.constant 64 : i32
          %add3A_1096 = arith.addi %add3A_1095, %mul3A_1094 : i32
          %add3A_1097 = arith.constant 1 : i32
          %add3A_1098 = arith.addi %add3A_1096, %add3A_1097 : i32
          %get3A_1099 = arith.index_cast %add3A_1090 : i32 to index
          %get3A_1100 = arith.constant 0 : index
          %get3A_1101 = tpu.vector_load %arg13[%get3A_1099, %get3A_1100] {strides = array<i32>} : memref<512x32xf32, #tpu.memory_space<vmem>>, vector<1x16xf32>,
          %get3A_1102 = vector.shape_cast %get3A_1101 : vector<1x16xf32> to vector<16xf32>
          %get3A_1103 = arith.index_cast %add3A_1090 : i32 to index
          %get3A_1104 = arith.constant 0 : index
          %get3A_1105 = tpu.vector_load %arg14[%get3A_1103, %get3A_1104] {strides = array<i32>} : memref<512x32xf32, #tpu.memory_space<vmem>>, vector<1x16xf32>,
          %get3A_1106 = vector.shape_cast %get3A_1105 : vector<1x16xf32> to vector<16xf32>
          %add3A_1107 = arith.addf %get3A_1102, %get3A_1106 : vector<16xf32>
          %get3A_1108 = arith.constant 7 : i32
          %get3A_1109 = arith.index_cast %add3A_1092 : i32 to index
          %get3A_1110 = arith.index_cast %get3A_1108 : i32 to index
          %get3A_1111 = arith.constant 0 : index
          %get3A_1112 = tpu.vector_load %arg15[%get3A_1109, %get3A_1110, %get3A_1111] {strides = array<i32>} : memref<64x8x32xf32, #tpu.memory_space<vmem>>, vector<1x1x16xf32>,
          %get3A_1113 = vector.shape_cast %get3A_1112 : vector<1x1x16xf32> to vector<16xf32>
          %add3A_1114 = arith.addf %add3A_1107, %get3A_1113 : vector<16xf32>
          %abs3A_1115 = math.absf %add3A_1114 : vector<16xf32>
          %neg3A_1116 = arith.constant 0.000000e+00 : f32
          %neg3A_1117 = vector.broadcast %neg3A_1116 : f32 to vector<16xf32>
          %neg3A_1118 = arith.subf %neg3A_1117, %abs3A_1115 : vector<16xf32>
          %exp3A_1119 = math.exp %neg3A_1118 : vector<16xf32>
          %mul3A_1120 = arith.constant 0.0410644412 : f32
          %mul3A_1121 = vector.broadcast %mul3A_1120 : f32 to vector<16xf32>
          %mul3A_1122 = arith.mulf %mul3A_1121, %exp3A_1119 : vector<16xf32>
          %add3A_1123 = arith.constant -0.156028271 : f32
          %add3A_1124 = vector.broadcast %add3A_1123 : f32 to vector<16xf32>
          %add3A_1125 = arith.addf %mul3A_1122, %add3A_1124 : vector<16xf32>
          %mul3A_1126 = arith.mulf %add3A_1125, %exp3A_1119 : vector<16xf32>
          %add3A_1127 = arith.constant 0.304672241 : f32
          %add3A_1128 = vector.broadcast %add3A_1127 : f32 to vector<16xf32>
          %add3A_1129 = arith.addf %mul3A_1126, %add3A_1128 : vector<16xf32>
          %mul3A_1130 = arith.mulf %add3A_1129, %exp3A_1119 : vector<16xf32>
          %add3A_1131 = arith.constant -0.496368259 : f32
          %add3A_1132 = vector.broadcast %add3A_1131 : f32 to vector<16xf32>
          %add3A_1133 = arith.addf %mul3A_1130, %add3A_1132 : vector<16xf32>
          %mul3A_1134 = arith.mulf %add3A_1133, %exp3A_1119 : vector<16xf32>
          %add3A_1135 = arith.constant 0.999887943 : f32
          %add3A_1136 = vector.broadcast %add3A_1135 : f32 to vector<16xf32>
          %add3A_1137 = arith.addf %mul3A_1134, %add3A_1136 : vector<16xf32>
          %max3A_1138 = arith.constant 0.000000e+00 : f32
          %max3A_1139 = vector.broadcast %max3A_1138 : f32 to vector<16xf32>
          %max3A_1140 = arith.maximumf %add3A_1114, %max3A_1139 : vector<16xf32>
          %mul3A_1141 = arith.mulf %exp3A_1119, %add3A_1137 : vector<16xf32>
          %add3A_1142 = arith.addf %max3A_1140, %mul3A_1141 : vector<16xf32>
          %swap3A_1143 = arith.index_cast %add3A_1090 : i32 to index
          %swap3A_1144 = arith.constant 0 : index
          %swap3A_1145 = tpu.vector_load %arg13[%swap3A_1143, %swap3A_1144] {strides = array<i32>} : memref<512x32xf32, #tpu.memory_space<vmem>>, vector<1x16xf32>,
          %swap3A_1146 = vector.shape_cast %swap3A_1145 : vector<1x16xf32> to vector<16xf32>
          %swap3A_1147 = vector.shape_cast %add3A_1142 : vector<16xf32> to vector<1x16xf32>
          tpu.vector_store %arg13[%swap3A_1143, %swap3A_1144], %swap3A_1147 {strides = array<i32>} : memref<512x32xf32, #tpu.memory_space<vmem>>, vector<1x16xf32>,
          %swap3A_1148 = arith.index_cast %add3A_1098 : i32 to index
          %swap3A_1149 = arith.constant 96 : index
          %swap3A_1150 = tpu.vector_load %arg16[%swap3A_1148, %swap3A_1149] {strides = array<i32>} : memref<128x128xf32, #tpu.memory_space<vmem>>, vector<1x16xf32>,
          %swap3A_1151 = vector.shape_cast %swap3A_1150 : vector<1x16xf32> to vector<16xf32>
          %swap3A_1152 = vector.shape_cast %add3A_1142 : vector<16xf32> to vector<1x16xf32>
          tpu.vector_store %arg16[%swap3A_1148, %swap3A_1149], %swap3A_1152 {strides = array<i32>} : memref<128x128xf32, #tpu.memory_space<vmem>>, vector<1x16xf32>,
          %mul3A_1153 = arith.constant 8 : i32
          %mul3A_1154 = arith.muli %scan3A_138, %mul3A_1153 : i32
          %add3A_1155 = arith.constant 256 : i32
          %add3A_1156 = arith.addi %add3A_1155, %mul3A_1154 : i32
          %add3A_1157 = arith.constant 7 : i32
          %add3A_1158 = arith.addi %add3A_1156, %add3A_1157 : i32
          %add3A_1159 = arith.constant 32 : i32
          %add3A_1160 = arith.addi %add3A_1159, %scan3A_138 : i32
          %mul3A_1161 = arith.constant 2 : i32
          %mul3A_1162 = arith.muli %scan3A_138, %mul3A_1161 : i32
          %add3A_1163 = arith.constant 64 : i32
          %add3A_1164 = arith.addi %add3A_1163, %mul3A_1162 : i32
          %add3A_1165 = arith.constant 1 : i32
          %add3A_1166 = arith.addi %add3A_1164, %add3A_1165 : i32
          %get3A_1167 = arith.index_cast %add3A_1158 : i32 to index
          %get3A_1168 = arith.constant 16 : index
          %get3A_1169 = tpu.vector_load %arg13[%get3A_1167, %get3A_1168] {strides = array<i32>} : memref<512x32xf32, #tpu.memory_space<vmem>>, vector<1x16xf32>,
          %get3A_1170 = vector.shape_cast %get3A_1169 : vector<1x16xf32> to vector<16xf32>
          %get3A_1171 = arith.index_cast %add3A_1158 : i32 to index
          %get3A_1172 = arith.constant 16 : index
          %get3A_1173 = tpu.vector_load %arg14[%get3A_1171, %get3A_1172] {strides = array<i32>} : memref<512x32xf32, #tpu.memory_space<vmem>>, vector<1x16xf32>,
          %get3A_1174 = vector.shape_cast %get3A_1173 : vector<1x16xf32> to vector<16xf32>
          %add3A_1175 = arith.addf %get3A_1170, %get3A_1174 : vector<16xf32>
          %get3A_1176 = arith.constant 7 : i32
          %get3A_1177 = arith.index_cast %add3A_1160 : i32 to index
          %get3A_1178 = arith.index_cast %get3A_1176 : i32 to index
          %get3A_1179 = arith.constant 16 : index
          %get3A_1180 = tpu.vector_load %arg15[%get3A_1177, %get3A_1178, %get3A_1179] {strides = array<i32>} : memref<64x8x32xf32, #tpu.memory_space<vmem>>, vector<1x1x16xf32>,
          %get3A_1181 = vector.shape_cast %get3A_1180 : vector<1x1x16xf32> to vector<16xf32>
          %add3A_1182 = arith.addf %add3A_1175, %get3A_1181 : vector<16xf32>
          %abs3A_1183 = math.absf %add3A_1182 : vector<16xf32>
          %neg3A_1184 = arith.constant 0.000000e+00 : f32
          %neg3A_1185 = vector.broadcast %neg3A_1184 : f32 to vector<16xf32>
          %neg3A_1186 = arith.subf %neg3A_1185, %abs3A_1183 : vector<16xf32>
          %exp3A_1187 = math.exp %neg3A_1186 : vector<16xf32>
          %mul3A_1188 = arith.constant 0.0410644412 : f32
          %mul3A_1189 = vector.broadcast %mul3A_1188 : f32 to vector<16xf32>
          %mul3A_1190 = arith.mulf %mul3A_1189, %exp3A_1187 : vector<16xf32>
          %add3A_1191 = arith.constant -0.156028271 : f32
          %add3A_1192 = vector.broadcast %add3A_1191 : f32 to vector<16xf32>
          %add3A_1193 = arith.addf %mul3A_1190, %add3A_1192 : vector<16xf32>
          %mul3A_1194 = arith.mulf %add3A_1193, %exp3A_1187 : vector<16xf32>
          %add3A_1195 = arith.constant 0.304672241 : f32
          %add3A_1196 = vector.broadcast %add3A_1195 : f32 to vector<16xf32>
          %add3A_1197 = arith.addf %mul3A_1194, %add3A_1196 : vector<16xf32>
          %mul3A_1198 = arith.mulf %add3A_1197, %exp3A_1187 : vector<16xf32>
          %add3A_1199 = arith.constant -0.496368259 : f32
          %add3A_1200 = vector.broadcast %add3A_1199 : f32 to vector<16xf32>
          %add3A_1201 = arith.addf %mul3A_1198, %add3A_1200 : vector<16xf32>
          %mul3A_1202 = arith.mulf %add3A_1201, %exp3A_1187 : vector<16xf32>
          %add3A_1203 = arith.constant 0.999887943 : f32
          %add3A_1204 = vector.broadcast %add3A_1203 : f32 to vector<16xf32>
          %add3A_1205 = arith.addf %mul3A_1202, %add3A_1204 : vector<16xf32>
          %max3A_1206 = arith.constant 0.000000e+00 : f32
          %max3A_1207 = vector.broadcast %max3A_1206 : f32 to vector<16xf32>
          %max3A_1208 = arith.maximumf %add3A_1182, %max3A_1207 : vector<16xf32>
          %mul3A_1209 = arith.mulf %exp3A_1187, %add3A_1205 : vector<16xf32>
          %add3A_1210 = arith.addf %max3A_1208, %mul3A_1209 : vector<16xf32>
          %swap3A_1211 = arith.index_cast %add3A_1158 : i32 to index
          %swap3A_1212 = arith.constant 16 : index
          %swap3A_1213 = tpu.vector_load %arg13[%swap3A_1211, %swap3A_1212] {strides = array<i32>} : memref<512x32xf32, #tpu.memory_space<vmem>>, vector<1x16xf32>,
          %swap3A_1214 = vector.shape_cast %swap3A_1213 : vector<1x16xf32> to vector<16xf32>
          %swap3A_1215 = vector.shape_cast %add3A_1210 : vector<16xf32> to vector<1x16xf32>
          tpu.vector_store %arg13[%swap3A_1211, %swap3A_1212], %swap3A_1215 {strides = array<i32>} : memref<512x32xf32, #tpu.memory_space<vmem>>, vector<1x16xf32>,
          %swap3A_1216 = arith.index_cast %add3A_1166 : i32 to index
          %swap3A_1217 = arith.constant 112 : index
          %swap3A_1218 = tpu.vector_load %arg16[%swap3A_1216, %swap3A_1217] {strides = array<i32>} : memref<128x128xf32, #tpu.memory_space<vmem>>, vector<1x16xf32>,
          %swap3A_1219 = vector.shape_cast %swap3A_1218 : vector<1x16xf32> to vector<16xf32>
          %swap3A_1220 = vector.shape_cast %add3A_1210 : vector<16xf32> to vector<1x16xf32>
          tpu.vector_store %arg16[%swap3A_1216, %swap3A_1217], %swap3A_1220 {strides = array<i32>} : memref<128x128xf32, #tpu.memory_space<vmem>>, vector<1x16xf32>,
        }
        %scan3A_115 = arith.constant 32 : i32
        %mul3A_116 = arith.constant 64 : i32
        %mul3A_117 = arith.muli %add3A_99, %mul3A_116 : i32
        %dma_start3A = arith.constant 64 : i32
        %dma_start3A_118 = arith.constant 0 : i32
        %dma_start3A_119 = tpu.memref_slice %arg16[%dma_start3A, %dma_start3A_118] : memref<128x128xf32, #tpu.memory_space<vmem>> -> memref<64x128xf32, #tpu.memory_space<vmem>>
        %dma_start3A_120 = arith.constant 0 : i32
        %dma_start3A_121 = tpu.memref_slice %arg9[%mul3A_117, %dma_start3A_120] : memref<80000x128xf32, #tpu.memory_space<hbm>> -> memref<64x128xf32, #tpu.memory_space<hbm>>
        %dma_start3A_122 = arith.constant 0 : i32
        %dma_start3A_123 = tpu.memref_slice %arg9[%mul3A_117, %dma_start3A_122] : memref<80000x128xf32, #tpu.memory_space<hbm>> -> memref<64x128xf32, #tpu.memory_space<hbm>>
        %dma_start3A_124 = arith.constant 64 : i32
        %dma_start3A_125 = arith.constant 0 : i32
        %dma_start3A_126 = tpu.memref_slice %arg16[%dma_start3A_124, %dma_start3A_125] : memref<128x128xf32, #tpu.memory_space<vmem>> -> memref<64x128xf32, #tpu.memory_space<vmem>>
        tpu.enqueue_dma source(%dma_start3A_126 : memref<64x128xf32, #tpu.memory_space<vmem>>) target(%dma_start3A_123 : memref<64x128xf32, #tpu.memory_space<hbm>>) target_semaphore(%arg24 : memref<!tpu.dma_semaphore, #tpu.memory_space<semaphore_mem>>)
        %run_scoped3A = arith.constant 1 : i32
        %run_scoped3A_127 = arith.constant 1 : i32
        %run_scoped3A_128 = arith.constant 0 : i32
        "tpu.region"() ({
          %run_scoped3A_138 = tpu.sem_alloc : memref<!tpu.dma_semaphore, #tpu.memory_space<semaphore_mem>>
          %dma_start3A_139 = arith.constant 256 : i32
          %dma_start3A_140 = arith.constant 0 : i32
          %dma_start3A_141 = tpu.memref_slice %arg13[%dma_start3A_139, %dma_start3A_140] : memref<512x32xf32, #tpu.memory_space<vmem>> -> memref<128x32xf32, #tpu.memory_space<vmem>>
          %dma_start3A_142 = arith.constant 0 : i32
          %dma_start3A_143 = tpu.memref_slice %arg12[%run_scoped3A, %run_scoped3A_127, %run_scoped3A_128, %dma_start3A_142] : memref<2x2x2x128xi32, #tpu.memory_space<vmem>> -> memref<1x1x1x128xi32, #tpu.memory_space<vmem>>
          %dma_start3A_144 = tpu.memref_squeeze %dma_start3A_143 : memref<1x1x1x128xi32, #tpu.memory_space<vmem>> -> memref<128xi32, #tpu.memory_space<vmem>>
          %dma_start3A_145 = arith.constant 0 : i32
          %dma_start3A_146 = arith.constant 0 : i32
          %dma_start3A_147 = tpu.memref_slice %arg18[%dma_start3A_145, %dma_start3A_146] : memref<10000x32xf32, #tpu.memory_space<vmem_shared>> -> memref<10000x32xf32, #tpu.memory_space<vmem_shared>>
          tpu.enqueue_indirect_dma source(%dma_start3A_141 : memref<128x32xf32, #tpu.memory_space<vmem>>) target(%dma_start3A_147 : memref<10000x32xf32, #tpu.memory_space<vmem_shared>>) offsets(%dma_start3A_144 : memref<128xi32, #tpu.memory_space<vmem>>) semaphore(%run_scoped3A_138 : memref<!tpu.dma_semaphore, #tpu.memory_space<semaphore_mem>>) {add = true}
          %dma_wait3A_148 = arith.constant 256 : i32
          %dma_wait3A_149 = arith.constant 0 : i32
          %dma_wait3A_150 = tpu.memref_slice %arg13[%dma_wait3A_148, %dma_wait3A_149] : memref<512x32xf32, #tpu.memory_space<vmem>> -> memref<128x32xf32, #tpu.memory_space<vmem>>
          %dma_wait3A_151 = arith.constant 0 : i32
          %dma_wait3A_152 = tpu.memref_slice %arg12[%run_scoped3A, %run_scoped3A_127, %run_scoped3A_128, %dma_wait3A_151] : memref<2x2x2x128xi32, #tpu.memory_space<vmem>> -> memref<1x1x1x128xi32, #tpu.memory_space<vmem>>
          %dma_wait3A_153 = tpu.memref_squeeze %dma_wait3A_152 : memref<1x1x1x128xi32, #tpu.memory_space<vmem>> -> memref<128xi32, #tpu.memory_space<vmem>>
          %dma_wait3A_154 = arith.constant 0 : i32
          %dma_wait3A_155 = arith.constant 0 : i32
          %dma_wait3A_156 = tpu.memref_slice %arg18[%dma_wait3A_154, %dma_wait3A_155] : memref<10000x32xf32, #tpu.memory_space<vmem_shared>> -> memref<10000x32xf32, #tpu.memory_space<vmem_shared>>
          tpu.wait_indirect_dma semaphore(%run_scoped3A_138 : memref<!tpu.dma_semaphore, #tpu.memory_space<semaphore_mem>>) src(%dma_wait3A_150 : memref<128x32xf32, #tpu.memory_space<vmem>>) dst(%dma_wait3A_156 : memref<10000x32xf32, #tpu.memory_space<vmem_shared>>)
          tpu.yield
        }) : () -> ()
        %run_scoped3A_129 = arith.constant 1 : i32
        %run_scoped3A_130 = arith.constant 1 : i32
        %run_scoped3A_131 = arith.constant 0 : i32
        "tpu.region"() ({
          %run_scoped3A_138 = tpu.sem_alloc : memref<!tpu.dma_semaphore, #tpu.memory_space<semaphore_mem>>
          %dma_start3A_139 = arith.constant 0 : i32
          %dma_start3A_140 = tpu.memref_slice %arg12[%run_scoped3A_129, %run_scoped3A_130, %run_scoped3A_131, %dma_start3A_139] : memref<2x2x2x128xi32, #tpu.memory_space<vmem>> -> memref<1x1x1x128xi32, #tpu.memory_space<vmem>>
          %dma_start3A_141 = tpu.memref_squeeze %dma_start3A_140 : memref<1x1x1x128xi32, #tpu.memory_space<vmem>> -> memref<128xi32, #tpu.memory_space<vmem>>
          %dma_start3A_142 = arith.constant 0 : i32
          %dma_start3A_143 = arith.constant 0 : i32
          %dma_start3A_144 = tpu.memref_slice %arg19[%dma_start3A_142, %dma_start3A_143] : memref<10000x8xf32, #tpu.memory_space<vmem_shared>> -> memref<10000x8xf32, #tpu.memory_space<vmem_shared>>
          tpu.enqueue_indirect_dma source(%arg17 : memref<128x8xf32, #tpu.memory_space<vmem>>) target(%dma_start3A_144 : memref<10000x8xf32, #tpu.memory_space<vmem_shared>>) offsets(%dma_start3A_141 : memref<128xi32, #tpu.memory_space<vmem>>) semaphore(%run_scoped3A_138 : memref<!tpu.dma_semaphore, #tpu.memory_space<semaphore_mem>>) {add = true}
          %dma_wait3A_145 = arith.constant 0 : i32
          %dma_wait3A_146 = tpu.memref_slice %arg12[%run_scoped3A_129, %run_scoped3A_130, %run_scoped3A_131, %dma_wait3A_145] : memref<2x2x2x128xi32, #tpu.memory_space<vmem>> -> memref<1x1x1x128xi32, #tpu.memory_space<vmem>>
          %dma_wait3A_147 = tpu.memref_squeeze %dma_wait3A_146 : memref<1x1x1x128xi32, #tpu.memory_space<vmem>> -> memref<128xi32, #tpu.memory_space<vmem>>
          %dma_wait3A_148 = arith.constant 0 : i32
          %dma_wait3A_149 = arith.constant 0 : i32
          %dma_wait3A_150 = tpu.memref_slice %arg19[%dma_wait3A_148, %dma_wait3A_149] : memref<10000x8xf32, #tpu.memory_space<vmem_shared>> -> memref<10000x8xf32, #tpu.memory_space<vmem_shared>>
          tpu.wait_indirect_dma semaphore(%run_scoped3A_138 : memref<!tpu.dma_semaphore, #tpu.memory_space<semaphore_mem>>) src(%arg17 : memref<128x8xf32, #tpu.memory_space<vmem>>) dst(%dma_wait3A_150 : memref<10000x8xf32, #tpu.memory_space<vmem_shared>>)
          tpu.yield
        }) : () -> ()
        %run_scoped3A_132 = arith.constant 1 : i32
        %run_scoped3A_133 = arith.constant 1 : i32
        %run_scoped3A_134 = arith.constant 1 : i32
        "tpu.region"() ({
          %run_scoped3A_138 = tpu.sem_alloc : memref<!tpu.dma_semaphore, #tpu.memory_space<semaphore_mem>>
          %dma_start3A_139 = arith.constant 384 : i32
          %dma_start3A_140 = arith.constant 0 : i32
          %dma_start3A_141 = tpu.memref_slice %arg13[%dma_start3A_139, %dma_start3A_140] : memref<512x32xf32, #tpu.memory_space<vmem>> -> memref<128x32xf32, #tpu.memory_space<vmem>>
          %dma_start3A_142 = arith.constant 0 : i32
          %dma_start3A_143 = tpu.memref_slice %arg12[%run_scoped3A_132, %run_scoped3A_133, %run_scoped3A_134, %dma_start3A_142] : memref<2x2x2x128xi32, #tpu.memory_space<vmem>> -> memref<1x1x1x128xi32, #tpu.memory_space<vmem>>
          %dma_start3A_144 = tpu.memref_squeeze %dma_start3A_143 : memref<1x1x1x128xi32, #tpu.memory_space<vmem>> -> memref<128xi32, #tpu.memory_space<vmem>>
          %dma_start3A_145 = arith.constant 0 : i32
          %dma_start3A_146 = arith.constant 0 : i32
          %dma_start3A_147 = tpu.memref_slice %arg18[%dma_start3A_145, %dma_start3A_146] : memref<10000x32xf32, #tpu.memory_space<vmem_shared>> -> memref<10000x32xf32, #tpu.memory_space<vmem_shared>>
          tpu.enqueue_indirect_dma source(%dma_start3A_141 : memref<128x32xf32, #tpu.memory_space<vmem>>) target(%dma_start3A_147 : memref<10000x32xf32, #tpu.memory_space<vmem_shared>>) offsets(%dma_start3A_144 : memref<128xi32, #tpu.memory_space<vmem>>) semaphore(%run_scoped3A_138 : memref<!tpu.dma_semaphore, #tpu.memory_space<semaphore_mem>>) {add = true}
          %dma_wait3A_148 = arith.constant 384 : i32
          %dma_wait3A_149 = arith.constant 0 : i32
          %dma_wait3A_150 = tpu.memref_slice %arg13[%dma_wait3A_148, %dma_wait3A_149] : memref<512x32xf32, #tpu.memory_space<vmem>> -> memref<128x32xf32, #tpu.memory_space<vmem>>
          %dma_wait3A_151 = arith.constant 0 : i32
          %dma_wait3A_152 = tpu.memref_slice %arg12[%run_scoped3A_132, %run_scoped3A_133, %run_scoped3A_134, %dma_wait3A_151] : memref<2x2x2x128xi32, #tpu.memory_space<vmem>> -> memref<1x1x1x128xi32, #tpu.memory_space<vmem>>
          %dma_wait3A_153 = tpu.memref_squeeze %dma_wait3A_152 : memref<1x1x1x128xi32, #tpu.memory_space<vmem>> -> memref<128xi32, #tpu.memory_space<vmem>>
          %dma_wait3A_154 = arith.constant 0 : i32
          %dma_wait3A_155 = arith.constant 0 : i32
          %dma_wait3A_156 = tpu.memref_slice %arg18[%dma_wait3A_154, %dma_wait3A_155] : memref<10000x32xf32, #tpu.memory_space<vmem_shared>> -> memref<10000x32xf32, #tpu.memory_space<vmem_shared>>
          tpu.wait_indirect_dma semaphore(%run_scoped3A_138 : memref<!tpu.dma_semaphore, #tpu.memory_space<semaphore_mem>>) src(%dma_wait3A_150 : memref<128x32xf32, #tpu.memory_space<vmem>>) dst(%dma_wait3A_156 : memref<10000x32xf32, #tpu.memory_space<vmem_shared>>)
          tpu.yield
        }) : () -> ()
        %run_scoped3A_135 = arith.constant 1 : i32
        %run_scoped3A_136 = arith.constant 1 : i32
        %run_scoped3A_137 = arith.constant 1 : i32
        "tpu.region"() ({
          %run_scoped3A_138 = tpu.sem_alloc : memref<!tpu.dma_semaphore, #tpu.memory_space<semaphore_mem>>
          %dma_start3A_139 = arith.constant 0 : i32
          %dma_start3A_140 = tpu.memref_slice %arg12[%run_scoped3A_135, %run_scoped3A_136, %run_scoped3A_137, %dma_start3A_139] : memref<2x2x2x128xi32, #tpu.memory_space<vmem>> -> memref<1x1x1x128xi32, #tpu.memory_space<vmem>>
          %dma_start3A_141 = tpu.memref_squeeze %dma_start3A_140 : memref<1x1x1x128xi32, #tpu.memory_space<vmem>> -> memref<128xi32, #tpu.memory_space<vmem>>
          %dma_start3A_142 = arith.constant 0 : i32
          %dma_start3A_143 = arith.constant 0 : i32
          %dma_start3A_144 = tpu.memref_slice %arg19[%dma_start3A_142, %dma_start3A_143] : memref<10000x8xf32, #tpu.memory_space<vmem_shared>> -> memref<10000x8xf32, #tpu.memory_space<vmem_shared>>
          tpu.enqueue_indirect_dma source(%arg17 : memref<128x8xf32, #tpu.memory_space<vmem>>) target(%dma_start3A_144 : memref<10000x8xf32, #tpu.memory_space<vmem_shared>>) offsets(%dma_start3A_141 : memref<128xi32, #tpu.memory_space<vmem>>) semaphore(%run_scoped3A_138 : memref<!tpu.dma_semaphore, #tpu.memory_space<semaphore_mem>>) {add = true}
          %dma_wait3A_145 = arith.constant 0 : i32
          %dma_wait3A_146 = tpu.memref_slice %arg12[%run_scoped3A_135, %run_scoped3A_136, %run_scoped3A_137, %dma_wait3A_145] : memref<2x2x2x128xi32, #tpu.memory_space<vmem>> -> memref<1x1x1x128xi32, #tpu.memory_space<vmem>>
          %dma_wait3A_147 = tpu.memref_squeeze %dma_wait3A_146 : memref<1x1x1x128xi32, #tpu.memory_space<vmem>> -> memref<128xi32, #tpu.memory_space<vmem>>
          %dma_wait3A_148 = arith.constant 0 : i32
          %dma_wait3A_149 = arith.constant 0 : i32
          %dma_wait3A_150 = tpu.memref_slice %arg19[%dma_wait3A_148, %dma_wait3A_149] : memref<10000x8xf32, #tpu.memory_space<vmem_shared>> -> memref<10000x8xf32, #tpu.memory_space<vmem_shared>>
          tpu.wait_indirect_dma semaphore(%run_scoped3A_138 : memref<!tpu.dma_semaphore, #tpu.memory_space<semaphore_mem>>) src(%arg17 : memref<128x8xf32, #tpu.memory_space<vmem>>) dst(%dma_wait3A_150 : memref<10000x8xf32, #tpu.memory_space<vmem_shared>>)
          tpu.yield
        }) : () -> ()
      } else {
      }
    }
    %scan3A_13 = arith.constant 20 : i32
    %dma_wait3A = arith.constant 0 : i32
    %dma_wait3A_14 = arith.constant 0 : i32
    %dma_wait3A_15 = tpu.memref_slice %arg16[%dma_wait3A, %dma_wait3A_14] : memref<128x128xf32, #tpu.memory_space<vmem>> -> memref<64x128xf32, #tpu.memory_space<vmem>>
    %dma_wait3A_16 = arith.constant 0 : i32
    %dma_wait3A_17 = arith.constant 0 : i32
    %dma_wait3A_18 = tpu.memref_slice %arg9[%dma_wait3A_16, %dma_wait3A_17] : memref<80000x128xf32, #tpu.memory_space<hbm>> -> memref<64x128xf32, #tpu.memory_space<hbm>>
    %dma_wait3A_19 = arith.constant 0 : i32
    %dma_wait3A_20 = arith.constant 0 : i32
    %dma_wait3A_21 = tpu.memref_slice %arg9[%dma_wait3A_19, %dma_wait3A_20] : memref<80000x128xf32, #tpu.memory_space<hbm>> -> memref<64x128xf32, #tpu.memory_space<hbm>>
    %dma_wait3A_22 = arith.constant 0 : i32
    %dma_wait3A_23 = arith.constant 0 : i32
    %dma_wait3A_24 = tpu.memref_slice %arg16[%dma_wait3A_22, %dma_wait3A_23] : memref<128x128xf32, #tpu.memory_space<vmem>> -> memref<64x128xf32, #tpu.memory_space<vmem>>
    tpu.wait_dma2 semaphore(%arg24 : memref<!tpu.dma_semaphore, #tpu.memory_space<semaphore_mem>>) src(%dma_wait3A_24 : memref<64x128xf32, #tpu.memory_space<vmem>>) dst(%dma_wait3A_21 : memref<64x128xf32, #tpu.memory_space<hbm>>)
    %dma_wait3A_25 = arith.constant 64 : i32
    %dma_wait3A_26 = arith.constant 0 : i32
    %dma_wait3A_27 = tpu.memref_slice %arg16[%dma_wait3A_25, %dma_wait3A_26] : memref<128x128xf32, #tpu.memory_space<vmem>> -> memref<64x128xf32, #tpu.memory_space<vmem>>
    %dma_wait3A_28 = arith.constant 0 : i32
    %dma_wait3A_29 = arith.constant 0 : i32
    %dma_wait3A_30 = tpu.memref_slice %arg9[%dma_wait3A_28, %dma_wait3A_29] : memref<80000x128xf32, #tpu.memory_space<hbm>> -> memref<64x128xf32, #tpu.memory_space<hbm>>
    %dma_wait3A_31 = arith.constant 0 : i32
    %dma_wait3A_32 = arith.constant 0 : i32
    %dma_wait3A_33 = tpu.memref_slice %arg9[%dma_wait3A_31, %dma_wait3A_32] : memref<80000x128xf32, #tpu.memory_space<hbm>> -> memref<64x128xf32, #tpu.memory_space<hbm>>
    %dma_wait3A_34 = arith.constant 64 : i32
    %dma_wait3A_35 = arith.constant 0 : i32
    %dma_wait3A_36 = tpu.memref_slice %arg16[%dma_wait3A_34, %dma_wait3A_35] : memref<128x128xf32, #tpu.memory_space<vmem>> -> memref<64x128xf32, #tpu.memory_space<vmem>>
    tpu.wait_dma2 semaphore(%arg24 : memref<!tpu.dma_semaphore, #tpu.memory_space<semaphore_mem>>) src(%dma_wait3A_36 : memref<64x128xf32, #tpu.memory_space<vmem>>) dst(%dma_wait3A_33 : memref<64x128xf32, #tpu.memory_space<hbm>>)
    %barrier3A_37 = arith.constant 0 : index
    tpu.barrier barrier_id(%barrier3A_37)
    %mul3A_38 = arith.constant 625 : i32
    %mul3A_39 = arith.muli %arg1, %mul3A_38 : i32
    %mul3A_40 = arith.constant 625 : i32
    %mul3A_41 = arith.muli %arg1, %mul3A_40 : i32
    "tpu.region"() ({
      %run_scoped3A = tpu.sem_alloc : memref<!tpu.dma_semaphore, #tpu.memory_space<semaphore_mem>>
      %dma_start3A = arith.constant 0 : i32
      %dma_start3A_46 = tpu.memref_slice %arg10[%arg0, %mul3A_41, %dma_start3A] : memref<2x10000x32xf32, #tpu.memory_space<hbm>> -> memref<1x625x32xf32, #tpu.memory_space<hbm>>
      %dma_start3A_47 = tpu.memref_squeeze %dma_start3A_46 : memref<1x625x32xf32, #tpu.memory_space<hbm>> -> memref<625x32xf32, #tpu.memory_space<hbm>>
      %dma_start3A_48 = arith.constant 0 : i32
      %dma_start3A_49 = tpu.memref_slice %arg18[%mul3A_39, %dma_start3A_48] : memref<10000x32xf32, #tpu.memory_space<vmem_shared>> -> memref<625x32xf32, #tpu.memory_space<vmem_shared>>
      tpu.enqueue_dma source(%dma_start3A_49 : memref<625x32xf32, #tpu.memory_space<vmem_shared>>) target(%dma_start3A_47 : memref<625x32xf32, #tpu.memory_space<hbm>>) target_semaphore(%run_scoped3A : memref<!tpu.dma_semaphore, #tpu.memory_space<semaphore_mem>>)
      %dma_wait3A_50 = arith.constant 0 : i32
      %dma_wait3A_51 = tpu.memref_slice %arg10[%arg0, %mul3A_41, %dma_wait3A_50] : memref<2x10000x32xf32, #tpu.memory_space<hbm>> -> memref<1x625x32xf32, #tpu.memory_space<hbm>>
      %dma_wait3A_52 = tpu.memref_squeeze %dma_wait3A_51 : memref<1x625x32xf32, #tpu.memory_space<hbm>> -> memref<625x32xf32, #tpu.memory_space<hbm>>
      %dma_wait3A_53 = arith.constant 0 : i32
      %dma_wait3A_54 = tpu.memref_slice %arg18[%mul3A_39, %dma_wait3A_53] : memref<10000x32xf32, #tpu.memory_space<vmem_shared>> -> memref<625x32xf32, #tpu.memory_space<vmem_shared>>
      tpu.wait_dma2 semaphore(%run_scoped3A : memref<!tpu.dma_semaphore, #tpu.memory_space<semaphore_mem>>) src(%dma_wait3A_54 : memref<625x32xf32, #tpu.memory_space<vmem_shared>>) dst(%dma_wait3A_52 : memref<625x32xf32, #tpu.memory_space<hbm>>)
      tpu.yield
    }) : () -> ()
    %mul3A_42 = arith.constant 625 : i32
    %mul3A_43 = arith.muli %arg1, %mul3A_42 : i32
    %mul3A_44 = arith.constant 625 : i32
    %mul3A_45 = arith.muli %arg1, %mul3A_44 : i32
    "tpu.region"() ({
      %run_scoped3A = tpu.sem_alloc : memref<!tpu.dma_semaphore, #tpu.memory_space<semaphore_mem>>
      %dma_start3A = arith.constant 0 : i32
      %dma_start3A_46 = tpu.memref_slice %arg11[%arg0, %mul3A_45, %dma_start3A] : memref<2x10000x8xf32, #tpu.memory_space<hbm>> -> memref<1x625x8xf32, #tpu.memory_space<hbm>>
      %dma_start3A_47 = tpu.memref_squeeze %dma_start3A_46 : memref<1x625x8xf32, #tpu.memory_space<hbm>> -> memref<625x8xf32, #tpu.memory_space<hbm>>
      %dma_start3A_48 = arith.constant 0 : i32
      %dma_start3A_49 = tpu.memref_slice %arg19[%mul3A_43, %dma_start3A_48] : memref<10000x8xf32, #tpu.memory_space<vmem_shared>> -> memref<625x8xf32, #tpu.memory_space<vmem_shared>>
      tpu.enqueue_dma source(%dma_start3A_49 : memref<625x8xf32, #tpu.memory_space<vmem_shared>>) target(%dma_start3A_47 : memref<625x8xf32, #tpu.memory_space<hbm>>) target_semaphore(%run_scoped3A : memref<!tpu.dma_semaphore, #tpu.memory_space<semaphore_mem>>)
      %dma_wait3A_50 = arith.constant 0 : i32
      %dma_wait3A_51 = tpu.memref_slice %arg11[%arg0, %mul3A_45, %dma_wait3A_50] : memref<2x10000x8xf32, #tpu.memory_space<hbm>> -> memref<1x625x8xf32, #tpu.memory_space<hbm>>
      %dma_wait3A_52 = tpu.memref_squeeze %dma_wait3A_51 : memref<1x625x8xf32, #tpu.memory_space<hbm>> -> memref<625x8xf32, #tpu.memory_space<hbm>>
      %dma_wait3A_53 = arith.constant 0 : i32
      %dma_wait3A_54 = tpu.memref_slice %arg19[%mul3A_43, %dma_wait3A_53] : memref<10000x8xf32, #tpu.memory_space<vmem_shared>> -> memref<625x8xf32, #tpu.memory_space<vmem_shared>>
      tpu.wait_dma2 semaphore(%run_scoped3A : memref<!tpu.dma_semaphore, #tpu.memory_space<semaphore_mem>>) src(%dma_wait3A_54 : memref<625x8xf32, #tpu.memory_space<vmem_shared>>) dst(%dma_wait3A_52 : memref<625x8xf32, #tpu.memory_space<hbm>>)
      tpu.yield
    }) : () -> ()
    return
  }
}

module attributes {stable_mosaic.version = 14 : i64} {
  func.func @_proj_body(%arg0: memref<10000x128xf32, #tpu.memory_space<vmem>>, %arg1: memref<128x96xf32, #tpu.memory_space<vmem>>, %arg2: memref<10000x32xf32, #tpu.memory_space<vmem>>, %arg3: memref<10000x32xf32, #tpu.memory_space<vmem>>, %arg4: memref<10000x32xf32, #tpu.memory_space<vmem>>) attributes {dimension_semantics = [], scalar_prefetch = 0 : i64, scratch_operands = 0 : i64, tpu.core_type = #tpu.core_type<tc>} {
    %get3A = arith.constant 0 : index
    %get3A_0 = arith.constant 0 : index
    %get3A_1 = vector.load %arg0[%get3A, %get3A_0] : memref<10000x128xf32, #tpu.memory_space<vmem>>, vector<10000x128xf32>
    %get3A_2 = arith.constant 0 : index
    %get3A_3 = arith.constant 0 : index
    %get3A_4 = vector.load %arg1[%get3A_2, %get3A_3] : memref<128x96xf32, #tpu.memory_space<vmem>>, vector<128x96xf32>
    %dot_general3A = arith.constant dense<0.000000e+00> : vector<10000x96xf32>
    %dot_general3A_5 = tpu.matmul %get3A_1, %get3A_4, %dot_general3A {dimension_numbers = #tpu.dot_dimension_numbers<[1], [0], [0], [1], [0, 0, 1, 1], [], []>, transpose_lhs_hint = false} : vector<10000x128xf32>, vector<128x96xf32>, vector<10000x96xf32> -> vector<10000x96xf32>
    %slice3A = vector.extract_strided_slice %dot_general3A_5 {offsets = [0, 0], sizes = [10000, 32], strides = [1, 1]} : vector<10000x96xf32> to vector<10000x32xf32>
    %swap3A = arith.constant 0 : index
    %swap3A_6 = arith.constant 0 : index
    %swap3A_7 = vector.load %arg2[%swap3A, %swap3A_6] : memref<10000x32xf32, #tpu.memory_space<vmem>>, vector<10000x32xf32>
    tpu.vector_store %arg2[%swap3A, %swap3A_6], %slice3A {strides = array<i32>} : memref<10000x32xf32, #tpu.memory_space<vmem>>, vector<10000x32xf32>,
    %slice3A_8 = vector.extract_strided_slice %dot_general3A_5 {offsets = [0, 32], sizes = [10000, 32], strides = [1, 1]} : vector<10000x96xf32> to vector<10000x32xf32>
    %swap3A_9 = arith.constant 0 : index
    %swap3A_10 = arith.constant 0 : index
    %swap3A_11 = vector.load %arg3[%swap3A_9, %swap3A_10] : memref<10000x32xf32, #tpu.memory_space<vmem>>, vector<10000x32xf32>
    tpu.vector_store %arg3[%swap3A_9, %swap3A_10], %slice3A_8 {strides = array<i32>} : memref<10000x32xf32, #tpu.memory_space<vmem>>, vector<10000x32xf32>,
    %slice3A_12 = vector.extract_strided_slice %dot_general3A_5 {offsets = [0, 64], sizes = [10000, 32], strides = [1, 1]} : vector<10000x96xf32> to vector<10000x32xf32>
    %swap3A_13 = arith.constant 0 : index
    %swap3A_14 = arith.constant 0 : index
    %swap3A_15 = vector.load %arg4[%swap3A_13, %swap3A_14] : memref<10000x32xf32, #tpu.memory_space<vmem>>, vector<10000x32xf32>
    tpu.vector_store %arg4[%swap3A_13, %swap3A_14], %slice3A_12 {strides = array<i32>} : memref<10000x32xf32, #tpu.memory_space<vmem>>, vector<10000x32xf32>,
    return
  }
}

module attributes {stable_mosaic.version = 14 : i64} {
  func.func @_ep_body(%arg0: i32, %arg1: memref<16x6400xf32, #tpu.memory_space<vmem>>, %arg2: memref<16x32xf32, #tpu.memory_space<vmem>>, %arg3: memref<1x32xf32, #tpu.memory_space<vmem>>, %arg4: memref<32x32xf32, #tpu.memory_space<vmem>>, %arg5: memref<1x32xf32, #tpu.memory_space<vmem>>, %arg6: memref<800x8x128xf32, #tpu.memory_space<vmem>>) attributes {dimension_semantics = [#tpu.dimension_semantics<arbitrary>], iteration_bounds = array<i64: 50>, scalar_prefetch = 0 : i64, scratch_operands = 0 : i64, tpu.core_type = #tpu.core_type<tc>, window_params = [{transform_indices = @transform_0, window_bounds = array<i64: 16, 6400>}, {pipeline_mode = #tpu.pipeline_mode<synchronous>, transform_indices = @transform_1, window_bounds = array<i64: 16, 32>}, {pipeline_mode = #tpu.pipeline_mode<synchronous>, transform_indices = @transform_2, window_bounds = array<i64: 1, 32>}, {pipeline_mode = #tpu.pipeline_mode<synchronous>, transform_indices = @transform_3, window_bounds = array<i64: 32, 32>}, {pipeline_mode = #tpu.pipeline_mode<synchronous>, transform_indices = @transform_4, window_bounds = array<i64: 1, 32>}, {transform_indices = @transform_5, window_bounds = array<i64: 800, 8, 128>}]} {
    %get3A = arith.constant 0 : index
    %get3A_0 = arith.constant 0 : index
    %get3A_1 = vector.load %arg3[%get3A, %get3A_0] : memref<1x32xf32, #tpu.memory_space<vmem>>, vector<1x32xf32>
    %get3A_2 = arith.constant 0 : index
    %get3A_3 = arith.constant 0 : index
    %get3A_4 = vector.load %arg4[%get3A_2, %get3A_3] : memref<32x32xf32, #tpu.memory_space<vmem>>, vector<32x32xf32>
    %dot_general3A = arith.constant dense<0.000000e+00> : vector<1x32xf32>
    %dot_general3A_5 = tpu.matmul %get3A_1, %get3A_4, %dot_general3A {dimension_numbers = #tpu.dot_dimension_numbers<[1], [0], [0], [1], [0, 0, 1, 1], [], []>, transpose_lhs_hint = false} : vector<1x32xf32>, vector<32x32xf32>, vector<1x32xf32> -> vector<1x32xf32>
    %get3A_6 = arith.constant 0 : index
    %get3A_7 = arith.constant 0 : index
    %get3A_8 = vector.load %arg5[%get3A_6, %get3A_7] : memref<1x32xf32, #tpu.memory_space<vmem>>, vector<1x32xf32>
    %add3A = arith.addf %dot_general3A_5, %get3A_8 : vector<1x32xf32>
    %get3A_9 = arith.constant 0 : index
    %get3A_10 = arith.constant 0 : index
    %get3A_11 = vector.load %arg1[%get3A_9, %get3A_10] : memref<16x6400xf32, #tpu.memory_space<vmem>>, vector<16x6400xf32>
    %get3A_12 = arith.constant 0 : index
    %get3A_13 = arith.constant 0 : index
    %get3A_14 = vector.load %arg2[%get3A_12, %get3A_13] : memref<16x32xf32, #tpu.memory_space<vmem>>, vector<16x32xf32>
    %dot_general3A_15 = arith.constant dense<0.000000e+00> : vector<6400x32xf32>
    %dot_general3A_16 = tpu.matmul %get3A_11, %get3A_14, %dot_general3A_15 {dimension_numbers = #tpu.dot_dimension_numbers<[0], [0], [1], [1], [0, 1, 1, 1], [], []>, transpose_lhs_hint = false} : vector<16x6400xf32>, vector<16x32xf32>, vector<6400x32xf32> -> vector<6400x32xf32>
    %add3A_17 = vector.broadcast %add3A : vector<1x32xf32> to vector<6400x32xf32>
    %add3A_18 = arith.addf %dot_general3A_16, %add3A_17 : vector<6400x32xf32>
    %reshape3A = vector.shape_cast %add3A_18 : vector<6400x32xf32> to vector<800x8x32xf32>
    %swap3A = arith.constant 0 : index
    %swap3A_19 = arith.constant 0 : index
    %swap3A_20 = arith.constant 0 : index
    %swap3A_21 = vector.load %arg6[%swap3A, %swap3A_19, %swap3A_20] : memref<800x8x128xf32, #tpu.memory_space<vmem>>, vector<800x8x32xf32>
    tpu.vector_store %arg6[%swap3A, %swap3A_19, %swap3A_20], %reshape3A {strides = array<i32>} : memref<800x8x128xf32, #tpu.memory_space<vmem>>, vector<800x8x32xf32>,
    return
  }
  func.func @transform_0(%arg0: i32) -> (i32, i32) {
    %c0_i32 = arith.constant 0 : i32
    %c0_i32_0 = arith.constant 0 : i32
    return %c0_i32, %arg0 : i32, i32
  }
  func.func @transform_1(%arg0: i32) -> (i32, i32) {
    %c0_i32 = arith.constant 0 : i32
    %c0_i32_0 = arith.constant 0 : i32
    %c0_i32_1 = arith.constant 0 : i32
    return %c0_i32, %c0_i32_0 : i32, i32
  }
  func.func @transform_2(%arg0: i32) -> (i32, i32) {
    %c0_i32 = arith.constant 0 : i32
    %c0_i32_0 = arith.constant 0 : i32
    %c0_i32_1 = arith.constant 0 : i32
    return %c0_i32, %c0_i32_0 : i32, i32
  }
  func.func @transform_3(%arg0: i32) -> (i32, i32) {
    %c0_i32 = arith.constant 0 : i32
    %c0_i32_0 = arith.constant 0 : i32
    %c0_i32_1 = arith.constant 0 : i32
    return %c0_i32, %c0_i32_0 : i32, i32
  }
  func.func @transform_4(%arg0: i32) -> (i32, i32) {
    %c0_i32 = arith.constant 0 : i32
    %c0_i32_0 = arith.constant 0 : i32
    %c0_i32_1 = arith.constant 0 : i32
    return %c0_i32, %c0_i32_0 : i32, i32
  }
  func.func @transform_5(%arg0: i32) -> (i32, i32, i32) {
    %c0_i32 = arith.constant 0 : i32
    %c0_i32_0 = arith.constant 0 : i32
    %c0_i32_1 = arith.constant 0 : i32
    return %arg0, %c0_i32, %c0_i32_0 : i32, i32, i32
  }
}

module attributes {stable_mosaic.version = 14 : i64} {
  func.func @_final_body(%arg0: memref<2x10000x32xf32, #tpu.memory_space<vmem>>, %arg1: memref<2x10000x8xf32, #tpu.memory_space<vmem>>, %arg2: memref<10000x32xf32, #tpu.memory_space<vmem>>, %arg3: memref<1x32xf32, #tpu.memory_space<vmem>>, %arg4: memref<32x32xf32, #tpu.memory_space<vmem>>, %arg5: memref<32x32xf32, #tpu.memory_space<vmem>>, %arg6: memref<1x32xf32, #tpu.memory_space<vmem>>, %arg7: memref<32x32xf32, #tpu.memory_space<vmem>>, %arg8: memref<32x32xf32, #tpu.memory_space<vmem>>, %arg9: memref<32x32xf32, #tpu.memory_space<vmem>>, %arg10: memref<1x32xf32, #tpu.memory_space<vmem>>, %arg11: memref<10000x32xf32, #tpu.memory_space<vmem>>, %arg12: memref<1x32xf32, #tpu.memory_space<vmem>>) attributes {dimension_semantics = [], scalar_prefetch = 0 : i64, scratch_operands = 0 : i64, tpu.core_type = #tpu.core_type<tc>} {
    %get3A = arith.constant 0 : index
    %get3A_0 = arith.constant 0 : index
    %get3A_1 = arith.constant 0 : index
    %get3A_2 = vector.load %arg0[%get3A, %get3A_0, %get3A_1] : memref<2x10000x32xf32, #tpu.memory_space<vmem>>, vector<1x10000x32xf32>
    %get3A_3 = vector.shape_cast %get3A_2 : vector<1x10000x32xf32> to vector<10000x32xf32>
    %get3A_4 = arith.constant 1 : index
    %get3A_5 = arith.constant 0 : index
    %get3A_6 = arith.constant 0 : index
    %get3A_7 = vector.load %arg0[%get3A_4, %get3A_5, %get3A_6] : memref<2x10000x32xf32, #tpu.memory_space<vmem>>, vector<1x10000x32xf32>
    %get3A_8 = vector.shape_cast %get3A_7 : vector<1x10000x32xf32> to vector<10000x32xf32>
    %add3A = arith.addf %get3A_3, %get3A_8 : vector<10000x32xf32>
    %get3A_9 = arith.constant 0 : index
    %get3A_10 = arith.constant 0 : index
    %get3A_11 = arith.constant 0 : index
    %get3A_12 = vector.load %arg1[%get3A_9, %get3A_10, %get3A_11] : memref<2x10000x8xf32, #tpu.memory_space<vmem>>, vector<1x10000x8xf32>
    %get3A_13 = vector.shape_cast %get3A_12 : vector<1x10000x8xf32> to vector<10000x8xf32>
    %get3A_14 = arith.constant 1 : index
    %get3A_15 = arith.constant 0 : index
    %get3A_16 = arith.constant 0 : index
    %get3A_17 = vector.load %arg1[%get3A_14, %get3A_15, %get3A_16] : memref<2x10000x8xf32, #tpu.memory_space<vmem>>, vector<1x10000x8xf32>
    %get3A_18 = vector.shape_cast %get3A_17 : vector<1x10000x8xf32> to vector<10000x8xf32>
    %add3A_19 = arith.addf %get3A_13, %get3A_18 : vector<10000x8xf32>
    %slice3A = vector.extract_strided_slice %add3A_19 {offsets = [0, 0], sizes = [10000, 1], strides = [1, 1]} : vector<10000x8xf32> to vector<10000x1xf32>
    %max3A = arith.constant 1.000000e+00 : f32
    %max3A_20 = vector.broadcast %max3A : f32 to vector<10000x1xf32>
    %max3A_21 = arith.maximumf %slice3A, %max3A_20 : vector<10000x1xf32>
    %div3A = vector.broadcast %max3A_21 : vector<10000x1xf32> to vector<10000x32xf32>
    %div3A_22 = arith.divf %add3A, %div3A : vector<10000x32xf32>
    %get3A_23 = arith.constant 0 : index
    %get3A_24 = arith.constant 0 : index
    %get3A_25 = vector.load %arg3[%get3A_23, %get3A_24] : memref<1x32xf32, #tpu.memory_space<vmem>>, vector<1x32xf32>
    %get3A_26 = arith.constant 0 : index
    %get3A_27 = arith.constant 0 : index
    %get3A_28 = vector.load %arg5[%get3A_26, %get3A_27] : memref<32x32xf32, #tpu.memory_space<vmem>>, vector<32x32xf32>
    %dot_general3A = arith.constant dense<0.000000e+00> : vector<1x32xf32>
    %dot_general3A_29 = tpu.matmul %get3A_25, %get3A_28, %dot_general3A {dimension_numbers = #tpu.dot_dimension_numbers<[1], [0], [0], [1], [0, 0, 1, 1], [], []>, transpose_lhs_hint = false} : vector<1x32xf32>, vector<32x32xf32>, vector<1x32xf32> -> vector<1x32xf32>
    %get3A_30 = arith.constant 0 : index
    %get3A_31 = arith.constant 0 : index
    %get3A_32 = vector.load %arg6[%get3A_30, %get3A_31] : memref<1x32xf32, #tpu.memory_space<vmem>>, vector<1x32xf32>
    %add3A_33 = arith.addf %dot_general3A_29, %get3A_32 : vector<1x32xf32>
    %get3A_34 = arith.constant 0 : index
    %get3A_35 = arith.constant 0 : index
    %get3A_36 = vector.load %arg2[%get3A_34, %get3A_35] : memref<10000x32xf32, #tpu.memory_space<vmem>>, vector<10000x32xf32>
    %get3A_37 = arith.constant 0 : index
    %get3A_38 = arith.constant 0 : index
    %get3A_39 = vector.load %arg4[%get3A_37, %get3A_38] : memref<32x32xf32, #tpu.memory_space<vmem>>, vector<32x32xf32>
    %dot_general3A_40 = arith.constant dense<0.000000e+00> : vector<10000x32xf32>
    %dot_general3A_41 = tpu.matmul %div3A_22, %get3A_39, %dot_general3A_40 {dimension_numbers = #tpu.dot_dimension_numbers<[1], [0], [0], [1], [0, 0, 1, 1], [], []>, transpose_lhs_hint = false} : vector<10000x32xf32>, vector<32x32xf32>, vector<10000x32xf32> -> vector<10000x32xf32>
    %add3A_42 = arith.addf %get3A_36, %dot_general3A_41 : vector<10000x32xf32>
    %add3A_43 = vector.broadcast %add3A_33 : vector<1x32xf32> to vector<10000x32xf32>
    %add3A_44 = arith.addf %add3A_42, %add3A_43 : vector<10000x32xf32>
    %max3A_45 = arith.constant 0.000000e+00 : f32
    %max3A_46 = vector.broadcast %max3A_45 : f32 to vector<10000x32xf32>
    %max3A_47 = arith.maximumf %add3A_44, %max3A_46 : vector<10000x32xf32>
    %abs3A = math.absf %add3A_44 : vector<10000x32xf32>
    %neg3A = arith.constant 0.000000e+00 : f32
    %neg3A_48 = vector.broadcast %neg3A : f32 to vector<10000x32xf32>
    %neg3A_49 = arith.subf %neg3A_48, %abs3A : vector<10000x32xf32>
    %exp3A = math.exp %neg3A_49 : vector<10000x32xf32>
    %add3A_50 = arith.constant 1.000000e+00 : f32
    %add3A_51 = vector.broadcast %add3A_50 : f32 to vector<10000x32xf32>
    %add3A_52 = arith.addf %add3A_51, %exp3A : vector<10000x32xf32>
    %log3A = math.log %add3A_52 : vector<10000x32xf32>
    %add3A_53 = arith.addf %max3A_47, %log3A : vector<10000x32xf32>
    %swap3A = arith.constant 0 : index
    %swap3A_54 = arith.constant 0 : index
    %swap3A_55 = vector.load %arg11[%swap3A, %swap3A_54] : memref<10000x32xf32, #tpu.memory_space<vmem>>, vector<10000x32xf32>
    tpu.vector_store %arg11[%swap3A, %swap3A_54], %add3A_53 {strides = array<i32>} : memref<10000x32xf32, #tpu.memory_space<vmem>>, vector<10000x32xf32>,
    %reduce_sum3A = arith.constant dense<0.000000e+00> : vector<32xf32>
    %reduce_sum3A_56 = vector.multi_reduction <add>, %add3A, %reduce_sum3A [0] : vector<10000x32xf32> to vector<32xf32>
    %broadcast_in_dim3A = vector.shape_cast %reduce_sum3A_56 : vector<32xf32> to vector<1x32xf32>
    %mul3A = arith.constant 3.125000e-06 : f32
    %mul3A_57 = vector.broadcast %mul3A : f32 to vector<1x32xf32>
    %mul3A_58 = arith.mulf %broadcast_in_dim3A, %mul3A_57 : vector<1x32xf32>
    %reduce_sum3A_59 = arith.constant dense<0.000000e+00> : vector<32xf32>
    %reduce_sum3A_60 = vector.multi_reduction <add>, %add3A_53, %reduce_sum3A_59 [0] : vector<10000x32xf32> to vector<32xf32>
    %broadcast_in_dim3A_61 = vector.shape_cast %reduce_sum3A_60 : vector<32xf32> to vector<1x32xf32>
    %mul3A_62 = arith.constant 9.99999974E-5 : f32
    %mul3A_63 = vector.broadcast %mul3A_62 : f32 to vector<1x32xf32>
    %mul3A_64 = arith.mulf %broadcast_in_dim3A_61, %mul3A_63 : vector<1x32xf32>
    %get3A_65 = arith.constant 0 : index
    %get3A_66 = arith.constant 0 : index
    %get3A_67 = vector.load %arg7[%get3A_65, %get3A_66] : memref<32x32xf32, #tpu.memory_space<vmem>>, vector<32x32xf32>
    %dot_general3A_68 = arith.constant dense<0.000000e+00> : vector<1x32xf32>
    %dot_general3A_69 = tpu.matmul %get3A_25, %get3A_67, %dot_general3A_68 {dimension_numbers = #tpu.dot_dimension_numbers<[1], [0], [0], [1], [0, 0, 1, 1], [], []>, transpose_lhs_hint = false} : vector<1x32xf32>, vector<32x32xf32>, vector<1x32xf32> -> vector<1x32xf32>
    %get3A_70 = arith.constant 0 : index
    %get3A_71 = arith.constant 0 : index
    %get3A_72 = vector.load %arg8[%get3A_70, %get3A_71] : memref<32x32xf32, #tpu.memory_space<vmem>>, vector<32x32xf32>
    %dot_general3A_73 = arith.constant dense<0.000000e+00> : vector<1x32xf32>
    %dot_general3A_74 = tpu.matmul %mul3A_58, %get3A_72, %dot_general3A_73 {dimension_numbers = #tpu.dot_dimension_numbers<[1], [0], [0], [1], [0, 0, 1, 1], [], []>, transpose_lhs_hint = false} : vector<1x32xf32>, vector<32x32xf32>, vector<1x32xf32> -> vector<1x32xf32>
    %add3A_75 = arith.addf %dot_general3A_69, %dot_general3A_74 : vector<1x32xf32>
    %get3A_76 = arith.constant 0 : index
    %get3A_77 = arith.constant 0 : index
    %get3A_78 = vector.load %arg9[%get3A_76, %get3A_77] : memref<32x32xf32, #tpu.memory_space<vmem>>, vector<32x32xf32>
    %dot_general3A_79 = arith.constant dense<0.000000e+00> : vector<1x32xf32>
    %dot_general3A_80 = tpu.matmul %mul3A_64, %get3A_78, %dot_general3A_79 {dimension_numbers = #tpu.dot_dimension_numbers<[1], [0], [0], [1], [0, 0, 1, 1], [], []>, transpose_lhs_hint = false} : vector<1x32xf32>, vector<32x32xf32>, vector<1x32xf32> -> vector<1x32xf32>
    %add3A_81 = arith.addf %add3A_75, %dot_general3A_80 : vector<1x32xf32>
    %get3A_82 = arith.constant 0 : index
    %get3A_83 = arith.constant 0 : index
    %get3A_84 = vector.load %arg10[%get3A_82, %get3A_83] : memref<1x32xf32, #tpu.memory_space<vmem>>, vector<1x32xf32>
    %add3A_85 = arith.addf %add3A_81, %get3A_84 : vector<1x32xf32>
    %max3A_86 = arith.constant 0.000000e+00 : f32
    %max3A_87 = vector.broadcast %max3A_86 : f32 to vector<1x32xf32>
    %max3A_88 = arith.maximumf %add3A_85, %max3A_87 : vector<1x32xf32>
    %abs3A_89 = math.absf %add3A_85 : vector<1x32xf32>
    %neg3A_90 = arith.constant 0.000000e+00 : f32
    %neg3A_91 = vector.broadcast %neg3A_90 : f32 to vector<1x32xf32>
    %neg3A_92 = arith.subf %neg3A_91, %abs3A_89 : vector<1x32xf32>
    %exp3A_93 = math.exp %neg3A_92 : vector<1x32xf32>
    %add3A_94 = arith.constant 1.000000e+00 : f32
    %add3A_95 = vector.broadcast %add3A_94 : f32 to vector<1x32xf32>
    %add3A_96 = arith.addf %add3A_95, %exp3A_93 : vector<1x32xf32>
    %log3A_97 = math.log %add3A_96 : vector<1x32xf32>
    %add3A_98 = arith.addf %max3A_88, %log3A_97 : vector<1x32xf32>
    %swap3A_99 = arith.constant 0 : index
    %swap3A_100 = arith.constant 0 : index
    %swap3A_101 = vector.load %arg12[%swap3A_99, %swap3A_100] : memref<1x32xf32, #tpu.memory_space<vmem>>, vector<1x32xf32>
    tpu.vector_store %arg12[%swap3A_99, %swap3A_100], %add3A_98 {strides = array<i32>} : memref<1x32xf32, #tpu.memory_space<vmem>>, vector<1x32xf32>,
    return
  }
}

</mosaic_0001>

<sc_bundles>
// kernel: kernel.6.cloned.1.call-start
scs
__scs_entry_jumppad:
0x0: {  	(pc) =	sbr.rel $0x88, $3  }
0x1: {  	(tag) =	ssettag $0x0;
	lr =	simm.s32 $0x1  }
0x2: {  	[smem:$0x3F97] =	sst lr;
	_ =	strace $0xD0000000  }
0x3: {  	_ = 	snop  }
0x4: {  	_ = 	snop  }
0x5: {  	_ = 	snop  }
0x6: {  	_ = 	snop  }
0x7: {  	_ = 	snop  }
__scs_overlays_trampoline_lowered:
0x8: {  	[smem:$0x3FA6] =	sst s0  }
0x9: {  	[smem:$0x3FA7] =	sst s1  }
0xa: {  	[smem:$0x3FA8] =	sst s2  }
0xb: {  	[smem:$0x3FA9] =	sst s3  }
0xc: {  	[smem:$0x3FAA] =	sst s4  }
0xd: {  	[smem:$0x3FAB] =	sst s5  }
0xe: {  	[smem:$0x3FAC] =	sst s6  }
0xf: {  	[smem:$0x3FAD] =	sst s7  }
0x10: {  	[smem:$0x3FAE] =	sst s8  }
0x11: {  	[smem:$0x3FAF] =	sst s9;
	s0 =	simm.s32 @!p0 $0x0  }
0x12: {  	s1 =	sld [smem:$0x3F95];
	s0 =	simm.s32 @p0 $0x1  }
0x13: {  	[smem:$0x3FB0] =	sst s0;
	s0 =	simm.s32 @!p1 $0x0  }
0x14: {  	s2 =	sld [smem:$0x3F94];
	s0 =	simm.s32 @p1 $0x1  }
0x15: {  	[smem:$0x3FB1] =	sst s0;
	s0 =	simm.s32 @!p2 $0x0  }
0x16: {  	s3 =	sld [smem:$0x3FDB];
	s0 =	simm.s32 @p2 $0x1  }
0x17: {  	s4 =	simm.s32 $0x1BF5;
	[smem:$0x3FB3] =	sst s0  }
0x18: {  	s0 =	sld [smem:$0x3F96];
	_ =	swait.ge [sflag:s4], $0x0  }
0x19: {  	s7 =	sld [smem:$0x3F97]  }
0x1a: {  	s8 =	sadd.s32 $0xFFFFE003, lr  }
0x1b: {  	s9 =	sadd.s32 $0xFFFFFEF7, lr;
	s5 =	simm.s32 $0xFFFFFFFF;
	p2 =	slt.u32 s8, $0xFFFFF086  }
0x1c: {  	p1 =	slt.u32 s9, $0xF7A;
	s5 =	simm.s32 @!p2 $0x0  }
0x1d: {  	s5 =	simm.s32 @p1 $0x1;
	p0 =	seq.s32 s7, s2  }
0x1e: {  	s7 =	smul.u32 @!p0 $0xF7A, s2;
	p2 =	seq.s32 @!p0 s5, $0x0  }
0x1f: {  	s9 =	smul.u32 $0xF7A, s1;
	s8 =	simm.s32 @!p0 $0x1BF5;
	p2 =	por !p2, p0  }
0x20: {  	[sflag:s8] =	ssyncset.s32 @!p0 $0xFFFFF086;
	s6 =	sadd.s32 @!p0 s3, s7;
	s7 =	simm.s32 @!p0 $0x108  }
0x21: {  	s3 =	sadd.s32 s3, s9;
	s6 =	sadd.s32 @!p0 $0x88, s6;
	s7 =	simm.s32 @p2 $0x1082  }
0x22: {  	[simem:s7], [sflag:s8] =	dma.local @!p0 [hbm:s6], $0xF7A  }
0x23: {  	s9 =	sor.u32 $0xD0000000, s2;
	s6 =	simm.s32 $0x108;
	_ =	swait.ge @!p0 [sflag:s8], $0x0  }
0x24: {  	s3 =	sadd.s32 $0x88, s3;
	s6 =	simm.s32 @!p1 $0x1082;
	[sflag:s4] =	ssyncset.s32 $0xFFFFF086  }
0x25: {  	[simem:s6], [sflag:s4] =	dma.local [hbm:s3], $0xF7A  }
0x26: {  	[smem:$0x3F97] =	sst s1;
	(tag) =	ssettag s2;
	_ =	strace s9  }
0x27: {  	s1 =	sld [smem:$0x3FA7]  }
0x28: {  	s2 =	sld [smem:$0x3FA8]  }
0x29: {  	s4 =	sld [smem:$0x3FAA]  }
0x2a: {  	p0 =	seq.s32 s5, $0x0;
	s5 =	sld [smem:$0x3FAB]  }
0x2b: {  	s6 =	sld [smem:$0x3FAC]  }
0x2c: {  	s7 =	sld [smem:$0x3FAD]  }
0x2d: {  	s3 =	simm.s32 $0x108;
	s8 =	sld [smem:$0x3FAE]  }
0x2e: {  	s3 =	simm.s32 @!p0 $0x1082;
	s9 =	sld [smem:$0x3FAF]  }
0x2f: {  	lr =	sadd.s32 s0, s3;
	s0 =	sld [smem:$0x3FA6]  }
0x30: {  	s3 =	sld [smem:$0x3FA9]  }
0x31: {  	[smem:$0x3FB2] =	sst s10  }
0x32: {  	s10 =	sld [smem:$0x3FB0];
	_ =	sdelay $0x3  }
0x33: {  	p0 =	seq.s32 s10, $0x1;
	s10 =	sld [smem:$0x3FB2];
	_ =	sdelay $0x3  }
0x34: {  	[smem:$0x3FB2] =	sst s10  }
0x35: {  	s10 =	sld [smem:$0x3FB1];
	_ =	sdelay $0x3  }
0x36: {  	p1 =	seq.s32 s10, $0x1;
	s10 =	sld [smem:$0x3FB2];
	_ =	sdelay $0x3  }
0x37: {  	[smem:$0x3FB2] =	sst s10  }
0x38: {  	s10 =	sld [smem:$0x3FB3]  }
0x39: {  	_ = 	snop;
	(pc) =	sbr.ind lr, $3  }
0x3a: {  	_ = 	snop  }
0x3b: {  	_ = 	snop  }
0x3c: {  	p2 =	seq.s32 s10, $0x1;
	s10 =	sld [smem:$0x3FB2]  }
0x3d: {  	_ =	shalt  }
0x3e: {  	_ =	shalt  }
0x3f: {  	_ =	shalt  }
0x40: {  	_ =	shalt  }
0x41: {  	_ =	shalt  }
0x42: {  	_ =	shalt  }
0x43: {  	_ =	shalt  }
0x44: {  	_ =	shalt  }
0x45: {  	_ =	shalt  }
0x46: {  	_ =	shalt  }
0x47: {  	_ =	shalt  }
0x48: {  	_ =	shalt  }
0x49: {  	_ =	shalt  }
0x4a: {  	_ =	shalt  }
0x4b: {  	_ =	shalt  }
0x4c: {  	_ =	shalt  }
0x4d: {  	_ =	shalt  }
0x4e: {  	_ =	shalt  }
0x4f: {  	_ =	shalt  }
0x50: {  	_ =	shalt  }
0x51: {  	_ =	shalt  }
0x52: {  	_ =	shalt  }
0x53: {  	_ =	shalt  }
0x54: {  	_ =	shalt  }
0x55: {  	_ =	shalt  }
0x56: {  	_ =	shalt  }
0x57: {  	_ =	shalt  }
0x58: {  	_ =	shalt  }
0x59: {  	_ =	shalt  }
0x5a: {  	_ =	shalt  }
0x5b: {  	_ =	shalt  }
0x5c: {  	_ =	shalt  }
0x5d: {  	_ =	shalt  }
0x5e: {  	_ =	shalt  }
0x5f: {  	_ =	shalt  }
0x60: {  	_ =	shalt  }
0x61: {  	_ =	shalt  }
0x62: {  	_ =	shalt  }
0x63: {  	_ =	shalt  }
0x64: {  	_ =	shalt  }
0x65: {  	_ =	shalt  }
0x66: {  	_ =	shalt  }
0x67: {  	_ =	shalt  }
0x68: {  	_ =	shalt  }
0x69: {  	_ =	shalt  }
0x6a: {  	_ =	shalt  }
0x6b: {  	_ =	shalt  }
0x6c: {  	_ =	shalt  }
0x6d: {  	_ =	shalt  }
0x6e: {  	_ =	shalt  }
0x6f: {  	_ =	shalt  }
0x70: {  	_ =	shalt  }
0x71: {  	_ =	shalt  }
0x72: {  	_ =	shalt  }
0x73: {  	_ =	shalt  }
0x74: {  	_ =	shalt  }
0x75: {  	_ =	shalt  }
0x76: {  	_ =	shalt  }
0x77: {  	_ =	shalt  }
0x78: {  	_ =	shalt  }
0x79: {  	_ =	shalt  }
0x7a: {  	_ =	shalt  }
0x7b: {  	_ =	shalt  }
0x7c: {  	_ =	shalt  }
0x7d: {  	_ =	shalt  }
0x7e: {  	_ =	shalt  }
0x7f: {  	_ =	shalt  }
0x80: {  	_ =	shalt  }
0x81: {  	_ =	shalt  }
0x82: {  	_ =	shalt  }
0x83: {  	_ =	shalt  }
0x84: {  	_ =	shalt  }
0x85: {  	_ =	shalt  }
0x86: {  	_ =	shalt  }
0x87: {  	_ =	shalt  }
.Lfunc_end0:
.L_simem_size_0:
called_computation.3_lowered:
.L_overlay_start_0:
0x88: {  	s2 =	sld [smem:$0x3FD9]  }
0x89: {  	s3 =	sld [smem:$0x3FFE];
	_ =	sdelay $0x1  }
0x8a: {  	s1 =	srdreg.scid  }
0x8b: {  	s0 =	sand.u32 $0x1, s1  }
0x8c: {  	s14 =	sshll.u32 s0, $0xA;
	s2 =	sadd.s32 s3, s2  }
0x8d: {  	s2 =	sadd.s32 s2, s14  }
0x8e: {  	[smem:$0x3FBE] =	sst s2  }
0x8f: {  	_ = 	snop  }
0x90: {  	s2 =	sld [smem:$0x3FD0];
	_ =	sdelay $0x2  }
0x91: {  	s15 =	simm.s32 $0xA;
	s4 =	simm.s32 $0x10  }
0x92: {  	[smem:s4], [sflag:s15] =	dma.local [hbm:s2], $0x1  }
0x93: {  	_ =	swait.eq [sflag:s15], $0x1  }
0x94: {  	[sflag:s15] =	ssyncset.done $0x0  }
0x95: {  	s16 =	sld [smem:$0x10];
	[sflag:s15] =	ssyncadd.s32 $0xFFFFFFFF  }
0x96: {  	s17 =	sld [smem:$0x11];
	(tm) =	ssettm $0x1  }
0x97: {  	s18 =	sld [smem:$0x3FFB];
	_ =	sdelay $0x3  }
0x98: {  	_ =	strace s18  }
0x99: {  	s4 =	sld [smem:$0x3FFC];
	_ =	sdelay $0x3  }
0x9a: {  	_ =	strace s4  }
0x9b: {  	s4 =	sld [smem:$0x3FFD];
	_ =	sdelay $0x3  }
0x9c: {  	_ =	strace s4  }
0x9d: {  	_ =	strace $0x8FFFFFFF  }
0x9e: {  	s19 =	sld [smem:$0x3FDB];
	_ =	sdelay $0x1  }
0x9f: {  	s5 =	simm.s32 $_scs_section_size  }
0xa0: {  	s6 =	simm.s32 $_size__tile_overlayer_lowered;
	s7 =	simm.s32 $_tile_overlayer_lowered  }
0xa1: {  	s22 =	simm.s32 $0x1BFF;
	s21 =	sshll.u32 s7, $0x1;
	s4 =	sadd.s32 s5, s19  }
0xa2: {  	s8 =	simm.s32 $0x0;
	s20 =	sshll.u32 s6, $0x1;
	s6 =	sadd.s32 s21, s4  }
0xa3: {  	[timem:s8], [sflag:s22] =	dma.local [hbm:s6], s20  }
0xa4: {  	_ =	swait.ge [sflag:s22], s20  }
0xa5: {  	s5 =	ssub.s32 $0x0, s20;
	[sflag:s22] =	ssyncset.done $0x0  }
0xa6: {  	[sflag:s22] =	ssyncadd.s32 s5;
	_ =	sdelay $0x1  }
0xa7: {  	s23 =	simm.s32 $0x1B8B  }
0xa8: {  	_ =	swait.ge [sflag:s23], $0x1  }
0xa9: {  	[sflag:s23] =	ssyncset.done $0x0  }
0xaa: {  	s25 =	simm.s32 $0x1B8E;
	s24 =	sld [smem:$0x3FFE];
	[sflag:s23] =	ssyncadd.s32 $0xFFFFFFFF  }
0xab: {  	s26 =	simm.s32 $execute0_lowered;
	[smem:$0x3FD2] =	sst s25  }
0xac: {  	s6 =	sshll.u32 s26, $0x1;
	_ =	strace $0x80000046;
	[dreg:$0x1] =	wrdreg $0xFFFFFFFF  }
0xad: {  	s28 =	simm.s32 $_size_execute0_lowered;
	s4 =	sadd.s32 s4, s6;
	[dreg:$0x0] =	wrdreg $0x0  }
0xae: {  	s6 =	sshll.u32 s28, $0x1;
	[dreg:$0x2] =	wrdreg s4  }
0xaf: {  	[dreg:$0x3] =	wrdreg s6  }
0xb0: {  	[dreg:$0x4] =	wrdreg $0xC0  }
0xb1: {  	_ =	task [dreg:s8], $0x5FFFF  }
0xb2: {  	[dreg:$0x1] =	wrdreg $0xFFFFFFFF  }
0xb3: {  	[dreg:$0x0] =	wrdreg $0x60  }
0xb4: {  	[dreg:$0x2] =	wrdreg s16  }
0xb5: {  	[dreg:$0x3] =	wrdreg s17  }
0xb6: {  	[dreg:$0x4] =	wrdreg s24  }
0xb7: {  	[dreg:$0x5] =	wrdreg $0x108000  }
0xb8: {  	[dreg:$0x6] =	wrdreg $0x156200  }
0xb9: {  	[dreg:$0x7] =	wrdreg $0x9  }
0xba: {  	_ =	task.clear_ibuf [dreg:s8], $0x8FFFF;
	_ =	strace $0x90000046  }
0xbb: {  	s29 =	simm.s32 $0x9;
	_ =	strace $0x80000048  }
0xbc: {  	_ =	swait.ge [sflag:s29], $0x1  }
0xbd: {  	[sflag:s29] =	ssyncadd.s32 $0xFFFFFFFF  }
0xbe: {  	_ =	strace $0x90000048  }
0xbf: {  	_ =	sfence  }
0xc0: {  	s30 =	sld [smem:$0x0];
	_ =	sdelay $0x2  }
0xc1: {  	s31 =	sshll.u32 s1, $0xD;
	s1 =	sshrl.u32 s1, $0x2  }
0xc2: {  	s3 =	sand.u32 $0x4000, s31;
	s1 =	sadd.s32 s1, s30  }
0xc3: {  	s0 =	sor.u32 s3, s0;
	s1 =	sshll.u32 s1, $0x11  }
0xc4: {  	s0 =	sor.u32 s1, s0  }
0xc5: {  	s0 =	sadd.s32 $0x8F2B, s0  }
0xc6: {  	[sflag:s0] =	ssyncadd.remote.s32 $0x1  }
0xc7: {  	_ =	sfence.sel $0xFFFF  }
0xc8: {  	[dreg:$0x0] =	wrdreg $0xFFFFFFFF;
	(pc) =	sbr.abs _section_cstart, $3  }
0xc9: {  	[dreg:$0x1] =	wrdreg $0xFFFFFFFF  }
0xca: {  	_ =	task.clear_ibuf [dreg:s8], $0x2FFFF;
	_ =	strace $0x9FFFFFFF  }
0xcb: {  	(tm) =	ssettm $0x7FFFFFFF  }
tec
execute0_lowered:
.L_overlay_start_1:
0x0: {  	(tag) =	ssettag $0x1  }
0x1: {  	s1 =	rddreg [dreg:$0x0]  }
0x2: {  	s2 =	rddreg [dreg:$0x1]  }
0x3: {  	s0 =	rddreg [dreg:$0x2]  }
0x4: {  	s4 =	rddreg [dreg:$0x3]  }
0x5: {  	s5 =	rddreg [dreg:$0x4];
	s3 =	srdreg.scid  }
0x6: {  	s15 =	stileid.u32;
	s6 =	simm.s32 $0x0;
	s29 =	simm.s32 $0x80  }
0x7: {  	s30 =	simm.s32 $0x400;
	s31 =	simm.s32 $0x2;
	s16 =	simm.s32 $0x300  }
0x8: {  	s9 =	smul.u32 $0x4E20, s15;
	[smem:$0x7FF] =	sst s6;
	s7 =	sadd.s32 $0x2AE00, s0  }
0x9: {  	s11 =	smul.u32 $0x1388, s15;
	s8 =	sadd.s32 $0x34C00, s0;
	s12 =	sadd.s32 $0x517A00, s0  }
0xa: {  	s3 =	sand.u32 $0x1, s3;
	s18 =	sadd.s32 $0x516C00, s0;
	s19 =	sadd.s32 $0x517600, s0  }
0xb: {  	s21 =	sshll.u32 s15, $0x1;
	_ =	strace $0x80000047;
	[dreg:$0x6] =	wrdreg s12  }
0xc: {  	s15 =	sshll.u32 s15, $0x6;
	s10 =	smul.u32 $0x4E200, s3;
	[dreg:$0x7] =	wrdreg s18  }
0xd: {  	s13 =	smul.u32 $0x13880, s3;
	[dreg:$0x8] =	wrdreg s19;
	s12 =	sadd.s32 $0x517C00, s0  }
0xe: {  	s14 =	ssub.s32 $0x2, s3;
	s18 =	sor.u32 $0x1C06, s15;
	s19 =	simm.s32 $0x380  }
0xf: {  	s20 =	sshrl.u32 s14, $0x1;
	s22 =	sadd.s32 s9, s4;
	s23 =	sadd.s32 s11, s5  }
0x10: {  	[dreg:$0x9] =	wrdreg s18;
	s10 =	sadd.s32 s9, s10;
	s13 =	sadd.s32 s11, s13  }
0x11: {  	s14 =	ssub.s32 s14, s20;
	s15 =	sshrl.u32 s23, $0x3;
	s9 =	simm.s32 $0x4  }
0x12: {  	s20 =	simm.s32 $0x0;
	s10 =	sshrl.u32 s10, $0x3;
	s13 =	sshrl.u32 s13, $0x3  }
0x13: {  	s28 =	smax.u32 s14, $0x1;
	s14 =	sshrl.u32 s22, $0x3;
	s22 =	simm.s32 $0x6  }
0x14: {  	[dreg:$0x10] =	wrdreg s15;
	s10 =	sadd.s32 s10, s0;
	s0 =	sadd.s32 s13, s0  }
0x15: {  	s13 =	sor.u32 s3, s21;
	[dreg:$0xe] =	wrdreg s28;
	s3 =	simm.s32 $0x180  }
0x16: {  	[dreg:$0xf] =	wrdreg s14;
	s24 =	sshll.u32 s13, $0x5;
	s25 =	sshll.u32 s13, $0xC  }
.Ltmp0:
0x17: {  	s17 =	sor.u32 $0x40, s13;
	s10 =	sadd.s32 $0x655400, s10;
	(pc) =	sbr.rel .LBB2_1-.Ltmp0, $4  }
0x18: {  	s0 =	sadd.s32 $0x650400, s0;
	s11 =	sadd.s32 s1, s24;
	[dreg:$0xc] =	wrdreg s10  }
0x19: {  	s26 =	sadd.s32 s8, s25;
	[dreg:$0xd] =	wrdreg s0;
	s24 =	simm.s32 $0x10400  }
0x1a: {  	s25 =	simm.s32 $0x100;
	s0 =	simm.s32 $0x1400;
	[dreg:$0xa] =	wrdreg s11  }
0x1b: {  	[dreg:$0xb] =	wrdreg s26;
	s26 =	simm.s32 $0x3;
	s11 =	simm.s32 $0x7  }
.LBB2_9:
0x1c: {  	s10 =	simm.s32 $0x5  }
0x1d: {  	_ =	swait.ge [sflag:s10], $0x2000  }
0x1e: {  	[sflag:s10] =	ssyncset.done $0x0  }
0x1f: {  	[sflag:s10] =	ssyncadd.s32 $0xFFFFE000  }
0x20: {  	_ =	swait.ge [sflag:s10], $0x2000  }
0x21: {  	[sflag:s10] =	ssyncset.done $0x0  }
0x22: {  	[sflag:s10] =	ssyncadd.s32 $0xFFFFE000  }
0x23: {  	[bflag:$0x0] =	sbarrier.arrive $0xFFFF  }
0x24: {  	s18 =	rddreg [dreg:$0x9]  }
0x25: {  	s21 =	rddreg [dreg:$0xc]  }
0x26: {  	s14 =	rddreg [dreg:$0xf]  }
0x27: {  	[hbm:s21], [sflag:s18] =	dma.local [spmem:s14], $0x9C4  }
0x28: {  	_ =	swait.ge [sflag:s22], $0x9C4  }
0x29: {  	[sflag:s22] =	ssyncset.done $0x0;
	s23 =	rddreg [dreg:$0xd]  }
0x2a: {  	s15 =	rddreg [dreg:$0x10];
	[sflag:s22] =	ssyncadd.s32 $0xFFFFF63C  }
0x2b: {  	[hbm:s23], [sflag:s18] =	dma.local [spmem:s15], $0x271  }
0x2c: {  	_ =	swait.ge [sflag:s22], $0x271  }
0x2d: {  	s20 =	rddreg [dreg:$0x11]  }
0x2e: {  	s28 =	rddreg [dreg:$0xe];
	s20 =	sadd.s32 $0x1, s20  }
0x2f: {  	p0 =	sne.s32 s20, s28  }
.Ltmp1:
0x30: {  	_ = 	snop;
	(pc) =	sbr.rel @!p0 .LBB2_10-.Ltmp1, $3  }
0x31: {  	_ =	sdelay $0x1  }
0x32: {  	[sflag:s22] =	ssyncset.done $0x0  }
0x33: {  	[sflag:s22] =	ssyncadd.s32 $0xFFFFFD8F  }
.LBB2_1:
0x34: {  	[dreg:$0x11] =	wrdreg s20  }
0x35: {  	s10 =	rddreg [dreg:$0x7]  }
0x36: {  	[spmem:s14], [sflag:s18] =	dma.local [hbm:s10], $0x9C4  }
0x37: {  	_ =	swait.ge [sflag:s22], $0x9C4  }
0x38: {  	[sflag:s22] =	ssyncset.done $0x0  }
0x39: {  	s20 =	rddreg [dreg:$0x8];
	[sflag:s22] =	ssyncadd.s32 $0xFFFFF63C  }
0x3a: {  	[spmem:s15], [sflag:s18] =	dma.local [hbm:s20], $0x271  }
0x3b: {  	_ =	swait.ge [sflag:s22], $0x271  }
0x3c: {  	[sflag:s22] =	ssyncset.done $0x0  }
0x3d: {  	s21 =	rddreg [dreg:$0x6];
	[sflag:s22] =	ssyncadd.s32 $0xFFFFFD8F  }
0x3e: {  	[tilespmem:s24], [sflag:$0x6] =	stream.linear.gather [hbm4b:s21+s6], $0x400, $0x38;
	[tilespmem:$0x169A8] =	vst v63  }
0x3f: {  	_ =	swait.ge [sflag:s22], $0x400  }
0x40: {  	[sflag:s22] =	ssyncset.done $0x0  }
0x41: {  	[sflag:s22] =	ssyncadd.s32 $0xFFFFFC00  }
0x42: {  	[bflag:$0x0] =	sbarrier.arrive $0xFFFF  }
0x43: {  	s28 =	simm.s32 $0x4E200;
	s15 =	simm.s32 $0x1;
	s23 =	rddreg [dreg:$0xa]  }
0x44: {  	[tilespmem:s6], [sflag:$0x1] =	stream.strided.gather [hbm4b:s23+s25], $0x200, s28, s25, $0x38;
	[tilespmem:$0x169A8] =	vst v63  }
0x45: {  	_ =	swait.ge [sflag:s15], $0x200  }
0x46: {  	[sflag:s15] =	ssyncset.done $0x0  }
0x47: {  	[sflag:s15] =	ssyncadd.s32 $0xFFFFFE00  }
0x48: {  	[tilespmem:s30], [sflag:$0x2] =	stream.indirect.gather [hbm4b:s2+s29], $0x20, s6, s29, $0xb8;
	[tilespmem:$0x169A8] =	vst v63  }
0x49: {  	s18 =	simm.s32 $0x4400  }
0x4a: {  	[tilespmem:s18], [sflag:$0x3] =	stream.indirect.gather [hbm4b:s7+s29], $0x20, s25, s29, $0xb8;
	[tilespmem:$0x169A8] =	vst v63  }
0x4b: {  	_ = 	snop  }
0x4c: {  	[tilespmem:s0], [sflag:$0x2] =	stream.indirect.gather [hbm4b:s2+s29], $0x20, s29, s29, $0xb8;
	[tilespmem:$0x169A8] =	vst v63  }
.Ltmp2:
0x4d: {  	s20 =	simm.s32 $0x5400;
	(pc) =	sbr.rel .LBB2_2-.Ltmp2, $4  }
0x4e: {  	[tilespmem:s20], [sflag:$0x3] =	stream.indirect.gather [hbm4b:s7+s29], $0x20, s3, s29, $0xb8;
	[tilespmem:$0x169A8] =	vst v63  }
0x4f: {  	s23 =	simm.s32 $0x20;
	s28 =	simm.s32 $0x8400;
	s21 =	rddreg [dreg:$0xb]  }
0x50: {  	[tilespmem:s28], [sflag:$0x4] =	stream.strided.gather [hbm4b:s21+s23], $0x2000, s29, s23, $0x38;
	[tilespmem:$0x169A8] =	vst v63  }
0x51: {  	s23 =	simm.s32 $0x0  }
.LBB2_8:
0x52: {  	s23 =	sadd.s32 $0x1, s23  }
0x53: {  	p0 =	sne.s32 s23, $0x14  }
.Ltmp3:
0x54: {  	_ = 	snop;
	(pc) =	sbr.rel @!p0 .LBB2_9-.Ltmp3, $1  }
0x55: {  	_ =	sdelay $0x3  }
.LBB2_2:
0x56: {  	_ =	swait.ge [sflag:s31], $0x1000  }
0x57: {  	[sflag:s31] =	ssyncset.done $0x0  }
0x58: {  	[sflag:s31] =	ssyncadd.s32 $0xFFFFF000  }
0x59: {  	_ =	swait.ge [sflag:s26], $0x1000  }
0x5a: {  	[sflag:s26] =	ssyncset.done $0x0  }
0x5b: {  	[sflag:s26] =	ssyncadd.s32 $0xFFFFF000  }
0x5c: {  	_ =	swait.ge [sflag:s31], $0x1000  }
0x5d: {  	[sflag:s31] =	ssyncset.done $0x0  }
0x5e: {  	s14 =	sshll.u32 s23, $0x6;
	[sflag:s31] =	ssyncadd.s32 $0xFFFFF000  }
0x5f: {  	s21 =	sor.u32 s13, s14;
	_ =	swait.ge [sflag:s26], $0x1000  }
0x60: {  	s28 =	sor.u32 $0x20, s21;
	[sflag:s26] =	ssyncset.done $0x0  }
0x61: {  	p0 =	sgt.u32 s28, $0x4E1;
	[sflag:s26] =	ssyncadd.s32 $0xFFFFF000  }
0x62: {  	s15 =	sshll.u32 @!p0 s28, $0x5;
	_ =	swait.ge [sflag:s9], $0x2000  }
0x63: {  	s18 =	simm.s32 @!p0 $0x100;
	s20 =	simm.s32 @!p0 $0x4E200;
	[sflag:s9] =	ssyncset.done $0x0  }
0x64: {  	s10 =	simm.s32 @!p0 $0x200;
	s15 =	sadd.s32 @!p0 s1, s15;
	[sflag:s9] =	ssyncadd.s32 $0xFFFFE000  }
0x65: {  	[tilespmem:s10], [sflag:$0x1] =	stream.strided.gather @!p0 [hbm4b:s15+s18], $0x200, s20, s18, $0x38;
	[tilespmem:$0x169A8] =	vst v63  }
0x66: {  	s15 =	simm.s32 @!p0 $0x1  }
0x67: {  	_ =	swait.ge @!p0 [sflag:s15], $0x200  }
0x68: {  	[sflag:s15] =	ssyncset.done @!p0 $0x0  }
0x69: {  	s18 =	simm.s32 @!p0 $0x2400;
	[sflag:s15] =	ssyncadd.s32 @!p0 $0xFFFFFE00;
	s15 =	simm.s32 @!p0 $0x80  }
0x6a: {  	[tilespmem:s18], [sflag:$0x2] =	stream.indirect.gather @!p0 [hbm4b:s2+s15], $0x20, s10, s15, $0xb8;
	[tilespmem:$0x169A8] =	vst v63  }
0x6b: {  	s10 =	simm.s32 @!p0 $0x300;
	s18 =	simm.s32 @!p0 $0x6400  }
0x6c: {  	[tilespmem:s18], [sflag:$0x3] =	stream.indirect.gather @!p0 [hbm4b:s7+s15], $0x20, s10, s15, $0xb8;
	[tilespmem:$0x169A8] =	vst v63  }
0x6d: {  	s10 =	simm.s32 @!p0 $0x280;
	s18 =	simm.s32 @!p0 $0x3400  }
0x6e: {  	[tilespmem:s18], [sflag:$0x2] =	stream.indirect.gather @!p0 [hbm4b:s2+s15], $0x20, s10, s15, $0xb8;
	[tilespmem:$0x169A8] =	vst v63  }
0x6f: {  	s10 =	simm.s32 @!p0 $0x380;
	s18 =	simm.s32 @!p0 $0x7400  }
0x70: {  	[tilespmem:s18], [sflag:$0x3] =	stream.indirect.gather @!p0 [hbm4b:s7+s15], $0x20, s10, s15, $0xb8;
	[tilespmem:$0x169A8] =	vst v63  }
0x71: {  	p1 =	seq.s32 s23, $0x0;
	s10 =	sshll.u32 @!p0 s28, $0xC  }
0x72: {  	s20 =	simm.s32 @!p0 $0xA400;
	s18 =	simm.s32 @!p0 $0x20;
	s10 =	sadd.s32 @!p0 s8, s10  }
0x73: {  	[tilespmem:s20], [sflag:$0x4] =	stream.strided.gather @!p0 [hbm4b:s10+s18], $0x2000, s15, s18, $0x38;
	[tilespmem:$0x169A8] =	vst v63  }
0x74: {  	s10 =	simm.s32 @!p1 $0x5  }
0x75: {  	_ =	swait.ge @!p1 [sflag:s10], $0x2000  }
0x76: {  	[sflag:s10] =	ssyncset.done @!p1 $0x0  }
0x77: {  	s15 =	simm.s32 $0x0;
	[sflag:s10] =	ssyncadd.s32 @!p1 $0xFFFFE000  }
0x78: {  	v0 =	vld [tilespmem:s15+$0x4400]  }
0x79: {  	v1 =	vld [tilespmem:s15+$0x400];
	_ =	sdelay $0x1  }
0x7a: {  	v2 =	vld [tilespmem:s15+$0x8400];
	_ =	sdelay $0x2  }
0x7b: {  	v0 =	vadd.f32 v0, v1  }
0x7c: {  	v1 =	vld [tilespmem:s15+$0x4410]  }
0x7d: {  	v0 =	vadd.f32 v2, v0;
	v2 =	vld [tilespmem:s15+$0x410];
	_ =	sdelay $0x1  }
0x7e: {  	v4 =	vld [tilespmem:s15+$0x8410]  }
0x7f: {  	v3 =	vand.u32 $0x7FFFFFFF, v0  }
0x80: {  	v5 =	vld [tilespmem:s15+$0x4420];
	v3 =	vsub.f32 $0.0e+00, v3  }
0x81: {  	v1 =	vadd.f32 v1, v2;
	v2 =	vld [tilespmem:s15+$0x420]  }
0x82: {  	v3 =	vmul.f32 $1.442695020e+00, v3  }
0x83: {  	v1 =	vadd.f32 v4, v1;
	v4 =	vld [tilespmem:s15+$0x8420]  }
0x84: {  	(erf) = vpow2.f32 v3  }
0x85: {  	v3 =	vand.u32 $0x7FFFFFFF, v1  }
0x86: {  	v3 =	vsub.f32 $0.0e+00, v3;
	v2 =	vadd.f32 v5, v2;
	_ =	sdelay $0x1  }
0x87: {  	v3 =	vmul.f32 $1.442695020e+00, v3;
	v4 =	vadd.f32 v4, v2;
	_ =	sdelay $0x1  }
0x88: {  	v2 =	vld [tilespmem:s15+$0x4430];
	v5 =	vand.u32 $0x7FFFFFFF, v4;
	(erf) = vpow2.f32 v3  }
0x89: {  	v3 =	vld [tilespmem:s15+$0x430];
	v5 =	vsub.f32 $0.0e+00, v5  }
0x8a: {  	v6 =	vld [tilespmem:s15+$0x8430]  }
0x8b: {  	v9 =	vld [tilespmem:s15+$0x4440];
	v8 =	vpop (erf);
	v5 =	vmul.f32 $1.442695020e+00, v5  }
0x8c: {  	v10 =	vld [tilespmem:s15+$0x440];
	v7 =	vmul.f32 $4.106444120e-02, v8  }
0x8d: {  	(erf) = vpow2.f32 v5  }
0x8e: {  	v7 =	vadd.f32 $-1.560282710e-01, v7;
	v2 =	vadd.f32 v2, v3;
	v3 =	vld [tilespmem:s15+$0x8440]  }
0x8f: {  	v11 =	vld [tilespmem:s15+$0x4450]  }
0x90: {  	v5 =	vmul.f32 v7, v8;
	v7 =	vadd.f32 v6, v2;
	v2 =	vld [tilespmem:s15+$0x450]  }
0x91: {  	v13 =	vld [tilespmem:s15+$0x8450];
	v6 =	vadd.f32 v9, v10;
	v9 =	vpop (erf)  }
0x92: {  	v5 =	vadd.f32 $3.046722410e-01, v5;
	v10 =	vand.u32 $0x7FFFFFFF, v7;
	v12 =	vmul.f32 $4.106444120e-02, v9  }
0x93: {  	v10 =	vsub.f32 $0.0e+00, v10;
	v18 =	vadd.f32 v3, v6  }
0x94: {  	v14 =	vld [tilespmem:s15+$0x460];
	v3 =	vmul.f32 v5, v8;
	v5 =	vadd.f32 $-1.560282710e-01, v12  }
0x95: {  	v15 =	vld [tilespmem:s15+$0x4470];
	v6 =	vmul.f32 $1.442695020e+00, v10;
	v10 =	vand.u32 $0x7FFFFFFF, v18;
	v2 =	vadd.f32 v11, v2  }
0x96: {  	v11 =	vld [tilespmem:s15+$0x4460];
	v10 =	vsub.f32 $0.0e+00, v10;
	v3 =	vadd.f32 $-4.963682590e-01, v3;
	v5 =	vmul.f32 v5, v9;
	v12 =	vpop (erf)  }
0x97: {  	v17 =	vld [tilespmem:s15+$0x470];
	(erf) = vpow2.f32 v6;
	v13 =	vadd.f32 v13, v2;
	v6 =	vmul.f32 $4.106444120e-02, v12  }
0x98: {  	v2 =	vmul.f32 $1.442695020e+00, v10;
	v10 =	vld [tilespmem:s15+$0x8460];
	v3 =	vmul.f32 v3, v8;
	v5 =	vadd.f32 $3.046722410e-01, v5  }
0x99: {  	v16 =	vand.u32 $0x7FFFFFFF, v13;
	v6 =	vadd.f32 $-1.560282710e-01, v6  }
0x9a: {  	(erf) = vpow2.f32 v2;
	v2 =	vadd.f32 $9.998879430e-01, v3;
	v3 =	vmul.f32 v5, v9  }
0x9b: {  	v0 =	vmax.f32 v0, $0.0e+00;
	v11 =	vadd.f32 v11, v14;
	v5 =	vsub.f32 $0.0e+00, v16;
	v16 =	vld [tilespmem:s15+$0x8470]  }
0x9c: {  	v19 =	vld [tilespmem:s15+$0x4490];
	v6 =	vmul.f32 v6, v12;
	v8 =	vmul.f32 v2, v8;
	v3 =	vadd.f32 $-4.963682590e-01, v3  }
0x9d: {  	v14 =	vld [tilespmem:s15+$0x4480];
	v5 =	vmul.f32 $1.442695020e+00, v5;
	v2 =	vadd.f32 v10, v11;
	v10 =	vadd.f32 v15, v17  }
0x9e: {  	v6 =	vadd.f32 $3.046722410e-01, v6;
	v0 =	vadd.f32 v8, v0;
	v8 =	vld [tilespmem:s15+$0x480]  }
0x9f: {  	v21 =	vld [tilespmem:s15+$0x8490];
	(erf) = vpow2.f32 v5;
	v11 =	vmul.f32 v3, v9;
	v3 =	vand.u32 $0x7FFFFFFF, v2  }
0xa0: {  	v5 =	vld [tilespmem:s15+$0x490];
	v6 =	vmul.f32 v6, v12;
	v17 =	vpop (erf);
	v20 =	vsub.f32 $0.0e+00, v3;
	v3 =	vadd.f32 v16, v10  }
0xa1: {  	v1 =	vmax.f32 v1, $0.0e+00;
	v10 =	vld [tilespmem:s15+$0x8480];
	v15 =	vmul.f32 $4.106444120e-02, v17  }
0xa2: {  	v11 =	vadd.f32 $9.998879430e-01, v11;
	v16 =	vadd.f32 $-4.963682590e-01, v6;
	v22 =	vand.u32 $0x7FFFFFFF, v3  }
0xa3: {  	v6 =	vadd.f32 $-1.560282710e-01, v15;
	v15 =	vmul.f32 $1.442695020e+00, v20;
	v8 =	vadd.f32 v14, v8  }
0xa4: {  	v14 =	vsub.f32 $0.0e+00, v22;
	v9 =	vmul.f32 v11, v9;
	v20 =	vpop (erf);
	v16 =	vmul.f32 v16, v12  }
0xa5: {  	v5 =	vadd.f32 v19, v5;
	v23 =	vmul.f32 $4.106444120e-02, v20;
	v22 =	vmul.f32 v6, v17  }
0xa6: {  	v6 =	vadd.f32 v10, v8;
	v8 =	vmul.f32 $1.442695020e+00, v14;
	v1 =	vadd.f32 v9, v1  }
0xa7: {  	(erf) = vpow2.f32 v15;
	v5 =	vadd.f32 v21, v5;
	v15 =	vadd.f32 $-1.560282710e-01, v23  }
0xa8: {  	v16 =	vadd.f32 $9.998879430e-01, v16;
	v10 =	vadd.f32 $3.046722410e-01, v22;
	(erf) = vpow2.f32 v8;
	v21 =	vpop (erf)  }
0xa9: {  	v11 =	vmul.f32 v15, v20;
	v8 =	vmul.f32 $4.106444120e-02, v21;
	v15 =	vand.u32 $0x7FFFFFFF, v5  }
0xaa: {  	v26 =	vld [tilespmem:s15+$0x44B0];
	v14 =	vand.u32 $0x7FFFFFFF, v6;
	v10 =	vmul.f32 v10, v17;
	v15 =	vsub.f32 $0.0e+00, v15  }
0xab: {  	v28 =	vld [tilespmem:s15+$0x4B0];
	v14 =	vsub.f32 $0.0e+00, v14;
	v12 =	vmul.f32 v16, v12;
	v8 =	vadd.f32 $-1.560282710e-01, v8  }
0xac: {  	v11 =	vadd.f32 $3.046722410e-01, v11;
	v10 =	vadd.f32 $-4.963682590e-01, v10;
	v9 =	vmul.f32 $1.442695020e+00, v15  }
0xad: {  	v14 =	vmul.f32 $1.442695020e+00, v14;
	v8 =	vmul.f32 v8, v21  }
0xae: {  	v4 =	vmax.f32 v4, $0.0e+00;
	v11 =	vmul.f32 v11, v20;
	v10 =	vmul.f32 v10, v17  }
0xaf: {  	v4 =	vadd.f32 v12, v4;
	(erf) = vpow2.f32 v14;
	v8 =	vadd.f32 $3.046722410e-01, v8  }
0xb0: {  	v25 =	vld [tilespmem:s15+$0x84A0];
	(erf) = vpow2.f32 v9;
	v11 =	vadd.f32 $-4.963682590e-01, v11;
	v12 =	vadd.f32 $9.998879430e-01, v10;
	v9 =	vpop (erf)  }
0xb1: {  	v24 =	vld [tilespmem:s15+$0x4A0];
	v28 =	vadd.f32 v26, v28;
	v19 =	vmul.f32 $4.106444120e-02, v9;
	v8 =	vmul.f32 v8, v21  }
0xb2: {  	v26 =	vld [tilespmem:s15+$0x4E0];
	v7 =	vmax.f32 v7, $0.0e+00;
	v11 =	vmul.f32 v11, v20;
	v10 =	vpop (erf);
	v12 =	vmul.f32 v12, v17  }
0xb3: {  	v22 =	vmul.f32 $4.106444120e-02, v10;
	v19 =	vadd.f32 $-1.560282710e-01, v19;
	v8 =	vadd.f32 $-4.963682590e-01, v8  }
0xb4: {  	v23 =	vld [tilespmem:s15+$0x44A0];
	v11 =	vadd.f32 $9.998879430e-01, v11;
	v7 =	vadd.f32 v12, v7  }
0xb5: {  	v16 =	vld [tilespmem:s15+$0x84D0];
	v22 =	vadd.f32 $-1.560282710e-01, v22;
	v19 =	vmul.f32 v19, v9;
	v12 =	vmul.f32 v8, v21  }
0xb6: {  	v15 =	vld [tilespmem:s15+$0x84B0];
	v20 =	vmul.f32 v11, v20  }
0xb7: {  	v14 =	vld [tilespmem:s15+$0x84C0];
	v8 =	vmax.f32 v18, $0.0e+00;
	v27 =	vmul.f32 v22, v10;
	v19 =	vadd.f32 $3.046722410e-01, v19  }
0xb8: {  	v17 =	vld [tilespmem:s15+$0x44C0];
	v11 =	vpop (erf);
	v8 =	vadd.f32 v20, v8;
	v20 =	vadd.f32 $9.998879430e-01, v12  }
0xb9: {  	[tilespmem:s15+$0xC400] =	vst v0;
	v18 =	vld [tilespmem:s15+$0x44D0];
	v27 =	vadd.f32 $3.046722410e-01, v27;
	v30 =	vmul.f32 $4.106444120e-02, v11;
	v29 =	vmul.f32 v19, v9;
	v12 =	vpop (erf)  }
0xba: {  	[tilespmem:s15+$0xC410] =	vst v1;
	v22 =	vld [tilespmem:s15+$0x44E0];
	v19 =	vmax.f32 v13, $0.0e+00;
	v13 =	vadd.f32 v23, v24;
	v31 =	vmul.f32 $4.106444120e-02, v12  }
0xbb: {  	[tilespmem:s15+$0xC420] =	vst v4;
	v24 =	vld [tilespmem:s15+$0x4C0];
	v32 =	vmul.f32 v27, v10;
	v30 =	vadd.f32 $-1.560282710e-01, v30;
	v29 =	vadd.f32 $-4.963682590e-01, v29  }
0xbc: {  	[tilespmem:s15+$0xC430] =	vst v7;
	v21 =	vmul.f32 v20, v21;
	v13 =	vadd.f32 v25, v13;
	v25 =	vld [tilespmem:s15+$0x4D0];
	v27 =	vadd.f32 $-1.560282710e-01, v31  }
0xbd: {  	s18 =	simm.s32 $0x400;
	[tilespmem:s15+$0xC440] =	vst v8;
	v23 =	vld [tilespmem:s15+$0x44F0];
	v30 =	vmul.f32 v30, v11;
	v20 =	vmul.f32 v29, v9;
	v29 =	vadd.f32 $-4.963682590e-01, v32  }
.LBB2_3:
0xbe: {  	p2 =	sne.s32 s18, $0x7C00;
	v27 =	vmul.f32 v27, v12;
	v31 =	vand.u32 $0x7FFFFFFF, v13;
	v15 =	vadd.f32 v15, v28;
	v28 =	vld [tilespmem:s15+$0x4F0]  }
0xbf: {  	v29 =	vmul.f32 v29, v10;
	v30 =	vadd.f32 $3.046722410e-01, v30;
	v31 =	vsub.f32 $0.0e+00, v31;
	v32 =	vld [tilespmem:s15+$0x84E0]  }
0xc0: {  	v27 =	vadd.f32 $3.046722410e-01, v27;
	v33 =	vand.u32 $0x7FFFFFFF, v15;
	v17 =	vadd.f32 v17, v24;
	v24 =	vld [tilespmem:s15+$0x84F0]  }
0xc1: {  	v31 =	vmul.f32 $1.442695020e+00, v31;
	v33 =	vsub.f32 $0.0e+00, v33;
	v25 =	vadd.f32 v18, v25  }
0xc2: {  	v30 =	vmul.f32 v30, v11;
	v18 =	vadd.f32 v14, v17;
	v14 =	vadd.f32 v22, v26  }
0xc3: {  	v16 =	vadd.f32 v16, v25;
	v22 =	vadd.f32 v23, v28;
	(erf) = vpow2.f32 v31  }
0xc4: {  	v23 =	vmul.f32 $1.442695020e+00, v33;
	v25 =	vand.u32 $0x7FFFFFFF, v18;
	v17 =	vadd.f32 v32, v14  }
0xc5: {  	v25 =	vsub.f32 $0.0e+00, v25;
	v26 =	vand.u32 $0x7FFFFFFF, v16;
	v14 =	vadd.f32 v24, v22  }
0xc6: {  	v22 =	vsub.f32 $0.0e+00, v26;
	v24 =	vand.u32 $0x7FFFFFFF, v17;
	(erf) = vpow2.f32 v23  }
0xc7: {  	v23 =	vmul.f32 $1.442695020e+00, v25;
	v24 =	vsub.f32 $0.0e+00, v24;
	v25 =	vand.u32 $0x7FFFFFFF, v14  }
0xc8: {  	v26 =	vmul.f32 v27, v12;
	v22 =	vmul.f32 $1.442695020e+00, v22;
	v25 =	vsub.f32 $0.0e+00, v25  }
0xc9: {  	v19 =	vadd.f32 v21, v19;
	v21 =	vmul.f32 $1.442695020e+00, v24;
	(erf) = vpow2.f32 v23  }
0xca: {  	v23 =	vadd.f32 $-4.963682590e-01, v30;
	v24 =	vmul.f32 $1.442695020e+00, v25;
	(erf) = vpow2.f32 v22  }
0xcb: {  	v20 =	vadd.f32 $9.998879430e-01, v20;
	v22 =	vadd.f32 $-4.963682590e-01, v26;
	[tilespmem:s15+$0xC450] =	vst v19;
	(erf) = vpow2.f32 v21  }
0xcc: {  	v21 =	vadd.f32 $9.998879430e-01, v29;
	v23 =	vmul.f32 v23, v11;
	v25 =	vpop (erf);
	(erf) = vpow2.f32 v24  }
0xcd: {  	v2 =	vmax.f32 v2, $0.0e+00;
	v9 =	vmul.f32 v20, v9;
	v24 =	vmul.f32 v22, v12  }
0xce: {  	v10 =	vmul.f32 v21, v10;
	v21 =	vadd.f32 $9.998879430e-01, v23;
	v22 =	vmul.f32 $4.106444120e-02, v25  }
0xcf: {  	v3 =	vmax.f32 v3, $0.0e+00;
	v2 =	vadd.f32 v9, v2;
	v9 =	vadd.f32 $9.998879430e-01, v24;
	v20 =	vpop (erf)  }
0xd0: {  	v3 =	vadd.f32 v10, v3;
	v10 =	vmul.f32 v21, v11;
	v22 =	vadd.f32 $-1.560282710e-01, v22  }
0xd1: {  	v6 =	vmax.f32 v6, $0.0e+00;
	v9 =	vmul.f32 v9, v12;
	v12 =	vmul.f32 $4.106444120e-02, v20;
	[tilespmem:s15+$0xC460] =	vst v2  }
0xd2: {  	v5 =	vmax.f32 v5, $0.0e+00;
	v6 =	vadd.f32 v10, v6;
	v10 =	vmul.f32 v22, v25;
	[tilespmem:s15+$0xC470] =	vst v3;
	v11 =	vpop (erf)  }
0xd3: {  	v5 =	vadd.f32 v9, v5;
	v9 =	vadd.f32 $-1.560282710e-01, v12;
	v12 =	vmul.f32 $4.106444120e-02, v11;
	v21 =	vpop (erf)  }
0xd4: {  	v13 =	vmax.f32 v13, $0.0e+00;
	v10 =	vadd.f32 $3.046722410e-01, v10;
	[tilespmem:s15+$0xC480] =	vst v6;
	v22 =	vmul.f32 $4.106444120e-02, v21;
	v23 =	vpop (erf)  }
0xd5: {  	v9 =	vmul.f32 v9, v20;
	[tilespmem:s15+$0xC490] =	vst v5;
	v12 =	vadd.f32 $-1.560282710e-01, v12;
	v24 =	vmul.f32 $4.106444120e-02, v23;
	v26 =	vpop (erf)  }
0xd6: {  	v10 =	vmul.f32 v10, v25;
	v22 =	vadd.f32 $-1.560282710e-01, v22;
	v27 =	vmul.f32 $4.106444120e-02, v26  }
0xd7: {  	v9 =	vadd.f32 $3.046722410e-01, v9;
	v12 =	vmul.f32 v12, v11;
	v24 =	vadd.f32 $-1.560282710e-01, v24  }
0xd8: {  	v10 =	vadd.f32 $-4.963682590e-01, v10;
	v22 =	vmul.f32 v22, v21;
	v27 =	vadd.f32 $-1.560282710e-01, v27  }
0xd9: {  	v9 =	vmul.f32 v9, v20;
	v12 =	vadd.f32 $3.046722410e-01, v12;
	v24 =	vmul.f32 v24, v23  }
0xda: {  	v10 =	vmul.f32 v10, v25;
	v22 =	vadd.f32 $3.046722410e-01, v22;
	v27 =	vmul.f32 v27, v26  }
0xdb: {  	[tilespmem:s15+$0x400] =	vst v0;
	v0 =	vadd.f32 $-4.963682590e-01, v9;
	v9 =	vmul.f32 v12, v11;
	v12 =	vadd.f32 $3.046722410e-01, v24  }
0xdc: {  	[tilespmem:s15+$0x410] =	vst v1;
	v1 =	vadd.f32 $9.998879430e-01, v10;
	v10 =	vmul.f32 v22, v21;
	v22 =	vadd.f32 $3.046722410e-01, v27  }
0xdd: {  	[tilespmem:s15+$0x420] =	vst v4;
	v0 =	vmul.f32 v0, v20;
	v4 =	vadd.f32 $-4.963682590e-01, v9;
	v9 =	vmul.f32 v12, v23  }
0xde: {  	[tilespmem:s15+$0x430] =	vst v7;
	v1 =	vmul.f32 v1, v25;
	v7 =	vadd.f32 $-4.963682590e-01, v10;
	v10 =	vmul.f32 v22, v26  }
0xdf: {  	[tilespmem:s15+$0x440] =	vst v8;
	v0 =	vadd.f32 $9.998879430e-01, v0;
	v4 =	vmul.f32 v4, v11;
	v8 =	vadd.f32 $-4.963682590e-01, v9  }
0xe0: {  	s20 =	sshra.s32 s18, $0x2;
	[tilespmem:s15+$0x450] =	vst v19;
	v1 =	vadd.f32 v1, v13;
	v7 =	vmul.f32 v7, v21;
	v9 =	vadd.f32 $-4.963682590e-01, v10  }
0xe1: {  	v10 =	vld [tilespmem:s20+$0x4400];
	[tilespmem:s15+$0x460] =	vst v2;
	v0 =	vmul.f32 v0, v20;
	v2 =	vadd.f32 $9.998879430e-01, v4;
	v4 =	vmul.f32 v8, v23  }
0xe2: {  	v8 =	vld [tilespmem:s20+$0x400];
	[tilespmem:s15+$0x470] =	vst v3;
	v3 =	vmax.f32 v15, $0.0e+00;
	v7 =	vadd.f32 $9.998879430e-01, v7;
	v9 =	vmul.f32 v9, v26  }
0xe3: {  	[tilespmem:s15+$0x480] =	vst v6;
	v0 =	vadd.f32 v0, v3;
	v2 =	vmul.f32 v2, v11;
	v3 =	vadd.f32 $9.998879430e-01, v4  }
0xe4: {  	v4 =	vld [tilespmem:s20+$0x8400];
	[tilespmem:s15+$0x490] =	vst v5;
	v5 =	vmax.f32 v18, $0.0e+00;
	v6 =	vmul.f32 v7, v21;
	v7 =	vadd.f32 $9.998879430e-01, v9  }
0xe5: {  	[tilespmem:s15+$0x4A0] =	vst v1;
	v2 =	vadd.f32 v2, v5;
	v5 =	vmax.f32 v16, $0.0e+00;
	v3 =	vmul.f32 v3, v23  }
0xe6: {  	[tilespmem:s15+$0x4B0] =	vst v0;
	v5 =	vadd.f32 v6, v5;
	v6 =	vmax.f32 v17, $0.0e+00;
	v7 =	vmul.f32 v7, v26  }
0xe7: {  	v8 =	vadd.f32 v10, v8;
	[tilespmem:s15+$0x4C0] =	vst v2;
	v3 =	vadd.f32 v3, v6;
	v6 =	vmax.f32 v14, $0.0e+00  }
0xe8: {  	v9 =	vld [tilespmem:s20+$0x4410];
	[tilespmem:s15+$0x4D0] =	vst v5;
	v6 =	vadd.f32 v7, v6  }
0xe9: {  	v10 =	vadd.f32 v4, v8;
	v4 =	vld [tilespmem:s20+$0x410];
	[tilespmem:s15+$0x4E0] =	vst v3  }
0xea: {  	[tilespmem:s15+$0x4F0] =	vst v6  }
0xeb: {  	v7 =	vand.u32 $0x7FFFFFFF, v10;
	v8 =	vld [tilespmem:s20+$0x8410];
	[tilespmem:s15+$0xC4A0] =	vst v1  }
0xec: {  	v1 =	vsub.f32 $0.0e+00, v7;
	[tilespmem:s15+$0xC4B0] =	vst v0  }
0xed: {  	v0 =	vld [tilespmem:s20+$0x4420];
	[tilespmem:s15+$0xC4C0] =	vst v2  }
0xee: {  	v2 =	vmul.f32 $1.442695020e+00, v1;
	v1 =	vadd.f32 v9, v4;
	v4 =	vld [tilespmem:s20+$0x420];
	[tilespmem:s15+$0xC4D0] =	vst v5  }
0xef: {  	[tilespmem:s15+$0xC4E0] =	vst v3  }
0xf0: {  	v1 =	vadd.f32 v8, v1;
	v3 =	vld [tilespmem:s20+$0x8420];
	(erf) = vpow2.f32 v2;
	[tilespmem:s15+$0xC4F0] =	vst v6;
	s15 =	smov.u32 s20;
	_ =	sdelay $0x1  }
0xf1: {  	v2 =	vand.u32 $0x7FFFFFFF, v1  }
0xf2: {  	v2 =	vsub.f32 $0.0e+00, v2;
	v0 =	vadd.f32 v0, v4;
	_ =	sdelay $0x1  }
0xf3: {  	v2 =	vmul.f32 $1.442695020e+00, v2;
	v4 =	vadd.f32 v3, v0  }
0xf4: {  	v0 =	vld [tilespmem:s15+$0x4430]  }
0xf5: {  	v3 =	vand.u32 $0x7FFFFFFF, v4;
	v5 =	vld [tilespmem:s15+$0x430];
	(erf) = vpow2.f32 v2  }
0xf6: {  	v2 =	vsub.f32 $0.0e+00, v3;
	v3 =	vld [tilespmem:s15+$0x8430]  }
0xf7: {  	v6 =	vld [tilespmem:s15+$0x4440];
	v9 =	vpop (erf)  }
0xf8: {  	v7 =	vmul.f32 $4.106444120e-02, v9;
	v2 =	vmul.f32 $1.442695020e+00, v2;
	v8 =	vld [tilespmem:s15+$0x440];
	_ =	sdelay $0x1  }
0xf9: {  	v7 =	vadd.f32 $-1.560282710e-01, v7;
	v0 =	vadd.f32 v0, v5;
	v5 =	vld [tilespmem:s15+$0x8440];
	(erf) = vpow2.f32 v2;
	_ =	sdelay $0x1  }
0xfa: {  	v2 =	vmul.f32 v7, v9;
	v7 =	vadd.f32 v3, v0;
	v0 =	vld [tilespmem:s15+$0x4450]  }
0xfb: {  	v3 =	vadd.f32 v6, v8;
	v6 =	vld [tilespmem:s15+$0x450]  }
0xfc: {  	v2 =	vadd.f32 $3.046722410e-01, v2;
	v8 =	vand.u32 $0x7FFFFFFF, v7;
	v11 =	vpop (erf)  }
0xfd: {  	v12 =	vmul.f32 $4.106444120e-02, v11;
	v13 =	vsub.f32 $0.0e+00, v8;
	v8 =	vadd.f32 v5, v3;
	v3 =	vld [tilespmem:s15+$0x8450]  }
0xfe: {  	v2 =	vmul.f32 v2, v9  }
0xff: {  	v5 =	vadd.f32 $-1.560282710e-01, v12;
	v12 =	vmul.f32 $1.442695020e+00, v13;
	v13 =	vand.u32 $0x7FFFFFFF, v8  }
0x100: {  	v13 =	vsub.f32 $0.0e+00, v13;
	v0 =	vadd.f32 v0, v6;
	v6 =	vld [tilespmem:s15+$0x4460]  }
0x101: {  	v2 =	vadd.f32 $-4.963682590e-01, v2;
	v5 =	vmul.f32 v5, v11;
	v14 =	vld [tilespmem:s15+$0x460];
	v16 =	vpop (erf);
	(erf) = vpow2.f32 v12  }
0x102: {  	v12 =	vmul.f32 $4.106444120e-02, v16;
	v15 =	vmul.f32 $1.442695020e+00, v13;
	v13 =	vadd.f32 v3, v0;
	v0 =	vld [tilespmem:s15+$0x8460]  }
0x103: {  	v2 =	vmul.f32 v2, v9;
	v3 =	vadd.f32 $3.046722410e-01, v5;
	v5 =	vld [tilespmem:s15+$0x4470]  }
0x104: {  	v12 =	vadd.f32 $-1.560282710e-01, v12;
	v17 =	vand.u32 $0x7FFFFFFF, v13;
	v18 =	vld [tilespmem:s15+$0x470];
	(erf) = vpow2.f32 v15  }
0x105: {  	v2 =	vadd.f32 $9.998879430e-01, v2;
	v3 =	vmul.f32 v3, v11;
	v15 =	vsub.f32 $0.0e+00, v17  }
0x106: {  	v12 =	vmul.f32 v12, v16;
	v6 =	vadd.f32 v6, v14;
	v14 =	vld [tilespmem:s15+$0x8470]  }
0x107: {  	v9 =	vmul.f32 v2, v9;
	v3 =	vadd.f32 $-4.963682590e-01, v3;
	v15 =	vmul.f32 $1.442695020e+00, v15;
	v17 =	vld [tilespmem:s15+$0x4480]  }
0x108: {  	v10 =	vmax.f32 v10, $0.0e+00;
	v12 =	vadd.f32 $3.046722410e-01, v12;
	v2 =	vadd.f32 v0, v6;
	v6 =	vld [tilespmem:s15+$0x4490]  }
0x109: {  	v0 =	vadd.f32 v9, v10;
	v5 =	vadd.f32 v5, v18;
	v9 =	vld [tilespmem:s15+$0x480];
	(erf) = vpow2.f32 v15  }
0x10a: {  	v10 =	vmul.f32 v3, v11;
	v12 =	vmul.f32 v12, v16;
	v3 =	vand.u32 $0x7FFFFFFF, v2;
	v15 =	vld [tilespmem:s15+$0x490];
	v18 =	vpop (erf)  }
0x10b: {  	[tilespmem:s15+$0xC400] =	vst v0;
	v19 =	vmul.f32 $4.106444120e-02, v18;
	v20 =	vsub.f32 $0.0e+00, v3;
	v3 =	vadd.f32 v14, v5;
	v5 =	vld [tilespmem:s15+$0x8480]  }
0x10c: {  	v10 =	vadd.f32 $9.998879430e-01, v10;
	v12 =	vadd.f32 $-4.963682590e-01, v12;
	v14 =	vld [tilespmem:s15+$0x8490]  }
0x10d: {  	v1 =	vmax.f32 v1, $0.0e+00;
	v19 =	vadd.f32 $-1.560282710e-01, v19;
	v21 =	vand.u32 $0x7FFFFFFF, v3;
	v22 =	vpop (erf)  }
0x10e: {  	v20 =	vmul.f32 $1.442695020e+00, v20;
	v23 =	vmul.f32 $4.106444120e-02, v22;
	v21 =	vsub.f32 $0.0e+00, v21  }
0x10f: {  	v9 =	vadd.f32 v17, v9;
	v12 =	vmul.f32 v12, v16;
	v17 =	vmul.f32 v19, v18  }
0x110: {  	v15 =	vadd.f32 v6, v15;
	(erf) = vpow2.f32 v20;
	v19 =	vadd.f32 $-1.560282710e-01, v23  }
0x111: {  	v20 =	vmul.f32 $1.442695020e+00, v21;
	v6 =	vadd.f32 v5, v9;
	v12 =	vadd.f32 $9.998879430e-01, v12  }
0x112: {  	v9 =	vmul.f32 v10, v11;
	v10 =	vadd.f32 $3.046722410e-01, v17;
	v5 =	vadd.f32 v14, v15  }
0x113: {  	v11 =	vmul.f32 v19, v22;
	v14 =	vand.u32 $0x7FFFFFFF, v6;
	v21 =	vpop (erf);
	(erf) = vpow2.f32 v20  }
0x114: {  	v15 =	vmul.f32 $4.106444120e-02, v21;
	v14 =	vsub.f32 $0.0e+00, v14;
	v17 =	vand.u32 $0x7FFFFFFF, v5  }
0x115: {  	v10 =	vmul.f32 v10, v18;
	v11 =	vadd.f32 $3.046722410e-01, v11;
	v17 =	vsub.f32 $0.0e+00, v17  }
0x116: {  	v12 =	vmul.f32 v12, v16;
	v15 =	vadd.f32 $-1.560282710e-01, v15;
	v14 =	vmul.f32 $1.442695020e+00, v14  }
0x117: {  	v24 =	vadd.f32 $-4.963682590e-01, v10;
	v11 =	vmul.f32 v11, v22;
	v17 =	vmul.f32 $1.442695020e+00, v17  }
0x118: {  	v1 =	vadd.f32 v9, v1;
	v19 =	vmul.f32 v15, v21;
	v20 =	vld [tilespmem:s15+$0x84A0];
	(erf) = vpow2.f32 v14  }
0x119: {  	v23 =	vmul.f32 v24, v18;
	v15 =	vld [tilespmem:s15+$0x84B0];
	v9 =	vpop (erf);
	(erf) = vpow2.f32 v17  }
0x11a: {  	v11 =	vadd.f32 $-4.963682590e-01, v11;
	v17 =	vadd.f32 $3.046722410e-01, v19;
	v19 =	vmul.f32 $4.106444120e-02, v9  }
0x11b: {  	v4 =	vmax.f32 v4, $0.0e+00;
	[tilespmem:s15+$0xC410] =	vst v1;
	v14 =	vld [tilespmem:s15+$0x84C0]  }
0x11c: {  	v4 =	vadd.f32 v12, v4;
	v12 =	vadd.f32 $9.998879430e-01, v23;
	v11 =	vmul.f32 v11, v22;
	v10 =	vpop (erf)  }
0x11d: {  	v17 =	vmul.f32 v17, v21;
	v19 =	vadd.f32 $-1.560282710e-01, v19;
	v16 =	vld [tilespmem:s15+$0x84D0];
	v23 =	vmul.f32 $4.106444120e-02, v10  }
0x11e: {  	v30 =	vmul.f32 v12, v18;
	v24 =	vld [tilespmem:s15+$0x44A0];
	v29 =	vadd.f32 $9.998879430e-01, v11  }
0x11f: {  	v17 =	vadd.f32 $-4.963682590e-01, v17;
	v19 =	vmul.f32 v19, v9;
	v25 =	vld [tilespmem:s15+$0x44B0];
	v18 =	vadd.f32 $-1.560282710e-01, v23  }
0x120: {  	v7 =	vmax.f32 v7, $0.0e+00;
	v8 =	vmax.f32 v8, $0.0e+00;
	[tilespmem:s15+$0xC420] =	vst v4;
	v23 =	vld [tilespmem:s15+$0x4A0];
	v22 =	vmul.f32 v29, v22  }
0x121: {  	v26 =	vmul.f32 v17, v21;
	v19 =	vadd.f32 $3.046722410e-01, v19;
	v17 =	vld [tilespmem:s15+$0x44C0];
	v27 =	vmul.f32 v18, v10  }
0x122: {  	v7 =	vadd.f32 v30, v7;
	v28 =	vld [tilespmem:s15+$0x4B0];
	v11 =	vpop (erf);
	v8 =	vadd.f32 v22, v8  }
0x123: {  	v26 =	vadd.f32 $9.998879430e-01, v26;
	v29 =	vmul.f32 v19, v9;
	v18 =	vld [tilespmem:s15+$0x44D0];
	v12 =	vpop (erf);
	v27 =	vadd.f32 $3.046722410e-01, v27  }
.Ltmp4:
0x124: {  	v30 =	vmul.f32 $4.106444120e-02, v11;
	[tilespmem:s15+$0xC430] =	vst v7;
	v31 =	vmul.f32 $4.106444120e-02, v12;
	v22 =	vld [tilespmem:s15+$0x44E0];
	(pc) =	sbr.rel @p2 .LBB2_3-.Ltmp4, $4  }
0x125: {  	v19 =	vmax.f32 v13, $0.0e+00;
	[tilespmem:s15+$0xC440] =	vst v8;
	v29 =	vadd.f32 $-4.963682590e-01, v29;
	v13 =	vadd.f32 v24, v23;
	v23 =	vld [tilespmem:s15+$0x44F0]  }
0x126: {  	v30 =	vadd.f32 $-1.560282710e-01, v30;
	v32 =	vmul.f32 v27, v10;
	v27 =	vadd.f32 $-1.560282710e-01, v31;
	v24 =	vld [tilespmem:s15+$0x4C0]  }
0x127: {  	v21 =	vmul.f32 v26, v21;
	v13 =	vadd.f32 v20, v13;
	v28 =	vadd.f32 v25, v28;
	v25 =	vld [tilespmem:s15+$0x4D0]  }
0x128: {  	s18 =	sadd.s32 $0x400, s18;
	v20 =	vmul.f32 v29, v9;
	v30 =	vmul.f32 v30, v11;
	v29 =	vadd.f32 $-4.963682590e-01, v32;
	v26 =	vld [tilespmem:s15+$0x4E0]  }
0x129: {  	v27 =	vmul.f32 v27, v12;
	v31 =	vand.u32 $0x7FFFFFFF, v13;
	v15 =	vadd.f32 v15, v28;
	v39 =	vld [tilespmem:s15+$0x4F0]  }
0x12a: {  	v19 =	vadd.f32 v21, v19;
	v31 =	vsub.f32 $0.0e+00, v31  }
0x12b: {  	v32 =	vld [tilespmem:s15+$0x84E0];
	v27 =	vadd.f32 $3.046722410e-01, v27;
	v33 =	vand.u32 $0x7FFFFFFF, v15;
	v17 =	vadd.f32 v17, v24  }
0x12c: {  	v40 =	vld [tilespmem:s15+$0x84F0];
	v33 =	vsub.f32 $0.0e+00, v33;
	v18 =	vadd.f32 v18, v25  }
0x12d: {  	v31 =	vmul.f32 $1.442695020e+00, v31;
	v14 =	vadd.f32 v14, v17;
	v42 =	vadd.f32 v22, v26  }
0x12e: {  	v2 =	vmax.f32 v2, $0.0e+00;
	v16 =	vadd.f32 v16, v18;
	v43 =	vadd.f32 v23, v39  }
0x12f: {  	(erf) = vpow2.f32 v31;
	v44 =	vmul.f32 $1.442695020e+00, v33;
	v45 =	vand.u32 $0x7FFFFFFF, v14  }
0x130: {  	v3 =	vmax.f32 v3, $0.0e+00;
	v17 =	vadd.f32 v32, v42;
	v23 =	vsub.f32 $0.0e+00, v45  }
0x131: {  	v46 =	vand.u32 $0x7FFFFFFF, v16;
	v18 =	vadd.f32 v40, v43;
	(erf) = vpow2.f32 v44  }
0x132: {  	v47 =	vsub.f32 $0.0e+00, v46;
	v48 =	vand.u32 $0x7FFFFFFF, v17;
	v49 =	vmul.f32 $1.442695020e+00, v23  }
0x133: {  	v30 =	vadd.f32 $3.046722410e-01, v30;
	v27 =	vmul.f32 v27, v12;
	v50 =	vsub.f32 $0.0e+00, v48  }
0x134: {  	v51 =	vand.u32 $0x7FFFFFFF, v18;
	v24 =	vmul.f32 $1.442695020e+00, v47;
	(erf) = vpow2.f32 v49  }
0x135: {  	v6 =	vmax.f32 v6, $0.0e+00;
	v26 =	vsub.f32 $0.0e+00, v51;
	v52 =	vmul.f32 $1.442695020e+00, v50  }
0x136: {  	v41 =	vmul.f32 v30, v11;
	v55 =	vadd.f32 $-4.963682590e-01, v27;
	(erf) = vpow2.f32 v24  }
0x137: {  	v5 =	vmax.f32 v5, $0.0e+00;
	v54 =	vmul.f32 $1.442695020e+00, v26;
	(erf) = vpow2.f32 v52  }
0x138: {  	v29 =	vmul.f32 v29, v10;
	v20 =	vadd.f32 $9.998879430e-01, v20;
	v58 =	vmul.f32 v55, v12;
	v57 =	vpop (erf)  }
0x139: {  	v53 =	vadd.f32 $-4.963682590e-01, v41;
	(erf) = vpow2.f32 v54;
	v61 =	vmul.f32 $4.106444120e-02, v57  }
0x13a: {  	v35 =	vmax.f32 v13, $0.0e+00;
	v56 =	vadd.f32 $9.998879430e-01, v29;
	v9 =	vmul.f32 v20, v9  }
0x13b: {  	v22 =	vmul.f32 v53, v11;
	v62 =	vadd.f32 $9.998879430e-01, v58;
	v63 =	vpop (erf);
	v28 =	vadd.f32 $-1.560282710e-01, v61  }
0x13c: {  	v59 =	vmul.f32 v56, v10;
	v2 =	vadd.f32 v9, v2;
	v29 =	vmul.f32 $4.106444120e-02, v63  }
0x13d: {  	v60 =	vadd.f32 $9.998879430e-01, v22;
	v9 =	vmul.f32 v62, v12;
	v30 =	vmul.f32 v28, v57;
	v31 =	vpop (erf)  }
0x13e: {  	[tilespmem:s15+$0x400] =	vst v0;
	v3 =	vadd.f32 v59, v3;
	v32 =	vadd.f32 $-1.560282710e-01, v29;
	v33 =	vmul.f32 $4.106444120e-02, v31  }
0x13f: {  	[tilespmem:s15+$0x410] =	vst v1;
	v27 =	vmul.f32 v60, v11;
	v5 =	vadd.f32 v9, v5;
	v34 =	vpop (erf);
	v10 =	vadd.f32 $3.046722410e-01, v30  }
0x140: {  	[tilespmem:s15+$0x420] =	vst v4;
	v9 =	vmul.f32 v32, v63;
	v36 =	vmul.f32 $4.106444120e-02, v34;
	v37 =	vpop (erf);
	v12 =	vadd.f32 $-1.560282710e-01, v33  }
0x141: {  	[tilespmem:s15+$0x430] =	vst v7;
	v6 =	vadd.f32 v27, v6;
	v38 =	vmul.f32 $4.106444120e-02, v37;
	v10 =	vmul.f32 v10, v57  }
0x142: {  	[tilespmem:s15+$0x440] =	vst v8;
	v39 =	vpop (erf);
	v9 =	vadd.f32 $3.046722410e-01, v9;
	v22 =	vadd.f32 $-1.560282710e-01, v36;
	v12 =	vmul.f32 v12, v31  }
0x143: {  	v40 =	vmul.f32 $4.106444120e-02, v39;
	v25 =	vadd.f32 $-1.560282710e-01, v38;
	v10 =	vadd.f32 $-4.963682590e-01, v10  }
0x144: {  	[tilespmem:s15+$0xC450] =	vst v19;
	v9 =	vmul.f32 v9, v63;
	v22 =	vmul.f32 v22, v34;
	v12 =	vadd.f32 $3.046722410e-01, v12  }
0x145: {  	[tilespmem:s15+$0x450] =	vst v19;
	v27 =	vadd.f32 $-1.560282710e-01, v40;
	v25 =	vmul.f32 v25, v37;
	v10 =	vmul.f32 v10, v57  }
0x146: {  	[tilespmem:s15+$0xC460] =	vst v2;
	v41 =	vadd.f32 $-4.963682590e-01, v9;
	v22 =	vadd.f32 $3.046722410e-01, v22;
	v42 =	vmul.f32 v12, v31  }
0x147: {  	[tilespmem:s15+$0x460] =	vst v2;
	v27 =	vmul.f32 v27, v39;
	v43 =	vadd.f32 $3.046722410e-01, v25;
	v44 =	vadd.f32 $9.998879430e-01, v10  }
0x148: {  	[tilespmem:s15+$0xC470] =	vst v3;
	v0 =	vmul.f32 v41, v63;
	v45 =	vmul.f32 v22, v34;
	v47 =	vadd.f32 $-4.963682590e-01, v42  }
0x149: {  	[tilespmem:s15+$0x470] =	vst v3;
	v46 =	vadd.f32 $3.046722410e-01, v27;
	v48 =	vmul.f32 v43, v37;
	v1 =	vmul.f32 v44, v57  }
0x14a: {  	[tilespmem:s15+$0xC480] =	vst v6;
	v0 =	vadd.f32 $9.998879430e-01, v0;
	v49 =	vadd.f32 $-4.963682590e-01, v45;
	v4 =	vmul.f32 v47, v31  }
0x14b: {  	[tilespmem:s15+$0x480] =	vst v6;
	v50 =	vmul.f32 v46, v39;
	v51 =	vadd.f32 $-4.963682590e-01, v48;
	v1 =	vadd.f32 v1, v35  }
0x14c: {  	[tilespmem:s15+$0xC490] =	vst v5;
	v0 =	vmul.f32 v0, v63;
	v7 =	vmul.f32 v49, v34;
	v53 =	vadd.f32 $9.998879430e-01, v4  }
0x14d: {  	v55 =	vmax.f32 v15, $0.0e+00;
	[tilespmem:s15+$0x490] =	vst v5;
	v52 =	vadd.f32 $-4.963682590e-01, v50;
	v54 =	vmul.f32 v51, v37  }
0x14e: {  	v0 =	vadd.f32 v0, v55;
	[tilespmem:s15+$0x4A0] =	vst v1;
	v7 =	vadd.f32 $9.998879430e-01, v7;
	v2 =	vmul.f32 v53, v31  }
0x14f: {  	v58 =	vmax.f32 v14, $0.0e+00;
	[tilespmem:s15+$0xC4A0] =	vst v1;
	v56 =	vmul.f32 v52, v39  }
0x150: {  	v57 =	vadd.f32 $9.998879430e-01, v54;
	[tilespmem:s15+$0x4B0] =	vst v0;
	v59 =	vmul.f32 v7, v34;
	v2 =	vadd.f32 v2, v58  }
0x151: {  	v61 =	vmax.f32 v16, $0.0e+00;
	[tilespmem:s15+$0xC4B0] =	vst v0  }
0x152: {  	v60 =	vadd.f32 $9.998879430e-01, v56;
	v3 =	vmul.f32 v57, v37;
	v4 =	vadd.f32 v59, v61;
	[tilespmem:s15+$0x4C0] =	vst v2  }
0x153: {  	v62 =	vmax.f32 v17, $0.0e+00;
	[tilespmem:s15+$0xC4C0] =	vst v2  }
0x154: {  	v6 =	vmul.f32 v60, v39;
	v3 =	vadd.f32 v3, v62;
	[tilespmem:s15+$0x4D0] =	vst v4  }
0x155: {  	v63 =	vmax.f32 v18, $0.0e+00;
	[tilespmem:s15+$0xC4D0] =	vst v4  }
0x156: {  	v5 =	vadd.f32 v6, v63;
	[tilespmem:s15+$0x4E0] =	vst v3  }
0x157: {  	[tilespmem:s15+$0xC4E0] =	vst v3  }
0x158: {  	s10 =	sshll.u32 s21, $0xA;
	[tilespmem:s15+$0x4F0] =	vst v5  }
0x159: {  	s21 =	simm.s32 $0xC400;
	s10 =	sadd.s32 s12, s10;
	[tilespmem:s15+$0xC4F0] =	vst v5  }
0x15a: {  	[hbm4b:s10+s6] =	stream.linear.scatter [tilespmem:s21], [sflag:$0x5], $0x2000, $0x38;
	[tilespmem:$0x169A8] =	vst v63  }
0x15b: {  	_ = 	snop  }
0x15c: {  	[spmem:s4] =	stream.indirect.scatter.add.f32 [tilespmem:s30], [sflag:$0x7], $0x20, s25, s29, $0xb8;
	[tilespmem:$0x169A8] =	vst v63  }
0x15d: {  	_ =	swait.ge [sflag:s11], $0x1000  }
0x15e: {  	[sflag:s11] =	ssyncset.done $0x0  }
0x15f: {  	[sflag:s11] =	ssyncadd.s32 $0xFFFFF000  }
0x160: {  	[spmem:s5] =	stream.indirect.scatter.add.f32 [tilespmem:s24], [sflag:$0x7], $0x8, s25, s29, $0xb8;
	[tilespmem:$0x169A8] =	vst v63  }
0x161: {  	_ =	swait.ge [sflag:s11], $0x400  }
0x162: {  	[sflag:s11] =	ssyncset.done $0x0  }
0x163: {  	[sflag:s11] =	ssyncadd.s32 $0xFFFFFC00  }
0x164: {  	[spmem:s4] =	stream.indirect.scatter.add.f32 [tilespmem:s0], [sflag:$0x7], $0x20, s3, s29, $0xb8;
	[tilespmem:$0x169A8] =	vst v63  }
0x165: {  	_ =	swait.ge [sflag:s11], $0x1000  }
0x166: {  	[sflag:s11] =	ssyncset.done $0x0  }
0x167: {  	[sflag:s11] =	ssyncadd.s32 $0xFFFFF000  }
0x168: {  	[spmem:s5] =	stream.indirect.scatter.add.f32 [tilespmem:s24], [sflag:$0x7], $0x8, s3, s29, $0xb8;
	[tilespmem:$0x169A8] =	vst v63  }
0x169: {  	_ =	swait.ge [sflag:s11], $0x400  }
0x16a: {  	[sflag:s11] =	ssyncset.done $0x0  }
0x16b: {  	s10 =	simm.s32 @!p0 $0x2;
	[sflag:s11] =	ssyncadd.s32 $0xFFFFFC00  }
0x16c: {  	_ =	swait.ge @!p0 [sflag:s10], $0x1000  }
0x16d: {  	[sflag:s10] =	ssyncset.done @!p0 $0x0  }
0x16e: {  	s15 =	simm.s32 @!p0 $0x3;
	[sflag:s10] =	ssyncadd.s32 @!p0 $0xFFFFF000  }
0x16f: {  	_ =	swait.ge @!p0 [sflag:s15], $0x1000  }
0x170: {  	[sflag:s15] =	ssyncset.done @!p0 $0x0  }
0x171: {  	[sflag:s15] =	ssyncadd.s32 @!p0 $0xFFFFF000  }
0x172: {  	_ =	swait.ge @!p0 [sflag:s10], $0x1000  }
0x173: {  	[sflag:s10] =	ssyncset.done @!p0 $0x0  }
0x174: {  	[sflag:s10] =	ssyncadd.s32 @!p0 $0xFFFFF000  }
0x175: {  	_ =	swait.ge @!p0 [sflag:s15], $0x1000  }
0x176: {  	s14 =	sadd.s32 s17, s14;
	[sflag:s15] =	ssyncset.done @!p0 $0x0  }
0x177: {  	p2 =	sgt.u32 s14, $0x4E1;
	s10 =	simm.s32 @!p0 $0x4;
	[sflag:s15] =	ssyncadd.s32 @!p0 $0xFFFFF000  }
0x178: {  	s18 =	simm.s32 @!p2 $0x4E200;
	_ =	swait.ge @!p0 [sflag:s10], $0x2000  }
0x179: {  	s20 =	simm.s32 @!p2 $0x0;
	s15 =	sshll.u32 @!p2 s14, $0x5;
	[sflag:s10] =	ssyncset.done @!p0 $0x0  }
0x17a: {  	[sflag:s10] =	ssyncadd.s32 @!p0 $0xFFFFE000;
	s10 =	sadd.s32 @!p2 s1, s15;
	s15 =	simm.s32 @!p2 $0x100  }
0x17b: {  	[tilespmem:s20], [sflag:$0x1] =	stream.strided.gather @!p2 [hbm4b:s10+s15], $0x200, s18, s15, $0x38;
	[tilespmem:$0x169A8] =	vst v63  }
0x17c: {  	s10 =	simm.s32 @!p2 $0x1  }
0x17d: {  	_ =	swait.ge @!p2 [sflag:s10], $0x200  }
0x17e: {  	[sflag:s10] =	ssyncset.done @!p2 $0x0  }
0x17f: {  	s18 =	simm.s32 @!p2 $0x400;
	[sflag:s10] =	ssyncadd.s32 @!p2 $0xFFFFFE00;
	s10 =	simm.s32 @!p2 $0x80  }
0x180: {  	[tilespmem:s18], [sflag:$0x2] =	stream.indirect.gather @!p2 [hbm4b:s2+s10], $0x20, s20, s10, $0xb8;
	[tilespmem:$0x169A8] =	vst v63  }
0x181: {  	s18 =	simm.s32 @!p2 $0x4400  }
0x182: {  	[tilespmem:s18], [sflag:$0x3] =	stream.indirect.gather @!p2 [hbm4b:s7+s10], $0x20, s15, s10, $0xb8;
	[tilespmem:$0x169A8] =	vst v63  }
0x183: {  	s15 =	simm.s32 @!p2 $0x1400  }
0x184: {  	[tilespmem:s15], [sflag:$0x2] =	stream.indirect.gather @!p2 [hbm4b:s2+s10], $0x20, s10, s10, $0xb8;
	[tilespmem:$0x169A8] =	vst v63  }
.Ltmp5:
0x185: {  	_ = 	snop;
	(pc) =	sbr.rel @p0 .LBB2_8-.Ltmp5, $4  }
0x186: {  	s14 =	sshll.u32 @!p2 s14, $0xC;
	s18 =	simm.s32 @!p2 $0x5400;
	s15 =	simm.s32 @!p2 $0x180  }
0x187: {  	[tilespmem:s18], [sflag:$0x3] =	stream.indirect.gather @!p2 [hbm4b:s7+s10], $0x20, s15, s10, $0xb8;
	[tilespmem:$0x169A8] =	vst v63  }
0x188: {  	s14 =	sadd.s32 @!p2 s8, s14;
	s15 =	simm.s32 @!p2 $0x20;
	s18 =	simm.s32 @!p2 $0x8400  }
0x189: {  	[tilespmem:s18], [sflag:$0x4] =	stream.strided.gather @!p2 [hbm4b:s14+s15], $0x2000, s10, s15, $0x38;
	[tilespmem:$0x169A8] =	vst v63  }
0x18a: {  	s10 =	simm.s32 @!p1 $0x5  }
0x18b: {  	_ =	swait.ge @!p1 [sflag:s10], $0x2000  }
0x18c: {  	[sflag:s10] =	ssyncset.done @!p1 $0x0  }
0x18d: {  	s14 =	simm.s32 $0x0;
	[sflag:s10] =	ssyncadd.s32 @!p1 $0xFFFFE000  }
0x18e: {  	v0 =	vld [tilespmem:s14+$0x6400]  }
0x18f: {  	v1 =	vld [tilespmem:s14+$0x2400];
	_ =	sdelay $0x1  }
0x190: {  	v2 =	vld [tilespmem:s14+$0xA400];
	_ =	sdelay $0x2  }
0x191: {  	v0 =	vadd.f32 v0, v1  }
0x192: {  	v1 =	vld [tilespmem:s14+$0x6410]  }
0x193: {  	v0 =	vadd.f32 v2, v0;
	v2 =	vld [tilespmem:s14+$0x2410];
	_ =	sdelay $0x1  }
0x194: {  	v4 =	vld [tilespmem:s14+$0xA410]  }
0x195: {  	v3 =	vand.u32 $0x7FFFFFFF, v0  }
0x196: {  	v5 =	vld [tilespmem:s14+$0x6420];
	v3 =	vsub.f32 $0.0e+00, v3  }
0x197: {  	v1 =	vadd.f32 v1, v2;
	v2 =	vld [tilespmem:s14+$0x2420]  }
0x198: {  	v3 =	vmul.f32 $1.442695020e+00, v3  }
0x199: {  	v1 =	vadd.f32 v4, v1;
	v4 =	vld [tilespmem:s14+$0xA420]  }
0x19a: {  	(erf) = vpow2.f32 v3  }
0x19b: {  	v3 =	vand.u32 $0x7FFFFFFF, v1  }
0x19c: {  	v3 =	vsub.f32 $0.0e+00, v3;
	v2 =	vadd.f32 v5, v2;
	_ =	sdelay $0x1  }
0x19d: {  	v3 =	vmul.f32 $1.442695020e+00, v3;
	v4 =	vadd.f32 v4, v2;
	_ =	sdelay $0x1  }
0x19e: {  	v2 =	vld [tilespmem:s14+$0x6430];
	v5 =	vand.u32 $0x7FFFFFFF, v4;
	(erf) = vpow2.f32 v3  }
0x19f: {  	v3 =	vld [tilespmem:s14+$0x2430];
	v5 =	vsub.f32 $0.0e+00, v5  }
0x1a0: {  	v6 =	vld [tilespmem:s14+$0xA430]  }
0x1a1: {  	v9 =	vld [tilespmem:s14+$0x6440];
	v8 =	vpop (erf);
	v5 =	vmul.f32 $1.442695020e+00, v5  }
0x1a2: {  	v10 =	vld [tilespmem:s14+$0x2440];
	v7 =	vmul.f32 $4.106444120e-02, v8  }
0x1a3: {  	(erf) = vpow2.f32 v5  }
0x1a4: {  	v7 =	vadd.f32 $-1.560282710e-01, v7;
	v2 =	vadd.f32 v2, v3;
	v3 =	vld [tilespmem:s14+$0xA440]  }
0x1a5: {  	v11 =	vld [tilespmem:s14+$0x6450]  }
0x1a6: {  	v5 =	vmul.f32 v7, v8;
	v7 =	vadd.f32 v6, v2;
	v2 =	vld [tilespmem:s14+$0x2450]  }
0x1a7: {  	v13 =	vld [tilespmem:s14+$0xA450];
	v6 =	vadd.f32 v9, v10;
	v9 =	vpop (erf)  }
0x1a8: {  	v5 =	vadd.f32 $3.046722410e-01, v5;
	v10 =	vand.u32 $0x7FFFFFFF, v7;
	v12 =	vmul.f32 $4.106444120e-02, v9  }
0x1a9: {  	v10 =	vsub.f32 $0.0e+00, v10;
	v18 =	vadd.f32 v3, v6  }
0x1aa: {  	v14 =	vld [tilespmem:s14+$0x2460];
	v3 =	vmul.f32 v5, v8;
	v5 =	vadd.f32 $-1.560282710e-01, v12  }
0x1ab: {  	v15 =	vld [tilespmem:s14+$0x6470];
	v6 =	vmul.f32 $1.442695020e+00, v10;
	v10 =	vand.u32 $0x7FFFFFFF, v18;
	v2 =	vadd.f32 v11, v2  }
0x1ac: {  	v11 =	vld [tilespmem:s14+$0x6460];
	v10 =	vsub.f32 $0.0e+00, v10;
	v3 =	vadd.f32 $-4.963682590e-01, v3;
	v5 =	vmul.f32 v5, v9;
	v12 =	vpop (erf)  }
0x1ad: {  	v17 =	vld [tilespmem:s14+$0x2470];
	(erf) = vpow2.f32 v6;
	v13 =	vadd.f32 v13, v2;
	v6 =	vmul.f32 $4.106444120e-02, v12  }
0x1ae: {  	v2 =	vmul.f32 $1.442695020e+00, v10;
	v10 =	vld [tilespmem:s14+$0xA460];
	v3 =	vmul.f32 v3, v8;
	v5 =	vadd.f32 $3.046722410e-01, v5  }
0x1af: {  	v16 =	vand.u32 $0x7FFFFFFF, v13;
	v6 =	vadd.f32 $-1.560282710e-01, v6  }
0x1b0: {  	(erf) = vpow2.f32 v2;
	v2 =	vadd.f32 $9.998879430e-01, v3;
	v3 =	vmul.f32 v5, v9  }
0x1b1: {  	v0 =	vmax.f32 v0, $0.0e+00;
	v11 =	vadd.f32 v11, v14;
	v5 =	vsub.f32 $0.0e+00, v16;
	v16 =	vld [tilespmem:s14+$0xA470]  }
0x1b2: {  	v19 =	vld [tilespmem:s14+$0x6490];
	v6 =	vmul.f32 v6, v12;
	v8 =	vmul.f32 v2, v8;
	v3 =	vadd.f32 $-4.963682590e-01, v3  }
0x1b3: {  	v14 =	vld [tilespmem:s14+$0x6480];
	v5 =	vmul.f32 $1.442695020e+00, v5;
	v2 =	vadd.f32 v10, v11;
	v10 =	vadd.f32 v15, v17  }
0x1b4: {  	v6 =	vadd.f32 $3.046722410e-01, v6;
	v0 =	vadd.f32 v8, v0;
	v8 =	vld [tilespmem:s14+$0x2480]  }
0x1b5: {  	v21 =	vld [tilespmem:s14+$0xA490];
	(erf) = vpow2.f32 v5;
	v11 =	vmul.f32 v3, v9;
	v3 =	vand.u32 $0x7FFFFFFF, v2  }
0x1b6: {  	v5 =	vld [tilespmem:s14+$0x2490];
	v6 =	vmul.f32 v6, v12;
	v17 =	vpop (erf);
	v20 =	vsub.f32 $0.0e+00, v3;
	v3 =	vadd.f32 v16, v10  }
0x1b7: {  	v1 =	vmax.f32 v1, $0.0e+00;
	v10 =	vld [tilespmem:s14+$0xA480];
	v15 =	vmul.f32 $4.106444120e-02, v17  }
0x1b8: {  	v11 =	vadd.f32 $9.998879430e-01, v11;
	v16 =	vadd.f32 $-4.963682590e-01, v6;
	v22 =	vand.u32 $0x7FFFFFFF, v3  }
0x1b9: {  	v6 =	vadd.f32 $-1.560282710e-01, v15;
	v15 =	vmul.f32 $1.442695020e+00, v20;
	v8 =	vadd.f32 v14, v8  }
0x1ba: {  	v14 =	vsub.f32 $0.0e+00, v22;
	v9 =	vmul.f32 v11, v9;
	v20 =	vpop (erf);
	v16 =	vmul.f32 v16, v12  }
0x1bb: {  	v5 =	vadd.f32 v19, v5;
	v23 =	vmul.f32 $4.106444120e-02, v20;
	v22 =	vmul.f32 v6, v17  }
0x1bc: {  	v6 =	vadd.f32 v10, v8;
	v8 =	vmul.f32 $1.442695020e+00, v14;
	v1 =	vadd.f32 v9, v1  }
0x1bd: {  	(erf) = vpow2.f32 v15;
	v5 =	vadd.f32 v21, v5;
	v15 =	vadd.f32 $-1.560282710e-01, v23  }
0x1be: {  	v16 =	vadd.f32 $9.998879430e-01, v16;
	v10 =	vadd.f32 $3.046722410e-01, v22;
	(erf) = vpow2.f32 v8;
	v21 =	vpop (erf)  }
0x1bf: {  	v11 =	vmul.f32 v15, v20;
	v8 =	vmul.f32 $4.106444120e-02, v21;
	v15 =	vand.u32 $0x7FFFFFFF, v5  }
0x1c0: {  	v26 =	vld [tilespmem:s14+$0x64B0];
	v14 =	vand.u32 $0x7FFFFFFF, v6;
	v10 =	vmul.f32 v10, v17;
	v15 =	vsub.f32 $0.0e+00, v15  }
0x1c1: {  	v28 =	vld [tilespmem:s14+$0x24B0];
	v14 =	vsub.f32 $0.0e+00, v14;
	v12 =	vmul.f32 v16, v12;
	v8 =	vadd.f32 $-1.560282710e-01, v8  }
0x1c2: {  	v11 =	vadd.f32 $3.046722410e-01, v11;
	v10 =	vadd.f32 $-4.963682590e-01, v10;
	v9 =	vmul.f32 $1.442695020e+00, v15  }
0x1c3: {  	v14 =	vmul.f32 $1.442695020e+00, v14;
	v8 =	vmul.f32 v8, v21  }
0x1c4: {  	v4 =	vmax.f32 v4, $0.0e+00;
	v11 =	vmul.f32 v11, v20;
	v10 =	vmul.f32 v10, v17  }
0x1c5: {  	v4 =	vadd.f32 v12, v4;
	(erf) = vpow2.f32 v14;
	v8 =	vadd.f32 $3.046722410e-01, v8  }
0x1c6: {  	v25 =	vld [tilespmem:s14+$0xA4A0];
	(erf) = vpow2.f32 v9;
	v11 =	vadd.f32 $-4.963682590e-01, v11;
	v12 =	vadd.f32 $9.998879430e-01, v10;
	v9 =	vpop (erf)  }
0x1c7: {  	v24 =	vld [tilespmem:s14+$0x24A0];
	v28 =	vadd.f32 v26, v28;
	v19 =	vmul.f32 $4.106444120e-02, v9;
	v8 =	vmul.f32 v8, v21  }
0x1c8: {  	v26 =	vld [tilespmem:s14+$0x24E0];
	v7 =	vmax.f32 v7, $0.0e+00;
	v11 =	vmul.f32 v11, v20;
	v10 =	vpop (erf);
	v12 =	vmul.f32 v12, v17  }
0x1c9: {  	v22 =	vmul.f32 $4.106444120e-02, v10;
	v19 =	vadd.f32 $-1.560282710e-01, v19;
	v8 =	vadd.f32 $-4.963682590e-01, v8  }
0x1ca: {  	v23 =	vld [tilespmem:s14+$0x64A0];
	v11 =	vadd.f32 $9.998879430e-01, v11;
	v7 =	vadd.f32 v12, v7  }
0x1cb: {  	v16 =	vld [tilespmem:s14+$0xA4D0];
	v22 =	vadd.f32 $-1.560282710e-01, v22;
	v19 =	vmul.f32 v19, v9;
	v12 =	vmul.f32 v8, v21  }
0x1cc: {  	v15 =	vld [tilespmem:s14+$0xA4B0];
	v20 =	vmul.f32 v11, v20  }
0x1cd: {  	v14 =	vld [tilespmem:s14+$0xA4C0];
	v8 =	vmax.f32 v18, $0.0e+00;
	v27 =	vmul.f32 v22, v10;
	v19 =	vadd.f32 $3.046722410e-01, v19  }
0x1ce: {  	v17 =	vld [tilespmem:s14+$0x64C0];
	v11 =	vpop (erf);
	v8 =	vadd.f32 v20, v8;
	v20 =	vadd.f32 $9.998879430e-01, v12  }
0x1cf: {  	[tilespmem:s14+$0xE400] =	vst v0;
	v18 =	vld [tilespmem:s14+$0x64D0];
	v27 =	vadd.f32 $3.046722410e-01, v27;
	v30 =	vmul.f32 $4.106444120e-02, v11;
	v29 =	vmul.f32 v19, v9;
	v12 =	vpop (erf)  }
0x1d0: {  	[tilespmem:s14+$0xE410] =	vst v1;
	v22 =	vld [tilespmem:s14+$0x64E0];
	v19 =	vmax.f32 v13, $0.0e+00;
	v13 =	vadd.f32 v23, v24;
	v31 =	vmul.f32 $4.106444120e-02, v12  }
0x1d1: {  	[tilespmem:s14+$0xE420] =	vst v4;
	v24 =	vld [tilespmem:s14+$0x24C0];
	v32 =	vmul.f32 v27, v10;
	v30 =	vadd.f32 $-1.560282710e-01, v30;
	v29 =	vadd.f32 $-4.963682590e-01, v29  }
0x1d2: {  	[tilespmem:s14+$0xE430] =	vst v7;
	v21 =	vmul.f32 v20, v21;
	v13 =	vadd.f32 v25, v13;
	v25 =	vld [tilespmem:s14+$0x24D0];
	v27 =	vadd.f32 $-1.560282710e-01, v31  }
0x1d3: {  	s15 =	simm.s32 $0x400;
	[tilespmem:s14+$0xE440] =	vst v8;
	v23 =	vld [tilespmem:s14+$0x64F0];
	v30 =	vmul.f32 v30, v11;
	v20 =	vmul.f32 v29, v9;
	v29 =	vadd.f32 $-4.963682590e-01, v32  }
.LBB2_6:
0x1d4: {  	p0 =	sne.s32 s15, $0x7C00;
	v27 =	vmul.f32 v27, v12;
	v31 =	vand.u32 $0x7FFFFFFF, v13;
	v15 =	vadd.f32 v15, v28;
	v28 =	vld [tilespmem:s14+$0x24F0]  }
0x1d5: {  	v29 =	vmul.f32 v29, v10;
	v30 =	vadd.f32 $3.046722410e-01, v30;
	v31 =	vsub.f32 $0.0e+00, v31;
	v32 =	vld [tilespmem:s14+$0xA4E0]  }
0x1d6: {  	v27 =	vadd.f32 $3.046722410e-01, v27;
	v33 =	vand.u32 $0x7FFFFFFF, v15;
	v17 =	vadd.f32 v17, v24;
	v24 =	vld [tilespmem:s14+$0xA4F0]  }
0x1d7: {  	v31 =	vmul.f32 $1.442695020e+00, v31;
	v33 =	vsub.f32 $0.0e+00, v33;
	v25 =	vadd.f32 v18, v25  }
0x1d8: {  	v30 =	vmul.f32 v30, v11;
	v18 =	vadd.f32 v14, v17;
	v14 =	vadd.f32 v22, v26  }
0x1d9: {  	v16 =	vadd.f32 v16, v25;
	v22 =	vadd.f32 v23, v28;
	(erf) = vpow2.f32 v31  }
0x1da: {  	v23 =	vmul.f32 $1.442695020e+00, v33;
	v25 =	vand.u32 $0x7FFFFFFF, v18;
	v17 =	vadd.f32 v32, v14  }
0x1db: {  	v25 =	vsub.f32 $0.0e+00, v25;
	v26 =	vand.u32 $0x7FFFFFFF, v16;
	v14 =	vadd.f32 v24, v22  }
0x1dc: {  	v22 =	vsub.f32 $0.0e+00, v26;
	v24 =	vand.u32 $0x7FFFFFFF, v17;
	(erf) = vpow2.f32 v23  }
0x1dd: {  	v23 =	vmul.f32 $1.442695020e+00, v25;
	v24 =	vsub.f32 $0.0e+00, v24;
	v25 =	vand.u32 $0x7FFFFFFF, v14  }
0x1de: {  	v26 =	vmul.f32 v27, v12;
	v22 =	vmul.f32 $1.442695020e+00, v22;
	v25 =	vsub.f32 $0.0e+00, v25  }
0x1df: {  	v19 =	vadd.f32 v21, v19;
	v21 =	vmul.f32 $1.442695020e+00, v24;
	(erf) = vpow2.f32 v23  }
0x1e0: {  	v23 =	vadd.f32 $-4.963682590e-01, v30;
	v24 =	vmul.f32 $1.442695020e+00, v25;
	(erf) = vpow2.f32 v22  }
0x1e1: {  	v20 =	vadd.f32 $9.998879430e-01, v20;
	v22 =	vadd.f32 $-4.963682590e-01, v26;
	[tilespmem:s14+$0xE450] =	vst v19;
	(erf) = vpow2.f32 v21  }
0x1e2: {  	v21 =	vadd.f32 $9.998879430e-01, v29;
	v23 =	vmul.f32 v23, v11;
	v25 =	vpop (erf);
	(erf) = vpow2.f32 v24  }
0x1e3: {  	v2 =	vmax.f32 v2, $0.0e+00;
	v9 =	vmul.f32 v20, v9;
	v24 =	vmul.f32 v22, v12  }
0x1e4: {  	v10 =	vmul.f32 v21, v10;
	v21 =	vadd.f32 $9.998879430e-01, v23;
	v22 =	vmul.f32 $4.106444120e-02, v25  }
0x1e5: {  	v3 =	vmax.f32 v3, $0.0e+00;
	v2 =	vadd.f32 v9, v2;
	v9 =	vadd.f32 $9.998879430e-01, v24;
	v20 =	vpop (erf)  }
0x1e6: {  	v3 =	vadd.f32 v10, v3;
	v10 =	vmul.f32 v21, v11;
	v22 =	vadd.f32 $-1.560282710e-01, v22  }
0x1e7: {  	v6 =	vmax.f32 v6, $0.0e+00;
	v9 =	vmul.f32 v9, v12;
	v12 =	vmul.f32 $4.106444120e-02, v20;
	[tilespmem:s14+$0xE460] =	vst v2  }
0x1e8: {  	v5 =	vmax.f32 v5, $0.0e+00;
	v6 =	vadd.f32 v10, v6;
	v10 =	vmul.f32 v22, v25;
	[tilespmem:s14+$0xE470] =	vst v3;
	v11 =	vpop (erf)  }
0x1e9: {  	v5 =	vadd.f32 v9, v5;
	v9 =	vadd.f32 $-1.560282710e-01, v12;
	v12 =	vmul.f32 $4.106444120e-02, v11;
	v21 =	vpop (erf)  }
0x1ea: {  	v13 =	vmax.f32 v13, $0.0e+00;
	v10 =	vadd.f32 $3.046722410e-01, v10;
	[tilespmem:s14+$0xE480] =	vst v6;
	v22 =	vmul.f32 $4.106444120e-02, v21;
	v23 =	vpop (erf)  }
0x1eb: {  	v9 =	vmul.f32 v9, v20;
	[tilespmem:s14+$0xE490] =	vst v5;
	v12 =	vadd.f32 $-1.560282710e-01, v12;
	v24 =	vmul.f32 $4.106444120e-02, v23;
	v26 =	vpop (erf)  }
0x1ec: {  	v10 =	vmul.f32 v10, v25;
	v22 =	vadd.f32 $-1.560282710e-01, v22;
	v27 =	vmul.f32 $4.106444120e-02, v26  }
0x1ed: {  	v9 =	vadd.f32 $3.046722410e-01, v9;
	v12 =	vmul.f32 v12, v11;
	v24 =	vadd.f32 $-1.560282710e-01, v24  }
0x1ee: {  	v10 =	vadd.f32 $-4.963682590e-01, v10;
	v22 =	vmul.f32 v22, v21;
	v27 =	vadd.f32 $-1.560282710e-01, v27  }
0x1ef: {  	v9 =	vmul.f32 v9, v20;
	v12 =	vadd.f32 $3.046722410e-01, v12;
	v24 =	vmul.f32 v24, v23  }
0x1f0: {  	v10 =	vmul.f32 v10, v25;
	v22 =	vadd.f32 $3.046722410e-01, v22;
	v27 =	vmul.f32 v27, v26  }
0x1f1: {  	[tilespmem:s14+$0x2400] =	vst v0;
	v0 =	vadd.f32 $-4.963682590e-01, v9;
	v9 =	vmul.f32 v12, v11;
	v12 =	vadd.f32 $3.046722410e-01, v24  }
0x1f2: {  	[tilespmem:s14+$0x2410] =	vst v1;
	v1 =	vadd.f32 $9.998879430e-01, v10;
	v10 =	vmul.f32 v22, v21;
	v22 =	vadd.f32 $3.046722410e-01, v27  }
0x1f3: {  	[tilespmem:s14+$0x2420] =	vst v4;
	v0 =	vmul.f32 v0, v20;
	v4 =	vadd.f32 $-4.963682590e-01, v9;
	v9 =	vmul.f32 v12, v23  }
0x1f4: {  	[tilespmem:s14+$0x2430] =	vst v7;
	v1 =	vmul.f32 v1, v25;
	v7 =	vadd.f32 $-4.963682590e-01, v10;
	v10 =	vmul.f32 v22, v26  }
0x1f5: {  	[tilespmem:s14+$0x2440] =	vst v8;
	v0 =	vadd.f32 $9.998879430e-01, v0;
	v4 =	vmul.f32 v4, v11;
	v8 =	vadd.f32 $-4.963682590e-01, v9  }
0x1f6: {  	s18 =	sshra.s32 s15, $0x2;
	[tilespmem:s14+$0x2450] =	vst v19;
	v1 =	vadd.f32 v1, v13;
	v7 =	vmul.f32 v7, v21;
	v9 =	vadd.f32 $-4.963682590e-01, v10  }
0x1f7: {  	v10 =	vld [tilespmem:s18+$0x6400];
	[tilespmem:s14+$0x2460] =	vst v2;
	v0 =	vmul.f32 v0, v20;
	v2 =	vadd.f32 $9.998879430e-01, v4;
	v4 =	vmul.f32 v8, v23  }
0x1f8: {  	v8 =	vld [tilespmem:s18+$0x2400];
	[tilespmem:s14+$0x2470] =	vst v3;
	v3 =	vmax.f32 v15, $0.0e+00;
	v7 =	vadd.f32 $9.998879430e-01, v7;
	v9 =	vmul.f32 v9, v26  }
0x1f9: {  	[tilespmem:s14+$0x2480] =	vst v6;
	v0 =	vadd.f32 v0, v3;
	v2 =	vmul.f32 v2, v11;
	v3 =	vadd.f32 $9.998879430e-01, v4  }
0x1fa: {  	v4 =	vld [tilespmem:s18+$0xA400];
	[tilespmem:s14+$0x2490] =	vst v5;
	v5 =	vmax.f32 v18, $0.0e+00;
	v6 =	vmul.f32 v7, v21;
	v7 =	vadd.f32 $9.998879430e-01, v9  }
0x1fb: {  	[tilespmem:s14+$0x24A0] =	vst v1;
	v2 =	vadd.f32 v2, v5;
	v5 =	vmax.f32 v16, $0.0e+00;
	v3 =	vmul.f32 v3, v23  }
0x1fc: {  	[tilespmem:s14+$0x24B0] =	vst v0;
	v5 =	vadd.f32 v6, v5;
	v6 =	vmax.f32 v17, $0.0e+00;
	v7 =	vmul.f32 v7, v26  }
0x1fd: {  	v8 =	vadd.f32 v10, v8;
	[tilespmem:s14+$0x24C0] =	vst v2;
	v3 =	vadd.f32 v3, v6;
	v6 =	vmax.f32 v14, $0.0e+00  }
0x1fe: {  	v9 =	vld [tilespmem:s18+$0x6410];
	[tilespmem:s14+$0x24D0] =	vst v5;
	v6 =	vadd.f32 v7, v6  }
0x1ff: {  	v10 =	vadd.f32 v4, v8;
	v4 =	vld [tilespmem:s18+$0x2410];
	[tilespmem:s14+$0x24E0] =	vst v3  }
0x200: {  	[tilespmem:s14+$0x24F0] =	vst v6  }
0x201: {  	v7 =	vand.u32 $0x7FFFFFFF, v10;
	v8 =	vld [tilespmem:s18+$0xA410];
	[tilespmem:s14+$0xE4A0] =	vst v1  }
0x202: {  	v1 =	vsub.f32 $0.0e+00, v7;
	[tilespmem:s14+$0xE4B0] =	vst v0  }
0x203: {  	v0 =	vld [tilespmem:s18+$0x6420];
	[tilespmem:s14+$0xE4C0] =	vst v2  }
0x204: {  	v2 =	vmul.f32 $1.442695020e+00, v1;
	v1 =	vadd.f32 v9, v4;
	v4 =	vld [tilespmem:s18+$0x2420];
	[tilespmem:s14+$0xE4D0] =	vst v5  }
0x205: {  	[tilespmem:s14+$0xE4E0] =	vst v3  }
0x206: {  	v1 =	vadd.f32 v8, v1;
	v3 =	vld [tilespmem:s18+$0xA420];
	(erf) = vpow2.f32 v2;
	[tilespmem:s14+$0xE4F0] =	vst v6;
	s14 =	smov.u32 s18;
	_ =	sdelay $0x1  }
0x207: {  	v2 =	vand.u32 $0x7FFFFFFF, v1  }
0x208: {  	v2 =	vsub.f32 $0.0e+00, v2;
	v0 =	vadd.f32 v0, v4;
	_ =	sdelay $0x1  }
0x209: {  	v2 =	vmul.f32 $1.442695020e+00, v2;
	v4 =	vadd.f32 v3, v0  }
0x20a: {  	v0 =	vld [tilespmem:s14+$0x6430]  }
0x20b: {  	v3 =	vand.u32 $0x7FFFFFFF, v4;
	v5 =	vld [tilespmem:s14+$0x2430];
	(erf) = vpow2.f32 v2  }
0x20c: {  	v2 =	vsub.f32 $0.0e+00, v3;
	v3 =	vld [tilespmem:s14+$0xA430]  }
0x20d: {  	v6 =	vld [tilespmem:s14+$0x6440];
	v9 =	vpop (erf)  }
0x20e: {  	v7 =	vmul.f32 $4.106444120e-02, v9;
	v2 =	vmul.f32 $1.442695020e+00, v2;
	v8 =	vld [tilespmem:s14+$0x2440];
	_ =	sdelay $0x1  }
0x20f: {  	v7 =	vadd.f32 $-1.560282710e-01, v7;
	v0 =	vadd.f32 v0, v5;
	v5 =	vld [tilespmem:s14+$0xA440];
	(erf) = vpow2.f32 v2;
	_ =	sdelay $0x1  }
0x210: {  	v2 =	vmul.f32 v7, v9;
	v7 =	vadd.f32 v3, v0;
	v0 =	vld [tilespmem:s14+$0x6450]  }
0x211: {  	v3 =	vadd.f32 v6, v8;
	v6 =	vld [tilespmem:s14+$0x2450]  }
0x212: {  	v2 =	vadd.f32 $3.046722410e-01, v2;
	v8 =	vand.u32 $0x7FFFFFFF, v7;
	v11 =	vpop (erf)  }
0x213: {  	v12 =	vmul.f32 $4.106444120e-02, v11;
	v13 =	vsub.f32 $0.0e+00, v8;
	v8 =	vadd.f32 v5, v3;
	v3 =	vld [tilespmem:s14+$0xA450]  }
0x214: {  	v2 =	vmul.f32 v2, v9  }
0x215: {  	v5 =	vadd.f32 $-1.560282710e-01, v12;
	v12 =	vmul.f32 $1.442695020e+00, v13;
	v13 =	vand.u32 $0x7FFFFFFF, v8  }
0x216: {  	v13 =	vsub.f32 $0.0e+00, v13;
	v0 =	vadd.f32 v0, v6;
	v6 =	vld [tilespmem:s14+$0x6460]  }
0x217: {  	v2 =	vadd.f32 $-4.963682590e-01, v2;
	v5 =	vmul.f32 v5, v11;
	v14 =	vld [tilespmem:s14+$0x2460];
	v16 =	vpop (erf);
	(erf) = vpow2.f32 v12  }
0x218: {  	v12 =	vmul.f32 $4.106444120e-02, v16;
	v15 =	vmul.f32 $1.442695020e+00, v13;
	v13 =	vadd.f32 v3, v0;
	v0 =	vld [tilespmem:s14+$0xA460]  }
0x219: {  	v2 =	vmul.f32 v2, v9;
	v3 =	vadd.f32 $3.046722410e-01, v5;
	v5 =	vld [tilespmem:s14+$0x6470]  }
0x21a: {  	v12 =	vadd.f32 $-1.560282710e-01, v12;
	v17 =	vand.u32 $0x7FFFFFFF, v13;
	v18 =	vld [tilespmem:s14+$0x2470];
	(erf) = vpow2.f32 v15  }
0x21b: {  	v2 =	vadd.f32 $9.998879430e-01, v2;
	v3 =	vmul.f32 v3, v11;
	v15 =	vsub.f32 $0.0e+00, v17  }
0x21c: {  	v12 =	vmul.f32 v12, v16;
	v6 =	vadd.f32 v6, v14;
	v14 =	vld [tilespmem:s14+$0xA470]  }
0x21d: {  	v9 =	vmul.f32 v2, v9;
	v3 =	vadd.f32 $-4.963682590e-01, v3;
	v15 =	vmul.f32 $1.442695020e+00, v15;
	v17 =	vld [tilespmem:s14+$0x6480]  }
0x21e: {  	v10 =	vmax.f32 v10, $0.0e+00;
	v12 =	vadd.f32 $3.046722410e-01, v12;
	v2 =	vadd.f32 v0, v6;
	v6 =	vld [tilespmem:s14+$0x6490]  }
0x21f: {  	v0 =	vadd.f32 v9, v10;
	v5 =	vadd.f32 v5, v18;
	v9 =	vld [tilespmem:s14+$0x2480];
	(erf) = vpow2.f32 v15  }
0x220: {  	v10 =	vmul.f32 v3, v11;
	v12 =	vmul.f32 v12, v16;
	v3 =	vand.u32 $0x7FFFFFFF, v2;
	v15 =	vld [tilespmem:s14+$0x2490];
	v18 =	vpop (erf)  }
0x221: {  	[tilespmem:s14+$0xE400] =	vst v0;
	v19 =	vmul.f32 $4.106444120e-02, v18;
	v20 =	vsub.f32 $0.0e+00, v3;
	v3 =	vadd.f32 v14, v5;
	v5 =	vld [tilespmem:s14+$0xA480]  }
0x222: {  	v10 =	vadd.f32 $9.998879430e-01, v10;
	v12 =	vadd.f32 $-4.963682590e-01, v12;
	v14 =	vld [tilespmem:s14+$0xA490]  }
0x223: {  	v1 =	vmax.f32 v1, $0.0e+00;
	v19 =	vadd.f32 $-1.560282710e-01, v19;
	v21 =	vand.u32 $0x7FFFFFFF, v3;
	v22 =	vpop (erf)  }
0x224: {  	v20 =	vmul.f32 $1.442695020e+00, v20;
	v23 =	vmul.f32 $4.106444120e-02, v22;
	v21 =	vsub.f32 $0.0e+00, v21  }
0x225: {  	v9 =	vadd.f32 v17, v9;
	v12 =	vmul.f32 v12, v16;
	v17 =	vmul.f32 v19, v18  }
0x226: {  	v15 =	vadd.f32 v6, v15;
	(erf) = vpow2.f32 v20;
	v19 =	vadd.f32 $-1.560282710e-01, v23  }
0x227: {  	v20 =	vmul.f32 $1.442695020e+00, v21;
	v6 =	vadd.f32 v5, v9;
	v12 =	vadd.f32 $9.998879430e-01, v12  }
0x228: {  	v9 =	vmul.f32 v10, v11;
	v10 =	vadd.f32 $3.046722410e-01, v17;
	v5 =	vadd.f32 v14, v15  }
0x229: {  	v11 =	vmul.f32 v19, v22;
	v14 =	vand.u32 $0x7FFFFFFF, v6;
	v21 =	vpop (erf);
	(erf) = vpow2.f32 v20  }
0x22a: {  	v15 =	vmul.f32 $4.106444120e-02, v21;
	v14 =	vsub.f32 $0.0e+00, v14;
	v17 =	vand.u32 $0x7FFFFFFF, v5  }
0x22b: {  	v10 =	vmul.f32 v10, v18;
	v11 =	vadd.f32 $3.046722410e-01, v11;
	v17 =	vsub.f32 $0.0e+00, v17  }
0x22c: {  	v12 =	vmul.f32 v12, v16;
	v15 =	vadd.f32 $-1.560282710e-01, v15;
	v14 =	vmul.f32 $1.442695020e+00, v14  }
0x22d: {  	v24 =	vadd.f32 $-4.963682590e-01, v10;
	v11 =	vmul.f32 v11, v22;
	v17 =	vmul.f32 $1.442695020e+00, v17  }
0x22e: {  	v1 =	vadd.f32 v9, v1;
	v19 =	vmul.f32 v15, v21;
	v20 =	vld [tilespmem:s14+$0xA4A0];
	(erf) = vpow2.f32 v14  }
0x22f: {  	v23 =	vmul.f32 v24, v18;
	v15 =	vld [tilespmem:s14+$0xA4B0];
	v9 =	vpop (erf);
	(erf) = vpow2.f32 v17  }
0x230: {  	v11 =	vadd.f32 $-4.963682590e-01, v11;
	v17 =	vadd.f32 $3.046722410e-01, v19;
	v19 =	vmul.f32 $4.106444120e-02, v9  }
0x231: {  	v4 =	vmax.f32 v4, $0.0e+00;
	[tilespmem:s14+$0xE410] =	vst v1;
	v14 =	vld [tilespmem:s14+$0xA4C0]  }
0x232: {  	v4 =	vadd.f32 v12, v4;
	v12 =	vadd.f32 $9.998879430e-01, v23;
	v11 =	vmul.f32 v11, v22;
	v10 =	vpop (erf)  }
0x233: {  	v17 =	vmul.f32 v17, v21;
	v19 =	vadd.f32 $-1.560282710e-01, v19;
	v16 =	vld [tilespmem:s14+$0xA4D0];
	v23 =	vmul.f32 $4.106444120e-02, v10  }
0x234: {  	v30 =	vmul.f32 v12, v18;
	v24 =	vld [tilespmem:s14+$0x64A0];
	v29 =	vadd.f32 $9.998879430e-01, v11  }
0x235: {  	v17 =	vadd.f32 $-4.963682590e-01, v17;
	v19 =	vmul.f32 v19, v9;
	v25 =	vld [tilespmem:s14+$0x64B0];
	v18 =	vadd.f32 $-1.560282710e-01, v23  }
0x236: {  	v7 =	vmax.f32 v7, $0.0e+00;
	v8 =	vmax.f32 v8, $0.0e+00;
	[tilespmem:s14+$0xE420] =	vst v4;
	v23 =	vld [tilespmem:s14+$0x24A0];
	v22 =	vmul.f32 v29, v22  }
0x237: {  	v26 =	vmul.f32 v17, v21;
	v19 =	vadd.f32 $3.046722410e-01, v19;
	v17 =	vld [tilespmem:s14+$0x64C0];
	v27 =	vmul.f32 v18, v10  }
0x238: {  	v7 =	vadd.f32 v30, v7;
	v28 =	vld [tilespmem:s14+$0x24B0];
	v11 =	vpop (erf);
	v8 =	vadd.f32 v22, v8  }
0x239: {  	v26 =	vadd.f32 $9.998879430e-01, v26;
	v29 =	vmul.f32 v19, v9;
	v18 =	vld [tilespmem:s14+$0x64D0];
	v12 =	vpop (erf);
	v27 =	vadd.f32 $3.046722410e-01, v27  }
.Ltmp6:
0x23a: {  	v30 =	vmul.f32 $4.106444120e-02, v11;
	[tilespmem:s14+$0xE430] =	vst v7;
	v31 =	vmul.f32 $4.106444120e-02, v12;
	v22 =	vld [tilespmem:s14+$0x64E0];
	(pc) =	sbr.rel @p0 .LBB2_6-.Ltmp6, $4  }
0x23b: {  	v19 =	vmax.f32 v13, $0.0e+00;
	[tilespmem:s14+$0xE440] =	vst v8;
	v29 =	vadd.f32 $-4.963682590e-01, v29;
	v13 =	vadd.f32 v24, v23;
	v23 =	vld [tilespmem:s14+$0x64F0]  }
0x23c: {  	v30 =	vadd.f32 $-1.560282710e-01, v30;
	v32 =	vmul.f32 v27, v10;
	v27 =	vadd.f32 $-1.560282710e-01, v31;
	v24 =	vld [tilespmem:s14+$0x24C0]  }
0x23d: {  	v21 =	vmul.f32 v26, v21;
	v13 =	vadd.f32 v20, v13;
	v28 =	vadd.f32 v25, v28;
	v25 =	vld [tilespmem:s14+$0x24D0]  }
0x23e: {  	s15 =	sadd.s32 $0x400, s15;
	v20 =	vmul.f32 v29, v9;
	v30 =	vmul.f32 v30, v11;
	v29 =	vadd.f32 $-4.963682590e-01, v32;
	v26 =	vld [tilespmem:s14+$0x24E0]  }
0x23f: {  	v27 =	vmul.f32 v27, v12;
	v31 =	vand.u32 $0x7FFFFFFF, v13;
	v15 =	vadd.f32 v15, v28;
	v39 =	vld [tilespmem:s14+$0x24F0]  }
0x240: {  	v19 =	vadd.f32 v21, v19;
	v31 =	vsub.f32 $0.0e+00, v31  }
0x241: {  	v32 =	vld [tilespmem:s14+$0xA4E0];
	v27 =	vadd.f32 $3.046722410e-01, v27;
	v33 =	vand.u32 $0x7FFFFFFF, v15;
	v17 =	vadd.f32 v17, v24  }
0x242: {  	v40 =	vld [tilespmem:s14+$0xA4F0];
	v33 =	vsub.f32 $0.0e+00, v33;
	v18 =	vadd.f32 v18, v25  }
0x243: {  	v31 =	vmul.f32 $1.442695020e+00, v31;
	v14 =	vadd.f32 v14, v17;
	v42 =	vadd.f32 v22, v26  }
0x244: {  	v2 =	vmax.f32 v2, $0.0e+00;
	v16 =	vadd.f32 v16, v18;
	v43 =	vadd.f32 v23, v39  }
0x245: {  	(erf) = vpow2.f32 v31;
	v44 =	vmul.f32 $1.442695020e+00, v33;
	v45 =	vand.u32 $0x7FFFFFFF, v14  }
0x246: {  	v3 =	vmax.f32 v3, $0.0e+00;
	v17 =	vadd.f32 v32, v42;
	v23 =	vsub.f32 $0.0e+00, v45  }
0x247: {  	v46 =	vand.u32 $0x7FFFFFFF, v16;
	v18 =	vadd.f32 v40, v43;
	(erf) = vpow2.f32 v44  }
0x248: {  	v47 =	vsub.f32 $0.0e+00, v46;
	v48 =	vand.u32 $0x7FFFFFFF, v17;
	v49 =	vmul.f32 $1.442695020e+00, v23  }
0x249: {  	v30 =	vadd.f32 $3.046722410e-01, v30;
	v27 =	vmul.f32 v27, v12;
	v50 =	vsub.f32 $0.0e+00, v48  }
0x24a: {  	v51 =	vand.u32 $0x7FFFFFFF, v18;
	v24 =	vmul.f32 $1.442695020e+00, v47;
	(erf) = vpow2.f32 v49  }
0x24b: {  	v6 =	vmax.f32 v6, $0.0e+00;
	v26 =	vsub.f32 $0.0e+00, v51;
	v52 =	vmul.f32 $1.442695020e+00, v50  }
0x24c: {  	v41 =	vmul.f32 v30, v11;
	v55 =	vadd.f32 $-4.963682590e-01, v27;
	(erf) = vpow2.f32 v24  }
0x24d: {  	v5 =	vmax.f32 v5, $0.0e+00;
	v54 =	vmul.f32 $1.442695020e+00, v26;
	(erf) = vpow2.f32 v52  }
0x24e: {  	v29 =	vmul.f32 v29, v10;
	v20 =	vadd.f32 $9.998879430e-01, v20;
	v58 =	vmul.f32 v55, v12;
	v57 =	vpop (erf)  }
0x24f: {  	v53 =	vadd.f32 $-4.963682590e-01, v41;
	(erf) = vpow2.f32 v54;
	v61 =	vmul.f32 $4.106444120e-02, v57  }
0x250: {  	v35 =	vmax.f32 v13, $0.0e+00;
	v56 =	vadd.f32 $9.998879430e-01, v29;
	v9 =	vmul.f32 v20, v9  }
0x251: {  	v22 =	vmul.f32 v53, v11;
	v62 =	vadd.f32 $9.998879430e-01, v58;
	v63 =	vpop (erf);
	v28 =	vadd.f32 $-1.560282710e-01, v61  }
0x252: {  	v59 =	vmul.f32 v56, v10;
	v2 =	vadd.f32 v9, v2;
	v29 =	vmul.f32 $4.106444120e-02, v63  }
0x253: {  	v60 =	vadd.f32 $9.998879430e-01, v22;
	v9 =	vmul.f32 v62, v12;
	v30 =	vmul.f32 v28, v57;
	v31 =	vpop (erf)  }
0x254: {  	[tilespmem:s14+$0x2400] =	vst v0;
	v3 =	vadd.f32 v59, v3;
	v32 =	vadd.f32 $-1.560282710e-01, v29;
	v33 =	vmul.f32 $4.106444120e-02, v31  }
0x255: {  	[tilespmem:s14+$0x2410] =	vst v1;
	v27 =	vmul.f32 v60, v11;
	v5 =	vadd.f32 v9, v5;
	v34 =	vpop (erf);
	v10 =	vadd.f32 $3.046722410e-01, v30  }
0x256: {  	[tilespmem:s14+$0x2420] =	vst v4;
	v9 =	vmul.f32 v32, v63;
	v36 =	vmul.f32 $4.106444120e-02, v34;
	v37 =	vpop (erf);
	v12 =	vadd.f32 $-1.560282710e-01, v33  }
0x257: {  	[tilespmem:s14+$0x2430] =	vst v7;
	v6 =	vadd.f32 v27, v6;
	v38 =	vmul.f32 $4.106444120e-02, v37;
	v10 =	vmul.f32 v10, v57  }
0x258: {  	[tilespmem:s14+$0x2440] =	vst v8;
	v39 =	vpop (erf);
	v9 =	vadd.f32 $3.046722410e-01, v9;
	v22 =	vadd.f32 $-1.560282710e-01, v36;
	v12 =	vmul.f32 v12, v31  }
0x259: {  	v40 =	vmul.f32 $4.106444120e-02, v39;
	v25 =	vadd.f32 $-1.560282710e-01, v38;
	v10 =	vadd.f32 $-4.963682590e-01, v10  }
0x25a: {  	[tilespmem:s14+$0xE450] =	vst v19;
	v9 =	vmul.f32 v9, v63;
	v22 =	vmul.f32 v22, v34;
	v12 =	vadd.f32 $3.046722410e-01, v12  }
0x25b: {  	[tilespmem:s14+$0x2450] =	vst v19;
	v27 =	vadd.f32 $-1.560282710e-01, v40;
	v25 =	vmul.f32 v25, v37;
	v10 =	vmul.f32 v10, v57  }
0x25c: {  	[tilespmem:s14+$0xE460] =	vst v2;
	v41 =	vadd.f32 $-4.963682590e-01, v9;
	v22 =	vadd.f32 $3.046722410e-01, v22;
	v42 =	vmul.f32 v12, v31  }
0x25d: {  	[tilespmem:s14+$0x2460] =	vst v2;
	v27 =	vmul.f32 v27, v39;
	v43 =	vadd.f32 $3.046722410e-01, v25;
	v44 =	vadd.f32 $9.998879430e-01, v10  }
0x25e: {  	[tilespmem:s14+$0xE470] =	vst v3;
	v0 =	vmul.f32 v41, v63;
	v45 =	vmul.f32 v22, v34;
	v47 =	vadd.f32 $-4.963682590e-01, v42  }
0x25f: {  	[tilespmem:s14+$0x2470] =	vst v3;
	v46 =	vadd.f32 $3.046722410e-01, v27;
	v48 =	vmul.f32 v43, v37;
	v1 =	vmul.f32 v44, v57  }
0x260: {  	[tilespmem:s14+$0xE480] =	vst v6;
	v0 =	vadd.f32 $9.998879430e-01, v0;
	v49 =	vadd.f32 $-4.963682590e-01, v45;
	v4 =	vmul.f32 v47, v31  }
0x261: {  	[tilespmem:s14+$0x2480] =	vst v6;
	v50 =	vmul.f32 v46, v39;
	v51 =	vadd.f32 $-4.963682590e-01, v48;
	v1 =	vadd.f32 v1, v35  }
0x262: {  	[tilespmem:s14+$0xE490] =	vst v5;
	v0 =	vmul.f32 v0, v63;
	v7 =	vmul.f32 v49, v34;
	v53 =	vadd.f32 $9.998879430e-01, v4  }
0x263: {  	v55 =	vmax.f32 v15, $0.0e+00;
	[tilespmem:s14+$0x2490] =	vst v5;
	v52 =	vadd.f32 $-4.963682590e-01, v50;
	v54 =	vmul.f32 v51, v37  }
0x264: {  	v0 =	vadd.f32 v0, v55;
	[tilespmem:s14+$0x24A0] =	vst v1;
	v7 =	vadd.f32 $9.998879430e-01, v7;
	v2 =	vmul.f32 v53, v31  }
0x265: {  	v58 =	vmax.f32 v14, $0.0e+00;
	[tilespmem:s14+$0xE4A0] =	vst v1;
	v56 =	vmul.f32 v52, v39  }
0x266: {  	v57 =	vadd.f32 $9.998879430e-01, v54;
	[tilespmem:s14+$0x24B0] =	vst v0;
	v59 =	vmul.f32 v7, v34;
	v2 =	vadd.f32 v2, v58  }
0x267: {  	v61 =	vmax.f32 v16, $0.0e+00;
	[tilespmem:s14+$0xE4B0] =	vst v0  }
0x268: {  	v60 =	vadd.f32 $9.998879430e-01, v56;
	v3 =	vmul.f32 v57, v37;
	v4 =	vadd.f32 v59, v61;
	[tilespmem:s14+$0x24C0] =	vst v2  }
0x269: {  	v62 =	vmax.f32 v17, $0.0e+00;
	[tilespmem:s14+$0xE4C0] =	vst v2  }
0x26a: {  	v6 =	vmul.f32 v60, v39;
	v3 =	vadd.f32 v3, v62;
	[tilespmem:s14+$0x24D0] =	vst v4  }
0x26b: {  	v63 =	vmax.f32 v18, $0.0e+00;
	[tilespmem:s14+$0xE4D0] =	vst v4  }
0x26c: {  	v5 =	vadd.f32 v6, v63;
	[tilespmem:s14+$0x24E0] =	vst v3  }
0x26d: {  	[tilespmem:s14+$0xE4E0] =	vst v3  }
0x26e: {  	s10 =	sshll.u32 s28, $0xA;
	[tilespmem:s14+$0x24F0] =	vst v5  }
0x26f: {  	s20 =	simm.s32 $0xE400;
	s10 =	sadd.s32 s12, s10;
	[tilespmem:s14+$0xE4F0] =	vst v5  }
0x270: {  	[hbm4b:s10+s6] =	stream.linear.scatter [tilespmem:s20], [sflag:$0x5], $0x2000, $0x38;
	[tilespmem:$0x169A8] =	vst v63  }
0x271: {  	s21 =	simm.s32 $0x2400  }
0x272: {  	[spmem:s4] =	stream.indirect.scatter.add.f32 [tilespmem:s21], [sflag:$0x7], $0x20, s16, s29, $0xb8;
	[tilespmem:$0x169A8] =	vst v63  }
0x273: {  	_ =	swait.ge [sflag:s11], $0x1000  }
0x274: {  	[sflag:s11] =	ssyncset.done $0x0  }
0x275: {  	[sflag:s11] =	ssyncadd.s32 $0xFFFFF000  }
0x276: {  	[spmem:s5] =	stream.indirect.scatter.add.f32 [tilespmem:s24], [sflag:$0x7], $0x8, s16, s29, $0xb8;
	[tilespmem:$0x169A8] =	vst v63  }
0x277: {  	_ =	swait.ge [sflag:s11], $0x400  }
0x278: {  	[sflag:s11] =	ssyncset.done $0x0  }
0x279: {  	s28 =	simm.s32 $0x3400;
	[sflag:s11] =	ssyncadd.s32 $0xFFFFFC00  }
0x27a: {  	[spmem:s4] =	stream.indirect.scatter.add.f32 [tilespmem:s28], [sflag:$0x7], $0x20, s19, s29, $0xb8;
	[tilespmem:$0x169A8] =	vst v63  }
0x27b: {  	_ =	swait.ge [sflag:s11], $0x1000  }
0x27c: {  	[sflag:s11] =	ssyncset.done $0x0  }
.Ltmp7:
0x27d: {  	[sflag:s11] =	ssyncadd.s32 $0xFFFFF000;
	(pc) =	sbr.rel .LBB2_8-.Ltmp7, $4  }
0x27e: {  	[spmem:s5] =	stream.indirect.scatter.add.f32 [tilespmem:s24], [sflag:$0x6], $0x8, s19, s29, $0xb8;
	[tilespmem:$0x169A8] =	vst v63  }
0x27f: {  	_ =	swait.ge [sflag:s22], $0x400  }
0x280: {  	[sflag:s22] =	ssyncset.done $0x0  }
0x281: {  	[sflag:s22] =	ssyncadd.s32 $0xFFFFFC00  }
.LBB2_10:
0x282: {  	_ =	sfence.sel $0x180000  }
0x283: {  	[bflag:$0x0] =	sbarrier.arrive $0xFFFF  }
0x284: {  	_ =	strace $0x90000047  }
0x285: {  	s0 =	stileid.u32;
	[bflag:$0x2] =	sbarrier.arrive $0xFFFF  }
0x286: {  	p0 =	sne.s32 s0, $0x0;
	s0 =	rddreg [dreg:$0x5]  }
0x287: {  	s0 =	sadd.s32 @!p0 $0x100000, s0  }
0x288: {  	[sflag:s0] =	ssyncadd.tile.s32 @!p0 $0x1;
	_ =	shalt  }
.Lfunc_end2:
_tile_overlayer_lowered:
.L_overlay_start_2:
0x289: {  	(tag) =	ssettag $0x2  }
0x28a: {  	s0 =	rddreg [dreg:$0x0];
	s2 =	stileid.u32  }
0x28b: {  	s1 =	rddreg [dreg:$0x1];
	p0 =	sne.s32 s2, $0x0  }
0x28c: {  	s3 =	rddreg [dreg:$0x2];
	[bflag:$0x3] =	sbarrier.arrive $0xFFFF;
	s2 =	simm.s32 @!p0 $0x1C06  }
0x28d: {  	[timem:s3], [sflag:s2] =	dma.local @!p0 [hbm:s0], s1  }
0x28e: {  	s0 =	simm.s32 @!p0 $0x6  }
0x28f: {  	_ =	swait.ge @!p0 [sflag:s0], s1  }
0x290: {  	s1 =	ssub.s32 @!p0 $0x0, s1;
	[sflag:s0] =	ssyncset.done @!p0 $0x0  }
0x291: {  	[sflag:s0] =	ssyncadd.s32 @!p0 s1  }
0x292: {  	[bflag:$0x3] =	sbarrier.arrive $0xFFFF  }
0x293: {  	_ =	shalt  }

// kernel: sparse-core-data-format-call.1.cloned.1.call-start
scs
called_computation.1_lowered:
.L_overlay_start_0:
0x0: {  	s2 =	sld [smem:$0x3FD9]  }
0x1: {  	s3 =	sld [smem:$0x3FFE];
	_ =	sdelay $0x1  }
0x2: {  	s1 =	srdreg.scid  }
0x3: {  	s0 =	sand.u32 $0x1, s1  }
0x4: {  	s15 =	sshll.u32 s0, $0xA;
	s2 =	sadd.s32 s3, s2  }
0x5: {  	s2 =	sadd.s32 s2, s15  }
0x6: {  	[smem:$0x3FBE] =	sst s2  }
0x7: {  	_ = 	snop  }
0x8: {  	s2 =	sld [smem:$0x3FD0];
	_ =	sdelay $0x2  }
0x9: {  	s16 =	simm.s32 $0xA;
	s4 =	simm.s32 $0x10  }
0xa: {  	[smem:s4], [sflag:s16] =	dma.local [hbm:s2], $0x1  }
0xb: {  	_ =	swait.eq [sflag:s16], $0x1  }
0xc: {  	[sflag:s16] =	ssyncset.done $0x0  }
0xd: {  	[sflag:s16] =	ssyncadd.s32 $0xFFFFFFFF  }
0xe: {  	s17 =	sld [smem:$0x10];
	(tm) =	ssettm $0x1  }
0xf: {  	s18 =	sld [smem:$0x3FFB];
	_ =	sdelay $0x3  }
0x10: {  	_ =	strace s18  }
0x11: {  	s3 =	sld [smem:$0x3FFC];
	_ =	sdelay $0x3  }
0x12: {  	_ =	strace s3  }
0x13: {  	s3 =	sld [smem:$0x3FFD];
	_ =	sdelay $0x3  }
0x14: {  	_ =	strace s3  }
0x15: {  	_ =	strace $0x8FFFFFFF  }
0x16: {  	s19 =	sld [smem:$0x3FDB];
	_ =	sdelay $0x1  }
0x17: {  	s20 =	simm.s32 $_scs_section_size  }
0x18: {  	s5 =	simm.s32 $_size__tile_overlayer_lowered;
	s6 =	simm.s32 $_tile_overlayer_lowered  }
0x19: {  	s23 =	simm.s32 $0x1BFF;
	s22 =	sshll.u32 s6, $0x1;
	s3 =	sadd.s32 s20, s19  }
0x1a: {  	s7 =	simm.s32 $0x0;
	s21 =	sshll.u32 s5, $0x1;
	s5 =	sadd.s32 s22, s3  }
0x1b: {  	[timem:s7], [sflag:s23] =	dma.local [hbm:s5], s21  }
0x1c: {  	_ =	swait.ge [sflag:s23], s21  }
0x1d: {  	s4 =	ssub.s32 $0x0, s21;
	[sflag:s23] =	ssyncset.done $0x0  }
0x1e: {  	[sflag:s23] =	ssyncadd.s32 s4;
	_ =	sdelay $0x1  }
0x1f: {  	s24 =	simm.s32 $0x1B8B  }
0x20: {  	_ =	swait.ge [sflag:s24], $0x1  }
0x21: {  	[sflag:s24] =	ssyncset.done $0x0  }
0x22: {  	s26 =	simm.s32 $0x1B8E;
	s25 =	sld [smem:$0x3FFE];
	[sflag:s24] =	ssyncadd.s32 $0xFFFFFFFF  }
0x23: {  	s27 =	simm.s32 $execute0_lowered;
	[smem:$0x3FD2] =	sst s26  }
0x24: {  	s5 =	sshll.u32 s27, $0x1;
	_ =	strace $0x8000004C;
	[dreg:$0x1] =	wrdreg $0xFFFFFFFF  }
0x25: {  	s28 =	simm.s32 $_size_execute0_lowered;
	s3 =	sadd.s32 s3, s5;
	[dreg:$0x0] =	wrdreg $0x0  }
0x26: {  	s5 =	sshll.u32 s28, $0x1;
	[dreg:$0x2] =	wrdreg s3  }
0x27: {  	[dreg:$0x3] =	wrdreg s5  }
0x28: {  	[dreg:$0x4] =	wrdreg $0xC0  }
0x29: {  	_ =	task [dreg:s7], $0x5FFFF  }
0x2a: {  	[dreg:$0x1] =	wrdreg $0xFFFFFFFF  }
0x2b: {  	[dreg:$0x0] =	wrdreg $0x60  }
0x2c: {  	[dreg:$0x2] =	wrdreg s17  }
0x2d: {  	[dreg:$0x3] =	wrdreg s25  }
0x2e: {  	[dreg:$0x4] =	wrdreg $0x9  }
0x2f: {  	_ =	task.clear_ibuf [dreg:s7], $0x5FFFF;
	_ =	strace $0x9000004C  }
0x30: {  	s29 =	simm.s32 $0x9;
	_ =	strace $0x8000004E  }
0x31: {  	_ =	swait.ge [sflag:s29], $0x1  }
0x32: {  	[sflag:s29] =	ssyncadd.s32 $0xFFFFFFFF  }
0x33: {  	_ =	strace $0x9000004E  }
0x34: {  	_ =	sfence  }
0x35: {  	s30 =	sld [smem:$0x0];
	_ =	sdelay $0x2  }
0x36: {  	s31 =	sshll.u32 s1, $0xD;
	s1 =	sshrl.u32 s1, $0x2  }
0x37: {  	s3 =	sand.u32 $0x4000, s31;
	s1 =	sadd.s32 s1, s30  }
0x38: {  	s0 =	sor.u32 s3, s0;
	s1 =	sshll.u32 s1, $0x11  }
0x39: {  	s0 =	sor.u32 s1, s0  }
0x3a: {  	s0 =	sadd.s32 $0x8F2B, s0  }
0x3b: {  	[sflag:s0] =	ssyncadd.remote.s32 $0x1  }
0x3c: {  	_ =	sfence.sel $0xFFFF  }
0x3d: {  	[dreg:$0x0] =	wrdreg $0xFFFFFFFF;
	(pc) =	sbr.abs _section_cstart, $3  }
0x3e: {  	[dreg:$0x1] =	wrdreg $0xFFFFFFFF  }
0x3f: {  	_ =	task.clear_ibuf [dreg:s7], $0x2FFFF;
	_ =	strace $0x9FFFFFFF  }
0x40: {  	(tm) =	ssettm $0x7FFFFFFF  }
0x41: {  	_ =	shalt  }
tec
execute0_lowered:
.L_overlay_start_1:
0x0: {  	(tag) =	ssettag $0x1  }
0x1: {  	s2 =	rddreg [dreg:$0x0]  }
0x2: {  	s0 =	srdreg.scid;
	s5 =	rddreg [dreg:$0x1]  }
0x3: {  	s4 =	simm.s32 $0x1;
	s8 =	simm.s32 $0x2;
	s1 =	sshll.u32 s0, $0x4  }
0x4: {  	s13 =	simm.s32 $0x0;
	s0 =	stileid.u32;
	s1 =	sand.u32 $0x10, s1  }
0x5: {  	s14 =	simm.s32 $0x0;
	s15 =	simm.s32 $0x0;
	s1 =	sor.u32 s0, s1  }
0x6: {  	s10 =	simm.s32 $0x0;
	s11 =	simm.s32 $0x0;
	s3 =	sshll.u32 s1, $0x7  }
0x7: {  	s12 =	simm.s32 $0x0;
	s5 =	sadd.s32 $0x2AE00, s5;
	s6 =	ssub.s32 $0x13880, s3  }
.Ltmp0:
0x8: {  	s1 =	rddreg [dreg:$0x2];
	s7 =	sand.u32 $0xF80, s6;
	(pc) =	sbr.rel .LBB1_1-.Ltmp0, $4  }
0x9: {  	_ =	strace $0x8000004D;
	p0 =	sne.s32 s7, $0x0;
	s7 =	simm.s32 $0x1  }
0xa: {  	[sflag:s4] =	ssyncpa.u1 $0x0;
	s6 =	sshrl.u32 s6, $0xC;
	s7 =	simm.s32 @!p0 $0x0  }
0xb: {  	s9 =	smov.u32 s3;
	[sflag:s8] =	ssyncpa.u1 $0x0;
	s6 =	sadd.s32 s7, s6  }
0xc: {  	s8 =	simm.s32 $0x80;
	p0 =	por $0x0, $0x0;
	s7 =	sadd.s32 $0x1, s6  }
.LBB1_7:
0xd: {  	s16 =	sadd.s32 $0x1000, s9  }
0xe: {  	s13 =	sadd.s32 $0x20, s10;
	s17 =	smov.u32 s10;
	p2 =	sgt.s32 s16, $0x1387F  }
0xf: {  	s17 =	smov.u32 @p2 s13  }
0x10: {  	s19 =	smov.u32 s11;
	s13 =	sadd.s32 $0x4, s11;
	p3 =	sgt.s32 s17, $0x1F  }
0x11: {  	s19 =	smov.u32 @p3 s13  }
0x12: {  	s16 =	smov.u32 @p2 s3;
	p2 =	sgt.s32 s19, $0x3  }
0x13: {  	p1 =	slt.u32 s12, $0x2;
	s19 =	simm.s32 @p2 $0x0;
	p2 =	sne.s32 s12, s7  }
.Ltmp1:
0x14: {  	s18 =	simm.s32 @!p1 $0x2;
	(pc) =	sbr.rel @!p2 .LBB1_8-.Ltmp1, $4  }
0x15: {  	s14 =	smov.u32 s10;
	s15 =	smov.u32 s11;
	_ =	swait.ge @!p1 [sflag:s18], $0x4000  }
0x16: {  	p0 =	por !p0, !p0;
	[sflag:s18] =	ssyncset.done @!p1 $0x0;
	s17 =	simm.s32 @p3 $0x0  }
0x17: {  	s13 =	smov.u32 s9;
	[sflag:s18] =	ssyncadd.s32 @!p1 $0xFFFFC000;
	s9 =	smov.u32 s16  }
0x18: {  	s10 =	smov.u32 s17;
	s12 =	sadd.s32 $0x1, s12;
	s11 =	smov.u32 s19  }
.LBB1_1:
0x19: {  	p1 =	sge.u32 s12, s6  }
0x1a: {  	s16 =	sshrl.u32 @!p1 s10, $0x3  }
0x1b: {  	s17 =	sshll.u32 @!p1 s9, $0x3;
	s16 =	smul.u32 @!p1 $0x9C400, s16  }
0x1c: {  	s18 =	sshll.u32 @!p1 s10, $0x7;
	s17 =	sand.u32 @!p1 $0xFFFFFC00, s17  }
0x1d: {  	s16 =	sadd.s32 @!p1 s16, s17;
	s17 =	sand.u32 @!p1 $0x380, s18  }
0x1e: {  	s18 =	sand.u32 @!p1 $0x7F, s9;
	s16 =	sor.u32 @!p1 s17, s16  }
0x1f: {  	s17 =	sor.u32 @!p1 s18, s16  }
0x20: {  	s18 =	smulhi.u32 @!p1 $0xD1B71759, s17  }
0x21: {  	s16 =	smulhi.u32 @!p1 $0xD1B71759, s16  }
0x22: {  	s18 =	sshrl.u32 @!p1 s18, $0x10  }
0x23: {  	s31 =	sadd.s32 $0xFFFFFFFF, s12;
	s16 =	sshrl.u32 @!p1 s16, $0x10;
	s18 =	smul.u32 @!p1 $0x13880, s18  }
0x24: {  	s19 =	sxor.u32 @!p1 $0xFFFFFFFF, s12;
	s20 =	smul.u32 @!p1 $0x4E200, s11;
	s16 =	sand.u32 @!p1 $0x1F, s16  }
0x25: {  	s19 =	sshll.u32 @!p1 s19, $0xE;
	s16 =	smul.u32 @!p1 $0x2710, s16;
	s17 =	ssub.s32 @!p1 s17, s18  }
0x26: {  	s18 =	sand.u32 @!p1 $0x4000, s19;
	s19 =	sadd.s32 @!p1 s2, s20;
	s20 =	sand.u32 @!p1 $0x7, s17  }
0x27: {  	s17 =	sshrl.u32 @!p1 s17, $0x3;
	s16 =	sadd.s32 @!p1 s16, s19;
	s19 =	sshll.u32 @!p1 s20, $0x12  }
0x28: {  	s16 =	sadd.s32 @!p1 s17, s16;
	s17 =	sor.u32 @!p1 $0x400, s19;
	s19 =	simm.s32 @!p1 $0x9C400  }
0x29: {  	[tilespmem:s18], [sflag:$0x1] =	stream.strided.gather @!p1 [hbm4b:s16+s17], $0x4000, s19, s17, $0x38;
	[tilespmem:$0x10400] =	vst v63  }
0x2a: {  	p1 =	sge.u32 s31, s6  }
.Ltmp2:
0x2b: {  	_ = 	snop;
	(pc) =	sbr.rel @p1 .LBB1_7-.Ltmp2, $1  }
0x2c: {  	_ =	sdelay $0x3  }
0x2d: {  	s16 =	simm.s32 $0x1;
	s18 =	sand.u32 $0x1, s12  }
0x2e: {  	_ =	swait.ge [sflag:s4], $0x4000;
	s16 =	simm.s32 @!p0 $0x0;
	s19 =	smul.u32 $0x10800, s18  }
0x2f: {  	[sflag:s4] =	ssyncset.done $0x0;
	s17 =	smul.u32 $0x10800, s16  }
0x30: {  	s16 =	sshll.u32 s16, $0xE;
	[sflag:s4] =	ssyncadd.s32 $0xFFFFC000  }
0x31: {  	s18 =	sor.u32 $0x40, s16;
	s31 =	sshrl.u32 s19, $0x2;
	s17 =	sshrl.u32 s17, $0x2  }
0x32: {  	s19 =	simm.s32 $0x0;
	s16 =	sor.u32 $0x8000, s31;
	s17 =	sor.u32 $0x8000, s17  }
.LBB1_3:
0x33: {  	v0 =	vld [tilespmem:s18+$0x30]  }
0x34: {  	v1 =	vld [tilespmem:s18+$0xFFFFFFD0]  }
0x35: {  	v5 =	vld [tilespmem:s18+$0xFFFFFFE0]  }
0x36: {  	v6 =	vld [tilespmem:s18+$0xFFFFFFF0]  }
0x37: {  	s20 =	sadd.s32 $0x0, s17;
	v2 =	vld [tilespmem:s18+$0x0]  }
0x38: {  	v3 =	vld [tilespmem:s18+$0x10];
	[tilespmem:s20+$0x39C0 ss:$0x84] =	vst.msk $0xffff, v0  }
0x39: {  	v4 =	vld [tilespmem:s18+$0x20];
	[tilespmem:s20+$0x840 ss:$0x84] =	vst.msk $0xffff, v1  }
0x3a: {  	s21 =	sadd.s32 $0x80, s18;
	v0 =	vld [tilespmem:s18+$0xFFFFFFC0];
	[tilespmem:s20+$0x1080 ss:$0x84] =	vst.msk $0xffff, v5  }
0x3b: {  	s22 =	simm.s32 $0x4;
	s23 =	simm.s32 $0x8;
	v1 =	vld [tilespmem:s21+$0x30];
	[tilespmem:s20+$0x18C0 ss:$0x84] =	vst.msk $0xffff, v6  }
.LBB1_4:
0x3c: {  	p1 =	sne.s32 s23, $0x7C;
	v5 =	vld [tilespmem:s21+$0xFFFFFFD0];
	[tilespmem:s20+$0x2100 ss:$0x84] =	vst.msk $0xffff, v2  }
0x3d: {  	v6 =	vld [tilespmem:s21+$0xFFFFFFE0];
	[tilespmem:s20+$0x2940 ss:$0x84] =	vst.msk $0xffff, v3  }
0x3e: {  	s24 =	sshra.s32 s22, $0x2;
	s22 =	smov.u32 s23;
	v7 =	vld [tilespmem:s21+$0xFFFFFFF0];
	[tilespmem:s20+$0x3180 ss:$0x84] =	vst.msk $0xffff, v4  }
.Ltmp3:
0x3f: {  	v2 =	vld [tilespmem:s21+$0x0];
	[tilespmem:s20+$0x0 ss:$0x84] =	vst.msk $0xffff, v0;
	s20 =	sadd.s32 s24, s17;
	(pc) =	sbr.rel @p1 .LBB1_4-.Ltmp3, $4  }
0x40: {  	v3 =	vld [tilespmem:s21+$0x10];
	[tilespmem:s20+$0x39C0 ss:$0x84] =	vst.msk $0xffff, v1  }
0x41: {  	[tilespmem:s20+$0x840 ss:$0x84] =	vst.msk $0xffff, v5;
	v4 =	vld [tilespmem:s21+$0x20]  }
0x42: {  	v0 =	vld [tilespmem:s21+$0xFFFFFFC0];
	[tilespmem:s20+$0x1080 ss:$0x84] =	vst.msk $0xffff, v6;
	s21 =	sadd.s32 $0x80, s21  }
0x43: {  	s23 =	sadd.s32 $0x4, s23;
	v1 =	vld [tilespmem:s21+$0x30];
	[tilespmem:s20+$0x18C0 ss:$0x84] =	vst.msk $0xffff, v7  }
0x44: {  	v5 =	vld [tilespmem:s21+$0xFFFFFFD0];
	[tilespmem:s20+$0x2100 ss:$0x84] =	vst.msk $0xffff, v2  }
0x45: {  	v58 =	vld [tilespmem:s21+$0xFFFFFFE0];
	[tilespmem:s20+$0x2940 ss:$0x84] =	vst.msk $0xffff, v3  }
0x46: {  	s22 =	sshra.s32 s22, $0x2;
	v59 =	vld [tilespmem:s21+$0xFFFFFFF0];
	[tilespmem:s20+$0x3180 ss:$0x84] =	vst.msk $0xffff, v4  }
0x47: {  	v60 =	vld [tilespmem:s21+$0x0];
	s22 =	sadd.s32 s22, s17;
	[tilespmem:s20+$0x0 ss:$0x84] =	vst.msk $0xffff, v0  }
0x48: {  	v61 =	vld [tilespmem:s21+$0x10];
	[tilespmem:s22+$0x39C0 ss:$0x84] =	vst.msk $0xffff, v1  }
0x49: {  	v62 =	vld [tilespmem:s21+$0x20];
	s19 =	sadd.s32 $0x1, s19;
	[tilespmem:s22+$0x840 ss:$0x84] =	vst.msk $0xffff, v5  }
0x4a: {  	v63 =	vld [tilespmem:s21+$0xFFFFFFC0];
	p1 =	sne.s32 s19, $0x4;
	[tilespmem:s22+$0x1080 ss:$0x84] =	vst.msk $0xffff, v58  }
.Ltmp4:
0x4b: {  	[tilespmem:s22+$0x18C0 ss:$0x84] =	vst.msk $0xffff, v59;
	(pc) =	sbr.rel @p1 .LBB1_3-.Ltmp4, $4  }
0x4c: {  	[tilespmem:s22+$0x2100 ss:$0x84] =	vst.msk $0xffff, v60  }
0x4d: {  	[tilespmem:s22+$0x2940 ss:$0x84] =	vst.msk $0xffff, v61  }
0x4e: {  	[tilespmem:s22+$0x3180 ss:$0x84] =	vst.msk $0xffff, v62  }
0x4f: {  	s18 =	sadd.s32 $0x1000, s18;
	s17 =	sadd.s32 $0x21, s17;
	[tilespmem:s22+$0x0 ss:$0x84] =	vst.msk $0xffff, v63  }
0x50: {  	s15 =	sshll.u32 s15, $0x4  }
.Ltmp5:
0x51: {  	s13 =	sshll.u32 s13, $0x6;
	s15 =	sand.u32 $0x30, s15;
	(pc) =	sbr.rel .LBB1_7-.Ltmp5, $4  }
0x52: {  	s17 =	sshrl.u32 s14, $0x3;
	s31 =	sand.u32 $0x7, s14;
	s15 =	sadd.s32 s5, s15  }
0x53: {  	s17 =	sand.u32 $0xF, s17;
	s14 =	sshll.u32 s31, $0x12;
	s13 =	sadd.s32 s13, s15  }
0x54: {  	s14 =	sor.u32 $0x20, s14;
	s13 =	sadd.s32 s17, s13  }
0x55: {  	[hbm4b:s13+s14] =	stream.strided.scatter [tilespmem:s16], [sflag:$0x2], $0x4000, s8, s14, $0x10;
	[tilespmem:$0x10400] =	vst v63  }
.LBB1_8:
0x56: {  	_ =	sfence.sel $0x180000  }
0x57: {  	s2 =	simm.s32 $0x1;
	[bflag:$0x0] =	sbarrier.arrive $0xFFFF  }
0x58: {  	s31 =	simm.s32 $0x2;
	[sflag:s2] =	ssyncpa.u1 $0x1  }
0x59: {  	[sflag:s31] =	ssyncpa.u1 $0x1  }
0x5a: {  	p0 =	sne.s32 s0, $0x0;
	_ =	strace $0x9000004D  }
0x5b: {  	s0 =	sadd.s32 @!p0 $0x100000, s1;
	[bflag:$0x2] =	sbarrier.arrive $0xFFFF  }
0x5c: {  	[sflag:s0] =	ssyncadd.tile.s32 @!p0 $0x1;
	_ =	shalt  }
.Lfunc_end1:
_tile_overlayer_lowered:
.L_overlay_start_2:
0x5d: {  	(tag) =	ssettag $0x2  }
0x5e: {  	s0 =	rddreg [dreg:$0x0];
	s2 =	stileid.u32  }
0x5f: {  	s1 =	rddreg [dreg:$0x1];
	p0 =	sne.s32 s2, $0x0  }
0x60: {  	s3 =	rddreg [dreg:$0x2];
	[bflag:$0x3] =	sbarrier.arrive $0xFFFF;
	s2 =	simm.s32 @!p0 $0x1C01  }
0x61: {  	[timem:s3], [sflag:s2] =	dma.local @!p0 [hbm:s0], s1  }
0x62: {  	s0 =	simm.s32 @!p0 $0x1  }
0x63: {  	_ =	swait.ge @!p0 [sflag:s0], s1  }
0x64: {  	s1 =	ssub.s32 @!p0 $0x0, s1;
	[sflag:s0] =	ssyncset.done @!p0 $0x0  }
0x65: {  	[sflag:s0] =	ssyncadd.s32 @!p0 s1  }
0x66: {  	[bflag:$0x3] =	sbarrier.arrive $0xFFFF  }
0x67: {  	_ =	shalt  }

// kernel: sparse-core-data-format-call.2.cloned.1.call-start
scs
called_computation.2_lowered:
.L_overlay_start_0:
0x0: {  	s2 =	sld [smem:$0x3FD9]  }
0x1: {  	s3 =	sld [smem:$0x3FFE];
	_ =	sdelay $0x1  }
0x2: {  	s1 =	srdreg.scid  }
0x3: {  	s0 =	sand.u32 $0x1, s1  }
0x4: {  	s15 =	sshll.u32 s0, $0xA;
	s2 =	sadd.s32 s3, s2  }
0x5: {  	s2 =	sadd.s32 s2, s15  }
0x6: {  	[smem:$0x3FBE] =	sst s2  }
0x7: {  	_ = 	snop  }
0x8: {  	s2 =	sld [smem:$0x3FD0];
	_ =	sdelay $0x2  }
0x9: {  	s16 =	simm.s32 $0xA;
	s4 =	simm.s32 $0x10  }
0xa: {  	[smem:s4], [sflag:s16] =	dma.local [hbm:s2], $0x1  }
0xb: {  	_ =	swait.eq [sflag:s16], $0x1  }
0xc: {  	[sflag:s16] =	ssyncset.done $0x0  }
0xd: {  	[sflag:s16] =	ssyncadd.s32 $0xFFFFFFFF  }
0xe: {  	s17 =	sld [smem:$0x10];
	(tm) =	ssettm $0x1  }
0xf: {  	s18 =	sld [smem:$0x3FFB];
	_ =	sdelay $0x3  }
0x10: {  	_ =	strace s18  }
0x11: {  	s3 =	sld [smem:$0x3FFC];
	_ =	sdelay $0x3  }
0x12: {  	_ =	strace s3  }
0x13: {  	s3 =	sld [smem:$0x3FFD];
	_ =	sdelay $0x3  }
0x14: {  	_ =	strace s3  }
0x15: {  	_ =	strace $0x8FFFFFFF  }
0x16: {  	s19 =	sld [smem:$0x3FDB];
	_ =	sdelay $0x1  }
0x17: {  	s20 =	simm.s32 $_scs_section_size  }
0x18: {  	s5 =	simm.s32 $_size__tile_overlayer_lowered;
	s6 =	simm.s32 $_tile_overlayer_lowered  }
0x19: {  	s23 =	simm.s32 $0x1BFF;
	s22 =	sshll.u32 s6, $0x1;
	s3 =	sadd.s32 s20, s19  }
0x1a: {  	s7 =	simm.s32 $0x0;
	s21 =	sshll.u32 s5, $0x1;
	s5 =	sadd.s32 s22, s3  }
0x1b: {  	[timem:s7], [sflag:s23] =	dma.local [hbm:s5], s21  }
0x1c: {  	_ =	swait.ge [sflag:s23], s21  }
0x1d: {  	s4 =	ssub.s32 $0x0, s21;
	[sflag:s23] =	ssyncset.done $0x0  }
0x1e: {  	[sflag:s23] =	ssyncadd.s32 s4;
	_ =	sdelay $0x1  }
0x1f: {  	s24 =	simm.s32 $0x1B8B  }
0x20: {  	_ =	swait.ge [sflag:s24], $0x1  }
0x21: {  	[sflag:s24] =	ssyncset.done $0x0  }
0x22: {  	s26 =	simm.s32 $0x1B8E;
	s25 =	sld [smem:$0x3FFE];
	[sflag:s24] =	ssyncadd.s32 $0xFFFFFFFF  }
0x23: {  	s27 =	simm.s32 $execute0_lowered;
	[smem:$0x3FD2] =	sst s26  }
0x24: {  	s5 =	sshll.u32 s27, $0x1;
	_ =	strace $0x80000049;
	[dreg:$0x1] =	wrdreg $0xFFFFFFFF  }
0x25: {  	s28 =	simm.s32 $_size_execute0_lowered;
	s3 =	sadd.s32 s3, s5;
	[dreg:$0x0] =	wrdreg $0x0  }
0x26: {  	s5 =	sshll.u32 s28, $0x1;
	[dreg:$0x2] =	wrdreg s3  }
0x27: {  	[dreg:$0x3] =	wrdreg s5  }
0x28: {  	[dreg:$0x4] =	wrdreg $0xC0  }
0x29: {  	_ =	task [dreg:s7], $0x5FFFF  }
0x2a: {  	[dreg:$0x1] =	wrdreg $0xFFFFFFFF  }
0x2b: {  	[dreg:$0x0] =	wrdreg $0x60  }
0x2c: {  	[dreg:$0x2] =	wrdreg s25  }
0x2d: {  	[dreg:$0x3] =	wrdreg s17  }
0x2e: {  	[dreg:$0x4] =	wrdreg $0x9  }
0x2f: {  	_ =	task.clear_ibuf [dreg:s7], $0x5FFFF;
	_ =	strace $0x90000049  }
0x30: {  	s29 =	simm.s32 $0x9;
	_ =	strace $0x8000004B  }
0x31: {  	_ =	swait.ge [sflag:s29], $0x1  }
0x32: {  	[sflag:s29] =	ssyncadd.s32 $0xFFFFFFFF  }
0x33: {  	_ =	strace $0x9000004B  }
0x34: {  	_ =	sfence  }
0x35: {  	s30 =	sld [smem:$0x0];
	_ =	sdelay $0x2  }
0x36: {  	s31 =	sshll.u32 s1, $0xD;
	s1 =	sshrl.u32 s1, $0x2  }
0x37: {  	s3 =	sand.u32 $0x4000, s31;
	s1 =	sadd.s32 s1, s30  }
0x38: {  	s0 =	sor.u32 s3, s0;
	s1 =	sshll.u32 s1, $0x11  }
0x39: {  	s0 =	sor.u32 s1, s0  }
0x3a: {  	s0 =	sadd.s32 $0x8F2B, s0  }
0x3b: {  	[sflag:s0] =	ssyncadd.remote.s32 $0x1  }
0x3c: {  	_ =	sfence.sel $0xFFFF  }
0x3d: {  	[dreg:$0x0] =	wrdreg $0xFFFFFFFF;
	(pc) =	sbr.abs _section_cstart, $3  }
0x3e: {  	[dreg:$0x1] =	wrdreg $0xFFFFFFFF  }
0x3f: {  	_ =	task.clear_ibuf [dreg:s7], $0x2FFFF;
	_ =	strace $0x9FFFFFFF  }
0x40: {  	(tm) =	ssettm $0x7FFFFFFF  }
0x41: {  	_ =	shalt  }
tec
execute0_lowered:
.L_overlay_start_1:
0x0: {  	(tag) =	ssettag $0x1  }
0x1: {  	s0 =	srdreg.scid  }
0x2: {  	s1 =	sshll.u32 s0, $0x4  }
0x3: {  	s4 =	rddreg [dreg:$0x0];
	s0 =	stileid.u32;
	s1 =	sand.u32 $0x10, s1  }
0x4: {  	s2 =	rddreg [dreg:$0x1];
	s7 =	simm.s32 $0x1;
	s1 =	sor.u32 s0, s1  }
0x5: {  	s8 =	simm.s32 $0x2;
	s11 =	simm.s32 $0x0;
	s3 =	sshll.u32 s1, $0x7  }
0x6: {  	s10 =	simm.s32 $0x0;
	s4 =	sadd.s32 $0x517C00, s4;
	s6 =	ssub.s32 $0x13880, s3  }
.Ltmp0:
0x7: {  	s1 =	rddreg [dreg:$0x2];
	s5 =	sand.u32 $0xF80, s6;
	(pc) =	sbr.rel .LBB1_1-.Ltmp0, $4  }
0x8: {  	_ =	strace $0x8000004A;
	s9 =	smov.u32 s3;
	p0 =	sne.s32 s5, $0x0  }
0x9: {  	s6 =	sshrl.u32 s6, $0xC;
	s5 =	simm.s32 $0x1;
	s7 =	simm.s32 @!p0 $0x0  }
0xa: {  	[sflag:s5] =	ssyncpa.u1 $0x0;
	p0 =	por $0x0, $0x0;
	s6 =	sadd.s32 s7, s6  }
0xb: {  	[sflag:s8] =	ssyncpa.u1 $0x0;
	s8 =	simm.s32 $0x9C400;
	s7 =	sadd.s32 $0x1, s6  }
.LBB1_4:
0xc: {  	v5 =	vld [tilespmem:s15+$0xFFFFFFD0];
	[tilespmem:s14+$0x2040 ss:$0x81] =	vst.msk $0xffff, v3;
	s17 =	sshll.u32 s11, $0x3  }
0xd: {  	v58 =	vld [tilespmem:s15+$0xFFFFFFE0];
	[tilespmem:s14+$0x2850 ss:$0x81] =	vst.msk $0xffff, v4;
	s25 =	sand.u32 $0x7F, s11;
	s17 =	sand.u32 $0xFFFFFC00, s17  }
0xe: {  	s16 =	sshra.s32 s16, $0x2;
	v59 =	vld [tilespmem:s15+$0xFFFFFFF0];
	[tilespmem:s14+$0x3060 ss:$0x81] =	vst.msk $0xffff, v2;
	s11 =	sor.u32 s25, s17  }
0xf: {  	v60 =	vld [tilespmem:s15+$0x0];
	[tilespmem:s14+$0x0 ss:$0x81] =	vst.msk $0xffff, v0;
	s13 =	sadd.s32 s16, s13;
	s26 =	smulhi.u32 $0xD1B71759, s11  }
0x10: {  	v61 =	vld [tilespmem:s15+$0x10];
	[tilespmem:s13+$0x3870 ss:$0x81] =	vst.msk $0xffff, v1  }
0x11: {  	v62 =	vld [tilespmem:s15+$0x20];
	s27 =	smulhi.u32 $0xD1B71759, s17;
	[tilespmem:s13+$0x810 ss:$0x81] =	vst.msk $0xffff, v5;
	s14 =	sshrl.u32 s26, $0x10  }
0x12: {  	v63 =	vld [tilespmem:s15+$0xFFFFFFC0];
	[tilespmem:s13+$0x1020 ss:$0x81] =	vst.msk $0xffff, v58;
	s14 =	smul.u32 $0x13880, s14  }
0x13: {  	s28 =	sshrl.u32 s27, $0x10;
	[tilespmem:s13+$0x1830 ss:$0x81] =	vst.msk $0xffff, v59  }
0x14: {  	[tilespmem:s13+$0x2040 ss:$0x81] =	vst.msk $0xffff, v60;
	s29 =	sand.u32 $0x7F, s28;
	s11 =	ssub.s32 s11, s14  }
0x15: {  	[tilespmem:s13+$0x2850 ss:$0x81] =	vst.msk $0xffff, v61;
	s14 =	smul.u32 $0x2710, s29;
	s30 =	sshrl.u32 s11, $0x3;
	s11 =	sand.u32 $0x7, s11  }
0x16: {  	[tilespmem:s13+$0x3060 ss:$0x81] =	vst.msk $0xffff, v62;
	s15 =	sadd.s32 s2, s30;
	s11 =	sshll.u32 s11, $0x12  }
0x17: {  	[tilespmem:s13+$0x0 ss:$0x81] =	vst.msk $0xffff, v63;
	s31 =	sadd.s32 s14, s15;
	s11 =	sor.u32 $0x400, s11  }
0x18: {  	[hbm4b:s31+s11] =	stream.strided.scatter [tilespmem:s12], [sflag:$0x2], $0x4000, s8, s11, $0x20;
	[tilespmem:$0x10100] =	vst v63  }
.LBB1_5:
0x19: {  	s13 =	sadd.s32 $0x1000, s9  }
0x1a: {  	p2 =	sgt.s32 s13, $0x1387F  }
0x1b: {  	s13 =	smov.u32 @p2 s3;
	p2 =	sne.s32 s10, s7  }
.Ltmp1:
0x1c: {  	p1 =	slt.u32 s10, $0x2;
	(pc) =	sbr.rel @!p2 .LBB1_6-.Ltmp1, $4  }
0x1d: {  	s12 =	simm.s32 @!p1 $0x2  }
0x1e: {  	s14 =	sadd.s32 $0x1, s10;
	_ =	swait.ge @!p1 [sflag:s12], $0x4000  }
0x1f: {  	s11 =	smov.u32 s9;
	p0 =	por !p0, !p0;
	[sflag:s12] =	ssyncset.done @!p1 $0x0  }
0x20: {  	s10 =	smov.u32 s14;
	s9 =	smov.u32 s13;
	[sflag:s12] =	ssyncadd.s32 @!p1 $0xFFFFC000  }
.LBB1_1:
0x21: {  	p1 =	sge.u32 s10, s6  }
0x22: {  	s12 =	sand.u32 @!p1 $0x1FFFFFF, s9  }
0x23: {  	s13 =	smulhi.u32 @!p1 $0x1A36E2F, s12;
	_ =	sdelay $0x1  }
0x24: {  	s13 =	sshrl.u32 @!p1 s13, $0x9  }
0x25: {  	s13 =	smul.u32 @!p1 $0x13880, s13;
	_ =	sdelay $0x1  }
0x26: {  	s14 =	sxor.u32 @!p1 $0xFFFFFFFF, s10;
	s12 =	ssub.s32 @!p1 s12, s13  }
0x27: {  	s31 =	sadd.s32 $0xFFFFFFFF, s10;
	s13 =	sshll.u32 @!p1 s14, $0xE;
	s12 =	sshll.u32 @!p1 s12, $0x4  }
0x28: {  	s14 =	simm.s32 @!p1 $0x0;
	s13 =	sand.u32 @!p1 $0x4000, s13;
	s12 =	sadd.s32 @!p1 s4, s12  }
0x29: {  	[tilespmem:s13], [sflag:$0x1] =	stream.linear.gather @!p1 [hbm4b:s12+s14], $0x4000, $0x38;
	[tilespmem:$0x10100] =	vst v63  }
0x2a: {  	p1 =	sge.u32 s31, s6  }
.Ltmp2:
0x2b: {  	_ = 	snop;
	(pc) =	sbr.rel @p1 .LBB1_5-.Ltmp2, $1  }
0x2c: {  	_ =	sdelay $0x3  }
0x2d: {  	s12 =	simm.s32 $0x1  }
0x2e: {  	_ =	swait.ge [sflag:s5], $0x4000;
	s12 =	simm.s32 @!p0 $0x0  }
0x2f: {  	[sflag:s5] =	ssyncset.done $0x0;
	s13 =	sshll.u32 s12, $0xE  }
0x30: {  	[sflag:s5] =	ssyncadd.s32 $0xFFFFC000;
	s15 =	sor.u32 $0x40, s13  }
0x31: {  	s12 =	smul.u32 $0x10200, s12;
	v0 =	vld [tilespmem:s15+$0x30]  }
0x32: {  	v1 =	vld [tilespmem:s15+$0xFFFFFFD0]  }
0x33: {  	s12 =	sshrl.u32 s12, $0x2;
	v5 =	vld [tilespmem:s15+$0xFFFFFFE0]  }
0x34: {  	v6 =	vld [tilespmem:s15+$0xFFFFFFF0];
	s13 =	sor.u32 $0x8000, s12  }
0x35: {  	s31 =	sand.u32 $0x1, s10;
	v3 =	vld [tilespmem:s15+$0x0];
	s14 =	sadd.s32 $0x0, s13  }
0x36: {  	v4 =	vld [tilespmem:s15+$0x10];
	s12 =	smul.u32 $0x10200, s31;
	[tilespmem:s14+$0x3870 ss:$0x81] =	vst.msk $0xffff, v0  }
0x37: {  	v2 =	vld [tilespmem:s15+$0x20];
	[tilespmem:s14+$0x810 ss:$0x81] =	vst.msk $0xffff, v1  }
0x38: {  	s12 =	sshrl.u32 s12, $0x2;
	v0 =	vld [tilespmem:s15+$0xFFFFFFC0];
	[tilespmem:s14+$0x1020 ss:$0x81] =	vst.msk $0xffff, v5;
	s15 =	sadd.s32 $0x80, s15  }
0x39: {  	s16 =	simm.s32 $0x4;
	s17 =	simm.s32 $0x8;
	s12 =	sor.u32 $0x8000, s12;
	[tilespmem:s14+$0x1830 ss:$0x81] =	vst.msk $0xffff, v6;
	v1 =	vld [tilespmem:s15+$0x30]  }
.LBB1_3:
0x3a: {  	p1 =	sne.s32 s17, $0x1FC;
	v5 =	vld [tilespmem:s15+$0xFFFFFFD0];
	[tilespmem:s14+$0x2040 ss:$0x81] =	vst.msk $0xffff, v3  }
0x3b: {  	v6 =	vld [tilespmem:s15+$0xFFFFFFE0];
	[tilespmem:s14+$0x2850 ss:$0x81] =	vst.msk $0xffff, v4  }
0x3c: {  	s18 =	sshra.s32 s16, $0x2;
	s16 =	smov.u32 s17;
	v7 =	vld [tilespmem:s15+$0xFFFFFFF0];
	[tilespmem:s14+$0x3060 ss:$0x81] =	vst.msk $0xffff, v2  }
.Ltmp3:
0x3d: {  	v3 =	vld [tilespmem:s15+$0x0];
	[tilespmem:s14+$0x0 ss:$0x81] =	vst.msk $0xffff, v0;
	s14 =	sadd.s32 s18, s13;
	(pc) =	sbr.rel @p1 .LBB1_3-.Ltmp3, $4  }
0x3e: {  	v4 =	vld [tilespmem:s15+$0x10];
	[tilespmem:s14+$0x3870 ss:$0x81] =	vst.msk $0xffff, v1  }
0x3f: {  	[tilespmem:s14+$0x810 ss:$0x81] =	vst.msk $0xffff, v5;
	v2 =	vld [tilespmem:s15+$0x20]  }
0x40: {  	v0 =	vld [tilespmem:s15+$0xFFFFFFC0];
	[tilespmem:s14+$0x1020 ss:$0x81] =	vst.msk $0xffff, v6;
	s15 =	sadd.s32 $0x80, s15  }
0x41: {  	s17 =	sadd.s32 $0x4, s17;
	v1 =	vld [tilespmem:s15+$0x30];
	[tilespmem:s14+$0x1830 ss:$0x81] =	vst.msk $0xffff, v7  }
.Ltmp4:
0x42: {  	_ = 	snop;
	(pc) =	sbr.rel .LBB1_4-.Ltmp4, $1  }
0x43: {  	_ =	sdelay $0x3  }
.LBB1_6:
0x44: {  	_ =	sfence.sel $0x180000  }
0x45: {  	s2 =	simm.s32 $0x1;
	[bflag:$0x0] =	sbarrier.arrive $0xFFFF  }
0x46: {  	s31 =	simm.s32 $0x2;
	[sflag:s2] =	ssyncpa.u1 $0x1  }
0x47: {  	[sflag:s31] =	ssyncpa.u1 $0x1  }
0x48: {  	p0 =	sne.s32 s0, $0x0;
	_ =	strace $0x9000004A  }
0x49: {  	s0 =	sadd.s32 @!p0 $0x100000, s1;
	[bflag:$0x2] =	sbarrier.arrive $0xFFFF  }
0x4a: {  	[sflag:s0] =	ssyncadd.tile.s32 @!p0 $0x1;
	_ =	shalt  }
.Lfunc_end1:
_tile_overlayer_lowered:
.L_overlay_start_2:
0x4b: {  	(tag) =	ssettag $0x2  }
0x4c: {  	s0 =	rddreg [dreg:$0x0];
	s2 =	stileid.u32  }
0x4d: {  	s1 =	rddreg [dreg:$0x1];
	p0 =	sne.s32 s2, $0x0  }
0x4e: {  	s3 =	rddreg [dreg:$0x2];
	[bflag:$0x3] =	sbarrier.arrive $0xFFFF;
	s2 =	simm.s32 @!p0 $0x1C01  }
0x4f: {  	[timem:s3], [sflag:s2] =	dma.local @!p0 [hbm:s0], s1  }
0x50: {  	s0 =	simm.s32 @!p0 $0x1  }
0x51: {  	_ =	swait.ge @!p0 [sflag:s0], s1  }
0x52: {  	s1 =	ssub.s32 @!p0 $0x0, s1;
	[sflag:s0] =	ssyncset.done @!p0 $0x0  }
0x53: {  	[sflag:s0] =	ssyncadd.s32 @!p0 s1  }
0x54: {  	[bflag:$0x3] =	sbarrier.arrive $0xFFFF  }
0x55: {  	_ =	shalt  }

// kernel: sparse-core-data-format-call.cloned.1.call-start
scs
called_computation_lowered:
.L_overlay_start_0:
0x0: {  	s2 =	sld [smem:$0x3FD9]  }
0x1: {  	s3 =	sld [smem:$0x3FFE];
	_ =	sdelay $0x1  }
0x2: {  	s1 =	srdreg.scid  }
0x3: {  	s0 =	sand.u32 $0x1, s1  }
0x4: {  	s15 =	sshll.u32 s0, $0xA;
	s2 =	sadd.s32 s3, s2  }
0x5: {  	s2 =	sadd.s32 s2, s15  }
0x6: {  	[smem:$0x3FBE] =	sst s2  }
0x7: {  	_ = 	snop  }
0x8: {  	s2 =	sld [smem:$0x3FD0];
	_ =	sdelay $0x2  }
0x9: {  	s16 =	simm.s32 $0xA;
	s4 =	simm.s32 $0x10  }
0xa: {  	[smem:s4], [sflag:s16] =	dma.local [hbm:s2], $0x1  }
0xb: {  	_ =	swait.eq [sflag:s16], $0x1  }
0xc: {  	[sflag:s16] =	ssyncset.done $0x0  }
0xd: {  	[sflag:s16] =	ssyncadd.s32 $0xFFFFFFFF  }
0xe: {  	s17 =	sld [smem:$0x10];
	(tm) =	ssettm $0x1  }
0xf: {  	s18 =	sld [smem:$0x3FFB];
	_ =	sdelay $0x3  }
0x10: {  	_ =	strace s18  }
0x11: {  	s3 =	sld [smem:$0x3FFC];
	_ =	sdelay $0x3  }
0x12: {  	_ =	strace s3  }
0x13: {  	s3 =	sld [smem:$0x3FFD];
	_ =	sdelay $0x3  }
0x14: {  	_ =	strace s3  }
0x15: {  	_ =	strace $0x8FFFFFFF  }
0x16: {  	s19 =	sld [smem:$0x3FDB];
	_ =	sdelay $0x1  }
0x17: {  	s20 =	simm.s32 $_scs_section_size  }
0x18: {  	s5 =	simm.s32 $_size__tile_overlayer_lowered;
	s6 =	simm.s32 $_tile_overlayer_lowered  }
0x19: {  	s23 =	simm.s32 $0x1BFF;
	s22 =	sshll.u32 s6, $0x1;
	s3 =	sadd.s32 s20, s19  }
0x1a: {  	s7 =	simm.s32 $0x0;
	s21 =	sshll.u32 s5, $0x1;
	s5 =	sadd.s32 s22, s3  }
0x1b: {  	[timem:s7], [sflag:s23] =	dma.local [hbm:s5], s21  }
0x1c: {  	_ =	swait.ge [sflag:s23], s21  }
0x1d: {  	s4 =	ssub.s32 $0x0, s21;
	[sflag:s23] =	ssyncset.done $0x0  }
0x1e: {  	[sflag:s23] =	ssyncadd.s32 s4;
	_ =	sdelay $0x1  }
0x1f: {  	s24 =	simm.s32 $0x1B8B  }
0x20: {  	_ =	swait.ge [sflag:s24], $0x1  }
0x21: {  	[sflag:s24] =	ssyncset.done $0x0  }
0x22: {  	s26 =	simm.s32 $0x1B8E;
	s25 =	sld [smem:$0x3FFE];
	[sflag:s24] =	ssyncadd.s32 $0xFFFFFFFF  }
0x23: {  	s27 =	simm.s32 $execute0_lowered;
	[smem:$0x3FD2] =	sst s26  }
0x24: {  	s5 =	sshll.u32 s27, $0x1;
	_ =	strace $0x8000004F;
	[dreg:$0x1] =	wrdreg $0xFFFFFFFF  }
0x25: {  	s28 =	simm.s32 $_size_execute0_lowered;
	s3 =	sadd.s32 s3, s5;
	[dreg:$0x0] =	wrdreg $0x0  }
0x26: {  	s5 =	sshll.u32 s28, $0x1;
	[dreg:$0x2] =	wrdreg s3  }
0x27: {  	[dreg:$0x3] =	wrdreg s5  }
0x28: {  	[dreg:$0x4] =	wrdreg $0xC0  }
0x29: {  	_ =	task [dreg:s7], $0x5FFFF  }
0x2a: {  	[dreg:$0x1] =	wrdreg $0xFFFFFFFF  }
0x2b: {  	[dreg:$0x0] =	wrdreg $0x60  }
0x2c: {  	[dreg:$0x2] =	wrdreg s25  }
0x2d: {  	[dreg:$0x3] =	wrdreg s17  }
0x2e: {  	[dreg:$0x4] =	wrdreg $0x9  }
0x2f: {  	_ =	task.clear_ibuf [dreg:s7], $0x5FFFF;
	_ =	strace $0x9000004F  }
0x30: {  	s29 =	simm.s32 $0x9;
	_ =	strace $0x80000051  }
0x31: {  	_ =	swait.ge [sflag:s29], $0x1  }
0x32: {  	[sflag:s29] =	ssyncadd.s32 $0xFFFFFFFF  }
0x33: {  	_ =	strace $0x90000051  }
0x34: {  	_ =	sfence  }
0x35: {  	s30 =	sld [smem:$0x0];
	_ =	sdelay $0x2  }
0x36: {  	s31 =	sshll.u32 s1, $0xD;
	s1 =	sshrl.u32 s1, $0x2  }
0x37: {  	s3 =	sand.u32 $0x4000, s31;
	s1 =	sadd.s32 s1, s30  }
0x38: {  	s0 =	sor.u32 s3, s0;
	s1 =	sshll.u32 s1, $0x11  }
0x39: {  	s0 =	sor.u32 s1, s0  }
0x3a: {  	s0 =	sadd.s32 $0x8F2B, s0  }
0x3b: {  	[sflag:s0] =	ssyncadd.remote.s32 $0x1  }
0x3c: {  	_ =	sfence.sel $0xFFFF  }
0x3d: {  	[dreg:$0x0] =	wrdreg $0xFFFFFFFF;
	(pc) =	sbr.abs _section_cstart, $3  }
0x3e: {  	[dreg:$0x1] =	wrdreg $0xFFFFFFFF  }
0x3f: {  	_ =	task.clear_ibuf [dreg:s7], $0x2FFFF;
	_ =	strace $0x9FFFFFFF  }
0x40: {  	(tm) =	ssettm $0x7FFFFFFF  }
0x41: {  	_ =	shalt  }
tec
execute0_lowered:
.L_overlay_start_1:
0x0: {  	(tag) =	ssettag $0x1  }
0x1: {  	s0 =	srdreg.scid  }
0x2: {  	s1 =	sshll.u32 s0, $0x4  }
0x3: {  	s4 =	rddreg [dreg:$0x0];
	s0 =	stileid.u32;
	s1 =	sand.u32 $0x10, s1  }
0x4: {  	s2 =	rddreg [dreg:$0x1];
	s7 =	simm.s32 $0x1;
	s1 =	sor.u32 s0, s1  }
0x5: {  	s8 =	simm.s32 $0x2;
	s11 =	simm.s32 $0x0;
	s3 =	sshll.u32 s1, $0x7  }
0x6: {  	s10 =	simm.s32 $0x0;
	s4 =	sadd.s32 $0x2AE00, s4;
	s6 =	ssub.s32 $0x4E200, s3  }
.Ltmp0:
0x7: {  	s1 =	rddreg [dreg:$0x2];
	s5 =	sand.u32 $0xF80, s6;
	(pc) =	sbr.rel .LBB1_1-.Ltmp0, $4  }
0x8: {  	_ =	strace $0x80000050;
	s9 =	smov.u32 s3;
	p0 =	sne.s32 s5, $0x0  }
0x9: {  	s6 =	sshrl.u32 s6, $0xC;
	s5 =	simm.s32 $0x1;
	s7 =	simm.s32 @!p0 $0x0  }
0xa: {  	[sflag:s5] =	ssyncpa.u1 $0x0;
	p0 =	por $0x0, $0x0;
	s6 =	sadd.s32 s7, s6  }
0xb: {  	[sflag:s8] =	ssyncpa.u1 $0x0;
	s8 =	simm.s32 $0x271000;
	s7 =	sadd.s32 $0x1, s6  }
.LBB1_4:
0xc: {  	s14 =	sshll.u32 s11, $0x3  }
0xd: {  	s30 =	sand.u32 $0x7F, s11;
	s14 =	sand.u32 $0xFFFFFC00, s14  }
0xe: {  	s11 =	sor.u32 s30, s14  }
0xf: {  	s15 =	smulhi.u32 $0xD1B71759, s11;
	_ =	sdelay $0x1  }
0x10: {  	s14 =	smulhi.u32 $0xD1B71759, s14;
	s15 =	sshrl.u32 s15, $0x12  }
0x11: {  	s15 =	smul.u32 $0x4E200, s15  }
0x12: {  	s14 =	sshrl.u32 s14, $0x12  }
0x13: {  	s14 =	sand.u32 $0x1F, s14;
	s11 =	ssub.s32 s11, s15  }
0x14: {  	s14 =	smul.u32 $0x9C40, s14;
	s15 =	sshrl.u32 s11, $0x3;
	s11 =	sand.u32 $0x7, s11  }
0x15: {  	s15 =	sadd.s32 s2, s15;
	s11 =	sshll.u32 s11, $0x12  }
0x16: {  	[tilespmem:s13+$0x0 ss:$0x81] =	vst.msk $0xffff, v0;
	s31 =	sadd.s32 s14, s15;
	s11 =	sor.u32 $0x400, s11  }
0x17: {  	[hbm4b:s31+s11] =	stream.strided.scatter [tilespmem:s12], [sflag:$0x2], $0x1000, s8, s11, $0x20;
	[tilespmem:$0x4040] =	vst v63  }
.LBB1_5:
0x18: {  	s13 =	sadd.s32 $0x1000, s9  }
0x19: {  	p2 =	sgt.s32 s13, $0x4E1FF  }
0x1a: {  	s13 =	smov.u32 @p2 s3;
	p2 =	sne.s32 s10, s7  }
.Ltmp1:
0x1b: {  	p1 =	slt.u32 s10, $0x2;
	(pc) =	sbr.rel @!p2 .LBB1_6-.Ltmp1, $4  }
0x1c: {  	s12 =	simm.s32 @!p1 $0x2  }
0x1d: {  	s14 =	sadd.s32 $0x1, s10;
	_ =	swait.ge @!p1 [sflag:s12], $0x1000  }
0x1e: {  	s11 =	smov.u32 s9;
	p0 =	por !p0, !p0;
	[sflag:s12] =	ssyncset.done @!p1 $0x0  }
0x1f: {  	s10 =	smov.u32 s14;
	s9 =	smov.u32 s13;
	[sflag:s12] =	ssyncadd.s32 @!p1 $0xFFFFF000  }
.LBB1_1:
0x20: {  	p1 =	sge.u32 s10, s6  }
0x21: {  	s12 =	sand.u32 @!p1 $0x1FFFFFF, s9  }
0x22: {  	s13 =	smulhi.u32 @!p1 $0x1A36E2F, s12;
	_ =	sdelay $0x1  }
0x23: {  	s13 =	sshrl.u32 @!p1 s13, $0xB  }
0x24: {  	s13 =	smul.u32 @!p1 $0x4E200, s13;
	_ =	sdelay $0x1  }
0x25: {  	s31 =	sadd.s32 $0xFFFFFFFF, s10;
	s14 =	sxor.u32 @!p1 $0xFFFFFFFF, s10;
	s12 =	ssub.s32 @!p1 s12, s13  }
0x26: {  	s15 =	simm.s32 @!p1 $0x80;
	s14 =	sshll.u32 @!p1 s14, $0xC;
	s12 =	sshll.u32 @!p1 s12, $0x4  }
0x27: {  	s13 =	sand.u32 @!p1 $0x1000, s14;
	s14 =	simm.s32 @!p1 $0x20;
	s12 =	sadd.s32 @!p1 s4, s12  }
0x28: {  	[tilespmem:s13], [sflag:$0x1] =	stream.strided.gather @!p1 [hbm4b:s12+s14], $0x1000, s15, s14, $0x38;
	[tilespmem:$0x4040] =	vst v63  }
0x29: {  	p1 =	sge.u32 s31, s6  }
.Ltmp2:
0x2a: {  	_ = 	snop;
	(pc) =	sbr.rel @p1 .LBB1_5-.Ltmp2, $1  }
0x2b: {  	_ =	sdelay $0x3  }
0x2c: {  	s12 =	simm.s32 $0x1  }
0x2d: {  	_ =	swait.ge [sflag:s5], $0x1000;
	s12 =	simm.s32 @!p0 $0x0  }
0x2e: {  	[sflag:s5] =	ssyncset.done $0x0;
	s13 =	sshll.u32 s12, $0xC  }
0x2f: {  	[sflag:s5] =	ssyncadd.s32 $0xFFFFF000;
	s16 =	sor.u32 $0x10, s13  }
0x30: {  	s12 =	smul.u32 $0x4080, s12;
	v1 =	vld [tilespmem:s16+$0x0]  }
0x31: {  	s30 =	sand.u32 $0x1, s10;
	v0 =	vld [tilespmem:s16+$0xFFFFFFF0]  }
0x32: {  	s13 =	smul.u32 $0x4080, s30;
	s12 =	sshrl.u32 s12, $0x2  }
0x33: {  	s14 =	sor.u32 $0x2000, s12  }
0x34: {  	s31 =	sshrl.u32 s13, $0x2;
	s13 =	sadd.s32 $0x0, s14  }
0x35: {  	s15 =	simm.s32 $0x4;
	s16 =	sadd.s32 $0x20, s16;
	s12 =	sor.u32 $0x2000, s31;
	[tilespmem:s13+$0x810 ss:$0x81] =	vst.msk $0xffff, v1  }
.LBB1_3:
0x36: {  	v1 =	vld [tilespmem:s16+$0x0];
	p1 =	sne.s32 s15, $0x1FC;
	[tilespmem:s13+$0x0 ss:$0x81] =	vst.msk $0xffff, v0;
	s13 =	smov.u32 s15;
	s15 =	sadd.s32 $0x4, s15  }
.Ltmp3:
0x37: {  	v0 =	vld [tilespmem:s16+$0xFFFFFFF0];
	(pc) =	sbr.rel @p1 .LBB1_3-.Ltmp3, $4  }
0x38: {  	_ = 	snop  }
0x39: {  	s13 =	sshra.s32 s13, $0x2  }
0x3a: {  	s13 =	sadd.s32 s13, s14  }
0x3b: {  	s16 =	sadd.s32 $0x20, s16;
	[tilespmem:s13+$0x810 ss:$0x81] =	vst.msk $0xffff, v1  }
.Ltmp4:
0x3c: {  	_ = 	snop;
	(pc) =	sbr.rel .LBB1_4-.Ltmp4, $1  }
0x3d: {  	_ =	sdelay $0x3  }
.LBB1_6:
0x3e: {  	_ =	sfence.sel $0x180000  }
0x3f: {  	s2 =	simm.s32 $0x1;
	[bflag:$0x0] =	sbarrier.arrive $0xFFFF  }
0x40: {  	s31 =	simm.s32 $0x2;
	[sflag:s2] =	ssyncpa.u1 $0x1  }
0x41: {  	[sflag:s31] =	ssyncpa.u1 $0x1  }
0x42: {  	p0 =	sne.s32 s0, $0x0;
	_ =	strace $0x90000050  }
0x43: {  	s0 =	sadd.s32 @!p0 $0x100000, s1;
	[bflag:$0x2] =	sbarrier.arrive $0xFFFF  }
0x44: {  	[sflag:s0] =	ssyncadd.tile.s32 @!p0 $0x1;
	_ =	shalt  }
.Lfunc_end1:
_tile_overlayer_lowered:
.L_overlay_start_2:
0x45: {  	(tag) =	ssettag $0x2  }
0x46: {  	s0 =	rddreg [dreg:$0x0];
	s2 =	stileid.u32  }
0x47: {  	s1 =	rddreg [dreg:$0x1];
	p0 =	sne.s32 s2, $0x0  }
0x48: {  	s3 =	rddreg [dreg:$0x2];
	[bflag:$0x3] =	sbarrier.arrive $0xFFFF;
	s2 =	simm.s32 @!p0 $0x1C01  }
0x49: {  	[timem:s3], [sflag:s2] =	dma.local @!p0 [hbm:s0], s1  }
0x4a: {  	s0 =	simm.s32 @!p0 $0x1  }
0x4b: {  	_ =	swait.ge @!p0 [sflag:s0], s1  }
0x4c: {  	s1 =	ssub.s32 @!p0 $0x0, s1;
	[sflag:s0] =	ssyncset.done @!p0 $0x0  }
0x4d: {  	[sflag:s0] =	ssyncadd.s32 @!p0 s1  }
0x4e: {  	[bflag:$0x3] =	sbarrier.arrive $0xFFFF  }
0x4f: {  	_ =	shalt  }

</sc_bundles>
